<compile_context>
chip_gen: v7x
topology: tpu7x:2x2x1
jax: 0.10.2.dev20260603
libtpu: 0.0.44.dev20260713+nightly
codegen_flags: <defaults>
</compile_context>

<pallas_src>
import functools

import jax
import jax.numpy as jnp
from jax import lax
from jax.experimental import pallas as pl
from jax.experimental.pallas import tpu as pltpu
from jax.experimental.pallas import tpu_sc as plsc

STATE = 4
E = 2 * STATE * STATE
LN2 = 0.6931471805599453
_LC = (2.2117031201140946e-05, 0.9990104466294571, -0.4891568472023018,
       0.2833043245174214, -0.1301194153912933, 0.030102625011692218)


def _fast_log(x):
    i = plsc.bitcast(x, jnp.int32)
    e = ((i >> 23) - 127).astype(jnp.float32)
    t = plsc.bitcast((i & 0x007FFFFF) | 0x3F800000, jnp.float32) - 1.0
    p = _LC[5]
    for k in range(4, -1, -1):
        p = p * t + _LC[k]
    return e * LN2 + p


def _compute_chunk(ch, e1_v, e2_v, uh_v, out_v):
    lane = lax.iota(jnp.int32, 16)

    def group_body(g, carry):
        g16 = g * 16
        base = (lane + g16) * E
        uswap = uh_v[pl.ds(g16, 16)] << 4
        for u in (0, 1):
            aoff = base + ((u * 16) ^ uswap)
            boff = base + u * 16
            ea = [jnp.exp(plsc.load_gather(e1_v, [aoff + k]))
                  for k in range(16)]
            eb = [jnp.exp(plsc.load_gather(e2_v, [boff + k]))
                  for k in range(16)]
            for s0 in range(STATE):
                for s2 in range(STATE):
                    acc = ea[s0 * 4] * eb[s2]
                    for s1 in range(1, STATE):
                        acc = acc + ea[s0 * 4 + s1] * eb[s1 * 4 + s2]
                    plsc.store_scatter(out_v, [boff + (s0 * 4 + s2)],
                                       _fast_log(acc))
        return carry

    lax.fori_loop(0, ch // 16, group_body, 0)


def _trellis_body(nw, bpw, ch, e1_hbm, e2_hbm, uh_hbm, out_hbm,
                  e1_v0, e1_v1, e2_v0, e2_v1, uh_v0, uh_v1, out_v0, out_v1,
                  sin0, sin1, sout0, sout1):
    cid = lax.axis_index("c")
    sid = lax.axis_index("s")
    wid = sid * 2 + cid
    base_b = wid * bpw
    nchunk = bpw // ch
    e1_v = (e1_v0, e1_v1)
    e2_v = (e2_v0, e2_v1)
    uh_v = (uh_v0, uh_v1)
    out_v = (out_v0, out_v1)
    sin = (sin0, sin1)
    sout = (sout0, sout1)

    def start_in(c, slot):
        c0 = base_b + c * ch
        off = pl.multiple_of(c0 * E, 256)
        pltpu.async_copy(e1_hbm.at[pl.ds(off, ch * E)], e1_v[slot], sin[slot])
        pltpu.async_copy(e2_hbm.at[pl.ds(off, ch * E)], e2_v[slot], sin[slot])
        pltpu.async_copy(uh_hbm.at[pl.ds(pl.multiple_of(c0, 8), ch)],
                         uh_v[slot], sin[slot])

    def wait_in(slot):
        pltpu.make_async_copy(e1_hbm.at[pl.ds(0, ch * E)], e1_v[slot],
                              sin[slot]).wait()
        pltpu.make_async_copy(e2_hbm.at[pl.ds(0, ch * E)], e2_v[slot],
                              sin[slot]).wait()
        pltpu.make_async_copy(uh_hbm.at[pl.ds(0, ch)], uh_v[slot],
                              sin[slot]).wait()

    def start_out(c, slot):
        c0 = base_b + c * ch
        off = pl.multiple_of(c0 * E, 256)
        pltpu.async_copy(out_v[slot], out_hbm.at[pl.ds(off, ch * E)],
                         sout[slot])

    def wait_out(slot):
        pltpu.make_async_copy(out_v[slot], out_hbm.at[pl.ds(0, ch * E)],
                              sout[slot]).wait()

    start_in(0, 0)
    start_in(1, 1)

    def chunk_pair(c8, carry):
        for slot in (0, 1):
            c = c8 * 2 + slot
            wait_in(slot)

            @pl.when(c8 > 0)
            def _():
                wait_out(slot)

            _compute_chunk(ch, e1_v[slot], e2_v[slot], uh_v[slot],
                           out_v[slot])
            start_out(c, slot)

            @pl.when(c + 2 < nchunk)
            def _():
                start_in(c + 2, slot)
        return carry

    lax.fori_loop(0, nchunk // 2, chunk_pair, 0)
    wait_out(0)
    wait_out(1)


def kernel(e1, e2, uhat):
    b0, b1 = e1.shape[0], e1.shape[1]
    nb = b0 * b1
    nw = 32
    bpw = nb // nw
    ch = 512

    e1f = e1.reshape(nb * E)
    e2f = e2.reshape(nb * E)
    uhf = uhat.astype(jnp.int32).reshape(nb)

    mesh = plsc.VectorSubcoreMesh(core_axis_name="c", subcore_axis_name="s",
                                  num_cores=2, num_subcores=16)
    body = functools.partial(_trellis_body, nw, bpw, ch)
    out = pl.kernel(
        body,
        out_type=jax.ShapeDtypeStruct((nb * E,), jnp.float32),
        mesh=mesh,
        compiler_params=pltpu.CompilerParams(needs_layout_passes=False),
        scratch_types=[
            pltpu.VMEM((ch * E,), jnp.float32),
            pltpu.VMEM((ch * E,), jnp.float32),
            pltpu.VMEM((ch * E,), jnp.float32),
            pltpu.VMEM((ch * E,), jnp.float32),
            pltpu.VMEM((ch,), jnp.int32),
            pltpu.VMEM((ch,), jnp.int32),
            pltpu.VMEM((ch * E,), jnp.float32),
            pltpu.VMEM((ch * E,), jnp.float32),
            pltpu.SemaphoreType.DMA,
            pltpu.SemaphoreType.DMA,
            pltpu.SemaphoreType.DMA,
            pltpu.SemaphoreType.DMA,
        ],
    )(e1f, e2f, uhf)
    return out.reshape(b0, b1, 2, STATE, STATE)

# --- scband reference (transcript-rebuilt; emitter-appended) ---
"""Pipeline reference for scband-bit-node-trellis-16303695856318 (READ-ONLY COPY).

The authoritative reference and input builder live on the scoring server;
editing this copy changes nothing except your own understanding.
"""

import jax, jax.numpy as jnp
import numpy as np
from jax.scipy.special import logsumexp

STATE_SIZE = 4


def setup_inputs(seed: int = 0) -> dict:
    key = jax.random.key(seed)
    k1, k2, k3 = jax.random.split(key, 3)
    e1 = jax.random.normal(k1, (128, 2048, 2, 4, 4), dtype=jnp.float32)
    e2 = jax.random.normal(k2, (128, 2048, 2, 4, 4), dtype=jnp.float32)
    uhat = jax.random.randint(k3, (128, 2048, 1), 0, 2, dtype=jnp.int32)
    return {"e1": e1, "e2": e2, "uhat": uhat}


def reference(e1, e2, uhat):
    state_size = STATE_SIZE
    B0, B1 = e1.shape[0], e1.shape[1]
    S0 = e1.shape[-2]
    S2 = e1.shape[-1]
    # tf.meshgrid default 'xy' indexing -> shapes [2, S0, S2]
    s0, u2, s2 = jnp.meshgrid(jnp.arange(S0), jnp.arange(2), jnp.arange(S2))
    uhat_i = uhat.astype(jnp.int32)
    uhat_t = jnp.broadcast_to(uhat_i[..., None, None], (B0, B1, 2, S0, S2))
    u2_t = jnp.broadcast_to(u2[None, None], (B0, B1, 2, S0, S2))
    u_xor = jnp.mod(u2_t + uhat_t, 2)
    bi = jnp.arange(B0)[:, None, None, None, None]
    bj = jnp.arange(B1)[None, :, None, None, None]
    s0_b = s0[None, None]
    s2_b = s2[None, None]
    res_ = []
    for s1 in range(state_size):
        g1 = e1[bi, bj, u_xor, s0_b, s1]
        g2 = e2[bi, bj, u2_t, s1, s2_b]
        res_.append(g1 + g2)
    res_ = jnp.stack(res_, axis=-1)
    res = logsumexp(res_, axis=-1)
    return res

if __name__ == "__main__":
    import jax
    _d = setup_inputs()
    print(jax.jit(kernel)(*tuple(_d.values())))

</pallas_src>

<mosaic_0001>
#map = affine_map<(d0, d1) -> (0)>
module attributes {stable_mosaic.version = 14 : i64} {
  func.func @_trellis_body(%arg0: i32, %arg1: i32, %arg2: memref<8388608xf32, #tpu.memory_space<hbm>>, %arg3: memref<8388608xf32, #tpu.memory_space<hbm>>, %arg4: memref<262144xi32, #tpu.memory_space<hbm>>, %arg5: memref<8388608xf32, #tpu.memory_space<hbm>>, %arg6: memref<16384xf32, #tpu.memory_space<vmem>>, %arg7: memref<16384xf32, #tpu.memory_space<vmem>>, %arg8: memref<16384xf32, #tpu.memory_space<vmem>>, %arg9: memref<16384xf32, #tpu.memory_space<vmem>>, %arg10: memref<512xi32, #tpu.memory_space<vmem>>, %arg11: memref<512xi32, #tpu.memory_space<vmem>>, %arg12: memref<16384xf32, #tpu.memory_space<vmem>>, %arg13: memref<16384xf32, #tpu.memory_space<vmem>>, %arg14: memref<!tpu.dma_semaphore, #tpu.memory_space<semaphore_mem>>, %arg15: memref<!tpu.dma_semaphore, #tpu.memory_space<semaphore_mem>>, %arg16: memref<!tpu.dma_semaphore, #tpu.memory_space<semaphore_mem>>, %arg17: memref<!tpu.dma_semaphore, #tpu.memory_space<semaphore_mem>>) attributes {dimension_semantics = [#tpu.dimension_semantics<core_parallel>, #tpu.dimension_semantics<subcore_parallel>], iteration_bounds = array<i64: 2, 16>, scalar_prefetch = 0 : i64, scratch_operands = 12 : i64, tpu.core_type = #tpu.core_type<sc_vector_subcore>, window_params = [{transform_indices = #map}, {transform_indices = #map}, {transform_indices = #map}, {transform_indices = #map}]} {
    %mul3A = arith.constant 2 : i32
    %mul3A_0 = arith.muli %arg1, %mul3A : i32
    %add3A = arith.addi %mul3A_0, %arg0 : i32
    %mul3A_1 = arith.constant 8192 : i32
    %mul3A_2 = arith.muli %add3A, %mul3A_1 : i32
    %add3A_3 = arith.constant 0 : i32
    %add3A_4 = arith.addi %mul3A_2, %add3A_3 : i32
    %mul3A_5 = arith.constant 32 : i32
    %mul3A_6 = arith.muli %add3A_4, %mul3A_5 : i32
    %multiple_of3A = tpu.assume_multiple %mul3A_6, 256 : i32
    %dma_start3A = tpu.memref_slice %arg2[%multiple_of3A] : memref<8388608xf32, #tpu.memory_space<hbm>> -> memref<16384xf32, #tpu.memory_space<hbm>>
    %dma_start3A_7 = tpu.memref_slice %arg2[%multiple_of3A] : memref<8388608xf32, #tpu.memory_space<hbm>> -> memref<16384xf32, #tpu.memory_space<hbm>>
    tpu.enqueue_dma source(%dma_start3A_7 : memref<16384xf32, #tpu.memory_space<hbm>>) target(%arg6 : memref<16384xf32, #tpu.memory_space<vmem>>) target_semaphore(%arg14 : memref<!tpu.dma_semaphore, #tpu.memory_space<semaphore_mem>>)
    %dma_start3A_8 = tpu.memref_slice %arg3[%multiple_of3A] : memref<8388608xf32, #tpu.memory_space<hbm>> -> memref<16384xf32, #tpu.memory_space<hbm>>
    %dma_start3A_9 = tpu.memref_slice %arg3[%multiple_of3A] : memref<8388608xf32, #tpu.memory_space<hbm>> -> memref<16384xf32, #tpu.memory_space<hbm>>
    tpu.enqueue_dma source(%dma_start3A_9 : memref<16384xf32, #tpu.memory_space<hbm>>) target(%arg8 : memref<16384xf32, #tpu.memory_space<vmem>>) target_semaphore(%arg14 : memref<!tpu.dma_semaphore, #tpu.memory_space<semaphore_mem>>)
    %multiple_of3A_10 = tpu.assume_multiple %add3A_4, 8 : i32
    %dma_start3A_11 = tpu.memref_slice %arg4[%multiple_of3A_10] : memref<262144xi32, #tpu.memory_space<hbm>> -> memref<512xi32, #tpu.memory_space<hbm>>
    %dma_start3A_12 = tpu.memref_slice %arg4[%multiple_of3A_10] : memref<262144xi32, #tpu.memory_space<hbm>> -> memref<512xi32, #tpu.memory_space<hbm>>
    tpu.enqueue_dma source(%dma_start3A_12 : memref<512xi32, #tpu.memory_space<hbm>>) target(%arg10 : memref<512xi32, #tpu.memory_space<vmem>>) target_semaphore(%arg14 : memref<!tpu.dma_semaphore, #tpu.memory_space<semaphore_mem>>)
    %add3A_13 = arith.constant 512 : i32
    %add3A_14 = arith.addi %mul3A_2, %add3A_13 : i32
    %mul3A_15 = arith.constant 32 : i32
    %mul3A_16 = arith.muli %add3A_14, %mul3A_15 : i32
    %multiple_of3A_17 = tpu.assume_multiple %mul3A_16, 256 : i32
    %dma_start3A_18 = tpu.memref_slice %arg2[%multiple_of3A_17] : memref<8388608xf32, #tpu.memory_space<hbm>> -> memref<16384xf32, #tpu.memory_space<hbm>>
    %dma_start3A_19 = tpu.memref_slice %arg2[%multiple_of3A_17] : memref<8388608xf32, #tpu.memory_space<hbm>> -> memref<16384xf32, #tpu.memory_space<hbm>>
    tpu.enqueue_dma source(%dma_start3A_19 : memref<16384xf32, #tpu.memory_space<hbm>>) target(%arg7 : memref<16384xf32, #tpu.memory_space<vmem>>) target_semaphore(%arg15 : memref<!tpu.dma_semaphore, #tpu.memory_space<semaphore_mem>>)
    %dma_start3A_20 = tpu.memref_slice %arg3[%multiple_of3A_17] : memref<8388608xf32, #tpu.memory_space<hbm>> -> memref<16384xf32, #tpu.memory_space<hbm>>
    %dma_start3A_21 = tpu.memref_slice %arg3[%multiple_of3A_17] : memref<8388608xf32, #tpu.memory_space<hbm>> -> memref<16384xf32, #tpu.memory_space<hbm>>
    tpu.enqueue_dma source(%dma_start3A_21 : memref<16384xf32, #tpu.memory_space<hbm>>) target(%arg9 : memref<16384xf32, #tpu.memory_space<vmem>>) target_semaphore(%arg15 : memref<!tpu.dma_semaphore, #tpu.memory_space<semaphore_mem>>)
    %multiple_of3A_22 = tpu.assume_multiple %add3A_14, 8 : i32
    %dma_start3A_23 = tpu.memref_slice %arg4[%multiple_of3A_22] : memref<262144xi32, #tpu.memory_space<hbm>> -> memref<512xi32, #tpu.memory_space<hbm>>
    %dma_start3A_24 = tpu.memref_slice %arg4[%multiple_of3A_22] : memref<262144xi32, #tpu.memory_space<hbm>> -> memref<512xi32, #tpu.memory_space<hbm>>
    tpu.enqueue_dma source(%dma_start3A_24 : memref<512xi32, #tpu.memory_space<hbm>>) target(%arg11 : memref<512xi32, #tpu.memory_space<vmem>>) target_semaphore(%arg15 : memref<!tpu.dma_semaphore, #tpu.memory_space<semaphore_mem>>)
    %scan3A = arith.constant 0 : i32
    %scan3A_25 = arith.constant 0 : i32
    %scan3A_26 = arith.constant 8 : i32
    %scan3A_27 = arith.addi %scan3A_25, %scan3A_26 : i32
    %scan3A_28 = arith.constant 1 : i32
    scf.for %scan3A_37 = %scan3A_25 to %scan3A_27 step %scan3A_28  : i32 {
      %mul3A_38 = arith.constant 2 : i32
      %mul3A_39 = arith.muli %scan3A_37, %mul3A_38 : i32
      %add3A_40 = arith.constant 0 : i32
      %add3A_41 = arith.addi %mul3A_39, %add3A_40 : i32
      %dma_wait3A_42 = arith.constant 0 : i32
      %dma_wait3A_43 = tpu.memref_slice %arg2[%dma_wait3A_42] : memref<8388608xf32, #tpu.memory_space<hbm>> -> memref<16384xf32, #tpu.memory_space<hbm>>
      %dma_wait3A_44 = arith.constant 0 : i32
      %dma_wait3A_45 = tpu.memref_slice %arg2[%dma_wait3A_44] : memref<8388608xf32, #tpu.memory_space<hbm>> -> memref<16384xf32, #tpu.memory_space<hbm>>
      tpu.wait_dma2 semaphore(%arg14 : memref<!tpu.dma_semaphore, #tpu.memory_space<semaphore_mem>>) src(%dma_wait3A_45 : memref<16384xf32, #tpu.memory_space<hbm>>) dst(%arg6 : memref<16384xf32, #tpu.memory_space<vmem>>)
      %dma_wait3A_46 = arith.constant 0 : i32
      %dma_wait3A_47 = tpu.memref_slice %arg3[%dma_wait3A_46] : memref<8388608xf32, #tpu.memory_space<hbm>> -> memref<16384xf32, #tpu.memory_space<hbm>>
      %dma_wait3A_48 = arith.constant 0 : i32
      %dma_wait3A_49 = tpu.memref_slice %arg3[%dma_wait3A_48] : memref<8388608xf32, #tpu.memory_space<hbm>> -> memref<16384xf32, #tpu.memory_space<hbm>>
      tpu.wait_dma2 semaphore(%arg14 : memref<!tpu.dma_semaphore, #tpu.memory_space<semaphore_mem>>) src(%dma_wait3A_49 : memref<16384xf32, #tpu.memory_space<hbm>>) dst(%arg8 : memref<16384xf32, #tpu.memory_space<vmem>>)
      %dma_wait3A_50 = arith.constant 0 : i32
      %dma_wait3A_51 = tpu.memref_slice %arg4[%dma_wait3A_50] : memref<262144xi32, #tpu.memory_space<hbm>> -> memref<512xi32, #tpu.memory_space<hbm>>
      %dma_wait3A_52 = arith.constant 0 : i32
      %dma_wait3A_53 = tpu.memref_slice %arg4[%dma_wait3A_52] : memref<262144xi32, #tpu.memory_space<hbm>> -> memref<512xi32, #tpu.memory_space<hbm>>
      tpu.wait_dma2 semaphore(%arg14 : memref<!tpu.dma_semaphore, #tpu.memory_space<semaphore_mem>>) src(%dma_wait3A_53 : memref<512xi32, #tpu.memory_space<hbm>>) dst(%arg10 : memref<512xi32, #tpu.memory_space<vmem>>)
      %gt3A = arith.constant 0 : i32
      %gt3A_54 = arith.cmpi sgt, %scan3A_37, %gt3A : i32
      %convert_element_type3A = arith.extui %gt3A_54 : i1 to i32
      %cond3A = arith.constant 0 : i32
      %cond3A_55 = arith.cmpi ne, %convert_element_type3A, %cond3A : i32
      scf.if %cond3A_55 {
        %dma_wait3A_119 = arith.constant 0 : i32
        %dma_wait3A_120 = tpu.memref_slice %arg5[%dma_wait3A_119] : memref<8388608xf32, #tpu.memory_space<hbm>> -> memref<16384xf32, #tpu.memory_space<hbm>>
        %dma_wait3A_121 = arith.constant 0 : i32
        %dma_wait3A_122 = tpu.memref_slice %arg5[%dma_wait3A_121] : memref<8388608xf32, #tpu.memory_space<hbm>> -> memref<16384xf32, #tpu.memory_space<hbm>>
        tpu.wait_dma2 semaphore(%arg16 : memref<!tpu.dma_semaphore, #tpu.memory_space<semaphore_mem>>) src(%arg12 : memref<16384xf32, #tpu.memory_space<vmem>>) dst(%dma_wait3A_122 : memref<16384xf32, #tpu.memory_space<hbm>>)
      } else {
      }
      %iota3A = tpu.iota {dimensions = array<i32: 0>} : vector<16xi32>
      %scan3A_56 = arith.constant 0 : i32
      %scan3A_57 = arith.constant 0 : i32
      %scan3A_58 = arith.constant 32 : i32
      %scan3A_59 = arith.addi %scan3A_57, %scan3A_58 : i32
      %scan3A_60 = arith.constant 1 : i32
      scf.for %scan3A_119 = %scan3A_57 to %scan3A_59 step %scan3A_60  : i32 {
        %mul3A_120 = arith.constant 16 : i32
        %mul3A_121 = arith.muli %scan3A_119, %mul3A_120 : i32
        %add3A_122 = vector.broadcast %mul3A_121 : i32 to vector<16xi32>
        %add3A_123 = arith.addi %iota3A, %add3A_122 : vector<16xi32>
        %mul3A_124 = arith.constant 32 : i32
        %mul3A_125 = vector.broadcast %mul3A_124 : i32 to vector<16xi32>
        %mul3A_126 = arith.muli %add3A_123, %mul3A_125 : vector<16xi32>
        %get3A = arith.index_cast %mul3A_121 : i32 to index
        %get3A_127 = tpu.vector_load %arg10[%get3A] {strides = array<i32>} : memref<512xi32, #tpu.memory_space<vmem>>, vector<16xi32>,
        %shift_left3A = arith.constant 4 : i32
        %shift_left3A_128 = vector.broadcast %shift_left3A : i32 to vector<16xi32>
        %shift_left3A_129 = arith.shli %get3A_127, %shift_left3A_128 : vector<16xi32>
        %xor3A = arith.constant 0 : i32
        %xor3A_130 = vector.broadcast %xor3A : i32 to vector<16xi32>
        %xor3A_131 = arith.xori %xor3A_130, %shift_left3A_129 : vector<16xi32>
        %add3A_132 = arith.addi %mul3A_126, %xor3A_131 : vector<16xi32>
        %add3A_133 = arith.constant 0 : i32
        %add3A_134 = vector.broadcast %add3A_133 : i32 to vector<16xi32>
        %add3A_135 = arith.addi %mul3A_126, %add3A_134 : vector<16xi32>
        %add3A_136 = arith.constant 0 : i32
        %add3A_137 = vector.broadcast %add3A_136 : i32 to vector<16xi32>
        %add3A_138 = arith.addi %add3A_132, %add3A_137 : vector<16xi32>
        %gather3A = tpu.vector_load_idx %arg6[%add3A_138] : memref<16384xf32, #tpu.memory_space<vmem>>[vector<16xi32>], vector<16xf32>,
        %exp3A = math.exp %gather3A : vector<16xf32>
        %add3A_139 = arith.constant 1 : i32
        %add3A_140 = vector.broadcast %add3A_139 : i32 to vector<16xi32>
        %add3A_141 = arith.addi %add3A_132, %add3A_140 : vector<16xi32>
        %gather3A_142 = tpu.vector_load_idx %arg6[%add3A_141] : memref<16384xf32, #tpu.memory_space<vmem>>[vector<16xi32>], vector<16xf32>,
        %exp3A_143 = math.exp %gather3A_142 : vector<16xf32>
        %add3A_144 = arith.constant 2 : i32
        %add3A_145 = vector.broadcast %add3A_144 : i32 to vector<16xi32>
        %add3A_146 = arith.addi %add3A_132, %add3A_145 : vector<16xi32>
        %gather3A_147 = tpu.vector_load_idx %arg6[%add3A_146] : memref<16384xf32, #tpu.memory_space<vmem>>[vector<16xi32>], vector<16xf32>,
        %exp3A_148 = math.exp %gather3A_147 : vector<16xf32>
        %add3A_149 = arith.constant 3 : i32
        %add3A_150 = vector.broadcast %add3A_149 : i32 to vector<16xi32>
        %add3A_151 = arith.addi %add3A_132, %add3A_150 : vector<16xi32>
        %gather3A_152 = tpu.vector_load_idx %arg6[%add3A_151] : memref<16384xf32, #tpu.memory_space<vmem>>[vector<16xi32>], vector<16xf32>,
        %exp3A_153 = math.exp %gather3A_152 : vector<16xf32>
        %add3A_154 = arith.constant 4 : i32
        %add3A_155 = vector.broadcast %add3A_154 : i32 to vector<16xi32>
        %add3A_156 = arith.addi %add3A_132, %add3A_155 : vector<16xi32>
        %gather3A_157 = tpu.vector_load_idx %arg6[%add3A_156] : memref<16384xf32, #tpu.memory_space<vmem>>[vector<16xi32>], vector<16xf32>,
        %exp3A_158 = math.exp %gather3A_157 : vector<16xf32>
        %add3A_159 = arith.constant 5 : i32
        %add3A_160 = vector.broadcast %add3A_159 : i32 to vector<16xi32>
        %add3A_161 = arith.addi %add3A_132, %add3A_160 : vector<16xi32>
        %gather3A_162 = tpu.vector_load_idx %arg6[%add3A_161] : memref<16384xf32, #tpu.memory_space<vmem>>[vector<16xi32>], vector<16xf32>,
        %exp3A_163 = math.exp %gather3A_162 : vector<16xf32>
        %add3A_164 = arith.constant 6 : i32
        %add3A_165 = vector.broadcast %add3A_164 : i32 to vector<16xi32>
        %add3A_166 = arith.addi %add3A_132, %add3A_165 : vector<16xi32>
        %gather3A_167 = tpu.vector_load_idx %arg6[%add3A_166] : memref<16384xf32, #tpu.memory_space<vmem>>[vector<16xi32>], vector<16xf32>,
        %exp3A_168 = math.exp %gather3A_167 : vector<16xf32>
        %add3A_169 = arith.constant 7 : i32
        %add3A_170 = vector.broadcast %add3A_169 : i32 to vector<16xi32>
        %add3A_171 = arith.addi %add3A_132, %add3A_170 : vector<16xi32>
        %gather3A_172 = tpu.vector_load_idx %arg6[%add3A_171] : memref<16384xf32, #tpu.memory_space<vmem>>[vector<16xi32>], vector<16xf32>,
        %exp3A_173 = math.exp %gather3A_172 : vector<16xf32>
        %add3A_174 = arith.constant 8 : i32
        %add3A_175 = vector.broadcast %add3A_174 : i32 to vector<16xi32>
        %add3A_176 = arith.addi %add3A_132, %add3A_175 : vector<16xi32>
        %gather3A_177 = tpu.vector_load_idx %arg6[%add3A_176] : memref<16384xf32, #tpu.memory_space<vmem>>[vector<16xi32>], vector<16xf32>,
        %exp3A_178 = math.exp %gather3A_177 : vector<16xf32>
        %add3A_179 = arith.constant 9 : i32
        %add3A_180 = vector.broadcast %add3A_179 : i32 to vector<16xi32>
        %add3A_181 = arith.addi %add3A_132, %add3A_180 : vector<16xi32>
        %gather3A_182 = tpu.vector_load_idx %arg6[%add3A_181] : memref<16384xf32, #tpu.memory_space<vmem>>[vector<16xi32>], vector<16xf32>,
        %exp3A_183 = math.exp %gather3A_182 : vector<16xf32>
        %add3A_184 = arith.constant 10 : i32
        %add3A_185 = vector.broadcast %add3A_184 : i32 to vector<16xi32>
        %add3A_186 = arith.addi %add3A_132, %add3A_185 : vector<16xi32>
        %gather3A_187 = tpu.vector_load_idx %arg6[%add3A_186] : memref<16384xf32, #tpu.memory_space<vmem>>[vector<16xi32>], vector<16xf32>,
        %exp3A_188 = math.exp %gather3A_187 : vector<16xf32>
        %add3A_189 = arith.constant 11 : i32
        %add3A_190 = vector.broadcast %add3A_189 : i32 to vector<16xi32>
        %add3A_191 = arith.addi %add3A_132, %add3A_190 : vector<16xi32>
        %gather3A_192 = tpu.vector_load_idx %arg6[%add3A_191] : memref<16384xf32, #tpu.memory_space<vmem>>[vector<16xi32>], vector<16xf32>,
        %exp3A_193 = math.exp %gather3A_192 : vector<16xf32>
        %add3A_194 = arith.constant 12 : i32
        %add3A_195 = vector.broadcast %add3A_194 : i32 to vector<16xi32>
        %add3A_196 = arith.addi %add3A_132, %add3A_195 : vector<16xi32>
        %gather3A_197 = tpu.vector_load_idx %arg6[%add3A_196] : memref<16384xf32, #tpu.memory_space<vmem>>[vector<16xi32>], vector<16xf32>,
        %exp3A_198 = math.exp %gather3A_197 : vector<16xf32>
        %add3A_199 = arith.constant 13 : i32
        %add3A_200 = vector.broadcast %add3A_199 : i32 to vector<16xi32>
        %add3A_201 = arith.addi %add3A_132, %add3A_200 : vector<16xi32>
        %gather3A_202 = tpu.vector_load_idx %arg6[%add3A_201] : memref<16384xf32, #tpu.memory_space<vmem>>[vector<16xi32>], vector<16xf32>,
        %exp3A_203 = math.exp %gather3A_202 : vector<16xf32>
        %add3A_204 = arith.constant 14 : i32
        %add3A_205 = vector.broadcast %add3A_204 : i32 to vector<16xi32>
        %add3A_206 = arith.addi %add3A_132, %add3A_205 : vector<16xi32>
        %gather3A_207 = tpu.vector_load_idx %arg6[%add3A_206] : memref<16384xf32, #tpu.memory_space<vmem>>[vector<16xi32>], vector<16xf32>,
        %exp3A_208 = math.exp %gather3A_207 : vector<16xf32>
        %add3A_209 = arith.constant 15 : i32
        %add3A_210 = vector.broadcast %add3A_209 : i32 to vector<16xi32>
        %add3A_211 = arith.addi %add3A_132, %add3A_210 : vector<16xi32>
        %gather3A_212 = tpu.vector_load_idx %arg6[%add3A_211] : memref<16384xf32, #tpu.memory_space<vmem>>[vector<16xi32>], vector<16xf32>,
        %exp3A_213 = math.exp %gather3A_212 : vector<16xf32>
        %add3A_214 = arith.constant 0 : i32
        %add3A_215 = vector.broadcast %add3A_214 : i32 to vector<16xi32>
        %add3A_216 = arith.addi %add3A_135, %add3A_215 : vector<16xi32>
        %gather3A_217 = tpu.vector_load_idx %arg8[%add3A_216] : memref<16384xf32, #tpu.memory_space<vmem>>[vector<16xi32>], vector<16xf32>,
        %exp3A_218 = math.exp %gather3A_217 : vector<16xf32>
        %add3A_219 = arith.constant 1 : i32
        %add3A_220 = vector.broadcast %add3A_219 : i32 to vector<16xi32>
        %add3A_221 = arith.addi %add3A_135, %add3A_220 : vector<16xi32>
        %gather3A_222 = tpu.vector_load_idx %arg8[%add3A_221] : memref<16384xf32, #tpu.memory_space<vmem>>[vector<16xi32>], vector<16xf32>,
        %exp3A_223 = math.exp %gather3A_222 : vector<16xf32>
        %add3A_224 = arith.constant 2 : i32
        %add3A_225 = vector.broadcast %add3A_224 : i32 to vector<16xi32>
        %add3A_226 = arith.addi %add3A_135, %add3A_225 : vector<16xi32>
        %gather3A_227 = tpu.vector_load_idx %arg8[%add3A_226] : memref<16384xf32, #tpu.memory_space<vmem>>[vector<16xi32>], vector<16xf32>,
        %exp3A_228 = math.exp %gather3A_227 : vector<16xf32>
        %add3A_229 = arith.constant 3 : i32
        %add3A_230 = vector.broadcast %add3A_229 : i32 to vector<16xi32>
        %add3A_231 = arith.addi %add3A_135, %add3A_230 : vector<16xi32>
        %gather3A_232 = tpu.vector_load_idx %arg8[%add3A_231] : memref<16384xf32, #tpu.memory_space<vmem>>[vector<16xi32>], vector<16xf32>,
        %exp3A_233 = math.exp %gather3A_232 : vector<16xf32>
        %add3A_234 = arith.constant 4 : i32
        %add3A_235 = vector.broadcast %add3A_234 : i32 to vector<16xi32>
        %add3A_236 = arith.addi %add3A_135, %add3A_235 : vector<16xi32>
        %gather3A_237 = tpu.vector_load_idx %arg8[%add3A_236] : memref<16384xf32, #tpu.memory_space<vmem>>[vector<16xi32>], vector<16xf32>,
        %exp3A_238 = math.exp %gather3A_237 : vector<16xf32>
        %add3A_239 = arith.constant 5 : i32
        %add3A_240 = vector.broadcast %add3A_239 : i32 to vector<16xi32>
        %add3A_241 = arith.addi %add3A_135, %add3A_240 : vector<16xi32>
        %gather3A_242 = tpu.vector_load_idx %arg8[%add3A_241] : memref<16384xf32, #tpu.memory_space<vmem>>[vector<16xi32>], vector<16xf32>,
        %exp3A_243 = math.exp %gather3A_242 : vector<16xf32>
        %add3A_244 = arith.constant 6 : i32
        %add3A_245 = vector.broadcast %add3A_244 : i32 to vector<16xi32>
        %add3A_246 = arith.addi %add3A_135, %add3A_245 : vector<16xi32>
        %gather3A_247 = tpu.vector_load_idx %arg8[%add3A_246] : memref<16384xf32, #tpu.memory_space<vmem>>[vector<16xi32>], vector<16xf32>,
        %exp3A_248 = math.exp %gather3A_247 : vector<16xf32>
        %add3A_249 = arith.constant 7 : i32
        %add3A_250 = vector.broadcast %add3A_249 : i32 to vector<16xi32>
        %add3A_251 = arith.addi %add3A_135, %add3A_250 : vector<16xi32>
        %gather3A_252 = tpu.vector_load_idx %arg8[%add3A_251] : memref<16384xf32, #tpu.memory_space<vmem>>[vector<16xi32>], vector<16xf32>,
        %exp3A_253 = math.exp %gather3A_252 : vector<16xf32>
        %add3A_254 = arith.constant 8 : i32
        %add3A_255 = vector.broadcast %add3A_254 : i32 to vector<16xi32>
        %add3A_256 = arith.addi %add3A_135, %add3A_255 : vector<16xi32>
        %gather3A_257 = tpu.vector_load_idx %arg8[%add3A_256] : memref<16384xf32, #tpu.memory_space<vmem>>[vector<16xi32>], vector<16xf32>,
        %exp3A_258 = math.exp %gather3A_257 : vector<16xf32>
        %add3A_259 = arith.constant 9 : i32
        %add3A_260 = vector.broadcast %add3A_259 : i32 to vector<16xi32>
        %add3A_261 = arith.addi %add3A_135, %add3A_260 : vector<16xi32>
        %gather3A_262 = tpu.vector_load_idx %arg8[%add3A_261] : memref<16384xf32, #tpu.memory_space<vmem>>[vector<16xi32>], vector<16xf32>,
        %exp3A_263 = math.exp %gather3A_262 : vector<16xf32>
        %add3A_264 = arith.constant 10 : i32
        %add3A_265 = vector.broadcast %add3A_264 : i32 to vector<16xi32>
        %add3A_266 = arith.addi %add3A_135, %add3A_265 : vector<16xi32>
        %gather3A_267 = tpu.vector_load_idx %arg8[%add3A_266] : memref<16384xf32, #tpu.memory_space<vmem>>[vector<16xi32>], vector<16xf32>,
        %exp3A_268 = math.exp %gather3A_267 : vector<16xf32>
        %add3A_269 = arith.constant 11 : i32
        %add3A_270 = vector.broadcast %add3A_269 : i32 to vector<16xi32>
        %add3A_271 = arith.addi %add3A_135, %add3A_270 : vector<16xi32>
        %gather3A_272 = tpu.vector_load_idx %arg8[%add3A_271] : memref<16384xf32, #tpu.memory_space<vmem>>[vector<16xi32>], vector<16xf32>,
        %exp3A_273 = math.exp %gather3A_272 : vector<16xf32>
        %add3A_274 = arith.constant 12 : i32
        %add3A_275 = vector.broadcast %add3A_274 : i32 to vector<16xi32>
        %add3A_276 = arith.addi %add3A_135, %add3A_275 : vector<16xi32>
        %gather3A_277 = tpu.vector_load_idx %arg8[%add3A_276] : memref<16384xf32, #tpu.memory_space<vmem>>[vector<16xi32>], vector<16xf32>,
        %exp3A_278 = math.exp %gather3A_277 : vector<16xf32>
        %add3A_279 = arith.constant 13 : i32
        %add3A_280 = vector.broadcast %add3A_279 : i32 to vector<16xi32>
        %add3A_281 = arith.addi %add3A_135, %add3A_280 : vector<16xi32>
        %gather3A_282 = tpu.vector_load_idx %arg8[%add3A_281] : memref<16384xf32, #tpu.memory_space<vmem>>[vector<16xi32>], vector<16xf32>,
        %exp3A_283 = math.exp %gather3A_282 : vector<16xf32>
        %add3A_284 = arith.constant 14 : i32
        %add3A_285 = vector.broadcast %add3A_284 : i32 to vector<16xi32>
        %add3A_286 = arith.addi %add3A_135, %add3A_285 : vector<16xi32>
        %gather3A_287 = tpu.vector_load_idx %arg8[%add3A_286] : memref<16384xf32, #tpu.memory_space<vmem>>[vector<16xi32>], vector<16xf32>,
        %exp3A_288 = math.exp %gather3A_287 : vector<16xf32>
        %add3A_289 = arith.constant 15 : i32
        %add3A_290 = vector.broadcast %add3A_289 : i32 to vector<16xi32>
        %add3A_291 = arith.addi %add3A_135, %add3A_290 : vector<16xi32>
        %gather3A_292 = tpu.vector_load_idx %arg8[%add3A_291] : memref<16384xf32, #tpu.memory_space<vmem>>[vector<16xi32>], vector<16xf32>,
        %exp3A_293 = math.exp %gather3A_292 : vector<16xf32>
        %mul3A_294 = arith.mulf %exp3A, %exp3A_218 : vector<16xf32>
        %mul3A_295 = arith.mulf %exp3A_143, %exp3A_238 : vector<16xf32>
        %add3A_296 = arith.addf %mul3A_294, %mul3A_295 : vector<16xf32>
        %mul3A_297 = arith.mulf %exp3A_148, %exp3A_258 : vector<16xf32>
        %add3A_298 = arith.addf %add3A_296, %mul3A_297 : vector<16xf32>
        %mul3A_299 = arith.mulf %exp3A_153, %exp3A_278 : vector<16xf32>
        %add3A_300 = arith.addf %add3A_298, %mul3A_299 : vector<16xf32>
        %add3A_301 = arith.constant 0 : i32
        %add3A_302 = vector.broadcast %add3A_301 : i32 to vector<16xi32>
        %add3A_303 = arith.addi %add3A_135, %add3A_302 : vector<16xi32>
        %bitcast3A = vector.bitcast %add3A_300 : vector<16xf32> to vector<16xi32>
        %shift_right_arithmetic3A = arith.constant 23 : i32
        %shift_right_arithmetic3A_304 = vector.broadcast %shift_right_arithmetic3A : i32 to vector<16xi32>
        %shift_right_arithmetic3A_305 = arith.shrsi %bitcast3A, %shift_right_arithmetic3A_304 : vector<16xi32>
        %sub3A = arith.constant 127 : i32
        %sub3A_306 = vector.broadcast %sub3A : i32 to vector<16xi32>
        %sub3A_307 = arith.subi %shift_right_arithmetic3A_305, %sub3A_306 : vector<16xi32>
        %convert_element_type3A_308 = arith.sitofp %sub3A_307 : vector<16xi32> to vector<16xf32>
        %and3A = arith.constant 8388607 : i32
        %and3A_309 = vector.broadcast %and3A : i32 to vector<16xi32>
        %and3A_310 = arith.andi %bitcast3A, %and3A_309 : vector<16xi32>
        %or3A = arith.constant 1065353216 : i32
        %or3A_311 = vector.broadcast %or3A : i32 to vector<16xi32>
        %or3A_312 = arith.ori %and3A_310, %or3A_311 : vector<16xi32>
        %bitcast3A_313 = vector.bitcast %or3A_312 : vector<16xi32> to vector<16xf32>
        %sub3A_314 = arith.constant 1.000000e+00 : f32
        %sub3A_315 = vector.broadcast %sub3A_314 : f32 to vector<16xf32>
        %sub3A_316 = arith.subf %bitcast3A_313, %sub3A_315 : vector<16xf32>
        %mul3A_317 = arith.constant 0.0301026255 : f32
        %mul3A_318 = vector.broadcast %mul3A_317 : f32 to vector<16xf32>
        %mul3A_319 = arith.mulf %mul3A_318, %sub3A_316 : vector<16xf32>
        %add3A_320 = arith.constant -0.130119413 : f32
        %add3A_321 = vector.broadcast %add3A_320 : f32 to vector<16xf32>
        %add3A_322 = arith.addf %mul3A_319, %add3A_321 : vector<16xf32>
        %mul3A_323 = arith.mulf %add3A_322, %sub3A_316 : vector<16xf32>
        %add3A_324 = arith.constant 0.283304334 : f32
        %add3A_325 = vector.broadcast %add3A_324 : f32 to vector<16xf32>
        %add3A_326 = arith.addf %mul3A_323, %add3A_325 : vector<16xf32>
        %mul3A_327 = arith.mulf %add3A_326, %sub3A_316 : vector<16xf32>
        %add3A_328 = arith.constant -0.489156842 : f32
        %add3A_329 = vector.broadcast %add3A_328 : f32 to vector<16xf32>
        %add3A_330 = arith.addf %mul3A_327, %add3A_329 : vector<16xf32>
        %mul3A_331 = arith.mulf %add3A_330, %sub3A_316 : vector<16xf32>
        %add3A_332 = arith.constant 0.999010443 : f32
        %add3A_333 = vector.broadcast %add3A_332 : f32 to vector<16xf32>
        %add3A_334 = arith.addf %mul3A_331, %add3A_333 : vector<16xf32>
        %mul3A_335 = arith.mulf %add3A_334, %sub3A_316 : vector<16xf32>
        %add3A_336 = arith.constant 2.21170303E-5 : f32
        %add3A_337 = vector.broadcast %add3A_336 : f32 to vector<16xf32>
        %add3A_338 = arith.addf %mul3A_335, %add3A_337 : vector<16xf32>
        %mul3A_339 = arith.constant 0.693147182 : f32
        %mul3A_340 = vector.broadcast %mul3A_339 : f32 to vector<16xf32>
        %mul3A_341 = arith.mulf %convert_element_type3A_308, %mul3A_340 : vector<16xf32>
        %add3A_342 = arith.addf %mul3A_341, %add3A_338 : vector<16xf32>
        tpu.vector_store_idx %arg12[%add3A_303], %add3A_342 : memref<16384xf32, #tpu.memory_space<vmem>>[vector<16xi32>], vector<16xf32>,
        %mul3A_343 = arith.mulf %exp3A, %exp3A_223 : vector<16xf32>
        %mul3A_344 = arith.mulf %exp3A_143, %exp3A_243 : vector<16xf32>
        %add3A_345 = arith.addf %mul3A_343, %mul3A_344 : vector<16xf32>
        %mul3A_346 = arith.mulf %exp3A_148, %exp3A_263 : vector<16xf32>
        %add3A_347 = arith.addf %add3A_345, %mul3A_346 : vector<16xf32>
        %mul3A_348 = arith.mulf %exp3A_153, %exp3A_283 : vector<16xf32>
        %add3A_349 = arith.addf %add3A_347, %mul3A_348 : vector<16xf32>
        %add3A_350 = arith.constant 1 : i32
        %add3A_351 = vector.broadcast %add3A_350 : i32 to vector<16xi32>
        %add3A_352 = arith.addi %add3A_135, %add3A_351 : vector<16xi32>
        %bitcast3A_353 = vector.bitcast %add3A_349 : vector<16xf32> to vector<16xi32>
        %shift_right_arithmetic3A_354 = arith.constant 23 : i32
        %shift_right_arithmetic3A_355 = vector.broadcast %shift_right_arithmetic3A_354 : i32 to vector<16xi32>
        %shift_right_arithmetic3A_356 = arith.shrsi %bitcast3A_353, %shift_right_arithmetic3A_355 : vector<16xi32>
        %sub3A_357 = arith.constant 127 : i32
        %sub3A_358 = vector.broadcast %sub3A_357 : i32 to vector<16xi32>
        %sub3A_359 = arith.subi %shift_right_arithmetic3A_356, %sub3A_358 : vector<16xi32>
        %convert_element_type3A_360 = arith.sitofp %sub3A_359 : vector<16xi32> to vector<16xf32>
        %and3A_361 = arith.constant 8388607 : i32
        %and3A_362 = vector.broadcast %and3A_361 : i32 to vector<16xi32>
        %and3A_363 = arith.andi %bitcast3A_353, %and3A_362 : vector<16xi32>
        %or3A_364 = arith.constant 1065353216 : i32
        %or3A_365 = vector.broadcast %or3A_364 : i32 to vector<16xi32>
        %or3A_366 = arith.ori %and3A_363, %or3A_365 : vector<16xi32>
        %bitcast3A_367 = vector.bitcast %or3A_366 : vector<16xi32> to vector<16xf32>
        %sub3A_368 = arith.constant 1.000000e+00 : f32
        %sub3A_369 = vector.broadcast %sub3A_368 : f32 to vector<16xf32>
        %sub3A_370 = arith.subf %bitcast3A_367, %sub3A_369 : vector<16xf32>
        %mul3A_371 = arith.constant 0.0301026255 : f32
        %mul3A_372 = vector.broadcast %mul3A_371 : f32 to vector<16xf32>
        %mul3A_373 = arith.mulf %mul3A_372, %sub3A_370 : vector<16xf32>
        %add3A_374 = arith.constant -0.130119413 : f32
        %add3A_375 = vector.broadcast %add3A_374 : f32 to vector<16xf32>
        %add3A_376 = arith.addf %mul3A_373, %add3A_375 : vector<16xf32>
        %mul3A_377 = arith.mulf %add3A_376, %sub3A_370 : vector<16xf32>
        %add3A_378 = arith.constant 0.283304334 : f32
        %add3A_379 = vector.broadcast %add3A_378 : f32 to vector<16xf32>
        %add3A_380 = arith.addf %mul3A_377, %add3A_379 : vector<16xf32>
        %mul3A_381 = arith.mulf %add3A_380, %sub3A_370 : vector<16xf32>
        %add3A_382 = arith.constant -0.489156842 : f32
        %add3A_383 = vector.broadcast %add3A_382 : f32 to vector<16xf32>
        %add3A_384 = arith.addf %mul3A_381, %add3A_383 : vector<16xf32>
        %mul3A_385 = arith.mulf %add3A_384, %sub3A_370 : vector<16xf32>
        %add3A_386 = arith.constant 0.999010443 : f32
        %add3A_387 = vector.broadcast %add3A_386 : f32 to vector<16xf32>
        %add3A_388 = arith.addf %mul3A_385, %add3A_387 : vector<16xf32>
        %mul3A_389 = arith.mulf %add3A_388, %sub3A_370 : vector<16xf32>
        %add3A_390 = arith.constant 2.21170303E-5 : f32
        %add3A_391 = vector.broadcast %add3A_390 : f32 to vector<16xf32>
        %add3A_392 = arith.addf %mul3A_389, %add3A_391 : vector<16xf32>
        %mul3A_393 = arith.constant 0.693147182 : f32
        %mul3A_394 = vector.broadcast %mul3A_393 : f32 to vector<16xf32>
        %mul3A_395 = arith.mulf %convert_element_type3A_360, %mul3A_394 : vector<16xf32>
        %add3A_396 = arith.addf %mul3A_395, %add3A_392 : vector<16xf32>
        tpu.vector_store_idx %arg12[%add3A_352], %add3A_396 : memref<16384xf32, #tpu.memory_space<vmem>>[vector<16xi32>], vector<16xf32>,
        %mul3A_397 = arith.mulf %exp3A, %exp3A_228 : vector<16xf32>
        %mul3A_398 = arith.mulf %exp3A_143, %exp3A_248 : vector<16xf32>
        %add3A_399 = arith.addf %mul3A_397, %mul3A_398 : vector<16xf32>
        %mul3A_400 = arith.mulf %exp3A_148, %exp3A_268 : vector<16xf32>
        %add3A_401 = arith.addf %add3A_399, %mul3A_400 : vector<16xf32>
        %mul3A_402 = arith.mulf %exp3A_153, %exp3A_288 : vector<16xf32>
        %add3A_403 = arith.addf %add3A_401, %mul3A_402 : vector<16xf32>
        %add3A_404 = arith.constant 2 : i32
        %add3A_405 = vector.broadcast %add3A_404 : i32 to vector<16xi32>
        %add3A_406 = arith.addi %add3A_135, %add3A_405 : vector<16xi32>
        %bitcast3A_407 = vector.bitcast %add3A_403 : vector<16xf32> to vector<16xi32>
        %shift_right_arithmetic3A_408 = arith.constant 23 : i32
        %shift_right_arithmetic3A_409 = vector.broadcast %shift_right_arithmetic3A_408 : i32 to vector<16xi32>
        %shift_right_arithmetic3A_410 = arith.shrsi %bitcast3A_407, %shift_right_arithmetic3A_409 : vector<16xi32>
        %sub3A_411 = arith.constant 127 : i32
        %sub3A_412 = vector.broadcast %sub3A_411 : i32 to vector<16xi32>
        %sub3A_413 = arith.subi %shift_right_arithmetic3A_410, %sub3A_412 : vector<16xi32>
        %convert_element_type3A_414 = arith.sitofp %sub3A_413 : vector<16xi32> to vector<16xf32>
        %and3A_415 = arith.constant 8388607 : i32
        %and3A_416 = vector.broadcast %and3A_415 : i32 to vector<16xi32>
        %and3A_417 = arith.andi %bitcast3A_407, %and3A_416 : vector<16xi32>
        %or3A_418 = arith.constant 1065353216 : i32
        %or3A_419 = vector.broadcast %or3A_418 : i32 to vector<16xi32>
        %or3A_420 = arith.ori %and3A_417, %or3A_419 : vector<16xi32>
        %bitcast3A_421 = vector.bitcast %or3A_420 : vector<16xi32> to vector<16xf32>
        %sub3A_422 = arith.constant 1.000000e+00 : f32
        %sub3A_423 = vector.broadcast %sub3A_422 : f32 to vector<16xf32>
        %sub3A_424 = arith.subf %bitcast3A_421, %sub3A_423 : vector<16xf32>
        %mul3A_425 = arith.constant 0.0301026255 : f32
        %mul3A_426 = vector.broadcast %mul3A_425 : f32 to vector<16xf32>
        %mul3A_427 = arith.mulf %mul3A_426, %sub3A_424 : vector<16xf32>
        %add3A_428 = arith.constant -0.130119413 : f32
        %add3A_429 = vector.broadcast %add3A_428 : f32 to vector<16xf32>
        %add3A_430 = arith.addf %mul3A_427, %add3A_429 : vector<16xf32>
        %mul3A_431 = arith.mulf %add3A_430, %sub3A_424 : vector<16xf32>
        %add3A_432 = arith.constant 0.283304334 : f32
        %add3A_433 = vector.broadcast %add3A_432 : f32 to vector<16xf32>
        %add3A_434 = arith.addf %mul3A_431, %add3A_433 : vector<16xf32>
        %mul3A_435 = arith.mulf %add3A_434, %sub3A_424 : vector<16xf32>
        %add3A_436 = arith.constant -0.489156842 : f32
        %add3A_437 = vector.broadcast %add3A_436 : f32 to vector<16xf32>
        %add3A_438 = arith.addf %mul3A_435, %add3A_437 : vector<16xf32>
        %mul3A_439 = arith.mulf %add3A_438, %sub3A_424 : vector<16xf32>
        %add3A_440 = arith.constant 0.999010443 : f32
        %add3A_441 = vector.broadcast %add3A_440 : f32 to vector<16xf32>
        %add3A_442 = arith.addf %mul3A_439, %add3A_441 : vector<16xf32>
        %mul3A_443 = arith.mulf %add3A_442, %sub3A_424 : vector<16xf32>
        %add3A_444 = arith.constant 2.21170303E-5 : f32
        %add3A_445 = vector.broadcast %add3A_444 : f32 to vector<16xf32>
        %add3A_446 = arith.addf %mul3A_443, %add3A_445 : vector<16xf32>
        %mul3A_447 = arith.constant 0.693147182 : f32
        %mul3A_448 = vector.broadcast %mul3A_447 : f32 to vector<16xf32>
        %mul3A_449 = arith.mulf %convert_element_type3A_414, %mul3A_448 : vector<16xf32>
        %add3A_450 = arith.addf %mul3A_449, %add3A_446 : vector<16xf32>
        tpu.vector_store_idx %arg12[%add3A_406], %add3A_450 : memref<16384xf32, #tpu.memory_space<vmem>>[vector<16xi32>], vector<16xf32>,
        %mul3A_451 = arith.mulf %exp3A, %exp3A_233 : vector<16xf32>
        %mul3A_452 = arith.mulf %exp3A_143, %exp3A_253 : vector<16xf32>
        %add3A_453 = arith.addf %mul3A_451, %mul3A_452 : vector<16xf32>
        %mul3A_454 = arith.mulf %exp3A_148, %exp3A_273 : vector<16xf32>
        %add3A_455 = arith.addf %add3A_453, %mul3A_454 : vector<16xf32>
        %mul3A_456 = arith.mulf %exp3A_153, %exp3A_293 : vector<16xf32>
        %add3A_457 = arith.addf %add3A_455, %mul3A_456 : vector<16xf32>
        %add3A_458 = arith.constant 3 : i32
        %add3A_459 = vector.broadcast %add3A_458 : i32 to vector<16xi32>
        %add3A_460 = arith.addi %add3A_135, %add3A_459 : vector<16xi32>
        %bitcast3A_461 = vector.bitcast %add3A_457 : vector<16xf32> to vector<16xi32>
        %shift_right_arithmetic3A_462 = arith.constant 23 : i32
        %shift_right_arithmetic3A_463 = vector.broadcast %shift_right_arithmetic3A_462 : i32 to vector<16xi32>
        %shift_right_arithmetic3A_464 = arith.shrsi %bitcast3A_461, %shift_right_arithmetic3A_463 : vector<16xi32>
        %sub3A_465 = arith.constant 127 : i32
        %sub3A_466 = vector.broadcast %sub3A_465 : i32 to vector<16xi32>
        %sub3A_467 = arith.subi %shift_right_arithmetic3A_464, %sub3A_466 : vector<16xi32>
        %convert_element_type3A_468 = arith.sitofp %sub3A_467 : vector<16xi32> to vector<16xf32>
        %and3A_469 = arith.constant 8388607 : i32
        %and3A_470 = vector.broadcast %and3A_469 : i32 to vector<16xi32>
        %and3A_471 = arith.andi %bitcast3A_461, %and3A_470 : vector<16xi32>
        %or3A_472 = arith.constant 1065353216 : i32
        %or3A_473 = vector.broadcast %or3A_472 : i32 to vector<16xi32>
        %or3A_474 = arith.ori %and3A_471, %or3A_473 : vector<16xi32>
        %bitcast3A_475 = vector.bitcast %or3A_474 : vector<16xi32> to vector<16xf32>
        %sub3A_476 = arith.constant 1.000000e+00 : f32
        %sub3A_477 = vector.broadcast %sub3A_476 : f32 to vector<16xf32>
        %sub3A_478 = arith.subf %bitcast3A_475, %sub3A_477 : vector<16xf32>
        %mul3A_479 = arith.constant 0.0301026255 : f32
        %mul3A_480 = vector.broadcast %mul3A_479 : f32 to vector<16xf32>
        %mul3A_481 = arith.mulf %mul3A_480, %sub3A_478 : vector<16xf32>
        %add3A_482 = arith.constant -0.130119413 : f32
        %add3A_483 = vector.broadcast %add3A_482 : f32 to vector<16xf32>
        %add3A_484 = arith.addf %mul3A_481, %add3A_483 : vector<16xf32>
        %mul3A_485 = arith.mulf %add3A_484, %sub3A_478 : vector<16xf32>
        %add3A_486 = arith.constant 0.283304334 : f32
        %add3A_487 = vector.broadcast %add3A_486 : f32 to vector<16xf32>
        %add3A_488 = arith.addf %mul3A_485, %add3A_487 : vector<16xf32>
        %mul3A_489 = arith.mulf %add3A_488, %sub3A_478 : vector<16xf32>
        %add3A_490 = arith.constant -0.489156842 : f32
        %add3A_491 = vector.broadcast %add3A_490 : f32 to vector<16xf32>
        %add3A_492 = arith.addf %mul3A_489, %add3A_491 : vector<16xf32>
        %mul3A_493 = arith.mulf %add3A_492, %sub3A_478 : vector<16xf32>
        %add3A_494 = arith.constant 0.999010443 : f32
        %add3A_495 = vector.broadcast %add3A_494 : f32 to vector<16xf32>
        %add3A_496 = arith.addf %mul3A_493, %add3A_495 : vector<16xf32>
        %mul3A_497 = arith.mulf %add3A_496, %sub3A_478 : vector<16xf32>
        %add3A_498 = arith.constant 2.21170303E-5 : f32
        %add3A_499 = vector.broadcast %add3A_498 : f32 to vector<16xf32>
        %add3A_500 = arith.addf %mul3A_497, %add3A_499 : vector<16xf32>
        %mul3A_501 = arith.constant 0.693147182 : f32
        %mul3A_502 = vector.broadcast %mul3A_501 : f32 to vector<16xf32>
        %mul3A_503 = arith.mulf %convert_element_type3A_468, %mul3A_502 : vector<16xf32>
        %add3A_504 = arith.addf %mul3A_503, %add3A_500 : vector<16xf32>
        tpu.vector_store_idx %arg12[%add3A_460], %add3A_504 : memref<16384xf32, #tpu.memory_space<vmem>>[vector<16xi32>], vector<16xf32>,
        %mul3A_505 = arith.mulf %exp3A_158, %exp3A_218 : vector<16xf32>
        %mul3A_506 = arith.mulf %exp3A_163, %exp3A_238 : vector<16xf32>
        %add3A_507 = arith.addf %mul3A_505, %mul3A_506 : vector<16xf32>
        %mul3A_508 = arith.mulf %exp3A_168, %exp3A_258 : vector<16xf32>
        %add3A_509 = arith.addf %add3A_507, %mul3A_508 : vector<16xf32>
        %mul3A_510 = arith.mulf %exp3A_173, %exp3A_278 : vector<16xf32>
        %add3A_511 = arith.addf %add3A_509, %mul3A_510 : vector<16xf32>
        %add3A_512 = arith.constant 4 : i32
        %add3A_513 = vector.broadcast %add3A_512 : i32 to vector<16xi32>
        %add3A_514 = arith.addi %add3A_135, %add3A_513 : vector<16xi32>
        %bitcast3A_515 = vector.bitcast %add3A_511 : vector<16xf32> to vector<16xi32>
        %shift_right_arithmetic3A_516 = arith.constant 23 : i32
        %shift_right_arithmetic3A_517 = vector.broadcast %shift_right_arithmetic3A_516 : i32 to vector<16xi32>
        %shift_right_arithmetic3A_518 = arith.shrsi %bitcast3A_515, %shift_right_arithmetic3A_517 : vector<16xi32>
        %sub3A_519 = arith.constant 127 : i32
        %sub3A_520 = vector.broadcast %sub3A_519 : i32 to vector<16xi32>
        %sub3A_521 = arith.subi %shift_right_arithmetic3A_518, %sub3A_520 : vector<16xi32>
        %convert_element_type3A_522 = arith.sitofp %sub3A_521 : vector<16xi32> to vector<16xf32>
        %and3A_523 = arith.constant 8388607 : i32
        %and3A_524 = vector.broadcast %and3A_523 : i32 to vector<16xi32>
        %and3A_525 = arith.andi %bitcast3A_515, %and3A_524 : vector<16xi32>
        %or3A_526 = arith.constant 1065353216 : i32
        %or3A_527 = vector.broadcast %or3A_526 : i32 to vector<16xi32>
        %or3A_528 = arith.ori %and3A_525, %or3A_527 : vector<16xi32>
        %bitcast3A_529 = vector.bitcast %or3A_528 : vector<16xi32> to vector<16xf32>
        %sub3A_530 = arith.constant 1.000000e+00 : f32
        %sub3A_531 = vector.broadcast %sub3A_530 : f32 to vector<16xf32>
        %sub3A_532 = arith.subf %bitcast3A_529, %sub3A_531 : vector<16xf32>
        %mul3A_533 = arith.constant 0.0301026255 : f32
        %mul3A_534 = vector.broadcast %mul3A_533 : f32 to vector<16xf32>
        %mul3A_535 = arith.mulf %mul3A_534, %sub3A_532 : vector<16xf32>
        %add3A_536 = arith.constant -0.130119413 : f32
        %add3A_537 = vector.broadcast %add3A_536 : f32 to vector<16xf32>
        %add3A_538 = arith.addf %mul3A_535, %add3A_537 : vector<16xf32>
        %mul3A_539 = arith.mulf %add3A_538, %sub3A_532 : vector<16xf32>
        %add3A_540 = arith.constant 0.283304334 : f32
        %add3A_541 = vector.broadcast %add3A_540 : f32 to vector<16xf32>
        %add3A_542 = arith.addf %mul3A_539, %add3A_541 : vector<16xf32>
        %mul3A_543 = arith.mulf %add3A_542, %sub3A_532 : vector<16xf32>
        %add3A_544 = arith.constant -0.489156842 : f32
        %add3A_545 = vector.broadcast %add3A_544 : f32 to vector<16xf32>
        %add3A_546 = arith.addf %mul3A_543, %add3A_545 : vector<16xf32>
        %mul3A_547 = arith.mulf %add3A_546, %sub3A_532 : vector<16xf32>
        %add3A_548 = arith.constant 0.999010443 : f32
        %add3A_549 = vector.broadcast %add3A_548 : f32 to vector<16xf32>
        %add3A_550 = arith.addf %mul3A_547, %add3A_549 : vector<16xf32>
        %mul3A_551 = arith.mulf %add3A_550, %sub3A_532 : vector<16xf32>
        %add3A_552 = arith.constant 2.21170303E-5 : f32
        %add3A_553 = vector.broadcast %add3A_552 : f32 to vector<16xf32>
        %add3A_554 = arith.addf %mul3A_551, %add3A_553 : vector<16xf32>
        %mul3A_555 = arith.constant 0.693147182 : f32
        %mul3A_556 = vector.broadcast %mul3A_555 : f32 to vector<16xf32>
        %mul3A_557 = arith.mulf %convert_element_type3A_522, %mul3A_556 : vector<16xf32>
        %add3A_558 = arith.addf %mul3A_557, %add3A_554 : vector<16xf32>
        tpu.vector_store_idx %arg12[%add3A_514], %add3A_558 : memref<16384xf32, #tpu.memory_space<vmem>>[vector<16xi32>], vector<16xf32>,
        %mul3A_559 = arith.mulf %exp3A_158, %exp3A_223 : vector<16xf32>
        %mul3A_560 = arith.mulf %exp3A_163, %exp3A_243 : vector<16xf32>
        %add3A_561 = arith.addf %mul3A_559, %mul3A_560 : vector<16xf32>
        %mul3A_562 = arith.mulf %exp3A_168, %exp3A_263 : vector<16xf32>
        %add3A_563 = arith.addf %add3A_561, %mul3A_562 : vector<16xf32>
        %mul3A_564 = arith.mulf %exp3A_173, %exp3A_283 : vector<16xf32>
        %add3A_565 = arith.addf %add3A_563, %mul3A_564 : vector<16xf32>
        %add3A_566 = arith.constant 5 : i32
        %add3A_567 = vector.broadcast %add3A_566 : i32 to vector<16xi32>
        %add3A_568 = arith.addi %add3A_135, %add3A_567 : vector<16xi32>
        %bitcast3A_569 = vector.bitcast %add3A_565 : vector<16xf32> to vector<16xi32>
        %shift_right_arithmetic3A_570 = arith.constant 23 : i32
        %shift_right_arithmetic3A_571 = vector.broadcast %shift_right_arithmetic3A_570 : i32 to vector<16xi32>
        %shift_right_arithmetic3A_572 = arith.shrsi %bitcast3A_569, %shift_right_arithmetic3A_571 : vector<16xi32>
        %sub3A_573 = arith.constant 127 : i32
        %sub3A_574 = vector.broadcast %sub3A_573 : i32 to vector<16xi32>
        %sub3A_575 = arith.subi %shift_right_arithmetic3A_572, %sub3A_574 : vector<16xi32>
        %convert_element_type3A_576 = arith.sitofp %sub3A_575 : vector<16xi32> to vector<16xf32>
        %and3A_577 = arith.constant 8388607 : i32
        %and3A_578 = vector.broadcast %and3A_577 : i32 to vector<16xi32>
        %and3A_579 = arith.andi %bitcast3A_569, %and3A_578 : vector<16xi32>
        %or3A_580 = arith.constant 1065353216 : i32
        %or3A_581 = vector.broadcast %or3A_580 : i32 to vector<16xi32>
        %or3A_582 = arith.ori %and3A_579, %or3A_581 : vector<16xi32>
        %bitcast3A_583 = vector.bitcast %or3A_582 : vector<16xi32> to vector<16xf32>
        %sub3A_584 = arith.constant 1.000000e+00 : f32
        %sub3A_585 = vector.broadcast %sub3A_584 : f32 to vector<16xf32>
        %sub3A_586 = arith.subf %bitcast3A_583, %sub3A_585 : vector<16xf32>
        %mul3A_587 = arith.constant 0.0301026255 : f32
        %mul3A_588 = vector.broadcast %mul3A_587 : f32 to vector<16xf32>
        %mul3A_589 = arith.mulf %mul3A_588, %sub3A_586 : vector<16xf32>
        %add3A_590 = arith.constant -0.130119413 : f32
        %add3A_591 = vector.broadcast %add3A_590 : f32 to vector<16xf32>
        %add3A_592 = arith.addf %mul3A_589, %add3A_591 : vector<16xf32>
        %mul3A_593 = arith.mulf %add3A_592, %sub3A_586 : vector<16xf32>
        %add3A_594 = arith.constant 0.283304334 : f32
        %add3A_595 = vector.broadcast %add3A_594 : f32 to vector<16xf32>
        %add3A_596 = arith.addf %mul3A_593, %add3A_595 : vector<16xf32>
        %mul3A_597 = arith.mulf %add3A_596, %sub3A_586 : vector<16xf32>
        %add3A_598 = arith.constant -0.489156842 : f32
        %add3A_599 = vector.broadcast %add3A_598 : f32 to vector<16xf32>
        %add3A_600 = arith.addf %mul3A_597, %add3A_599 : vector<16xf32>
        %mul3A_601 = arith.mulf %add3A_600, %sub3A_586 : vector<16xf32>
        %add3A_602 = arith.constant 0.999010443 : f32
        %add3A_603 = vector.broadcast %add3A_602 : f32 to vector<16xf32>
        %add3A_604 = arith.addf %mul3A_601, %add3A_603 : vector<16xf32>
        %mul3A_605 = arith.mulf %add3A_604, %sub3A_586 : vector<16xf32>
        %add3A_606 = arith.constant 2.21170303E-5 : f32
        %add3A_607 = vector.broadcast %add3A_606 : f32 to vector<16xf32>
        %add3A_608 = arith.addf %mul3A_605, %add3A_607 : vector<16xf32>
        %mul3A_609 = arith.constant 0.693147182 : f32
        %mul3A_610 = vector.broadcast %mul3A_609 : f32 to vector<16xf32>
        %mul3A_611 = arith.mulf %convert_element_type3A_576, %mul3A_610 : vector<16xf32>
        %add3A_612 = arith.addf %mul3A_611, %add3A_608 : vector<16xf32>
        tpu.vector_store_idx %arg12[%add3A_568], %add3A_612 : memref<16384xf32, #tpu.memory_space<vmem>>[vector<16xi32>], vector<16xf32>,
        %mul3A_613 = arith.mulf %exp3A_158, %exp3A_228 : vector<16xf32>
        %mul3A_614 = arith.mulf %exp3A_163, %exp3A_248 : vector<16xf32>
        %add3A_615 = arith.addf %mul3A_613, %mul3A_614 : vector<16xf32>
        %mul3A_616 = arith.mulf %exp3A_168, %exp3A_268 : vector<16xf32>
        %add3A_617 = arith.addf %add3A_615, %mul3A_616 : vector<16xf32>
        %mul3A_618 = arith.mulf %exp3A_173, %exp3A_288 : vector<16xf32>
        %add3A_619 = arith.addf %add3A_617, %mul3A_618 : vector<16xf32>
        %add3A_620 = arith.constant 6 : i32
        %add3A_621 = vector.broadcast %add3A_620 : i32 to vector<16xi32>
        %add3A_622 = arith.addi %add3A_135, %add3A_621 : vector<16xi32>
        %bitcast3A_623 = vector.bitcast %add3A_619 : vector<16xf32> to vector<16xi32>
        %shift_right_arithmetic3A_624 = arith.constant 23 : i32
        %shift_right_arithmetic3A_625 = vector.broadcast %shift_right_arithmetic3A_624 : i32 to vector<16xi32>
        %shift_right_arithmetic3A_626 = arith.shrsi %bitcast3A_623, %shift_right_arithmetic3A_625 : vector<16xi32>
        %sub3A_627 = arith.constant 127 : i32
        %sub3A_628 = vector.broadcast %sub3A_627 : i32 to vector<16xi32>
        %sub3A_629 = arith.subi %shift_right_arithmetic3A_626, %sub3A_628 : vector<16xi32>
        %convert_element_type3A_630 = arith.sitofp %sub3A_629 : vector<16xi32> to vector<16xf32>
        %and3A_631 = arith.constant 8388607 : i32
        %and3A_632 = vector.broadcast %and3A_631 : i32 to vector<16xi32>
        %and3A_633 = arith.andi %bitcast3A_623, %and3A_632 : vector<16xi32>
        %or3A_634 = arith.constant 1065353216 : i32
        %or3A_635 = vector.broadcast %or3A_634 : i32 to vector<16xi32>
        %or3A_636 = arith.ori %and3A_633, %or3A_635 : vector<16xi32>
        %bitcast3A_637 = vector.bitcast %or3A_636 : vector<16xi32> to vector<16xf32>
        %sub3A_638 = arith.constant 1.000000e+00 : f32
        %sub3A_639 = vector.broadcast %sub3A_638 : f32 to vector<16xf32>
        %sub3A_640 = arith.subf %bitcast3A_637, %sub3A_639 : vector<16xf32>
        %mul3A_641 = arith.constant 0.0301026255 : f32
        %mul3A_642 = vector.broadcast %mul3A_641 : f32 to vector<16xf32>
        %mul3A_643 = arith.mulf %mul3A_642, %sub3A_640 : vector<16xf32>
        %add3A_644 = arith.constant -0.130119413 : f32
        %add3A_645 = vector.broadcast %add3A_644 : f32 to vector<16xf32>
        %add3A_646 = arith.addf %mul3A_643, %add3A_645 : vector<16xf32>
        %mul3A_647 = arith.mulf %add3A_646, %sub3A_640 : vector<16xf32>
        %add3A_648 = arith.constant 0.283304334 : f32
        %add3A_649 = vector.broadcast %add3A_648 : f32 to vector<16xf32>
        %add3A_650 = arith.addf %mul3A_647, %add3A_649 : vector<16xf32>
        %mul3A_651 = arith.mulf %add3A_650, %sub3A_640 : vector<16xf32>
        %add3A_652 = arith.constant -0.489156842 : f32
        %add3A_653 = vector.broadcast %add3A_652 : f32 to vector<16xf32>
        %add3A_654 = arith.addf %mul3A_651, %add3A_653 : vector<16xf32>
        %mul3A_655 = arith.mulf %add3A_654, %sub3A_640 : vector<16xf32>
        %add3A_656 = arith.constant 0.999010443 : f32
        %add3A_657 = vector.broadcast %add3A_656 : f32 to vector<16xf32>
        %add3A_658 = arith.addf %mul3A_655, %add3A_657 : vector<16xf32>
        %mul3A_659 = arith.mulf %add3A_658, %sub3A_640 : vector<16xf32>
        %add3A_660 = arith.constant 2.21170303E-5 : f32
        %add3A_661 = vector.broadcast %add3A_660 : f32 to vector<16xf32>
        %add3A_662 = arith.addf %mul3A_659, %add3A_661 : vector<16xf32>
        %mul3A_663 = arith.constant 0.693147182 : f32
        %mul3A_664 = vector.broadcast %mul3A_663 : f32 to vector<16xf32>
        %mul3A_665 = arith.mulf %convert_element_type3A_630, %mul3A_664 : vector<16xf32>
        %add3A_666 = arith.addf %mul3A_665, %add3A_662 : vector<16xf32>
        tpu.vector_store_idx %arg12[%add3A_622], %add3A_666 : memref<16384xf32, #tpu.memory_space<vmem>>[vector<16xi32>], vector<16xf32>,
        %mul3A_667 = arith.mulf %exp3A_158, %exp3A_233 : vector<16xf32>
        %mul3A_668 = arith.mulf %exp3A_163, %exp3A_253 : vector<16xf32>
        %add3A_669 = arith.addf %mul3A_667, %mul3A_668 : vector<16xf32>
        %mul3A_670 = arith.mulf %exp3A_168, %exp3A_273 : vector<16xf32>
        %add3A_671 = arith.addf %add3A_669, %mul3A_670 : vector<16xf32>
        %mul3A_672 = arith.mulf %exp3A_173, %exp3A_293 : vector<16xf32>
        %add3A_673 = arith.addf %add3A_671, %mul3A_672 : vector<16xf32>
        %add3A_674 = arith.constant 7 : i32
        %add3A_675 = vector.broadcast %add3A_674 : i32 to vector<16xi32>
        %add3A_676 = arith.addi %add3A_135, %add3A_675 : vector<16xi32>
        %bitcast3A_677 = vector.bitcast %add3A_673 : vector<16xf32> to vector<16xi32>
        %shift_right_arithmetic3A_678 = arith.constant 23 : i32
        %shift_right_arithmetic3A_679 = vector.broadcast %shift_right_arithmetic3A_678 : i32 to vector<16xi32>
        %shift_right_arithmetic3A_680 = arith.shrsi %bitcast3A_677, %shift_right_arithmetic3A_679 : vector<16xi32>
        %sub3A_681 = arith.constant 127 : i32
        %sub3A_682 = vector.broadcast %sub3A_681 : i32 to vector<16xi32>
        %sub3A_683 = arith.subi %shift_right_arithmetic3A_680, %sub3A_682 : vector<16xi32>
        %convert_element_type3A_684 = arith.sitofp %sub3A_683 : vector<16xi32> to vector<16xf32>
        %and3A_685 = arith.constant 8388607 : i32
        %and3A_686 = vector.broadcast %and3A_685 : i32 to vector<16xi32>
        %and3A_687 = arith.andi %bitcast3A_677, %and3A_686 : vector<16xi32>
        %or3A_688 = arith.constant 1065353216 : i32
        %or3A_689 = vector.broadcast %or3A_688 : i32 to vector<16xi32>
        %or3A_690 = arith.ori %and3A_687, %or3A_689 : vector<16xi32>
        %bitcast3A_691 = vector.bitcast %or3A_690 : vector<16xi32> to vector<16xf32>
        %sub3A_692 = arith.constant 1.000000e+00 : f32
        %sub3A_693 = vector.broadcast %sub3A_692 : f32 to vector<16xf32>
        %sub3A_694 = arith.subf %bitcast3A_691, %sub3A_693 : vector<16xf32>
        %mul3A_695 = arith.constant 0.0301026255 : f32
        %mul3A_696 = vector.broadcast %mul3A_695 : f32 to vector<16xf32>
        %mul3A_697 = arith.mulf %mul3A_696, %sub3A_694 : vector<16xf32>
        %add3A_698 = arith.constant -0.130119413 : f32
        %add3A_699 = vector.broadcast %add3A_698 : f32 to vector<16xf32>
        %add3A_700 = arith.addf %mul3A_697, %add3A_699 : vector<16xf32>
        %mul3A_701 = arith.mulf %add3A_700, %sub3A_694 : vector<16xf32>
        %add3A_702 = arith.constant 0.283304334 : f32
        %add3A_703 = vector.broadcast %add3A_702 : f32 to vector<16xf32>
        %add3A_704 = arith.addf %mul3A_701, %add3A_703 : vector<16xf32>
        %mul3A_705 = arith.mulf %add3A_704, %sub3A_694 : vector<16xf32>
        %add3A_706 = arith.constant -0.489156842 : f32
        %add3A_707 = vector.broadcast %add3A_706 : f32 to vector<16xf32>
        %add3A_708 = arith.addf %mul3A_705, %add3A_707 : vector<16xf32>
        %mul3A_709 = arith.mulf %add3A_708, %sub3A_694 : vector<16xf32>
        %add3A_710 = arith.constant 0.999010443 : f32
        %add3A_711 = vector.broadcast %add3A_710 : f32 to vector<16xf32>
        %add3A_712 = arith.addf %mul3A_709, %add3A_711 : vector<16xf32>
        %mul3A_713 = arith.mulf %add3A_712, %sub3A_694 : vector<16xf32>
        %add3A_714 = arith.constant 2.21170303E-5 : f32
        %add3A_715 = vector.broadcast %add3A_714 : f32 to vector<16xf32>
        %add3A_716 = arith.addf %mul3A_713, %add3A_715 : vector<16xf32>
        %mul3A_717 = arith.constant 0.693147182 : f32
        %mul3A_718 = vector.broadcast %mul3A_717 : f32 to vector<16xf32>
        %mul3A_719 = arith.mulf %convert_element_type3A_684, %mul3A_718 : vector<16xf32>
        %add3A_720 = arith.addf %mul3A_719, %add3A_716 : vector<16xf32>
        tpu.vector_store_idx %arg12[%add3A_676], %add3A_720 : memref<16384xf32, #tpu.memory_space<vmem>>[vector<16xi32>], vector<16xf32>,
        %mul3A_721 = arith.mulf %exp3A_178, %exp3A_218 : vector<16xf32>
        %mul3A_722 = arith.mulf %exp3A_183, %exp3A_238 : vector<16xf32>
        %add3A_723 = arith.addf %mul3A_721, %mul3A_722 : vector<16xf32>
        %mul3A_724 = arith.mulf %exp3A_188, %exp3A_258 : vector<16xf32>
        %add3A_725 = arith.addf %add3A_723, %mul3A_724 : vector<16xf32>
        %mul3A_726 = arith.mulf %exp3A_193, %exp3A_278 : vector<16xf32>
        %add3A_727 = arith.addf %add3A_725, %mul3A_726 : vector<16xf32>
        %add3A_728 = arith.constant 8 : i32
        %add3A_729 = vector.broadcast %add3A_728 : i32 to vector<16xi32>
        %add3A_730 = arith.addi %add3A_135, %add3A_729 : vector<16xi32>
        %bitcast3A_731 = vector.bitcast %add3A_727 : vector<16xf32> to vector<16xi32>
        %shift_right_arithmetic3A_732 = arith.constant 23 : i32
        %shift_right_arithmetic3A_733 = vector.broadcast %shift_right_arithmetic3A_732 : i32 to vector<16xi32>
        %shift_right_arithmetic3A_734 = arith.shrsi %bitcast3A_731, %shift_right_arithmetic3A_733 : vector<16xi32>
        %sub3A_735 = arith.constant 127 : i32
        %sub3A_736 = vector.broadcast %sub3A_735 : i32 to vector<16xi32>
        %sub3A_737 = arith.subi %shift_right_arithmetic3A_734, %sub3A_736 : vector<16xi32>
        %convert_element_type3A_738 = arith.sitofp %sub3A_737 : vector<16xi32> to vector<16xf32>
        %and3A_739 = arith.constant 8388607 : i32
        %and3A_740 = vector.broadcast %and3A_739 : i32 to vector<16xi32>
        %and3A_741 = arith.andi %bitcast3A_731, %and3A_740 : vector<16xi32>
        %or3A_742 = arith.constant 1065353216 : i32
        %or3A_743 = vector.broadcast %or3A_742 : i32 to vector<16xi32>
        %or3A_744 = arith.ori %and3A_741, %or3A_743 : vector<16xi32>
        %bitcast3A_745 = vector.bitcast %or3A_744 : vector<16xi32> to vector<16xf32>
        %sub3A_746 = arith.constant 1.000000e+00 : f32
        %sub3A_747 = vector.broadcast %sub3A_746 : f32 to vector<16xf32>
        %sub3A_748 = arith.subf %bitcast3A_745, %sub3A_747 : vector<16xf32>
        %mul3A_749 = arith.constant 0.0301026255 : f32
        %mul3A_750 = vector.broadcast %mul3A_749 : f32 to vector<16xf32>
        %mul3A_751 = arith.mulf %mul3A_750, %sub3A_748 : vector<16xf32>
        %add3A_752 = arith.constant -0.130119413 : f32
        %add3A_753 = vector.broadcast %add3A_752 : f32 to vector<16xf32>
        %add3A_754 = arith.addf %mul3A_751, %add3A_753 : vector<16xf32>
        %mul3A_755 = arith.mulf %add3A_754, %sub3A_748 : vector<16xf32>
        %add3A_756 = arith.constant 0.283304334 : f32
        %add3A_757 = vector.broadcast %add3A_756 : f32 to vector<16xf32>
        %add3A_758 = arith.addf %mul3A_755, %add3A_757 : vector<16xf32>
        %mul3A_759 = arith.mulf %add3A_758, %sub3A_748 : vector<16xf32>
        %add3A_760 = arith.constant -0.489156842 : f32
        %add3A_761 = vector.broadcast %add3A_760 : f32 to vector<16xf32>
        %add3A_762 = arith.addf %mul3A_759, %add3A_761 : vector<16xf32>
        %mul3A_763 = arith.mulf %add3A_762, %sub3A_748 : vector<16xf32>
        %add3A_764 = arith.constant 0.999010443 : f32
        %add3A_765 = vector.broadcast %add3A_764 : f32 to vector<16xf32>
        %add3A_766 = arith.addf %mul3A_763, %add3A_765 : vector<16xf32>
        %mul3A_767 = arith.mulf %add3A_766, %sub3A_748 : vector<16xf32>
        %add3A_768 = arith.constant 2.21170303E-5 : f32
        %add3A_769 = vector.broadcast %add3A_768 : f32 to vector<16xf32>
        %add3A_770 = arith.addf %mul3A_767, %add3A_769 : vector<16xf32>
        %mul3A_771 = arith.constant 0.693147182 : f32
        %mul3A_772 = vector.broadcast %mul3A_771 : f32 to vector<16xf32>
        %mul3A_773 = arith.mulf %convert_element_type3A_738, %mul3A_772 : vector<16xf32>
        %add3A_774 = arith.addf %mul3A_773, %add3A_770 : vector<16xf32>
        tpu.vector_store_idx %arg12[%add3A_730], %add3A_774 : memref<16384xf32, #tpu.memory_space<vmem>>[vector<16xi32>], vector<16xf32>,
        %mul3A_775 = arith.mulf %exp3A_178, %exp3A_223 : vector<16xf32>
        %mul3A_776 = arith.mulf %exp3A_183, %exp3A_243 : vector<16xf32>
        %add3A_777 = arith.addf %mul3A_775, %mul3A_776 : vector<16xf32>
        %mul3A_778 = arith.mulf %exp3A_188, %exp3A_263 : vector<16xf32>
        %add3A_779 = arith.addf %add3A_777, %mul3A_778 : vector<16xf32>
        %mul3A_780 = arith.mulf %exp3A_193, %exp3A_283 : vector<16xf32>
        %add3A_781 = arith.addf %add3A_779, %mul3A_780 : vector<16xf32>
        %add3A_782 = arith.constant 9 : i32
        %add3A_783 = vector.broadcast %add3A_782 : i32 to vector<16xi32>
        %add3A_784 = arith.addi %add3A_135, %add3A_783 : vector<16xi32>
        %bitcast3A_785 = vector.bitcast %add3A_781 : vector<16xf32> to vector<16xi32>
        %shift_right_arithmetic3A_786 = arith.constant 23 : i32
        %shift_right_arithmetic3A_787 = vector.broadcast %shift_right_arithmetic3A_786 : i32 to vector<16xi32>
        %shift_right_arithmetic3A_788 = arith.shrsi %bitcast3A_785, %shift_right_arithmetic3A_787 : vector<16xi32>
        %sub3A_789 = arith.constant 127 : i32
        %sub3A_790 = vector.broadcast %sub3A_789 : i32 to vector<16xi32>
        %sub3A_791 = arith.subi %shift_right_arithmetic3A_788, %sub3A_790 : vector<16xi32>
        %convert_element_type3A_792 = arith.sitofp %sub3A_791 : vector<16xi32> to vector<16xf32>
        %and3A_793 = arith.constant 8388607 : i32
        %and3A_794 = vector.broadcast %and3A_793 : i32 to vector<16xi32>
        %and3A_795 = arith.andi %bitcast3A_785, %and3A_794 : vector<16xi32>
        %or3A_796 = arith.constant 1065353216 : i32
        %or3A_797 = vector.broadcast %or3A_796 : i32 to vector<16xi32>
        %or3A_798 = arith.ori %and3A_795, %or3A_797 : vector<16xi32>
        %bitcast3A_799 = vector.bitcast %or3A_798 : vector<16xi32> to vector<16xf32>
        %sub3A_800 = arith.constant 1.000000e+00 : f32
        %sub3A_801 = vector.broadcast %sub3A_800 : f32 to vector<16xf32>
        %sub3A_802 = arith.subf %bitcast3A_799, %sub3A_801 : vector<16xf32>
        %mul3A_803 = arith.constant 0.0301026255 : f32
        %mul3A_804 = vector.broadcast %mul3A_803 : f32 to vector<16xf32>
        %mul3A_805 = arith.mulf %mul3A_804, %sub3A_802 : vector<16xf32>
        %add3A_806 = arith.constant -0.130119413 : f32
        %add3A_807 = vector.broadcast %add3A_806 : f32 to vector<16xf32>
        %add3A_808 = arith.addf %mul3A_805, %add3A_807 : vector<16xf32>
        %mul3A_809 = arith.mulf %add3A_808, %sub3A_802 : vector<16xf32>
        %add3A_810 = arith.constant 0.283304334 : f32
        %add3A_811 = vector.broadcast %add3A_810 : f32 to vector<16xf32>
        %add3A_812 = arith.addf %mul3A_809, %add3A_811 : vector<16xf32>
        %mul3A_813 = arith.mulf %add3A_812, %sub3A_802 : vector<16xf32>
        %add3A_814 = arith.constant -0.489156842 : f32
        %add3A_815 = vector.broadcast %add3A_814 : f32 to vector<16xf32>
        %add3A_816 = arith.addf %mul3A_813, %add3A_815 : vector<16xf32>
        %mul3A_817 = arith.mulf %add3A_816, %sub3A_802 : vector<16xf32>
        %add3A_818 = arith.constant 0.999010443 : f32
        %add3A_819 = vector.broadcast %add3A_818 : f32 to vector<16xf32>
        %add3A_820 = arith.addf %mul3A_817, %add3A_819 : vector<16xf32>
        %mul3A_821 = arith.mulf %add3A_820, %sub3A_802 : vector<16xf32>
        %add3A_822 = arith.constant 2.21170303E-5 : f32
        %add3A_823 = vector.broadcast %add3A_822 : f32 to vector<16xf32>
        %add3A_824 = arith.addf %mul3A_821, %add3A_823 : vector<16xf32>
        %mul3A_825 = arith.constant 0.693147182 : f32
        %mul3A_826 = vector.broadcast %mul3A_825 : f32 to vector<16xf32>
        %mul3A_827 = arith.mulf %convert_element_type3A_792, %mul3A_826 : vector<16xf32>
        %add3A_828 = arith.addf %mul3A_827, %add3A_824 : vector<16xf32>
        tpu.vector_store_idx %arg12[%add3A_784], %add3A_828 : memref<16384xf32, #tpu.memory_space<vmem>>[vector<16xi32>], vector<16xf32>,
        %mul3A_829 = arith.mulf %exp3A_178, %exp3A_228 : vector<16xf32>
        %mul3A_830 = arith.mulf %exp3A_183, %exp3A_248 : vector<16xf32>
        %add3A_831 = arith.addf %mul3A_829, %mul3A_830 : vector<16xf32>
        %mul3A_832 = arith.mulf %exp3A_188, %exp3A_268 : vector<16xf32>
        %add3A_833 = arith.addf %add3A_831, %mul3A_832 : vector<16xf32>
        %mul3A_834 = arith.mulf %exp3A_193, %exp3A_288 : vector<16xf32>
        %add3A_835 = arith.addf %add3A_833, %mul3A_834 : vector<16xf32>
        %add3A_836 = arith.constant 10 : i32
        %add3A_837 = vector.broadcast %add3A_836 : i32 to vector<16xi32>
        %add3A_838 = arith.addi %add3A_135, %add3A_837 : vector<16xi32>
        %bitcast3A_839 = vector.bitcast %add3A_835 : vector<16xf32> to vector<16xi32>
        %shift_right_arithmetic3A_840 = arith.constant 23 : i32
        %shift_right_arithmetic3A_841 = vector.broadcast %shift_right_arithmetic3A_840 : i32 to vector<16xi32>
        %shift_right_arithmetic3A_842 = arith.shrsi %bitcast3A_839, %shift_right_arithmetic3A_841 : vector<16xi32>
        %sub3A_843 = arith.constant 127 : i32
        %sub3A_844 = vector.broadcast %sub3A_843 : i32 to vector<16xi32>
        %sub3A_845 = arith.subi %shift_right_arithmetic3A_842, %sub3A_844 : vector<16xi32>
        %convert_element_type3A_846 = arith.sitofp %sub3A_845 : vector<16xi32> to vector<16xf32>
        %and3A_847 = arith.constant 8388607 : i32
        %and3A_848 = vector.broadcast %and3A_847 : i32 to vector<16xi32>
        %and3A_849 = arith.andi %bitcast3A_839, %and3A_848 : vector<16xi32>
        %or3A_850 = arith.constant 1065353216 : i32
        %or3A_851 = vector.broadcast %or3A_850 : i32 to vector<16xi32>
        %or3A_852 = arith.ori %and3A_849, %or3A_851 : vector<16xi32>
        %bitcast3A_853 = vector.bitcast %or3A_852 : vector<16xi32> to vector<16xf32>
        %sub3A_854 = arith.constant 1.000000e+00 : f32
        %sub3A_855 = vector.broadcast %sub3A_854 : f32 to vector<16xf32>
        %sub3A_856 = arith.subf %bitcast3A_853, %sub3A_855 : vector<16xf32>
        %mul3A_857 = arith.constant 0.0301026255 : f32
        %mul3A_858 = vector.broadcast %mul3A_857 : f32 to vector<16xf32>
        %mul3A_859 = arith.mulf %mul3A_858, %sub3A_856 : vector<16xf32>
        %add3A_860 = arith.constant -0.130119413 : f32
        %add3A_861 = vector.broadcast %add3A_860 : f32 to vector<16xf32>
        %add3A_862 = arith.addf %mul3A_859, %add3A_861 : vector<16xf32>
        %mul3A_863 = arith.mulf %add3A_862, %sub3A_856 : vector<16xf32>
        %add3A_864 = arith.constant 0.283304334 : f32
        %add3A_865 = vector.broadcast %add3A_864 : f32 to vector<16xf32>
        %add3A_866 = arith.addf %mul3A_863, %add3A_865 : vector<16xf32>
        %mul3A_867 = arith.mulf %add3A_866, %sub3A_856 : vector<16xf32>
        %add3A_868 = arith.constant -0.489156842 : f32
        %add3A_869 = vector.broadcast %add3A_868 : f32 to vector<16xf32>
        %add3A_870 = arith.addf %mul3A_867, %add3A_869 : vector<16xf32>
        %mul3A_871 = arith.mulf %add3A_870, %sub3A_856 : vector<16xf32>
        %add3A_872 = arith.constant 0.999010443 : f32
        %add3A_873 = vector.broadcast %add3A_872 : f32 to vector<16xf32>
        %add3A_874 = arith.addf %mul3A_871, %add3A_873 : vector<16xf32>
        %mul3A_875 = arith.mulf %add3A_874, %sub3A_856 : vector<16xf32>
        %add3A_876 = arith.constant 2.21170303E-5 : f32
        %add3A_877 = vector.broadcast %add3A_876 : f32 to vector<16xf32>
        %add3A_878 = arith.addf %mul3A_875, %add3A_877 : vector<16xf32>
        %mul3A_879 = arith.constant 0.693147182 : f32
        %mul3A_880 = vector.broadcast %mul3A_879 : f32 to vector<16xf32>
        %mul3A_881 = arith.mulf %convert_element_type3A_846, %mul3A_880 : vector<16xf32>
        %add3A_882 = arith.addf %mul3A_881, %add3A_878 : vector<16xf32>
        tpu.vector_store_idx %arg12[%add3A_838], %add3A_882 : memref<16384xf32, #tpu.memory_space<vmem>>[vector<16xi32>], vector<16xf32>,
        %mul3A_883 = arith.mulf %exp3A_178, %exp3A_233 : vector<16xf32>
        %mul3A_884 = arith.mulf %exp3A_183, %exp3A_253 : vector<16xf32>
        %add3A_885 = arith.addf %mul3A_883, %mul3A_884 : vector<16xf32>
        %mul3A_886 = arith.mulf %exp3A_188, %exp3A_273 : vector<16xf32>
        %add3A_887 = arith.addf %add3A_885, %mul3A_886 : vector<16xf32>
        %mul3A_888 = arith.mulf %exp3A_193, %exp3A_293 : vector<16xf32>
        %add3A_889 = arith.addf %add3A_887, %mul3A_888 : vector<16xf32>
        %add3A_890 = arith.constant 11 : i32
        %add3A_891 = vector.broadcast %add3A_890 : i32 to vector<16xi32>
        %add3A_892 = arith.addi %add3A_135, %add3A_891 : vector<16xi32>
        %bitcast3A_893 = vector.bitcast %add3A_889 : vector<16xf32> to vector<16xi32>
        %shift_right_arithmetic3A_894 = arith.constant 23 : i32
        %shift_right_arithmetic3A_895 = vector.broadcast %shift_right_arithmetic3A_894 : i32 to vector<16xi32>
        %shift_right_arithmetic3A_896 = arith.shrsi %bitcast3A_893, %shift_right_arithmetic3A_895 : vector<16xi32>
        %sub3A_897 = arith.constant 127 : i32
        %sub3A_898 = vector.broadcast %sub3A_897 : i32 to vector<16xi32>
        %sub3A_899 = arith.subi %shift_right_arithmetic3A_896, %sub3A_898 : vector<16xi32>
        %convert_element_type3A_900 = arith.sitofp %sub3A_899 : vector<16xi32> to vector<16xf32>
        %and3A_901 = arith.constant 8388607 : i32
        %and3A_902 = vector.broadcast %and3A_901 : i32 to vector<16xi32>
        %and3A_903 = arith.andi %bitcast3A_893, %and3A_902 : vector<16xi32>
        %or3A_904 = arith.constant 1065353216 : i32
        %or3A_905 = vector.broadcast %or3A_904 : i32 to vector<16xi32>
        %or3A_906 = arith.ori %and3A_903, %or3A_905 : vector<16xi32>
        %bitcast3A_907 = vector.bitcast %or3A_906 : vector<16xi32> to vector<16xf32>
        %sub3A_908 = arith.constant 1.000000e+00 : f32
        %sub3A_909 = vector.broadcast %sub3A_908 : f32 to vector<16xf32>
        %sub3A_910 = arith.subf %bitcast3A_907, %sub3A_909 : vector<16xf32>
        %mul3A_911 = arith.constant 0.0301026255 : f32
        %mul3A_912 = vector.broadcast %mul3A_911 : f32 to vector<16xf32>
        %mul3A_913 = arith.mulf %mul3A_912, %sub3A_910 : vector<16xf32>
        %add3A_914 = arith.constant -0.130119413 : f32
        %add3A_915 = vector.broadcast %add3A_914 : f32 to vector<16xf32>
        %add3A_916 = arith.addf %mul3A_913, %add3A_915 : vector<16xf32>
        %mul3A_917 = arith.mulf %add3A_916, %sub3A_910 : vector<16xf32>
        %add3A_918 = arith.constant 0.283304334 : f32
        %add3A_919 = vector.broadcast %add3A_918 : f32 to vector<16xf32>
        %add3A_920 = arith.addf %mul3A_917, %add3A_919 : vector<16xf32>
        %mul3A_921 = arith.mulf %add3A_920, %sub3A_910 : vector<16xf32>
        %add3A_922 = arith.constant -0.489156842 : f32
        %add3A_923 = vector.broadcast %add3A_922 : f32 to vector<16xf32>
        %add3A_924 = arith.addf %mul3A_921, %add3A_923 : vector<16xf32>
        %mul3A_925 = arith.mulf %add3A_924, %sub3A_910 : vector<16xf32>
        %add3A_926 = arith.constant 0.999010443 : f32
        %add3A_927 = vector.broadcast %add3A_926 : f32 to vector<16xf32>
        %add3A_928 = arith.addf %mul3A_925, %add3A_927 : vector<16xf32>
        %mul3A_929 = arith.mulf %add3A_928, %sub3A_910 : vector<16xf32>
        %add3A_930 = arith.constant 2.21170303E-5 : f32
        %add3A_931 = vector.broadcast %add3A_930 : f32 to vector<16xf32>
        %add3A_932 = arith.addf %mul3A_929, %add3A_931 : vector<16xf32>
        %mul3A_933 = arith.constant 0.693147182 : f32
        %mul3A_934 = vector.broadcast %mul3A_933 : f32 to vector<16xf32>
        %mul3A_935 = arith.mulf %convert_element_type3A_900, %mul3A_934 : vector<16xf32>
        %add3A_936 = arith.addf %mul3A_935, %add3A_932 : vector<16xf32>
        tpu.vector_store_idx %arg12[%add3A_892], %add3A_936 : memref<16384xf32, #tpu.memory_space<vmem>>[vector<16xi32>], vector<16xf32>,
        %mul3A_937 = arith.mulf %exp3A_198, %exp3A_218 : vector<16xf32>
        %mul3A_938 = arith.mulf %exp3A_203, %exp3A_238 : vector<16xf32>
        %add3A_939 = arith.addf %mul3A_937, %mul3A_938 : vector<16xf32>
        %mul3A_940 = arith.mulf %exp3A_208, %exp3A_258 : vector<16xf32>
        %add3A_941 = arith.addf %add3A_939, %mul3A_940 : vector<16xf32>
        %mul3A_942 = arith.mulf %exp3A_213, %exp3A_278 : vector<16xf32>
        %add3A_943 = arith.addf %add3A_941, %mul3A_942 : vector<16xf32>
        %add3A_944 = arith.constant 12 : i32
        %add3A_945 = vector.broadcast %add3A_944 : i32 to vector<16xi32>
        %add3A_946 = arith.addi %add3A_135, %add3A_945 : vector<16xi32>
        %bitcast3A_947 = vector.bitcast %add3A_943 : vector<16xf32> to vector<16xi32>
        %shift_right_arithmetic3A_948 = arith.constant 23 : i32
        %shift_right_arithmetic3A_949 = vector.broadcast %shift_right_arithmetic3A_948 : i32 to vector<16xi32>
        %shift_right_arithmetic3A_950 = arith.shrsi %bitcast3A_947, %shift_right_arithmetic3A_949 : vector<16xi32>
        %sub3A_951 = arith.constant 127 : i32
        %sub3A_952 = vector.broadcast %sub3A_951 : i32 to vector<16xi32>
        %sub3A_953 = arith.subi %shift_right_arithmetic3A_950, %sub3A_952 : vector<16xi32>
        %convert_element_type3A_954 = arith.sitofp %sub3A_953 : vector<16xi32> to vector<16xf32>
        %and3A_955 = arith.constant 8388607 : i32
        %and3A_956 = vector.broadcast %and3A_955 : i32 to vector<16xi32>
        %and3A_957 = arith.andi %bitcast3A_947, %and3A_956 : vector<16xi32>
        %or3A_958 = arith.constant 1065353216 : i32
        %or3A_959 = vector.broadcast %or3A_958 : i32 to vector<16xi32>
        %or3A_960 = arith.ori %and3A_957, %or3A_959 : vector<16xi32>
        %bitcast3A_961 = vector.bitcast %or3A_960 : vector<16xi32> to vector<16xf32>
        %sub3A_962 = arith.constant 1.000000e+00 : f32
        %sub3A_963 = vector.broadcast %sub3A_962 : f32 to vector<16xf32>
        %sub3A_964 = arith.subf %bitcast3A_961, %sub3A_963 : vector<16xf32>
        %mul3A_965 = arith.constant 0.0301026255 : f32
        %mul3A_966 = vector.broadcast %mul3A_965 : f32 to vector<16xf32>
        %mul3A_967 = arith.mulf %mul3A_966, %sub3A_964 : vector<16xf32>
        %add3A_968 = arith.constant -0.130119413 : f32
        %add3A_969 = vector.broadcast %add3A_968 : f32 to vector<16xf32>
        %add3A_970 = arith.addf %mul3A_967, %add3A_969 : vector<16xf32>
        %mul3A_971 = arith.mulf %add3A_970, %sub3A_964 : vector<16xf32>
        %add3A_972 = arith.constant 0.283304334 : f32
        %add3A_973 = vector.broadcast %add3A_972 : f32 to vector<16xf32>
        %add3A_974 = arith.addf %mul3A_971, %add3A_973 : vector<16xf32>
        %mul3A_975 = arith.mulf %add3A_974, %sub3A_964 : vector<16xf32>
        %add3A_976 = arith.constant -0.489156842 : f32
        %add3A_977 = vector.broadcast %add3A_976 : f32 to vector<16xf32>
        %add3A_978 = arith.addf %mul3A_975, %add3A_977 : vector<16xf32>
        %mul3A_979 = arith.mulf %add3A_978, %sub3A_964 : vector<16xf32>
        %add3A_980 = arith.constant 0.999010443 : f32
        %add3A_981 = vector.broadcast %add3A_980 : f32 to vector<16xf32>
        %add3A_982 = arith.addf %mul3A_979, %add3A_981 : vector<16xf32>
        %mul3A_983 = arith.mulf %add3A_982, %sub3A_964 : vector<16xf32>
        %add3A_984 = arith.constant 2.21170303E-5 : f32
        %add3A_985 = vector.broadcast %add3A_984 : f32 to vector<16xf32>
        %add3A_986 = arith.addf %mul3A_983, %add3A_985 : vector<16xf32>
        %mul3A_987 = arith.constant 0.693147182 : f32
        %mul3A_988 = vector.broadcast %mul3A_987 : f32 to vector<16xf32>
        %mul3A_989 = arith.mulf %convert_element_type3A_954, %mul3A_988 : vector<16xf32>
        %add3A_990 = arith.addf %mul3A_989, %add3A_986 : vector<16xf32>
        tpu.vector_store_idx %arg12[%add3A_946], %add3A_990 : memref<16384xf32, #tpu.memory_space<vmem>>[vector<16xi32>], vector<16xf32>,
        %mul3A_991 = arith.mulf %exp3A_198, %exp3A_223 : vector<16xf32>
        %mul3A_992 = arith.mulf %exp3A_203, %exp3A_243 : vector<16xf32>
        %add3A_993 = arith.addf %mul3A_991, %mul3A_992 : vector<16xf32>
        %mul3A_994 = arith.mulf %exp3A_208, %exp3A_263 : vector<16xf32>
        %add3A_995 = arith.addf %add3A_993, %mul3A_994 : vector<16xf32>
        %mul3A_996 = arith.mulf %exp3A_213, %exp3A_283 : vector<16xf32>
        %add3A_997 = arith.addf %add3A_995, %mul3A_996 : vector<16xf32>
        %add3A_998 = arith.constant 13 : i32
        %add3A_999 = vector.broadcast %add3A_998 : i32 to vector<16xi32>
        %add3A_1000 = arith.addi %add3A_135, %add3A_999 : vector<16xi32>
        %bitcast3A_1001 = vector.bitcast %add3A_997 : vector<16xf32> to vector<16xi32>
        %shift_right_arithmetic3A_1002 = arith.constant 23 : i32
        %shift_right_arithmetic3A_1003 = vector.broadcast %shift_right_arithmetic3A_1002 : i32 to vector<16xi32>
        %shift_right_arithmetic3A_1004 = arith.shrsi %bitcast3A_1001, %shift_right_arithmetic3A_1003 : vector<16xi32>
        %sub3A_1005 = arith.constant 127 : i32
        %sub3A_1006 = vector.broadcast %sub3A_1005 : i32 to vector<16xi32>
        %sub3A_1007 = arith.subi %shift_right_arithmetic3A_1004, %sub3A_1006 : vector<16xi32>
        %convert_element_type3A_1008 = arith.sitofp %sub3A_1007 : vector<16xi32> to vector<16xf32>
        %and3A_1009 = arith.constant 8388607 : i32
        %and3A_1010 = vector.broadcast %and3A_1009 : i32 to vector<16xi32>
        %and3A_1011 = arith.andi %bitcast3A_1001, %and3A_1010 : vector<16xi32>
        %or3A_1012 = arith.constant 1065353216 : i32
        %or3A_1013 = vector.broadcast %or3A_1012 : i32 to vector<16xi32>
        %or3A_1014 = arith.ori %and3A_1011, %or3A_1013 : vector<16xi32>
        %bitcast3A_1015 = vector.bitcast %or3A_1014 : vector<16xi32> to vector<16xf32>
        %sub3A_1016 = arith.constant 1.000000e+00 : f32
        %sub3A_1017 = vector.broadcast %sub3A_1016 : f32 to vector<16xf32>
        %sub3A_1018 = arith.subf %bitcast3A_1015, %sub3A_1017 : vector<16xf32>
        %mul3A_1019 = arith.constant 0.0301026255 : f32
        %mul3A_1020 = vector.broadcast %mul3A_1019 : f32 to vector<16xf32>
        %mul3A_1021 = arith.mulf %mul3A_1020, %sub3A_1018 : vector<16xf32>
        %add3A_1022 = arith.constant -0.130119413 : f32
        %add3A_1023 = vector.broadcast %add3A_1022 : f32 to vector<16xf32>
        %add3A_1024 = arith.addf %mul3A_1021, %add3A_1023 : vector<16xf32>
        %mul3A_1025 = arith.mulf %add3A_1024, %sub3A_1018 : vector<16xf32>
        %add3A_1026 = arith.constant 0.283304334 : f32
        %add3A_1027 = vector.broadcast %add3A_1026 : f32 to vector<16xf32>
        %add3A_1028 = arith.addf %mul3A_1025, %add3A_1027 : vector<16xf32>
        %mul3A_1029 = arith.mulf %add3A_1028, %sub3A_1018 : vector<16xf32>
        %add3A_1030 = arith.constant -0.489156842 : f32
        %add3A_1031 = vector.broadcast %add3A_1030 : f32 to vector<16xf32>
        %add3A_1032 = arith.addf %mul3A_1029, %add3A_1031 : vector<16xf32>
        %mul3A_1033 = arith.mulf %add3A_1032, %sub3A_1018 : vector<16xf32>
        %add3A_1034 = arith.constant 0.999010443 : f32
        %add3A_1035 = vector.broadcast %add3A_1034 : f32 to vector<16xf32>
        %add3A_1036 = arith.addf %mul3A_1033, %add3A_1035 : vector<16xf32>
        %mul3A_1037 = arith.mulf %add3A_1036, %sub3A_1018 : vector<16xf32>
        %add3A_1038 = arith.constant 2.21170303E-5 : f32
        %add3A_1039 = vector.broadcast %add3A_1038 : f32 to vector<16xf32>
        %add3A_1040 = arith.addf %mul3A_1037, %add3A_1039 : vector<16xf32>
        %mul3A_1041 = arith.constant 0.693147182 : f32
        %mul3A_1042 = vector.broadcast %mul3A_1041 : f32 to vector<16xf32>
        %mul3A_1043 = arith.mulf %convert_element_type3A_1008, %mul3A_1042 : vector<16xf32>
        %add3A_1044 = arith.addf %mul3A_1043, %add3A_1040 : vector<16xf32>
        tpu.vector_store_idx %arg12[%add3A_1000], %add3A_1044 : memref<16384xf32, #tpu.memory_space<vmem>>[vector<16xi32>], vector<16xf32>,
        %mul3A_1045 = arith.mulf %exp3A_198, %exp3A_228 : vector<16xf32>
        %mul3A_1046 = arith.mulf %exp3A_203, %exp3A_248 : vector<16xf32>
        %add3A_1047 = arith.addf %mul3A_1045, %mul3A_1046 : vector<16xf32>
        %mul3A_1048 = arith.mulf %exp3A_208, %exp3A_268 : vector<16xf32>
        %add3A_1049 = arith.addf %add3A_1047, %mul3A_1048 : vector<16xf32>
        %mul3A_1050 = arith.mulf %exp3A_213, %exp3A_288 : vector<16xf32>
        %add3A_1051 = arith.addf %add3A_1049, %mul3A_1050 : vector<16xf32>
        %add3A_1052 = arith.constant 14 : i32
        %add3A_1053 = vector.broadcast %add3A_1052 : i32 to vector<16xi32>
        %add3A_1054 = arith.addi %add3A_135, %add3A_1053 : vector<16xi32>
        %bitcast3A_1055 = vector.bitcast %add3A_1051 : vector<16xf32> to vector<16xi32>
        %shift_right_arithmetic3A_1056 = arith.constant 23 : i32
        %shift_right_arithmetic3A_1057 = vector.broadcast %shift_right_arithmetic3A_1056 : i32 to vector<16xi32>
        %shift_right_arithmetic3A_1058 = arith.shrsi %bitcast3A_1055, %shift_right_arithmetic3A_1057 : vector<16xi32>
        %sub3A_1059 = arith.constant 127 : i32
        %sub3A_1060 = vector.broadcast %sub3A_1059 : i32 to vector<16xi32>
        %sub3A_1061 = arith.subi %shift_right_arithmetic3A_1058, %sub3A_1060 : vector<16xi32>
        %convert_element_type3A_1062 = arith.sitofp %sub3A_1061 : vector<16xi32> to vector<16xf32>
        %and3A_1063 = arith.constant 8388607 : i32
        %and3A_1064 = vector.broadcast %and3A_1063 : i32 to vector<16xi32>
        %and3A_1065 = arith.andi %bitcast3A_1055, %and3A_1064 : vector<16xi32>
        %or3A_1066 = arith.constant 1065353216 : i32
        %or3A_1067 = vector.broadcast %or3A_1066 : i32 to vector<16xi32>
        %or3A_1068 = arith.ori %and3A_1065, %or3A_1067 : vector<16xi32>
        %bitcast3A_1069 = vector.bitcast %or3A_1068 : vector<16xi32> to vector<16xf32>
        %sub3A_1070 = arith.constant 1.000000e+00 : f32
        %sub3A_1071 = vector.broadcast %sub3A_1070 : f32 to vector<16xf32>
        %sub3A_1072 = arith.subf %bitcast3A_1069, %sub3A_1071 : vector<16xf32>
        %mul3A_1073 = arith.constant 0.0301026255 : f32
        %mul3A_1074 = vector.broadcast %mul3A_1073 : f32 to vector<16xf32>
        %mul3A_1075 = arith.mulf %mul3A_1074, %sub3A_1072 : vector<16xf32>
        %add3A_1076 = arith.constant -0.130119413 : f32
        %add3A_1077 = vector.broadcast %add3A_1076 : f32 to vector<16xf32>
        %add3A_1078 = arith.addf %mul3A_1075, %add3A_1077 : vector<16xf32>
        %mul3A_1079 = arith.mulf %add3A_1078, %sub3A_1072 : vector<16xf32>
        %add3A_1080 = arith.constant 0.283304334 : f32
        %add3A_1081 = vector.broadcast %add3A_1080 : f32 to vector<16xf32>
        %add3A_1082 = arith.addf %mul3A_1079, %add3A_1081 : vector<16xf32>
        %mul3A_1083 = arith.mulf %add3A_1082, %sub3A_1072 : vector<16xf32>
        %add3A_1084 = arith.constant -0.489156842 : f32
        %add3A_1085 = vector.broadcast %add3A_1084 : f32 to vector<16xf32>
        %add3A_1086 = arith.addf %mul3A_1083, %add3A_1085 : vector<16xf32>
        %mul3A_1087 = arith.mulf %add3A_1086, %sub3A_1072 : vector<16xf32>
        %add3A_1088 = arith.constant 0.999010443 : f32
        %add3A_1089 = vector.broadcast %add3A_1088 : f32 to vector<16xf32>
        %add3A_1090 = arith.addf %mul3A_1087, %add3A_1089 : vector<16xf32>
        %mul3A_1091 = arith.mulf %add3A_1090, %sub3A_1072 : vector<16xf32>
        %add3A_1092 = arith.constant 2.21170303E-5 : f32
        %add3A_1093 = vector.broadcast %add3A_1092 : f32 to vector<16xf32>
        %add3A_1094 = arith.addf %mul3A_1091, %add3A_1093 : vector<16xf32>
        %mul3A_1095 = arith.constant 0.693147182 : f32
        %mul3A_1096 = vector.broadcast %mul3A_1095 : f32 to vector<16xf32>
        %mul3A_1097 = arith.mulf %convert_element_type3A_1062, %mul3A_1096 : vector<16xf32>
        %add3A_1098 = arith.addf %mul3A_1097, %add3A_1094 : vector<16xf32>
        tpu.vector_store_idx %arg12[%add3A_1054], %add3A_1098 : memref<16384xf32, #tpu.memory_space<vmem>>[vector<16xi32>], vector<16xf32>,
        %mul3A_1099 = arith.mulf %exp3A_198, %exp3A_233 : vector<16xf32>
        %mul3A_1100 = arith.mulf %exp3A_203, %exp3A_253 : vector<16xf32>
        %add3A_1101 = arith.addf %mul3A_1099, %mul3A_1100 : vector<16xf32>
        %mul3A_1102 = arith.mulf %exp3A_208, %exp3A_273 : vector<16xf32>
        %add3A_1103 = arith.addf %add3A_1101, %mul3A_1102 : vector<16xf32>
        %mul3A_1104 = arith.mulf %exp3A_213, %exp3A_293 : vector<16xf32>
        %add3A_1105 = arith.addf %add3A_1103, %mul3A_1104 : vector<16xf32>
        %add3A_1106 = arith.constant 15 : i32
        %add3A_1107 = vector.broadcast %add3A_1106 : i32 to vector<16xi32>
        %add3A_1108 = arith.addi %add3A_135, %add3A_1107 : vector<16xi32>
        %bitcast3A_1109 = vector.bitcast %add3A_1105 : vector<16xf32> to vector<16xi32>
        %shift_right_arithmetic3A_1110 = arith.constant 23 : i32
        %shift_right_arithmetic3A_1111 = vector.broadcast %shift_right_arithmetic3A_1110 : i32 to vector<16xi32>
        %shift_right_arithmetic3A_1112 = arith.shrsi %bitcast3A_1109, %shift_right_arithmetic3A_1111 : vector<16xi32>
        %sub3A_1113 = arith.constant 127 : i32
        %sub3A_1114 = vector.broadcast %sub3A_1113 : i32 to vector<16xi32>
        %sub3A_1115 = arith.subi %shift_right_arithmetic3A_1112, %sub3A_1114 : vector<16xi32>
        %convert_element_type3A_1116 = arith.sitofp %sub3A_1115 : vector<16xi32> to vector<16xf32>
        %and3A_1117 = arith.constant 8388607 : i32
        %and3A_1118 = vector.broadcast %and3A_1117 : i32 to vector<16xi32>
        %and3A_1119 = arith.andi %bitcast3A_1109, %and3A_1118 : vector<16xi32>
        %or3A_1120 = arith.constant 1065353216 : i32
        %or3A_1121 = vector.broadcast %or3A_1120 : i32 to vector<16xi32>
        %or3A_1122 = arith.ori %and3A_1119, %or3A_1121 : vector<16xi32>
        %bitcast3A_1123 = vector.bitcast %or3A_1122 : vector<16xi32> to vector<16xf32>
        %sub3A_1124 = arith.constant 1.000000e+00 : f32
        %sub3A_1125 = vector.broadcast %sub3A_1124 : f32 to vector<16xf32>
        %sub3A_1126 = arith.subf %bitcast3A_1123, %sub3A_1125 : vector<16xf32>
        %mul3A_1127 = arith.constant 0.0301026255 : f32
        %mul3A_1128 = vector.broadcast %mul3A_1127 : f32 to vector<16xf32>
        %mul3A_1129 = arith.mulf %mul3A_1128, %sub3A_1126 : vector<16xf32>
        %add3A_1130 = arith.constant -0.130119413 : f32
        %add3A_1131 = vector.broadcast %add3A_1130 : f32 to vector<16xf32>
        %add3A_1132 = arith.addf %mul3A_1129, %add3A_1131 : vector<16xf32>
        %mul3A_1133 = arith.mulf %add3A_1132, %sub3A_1126 : vector<16xf32>
        %add3A_1134 = arith.constant 0.283304334 : f32
        %add3A_1135 = vector.broadcast %add3A_1134 : f32 to vector<16xf32>
        %add3A_1136 = arith.addf %mul3A_1133, %add3A_1135 : vector<16xf32>
        %mul3A_1137 = arith.mulf %add3A_1136, %sub3A_1126 : vector<16xf32>
        %add3A_1138 = arith.constant -0.489156842 : f32
        %add3A_1139 = vector.broadcast %add3A_1138 : f32 to vector<16xf32>
        %add3A_1140 = arith.addf %mul3A_1137, %add3A_1139 : vector<16xf32>
        %mul3A_1141 = arith.mulf %add3A_1140, %sub3A_1126 : vector<16xf32>
        %add3A_1142 = arith.constant 0.999010443 : f32
        %add3A_1143 = vector.broadcast %add3A_1142 : f32 to vector<16xf32>
        %add3A_1144 = arith.addf %mul3A_1141, %add3A_1143 : vector<16xf32>
        %mul3A_1145 = arith.mulf %add3A_1144, %sub3A_1126 : vector<16xf32>
        %add3A_1146 = arith.constant 2.21170303E-5 : f32
        %add3A_1147 = vector.broadcast %add3A_1146 : f32 to vector<16xf32>
        %add3A_1148 = arith.addf %mul3A_1145, %add3A_1147 : vector<16xf32>
        %mul3A_1149 = arith.constant 0.693147182 : f32
        %mul3A_1150 = vector.broadcast %mul3A_1149 : f32 to vector<16xf32>
        %mul3A_1151 = arith.mulf %convert_element_type3A_1116, %mul3A_1150 : vector<16xf32>
        %add3A_1152 = arith.addf %mul3A_1151, %add3A_1148 : vector<16xf32>
        tpu.vector_store_idx %arg12[%add3A_1108], %add3A_1152 : memref<16384xf32, #tpu.memory_space<vmem>>[vector<16xi32>], vector<16xf32>,
        %xor3A_1153 = arith.constant 16 : i32
        %xor3A_1154 = vector.broadcast %xor3A_1153 : i32 to vector<16xi32>
        %xor3A_1155 = arith.xori %xor3A_1154, %shift_left3A_129 : vector<16xi32>
        %add3A_1156 = arith.addi %mul3A_126, %xor3A_1155 : vector<16xi32>
        %add3A_1157 = arith.constant 16 : i32
        %add3A_1158 = vector.broadcast %add3A_1157 : i32 to vector<16xi32>
        %add3A_1159 = arith.addi %mul3A_126, %add3A_1158 : vector<16xi32>
        %add3A_1160 = arith.constant 0 : i32
        %add3A_1161 = vector.broadcast %add3A_1160 : i32 to vector<16xi32>
        %add3A_1162 = arith.addi %add3A_1156, %add3A_1161 : vector<16xi32>
        %gather3A_1163 = tpu.vector_load_idx %arg6[%add3A_1162] : memref<16384xf32, #tpu.memory_space<vmem>>[vector<16xi32>], vector<16xf32>,
        %exp3A_1164 = math.exp %gather3A_1163 : vector<16xf32>
        %add3A_1165 = arith.constant 1 : i32
        %add3A_1166 = vector.broadcast %add3A_1165 : i32 to vector<16xi32>
        %add3A_1167 = arith.addi %add3A_1156, %add3A_1166 : vector<16xi32>
        %gather3A_1168 = tpu.vector_load_idx %arg6[%add3A_1167] : memref<16384xf32, #tpu.memory_space<vmem>>[vector<16xi32>], vector<16xf32>,
        %exp3A_1169 = math.exp %gather3A_1168 : vector<16xf32>
        %add3A_1170 = arith.constant 2 : i32
        %add3A_1171 = vector.broadcast %add3A_1170 : i32 to vector<16xi32>
        %add3A_1172 = arith.addi %add3A_1156, %add3A_1171 : vector<16xi32>
        %gather3A_1173 = tpu.vector_load_idx %arg6[%add3A_1172] : memref<16384xf32, #tpu.memory_space<vmem>>[vector<16xi32>], vector<16xf32>,
        %exp3A_1174 = math.exp %gather3A_1173 : vector<16xf32>
        %add3A_1175 = arith.constant 3 : i32
        %add3A_1176 = vector.broadcast %add3A_1175 : i32 to vector<16xi32>
        %add3A_1177 = arith.addi %add3A_1156, %add3A_1176 : vector<16xi32>
        %gather3A_1178 = tpu.vector_load_idx %arg6[%add3A_1177] : memref<16384xf32, #tpu.memory_space<vmem>>[vector<16xi32>], vector<16xf32>,
        %exp3A_1179 = math.exp %gather3A_1178 : vector<16xf32>
        %add3A_1180 = arith.constant 4 : i32
        %add3A_1181 = vector.broadcast %add3A_1180 : i32 to vector<16xi32>
        %add3A_1182 = arith.addi %add3A_1156, %add3A_1181 : vector<16xi32>
        %gather3A_1183 = tpu.vector_load_idx %arg6[%add3A_1182] : memref<16384xf32, #tpu.memory_space<vmem>>[vector<16xi32>], vector<16xf32>,
        %exp3A_1184 = math.exp %gather3A_1183 : vector<16xf32>
        %add3A_1185 = arith.constant 5 : i32
        %add3A_1186 = vector.broadcast %add3A_1185 : i32 to vector<16xi32>
        %add3A_1187 = arith.addi %add3A_1156, %add3A_1186 : vector<16xi32>
        %gather3A_1188 = tpu.vector_load_idx %arg6[%add3A_1187] : memref<16384xf32, #tpu.memory_space<vmem>>[vector<16xi32>], vector<16xf32>,
        %exp3A_1189 = math.exp %gather3A_1188 : vector<16xf32>
        %add3A_1190 = arith.constant 6 : i32
        %add3A_1191 = vector.broadcast %add3A_1190 : i32 to vector<16xi32>
        %add3A_1192 = arith.addi %add3A_1156, %add3A_1191 : vector<16xi32>
        %gather3A_1193 = tpu.vector_load_idx %arg6[%add3A_1192] : memref<16384xf32, #tpu.memory_space<vmem>>[vector<16xi32>], vector<16xf32>,
        %exp3A_1194 = math.exp %gather3A_1193 : vector<16xf32>
        %add3A_1195 = arith.constant 7 : i32
        %add3A_1196 = vector.broadcast %add3A_1195 : i32 to vector<16xi32>
        %add3A_1197 = arith.addi %add3A_1156, %add3A_1196 : vector<16xi32>
        %gather3A_1198 = tpu.vector_load_idx %arg6[%add3A_1197] : memref<16384xf32, #tpu.memory_space<vmem>>[vector<16xi32>], vector<16xf32>,
        %exp3A_1199 = math.exp %gather3A_1198 : vector<16xf32>
        %add3A_1200 = arith.constant 8 : i32
        %add3A_1201 = vector.broadcast %add3A_1200 : i32 to vector<16xi32>
        %add3A_1202 = arith.addi %add3A_1156, %add3A_1201 : vector<16xi32>
        %gather3A_1203 = tpu.vector_load_idx %arg6[%add3A_1202] : memref<16384xf32, #tpu.memory_space<vmem>>[vector<16xi32>], vector<16xf32>,
        %exp3A_1204 = math.exp %gather3A_1203 : vector<16xf32>
        %add3A_1205 = arith.constant 9 : i32
        %add3A_1206 = vector.broadcast %add3A_1205 : i32 to vector<16xi32>
        %add3A_1207 = arith.addi %add3A_1156, %add3A_1206 : vector<16xi32>
        %gather3A_1208 = tpu.vector_load_idx %arg6[%add3A_1207] : memref<16384xf32, #tpu.memory_space<vmem>>[vector<16xi32>], vector<16xf32>,
        %exp3A_1209 = math.exp %gather3A_1208 : vector<16xf32>
        %add3A_1210 = arith.constant 10 : i32
        %add3A_1211 = vector.broadcast %add3A_1210 : i32 to vector<16xi32>
        %add3A_1212 = arith.addi %add3A_1156, %add3A_1211 : vector<16xi32>
        %gather3A_1213 = tpu.vector_load_idx %arg6[%add3A_1212] : memref<16384xf32, #tpu.memory_space<vmem>>[vector<16xi32>], vector<16xf32>,
        %exp3A_1214 = math.exp %gather3A_1213 : vector<16xf32>
        %add3A_1215 = arith.constant 11 : i32
        %add3A_1216 = vector.broadcast %add3A_1215 : i32 to vector<16xi32>
        %add3A_1217 = arith.addi %add3A_1156, %add3A_1216 : vector<16xi32>
        %gather3A_1218 = tpu.vector_load_idx %arg6[%add3A_1217] : memref<16384xf32, #tpu.memory_space<vmem>>[vector<16xi32>], vector<16xf32>,
        %exp3A_1219 = math.exp %gather3A_1218 : vector<16xf32>
        %add3A_1220 = arith.constant 12 : i32
        %add3A_1221 = vector.broadcast %add3A_1220 : i32 to vector<16xi32>
        %add3A_1222 = arith.addi %add3A_1156, %add3A_1221 : vector<16xi32>
        %gather3A_1223 = tpu.vector_load_idx %arg6[%add3A_1222] : memref<16384xf32, #tpu.memory_space<vmem>>[vector<16xi32>], vector<16xf32>,
        %exp3A_1224 = math.exp %gather3A_1223 : vector<16xf32>
        %add3A_1225 = arith.constant 13 : i32
        %add3A_1226 = vector.broadcast %add3A_1225 : i32 to vector<16xi32>
        %add3A_1227 = arith.addi %add3A_1156, %add3A_1226 : vector<16xi32>
        %gather3A_1228 = tpu.vector_load_idx %arg6[%add3A_1227] : memref<16384xf32, #tpu.memory_space<vmem>>[vector<16xi32>], vector<16xf32>,
        %exp3A_1229 = math.exp %gather3A_1228 : vector<16xf32>
        %add3A_1230 = arith.constant 14 : i32
        %add3A_1231 = vector.broadcast %add3A_1230 : i32 to vector<16xi32>
        %add3A_1232 = arith.addi %add3A_1156, %add3A_1231 : vector<16xi32>
        %gather3A_1233 = tpu.vector_load_idx %arg6[%add3A_1232] : memref<16384xf32, #tpu.memory_space<vmem>>[vector<16xi32>], vector<16xf32>,
        %exp3A_1234 = math.exp %gather3A_1233 : vector<16xf32>
        %add3A_1235 = arith.constant 15 : i32
        %add3A_1236 = vector.broadcast %add3A_1235 : i32 to vector<16xi32>
        %add3A_1237 = arith.addi %add3A_1156, %add3A_1236 : vector<16xi32>
        %gather3A_1238 = tpu.vector_load_idx %arg6[%add3A_1237] : memref<16384xf32, #tpu.memory_space<vmem>>[vector<16xi32>], vector<16xf32>,
        %exp3A_1239 = math.exp %gather3A_1238 : vector<16xf32>
        %add3A_1240 = arith.constant 0 : i32
        %add3A_1241 = vector.broadcast %add3A_1240 : i32 to vector<16xi32>
        %add3A_1242 = arith.addi %add3A_1159, %add3A_1241 : vector<16xi32>
        %gather3A_1243 = tpu.vector_load_idx %arg8[%add3A_1242] : memref<16384xf32, #tpu.memory_space<vmem>>[vector<16xi32>], vector<16xf32>,
        %exp3A_1244 = math.exp %gather3A_1243 : vector<16xf32>
        %add3A_1245 = arith.constant 1 : i32
        %add3A_1246 = vector.broadcast %add3A_1245 : i32 to vector<16xi32>
        %add3A_1247 = arith.addi %add3A_1159, %add3A_1246 : vector<16xi32>
        %gather3A_1248 = tpu.vector_load_idx %arg8[%add3A_1247] : memref<16384xf32, #tpu.memory_space<vmem>>[vector<16xi32>], vector<16xf32>,
        %exp3A_1249 = math.exp %gather3A_1248 : vector<16xf32>
        %add3A_1250 = arith.constant 2 : i32
        %add3A_1251 = vector.broadcast %add3A_1250 : i32 to vector<16xi32>
        %add3A_1252 = arith.addi %add3A_1159, %add3A_1251 : vector<16xi32>
        %gather3A_1253 = tpu.vector_load_idx %arg8[%add3A_1252] : memref<16384xf32, #tpu.memory_space<vmem>>[vector<16xi32>], vector<16xf32>,
        %exp3A_1254 = math.exp %gather3A_1253 : vector<16xf32>
        %add3A_1255 = arith.constant 3 : i32
        %add3A_1256 = vector.broadcast %add3A_1255 : i32 to vector<16xi32>
        %add3A_1257 = arith.addi %add3A_1159, %add3A_1256 : vector<16xi32>
        %gather3A_1258 = tpu.vector_load_idx %arg8[%add3A_1257] : memref<16384xf32, #tpu.memory_space<vmem>>[vector<16xi32>], vector<16xf32>,
        %exp3A_1259 = math.exp %gather3A_1258 : vector<16xf32>
        %add3A_1260 = arith.constant 4 : i32
        %add3A_1261 = vector.broadcast %add3A_1260 : i32 to vector<16xi32>
        %add3A_1262 = arith.addi %add3A_1159, %add3A_1261 : vector<16xi32>
        %gather3A_1263 = tpu.vector_load_idx %arg8[%add3A_1262] : memref<16384xf32, #tpu.memory_space<vmem>>[vector<16xi32>], vector<16xf32>,
        %exp3A_1264 = math.exp %gather3A_1263 : vector<16xf32>
        %add3A_1265 = arith.constant 5 : i32
        %add3A_1266 = vector.broadcast %add3A_1265 : i32 to vector<16xi32>
        %add3A_1267 = arith.addi %add3A_1159, %add3A_1266 : vector<16xi32>
        %gather3A_1268 = tpu.vector_load_idx %arg8[%add3A_1267] : memref<16384xf32, #tpu.memory_space<vmem>>[vector<16xi32>], vector<16xf32>,
        %exp3A_1269 = math.exp %gather3A_1268 : vector<16xf32>
        %add3A_1270 = arith.constant 6 : i32
        %add3A_1271 = vector.broadcast %add3A_1270 : i32 to vector<16xi32>
        %add3A_1272 = arith.addi %add3A_1159, %add3A_1271 : vector<16xi32>
        %gather3A_1273 = tpu.vector_load_idx %arg8[%add3A_1272] : memref<16384xf32, #tpu.memory_space<vmem>>[vector<16xi32>], vector<16xf32>,
        %exp3A_1274 = math.exp %gather3A_1273 : vector<16xf32>
        %add3A_1275 = arith.constant 7 : i32
        %add3A_1276 = vector.broadcast %add3A_1275 : i32 to vector<16xi32>
        %add3A_1277 = arith.addi %add3A_1159, %add3A_1276 : vector<16xi32>
        %gather3A_1278 = tpu.vector_load_idx %arg8[%add3A_1277] : memref<16384xf32, #tpu.memory_space<vmem>>[vector<16xi32>], vector<16xf32>,
        %exp3A_1279 = math.exp %gather3A_1278 : vector<16xf32>
        %add3A_1280 = arith.constant 8 : i32
        %add3A_1281 = vector.broadcast %add3A_1280 : i32 to vector<16xi32>
        %add3A_1282 = arith.addi %add3A_1159, %add3A_1281 : vector<16xi32>
        %gather3A_1283 = tpu.vector_load_idx %arg8[%add3A_1282] : memref<16384xf32, #tpu.memory_space<vmem>>[vector<16xi32>], vector<16xf32>,
        %exp3A_1284 = math.exp %gather3A_1283 : vector<16xf32>
        %add3A_1285 = arith.constant 9 : i32
        %add3A_1286 = vector.broadcast %add3A_1285 : i32 to vector<16xi32>
        %add3A_1287 = arith.addi %add3A_1159, %add3A_1286 : vector<16xi32>
        %gather3A_1288 = tpu.vector_load_idx %arg8[%add3A_1287] : memref<16384xf32, #tpu.memory_space<vmem>>[vector<16xi32>], vector<16xf32>,
        %exp3A_1289 = math.exp %gather3A_1288 : vector<16xf32>
        %add3A_1290 = arith.constant 10 : i32
        %add3A_1291 = vector.broadcast %add3A_1290 : i32 to vector<16xi32>
        %add3A_1292 = arith.addi %add3A_1159, %add3A_1291 : vector<16xi32>
        %gather3A_1293 = tpu.vector_load_idx %arg8[%add3A_1292] : memref<16384xf32, #tpu.memory_space<vmem>>[vector<16xi32>], vector<16xf32>,
        %exp3A_1294 = math.exp %gather3A_1293 : vector<16xf32>
        %add3A_1295 = arith.constant 11 : i32
        %add3A_1296 = vector.broadcast %add3A_1295 : i32 to vector<16xi32>
        %add3A_1297 = arith.addi %add3A_1159, %add3A_1296 : vector<16xi32>
        %gather3A_1298 = tpu.vector_load_idx %arg8[%add3A_1297] : memref<16384xf32, #tpu.memory_space<vmem>>[vector<16xi32>], vector<16xf32>,
        %exp3A_1299 = math.exp %gather3A_1298 : vector<16xf32>
        %add3A_1300 = arith.constant 12 : i32
        %add3A_1301 = vector.broadcast %add3A_1300 : i32 to vector<16xi32>
        %add3A_1302 = arith.addi %add3A_1159, %add3A_1301 : vector<16xi32>
        %gather3A_1303 = tpu.vector_load_idx %arg8[%add3A_1302] : memref<16384xf32, #tpu.memory_space<vmem>>[vector<16xi32>], vector<16xf32>,
        %exp3A_1304 = math.exp %gather3A_1303 : vector<16xf32>
        %add3A_1305 = arith.constant 13 : i32
        %add3A_1306 = vector.broadcast %add3A_1305 : i32 to vector<16xi32>
        %add3A_1307 = arith.addi %add3A_1159, %add3A_1306 : vector<16xi32>
        %gather3A_1308 = tpu.vector_load_idx %arg8[%add3A_1307] : memref<16384xf32, #tpu.memory_space<vmem>>[vector<16xi32>], vector<16xf32>,
        %exp3A_1309 = math.exp %gather3A_1308 : vector<16xf32>
        %add3A_1310 = arith.constant 14 : i32
        %add3A_1311 = vector.broadcast %add3A_1310 : i32 to vector<16xi32>
        %add3A_1312 = arith.addi %add3A_1159, %add3A_1311 : vector<16xi32>
        %gather3A_1313 = tpu.vector_load_idx %arg8[%add3A_1312] : memref<16384xf32, #tpu.memory_space<vmem>>[vector<16xi32>], vector<16xf32>,
        %exp3A_1314 = math.exp %gather3A_1313 : vector<16xf32>
        %add3A_1315 = arith.constant 15 : i32
        %add3A_1316 = vector.broadcast %add3A_1315 : i32 to vector<16xi32>
        %add3A_1317 = arith.addi %add3A_1159, %add3A_1316 : vector<16xi32>
        %gather3A_1318 = tpu.vector_load_idx %arg8[%add3A_1317] : memref<16384xf32, #tpu.memory_space<vmem>>[vector<16xi32>], vector<16xf32>,
        %exp3A_1319 = math.exp %gather3A_1318 : vector<16xf32>
        %mul3A_1320 = arith.mulf %exp3A_1164, %exp3A_1244 : vector<16xf32>
        %mul3A_1321 = arith.mulf %exp3A_1169, %exp3A_1264 : vector<16xf32>
        %add3A_1322 = arith.addf %mul3A_1320, %mul3A_1321 : vector<16xf32>
        %mul3A_1323 = arith.mulf %exp3A_1174, %exp3A_1284 : vector<16xf32>
        %add3A_1324 = arith.addf %add3A_1322, %mul3A_1323 : vector<16xf32>
        %mul3A_1325 = arith.mulf %exp3A_1179, %exp3A_1304 : vector<16xf32>
        %add3A_1326 = arith.addf %add3A_1324, %mul3A_1325 : vector<16xf32>
        %add3A_1327 = arith.constant 0 : i32
        %add3A_1328 = vector.broadcast %add3A_1327 : i32 to vector<16xi32>
        %add3A_1329 = arith.addi %add3A_1159, %add3A_1328 : vector<16xi32>
        %bitcast3A_1330 = vector.bitcast %add3A_1326 : vector<16xf32> to vector<16xi32>
        %shift_right_arithmetic3A_1331 = arith.constant 23 : i32
        %shift_right_arithmetic3A_1332 = vector.broadcast %shift_right_arithmetic3A_1331 : i32 to vector<16xi32>
        %shift_right_arithmetic3A_1333 = arith.shrsi %bitcast3A_1330, %shift_right_arithmetic3A_1332 : vector<16xi32>
        %sub3A_1334 = arith.constant 127 : i32
        %sub3A_1335 = vector.broadcast %sub3A_1334 : i32 to vector<16xi32>
        %sub3A_1336 = arith.subi %shift_right_arithmetic3A_1333, %sub3A_1335 : vector<16xi32>
        %convert_element_type3A_1337 = arith.sitofp %sub3A_1336 : vector<16xi32> to vector<16xf32>
        %and3A_1338 = arith.constant 8388607 : i32
        %and3A_1339 = vector.broadcast %and3A_1338 : i32 to vector<16xi32>
        %and3A_1340 = arith.andi %bitcast3A_1330, %and3A_1339 : vector<16xi32>
        %or3A_1341 = arith.constant 1065353216 : i32
        %or3A_1342 = vector.broadcast %or3A_1341 : i32 to vector<16xi32>
        %or3A_1343 = arith.ori %and3A_1340, %or3A_1342 : vector<16xi32>
        %bitcast3A_1344 = vector.bitcast %or3A_1343 : vector<16xi32> to vector<16xf32>
        %sub3A_1345 = arith.constant 1.000000e+00 : f32
        %sub3A_1346 = vector.broadcast %sub3A_1345 : f32 to vector<16xf32>
        %sub3A_1347 = arith.subf %bitcast3A_1344, %sub3A_1346 : vector<16xf32>
        %mul3A_1348 = arith.constant 0.0301026255 : f32
        %mul3A_1349 = vector.broadcast %mul3A_1348 : f32 to vector<16xf32>
        %mul3A_1350 = arith.mulf %mul3A_1349, %sub3A_1347 : vector<16xf32>
        %add3A_1351 = arith.constant -0.130119413 : f32
        %add3A_1352 = vector.broadcast %add3A_1351 : f32 to vector<16xf32>
        %add3A_1353 = arith.addf %mul3A_1350, %add3A_1352 : vector<16xf32>
        %mul3A_1354 = arith.mulf %add3A_1353, %sub3A_1347 : vector<16xf32>
        %add3A_1355 = arith.constant 0.283304334 : f32
        %add3A_1356 = vector.broadcast %add3A_1355 : f32 to vector<16xf32>
        %add3A_1357 = arith.addf %mul3A_1354, %add3A_1356 : vector<16xf32>
        %mul3A_1358 = arith.mulf %add3A_1357, %sub3A_1347 : vector<16xf32>
        %add3A_1359 = arith.constant -0.489156842 : f32
        %add3A_1360 = vector.broadcast %add3A_1359 : f32 to vector<16xf32>
        %add3A_1361 = arith.addf %mul3A_1358, %add3A_1360 : vector<16xf32>
        %mul3A_1362 = arith.mulf %add3A_1361, %sub3A_1347 : vector<16xf32>
        %add3A_1363 = arith.constant 0.999010443 : f32
        %add3A_1364 = vector.broadcast %add3A_1363 : f32 to vector<16xf32>
        %add3A_1365 = arith.addf %mul3A_1362, %add3A_1364 : vector<16xf32>
        %mul3A_1366 = arith.mulf %add3A_1365, %sub3A_1347 : vector<16xf32>
        %add3A_1367 = arith.constant 2.21170303E-5 : f32
        %add3A_1368 = vector.broadcast %add3A_1367 : f32 to vector<16xf32>
        %add3A_1369 = arith.addf %mul3A_1366, %add3A_1368 : vector<16xf32>
        %mul3A_1370 = arith.constant 0.693147182 : f32
        %mul3A_1371 = vector.broadcast %mul3A_1370 : f32 to vector<16xf32>
        %mul3A_1372 = arith.mulf %convert_element_type3A_1337, %mul3A_1371 : vector<16xf32>
        %add3A_1373 = arith.addf %mul3A_1372, %add3A_1369 : vector<16xf32>
        tpu.vector_store_idx %arg12[%add3A_1329], %add3A_1373 : memref<16384xf32, #tpu.memory_space<vmem>>[vector<16xi32>], vector<16xf32>,
        %mul3A_1374 = arith.mulf %exp3A_1164, %exp3A_1249 : vector<16xf32>
        %mul3A_1375 = arith.mulf %exp3A_1169, %exp3A_1269 : vector<16xf32>
        %add3A_1376 = arith.addf %mul3A_1374, %mul3A_1375 : vector<16xf32>
        %mul3A_1377 = arith.mulf %exp3A_1174, %exp3A_1289 : vector<16xf32>
        %add3A_1378 = arith.addf %add3A_1376, %mul3A_1377 : vector<16xf32>
        %mul3A_1379 = arith.mulf %exp3A_1179, %exp3A_1309 : vector<16xf32>
        %add3A_1380 = arith.addf %add3A_1378, %mul3A_1379 : vector<16xf32>
        %add3A_1381 = arith.constant 1 : i32
        %add3A_1382 = vector.broadcast %add3A_1381 : i32 to vector<16xi32>
        %add3A_1383 = arith.addi %add3A_1159, %add3A_1382 : vector<16xi32>
        %bitcast3A_1384 = vector.bitcast %add3A_1380 : vector<16xf32> to vector<16xi32>
        %shift_right_arithmetic3A_1385 = arith.constant 23 : i32
        %shift_right_arithmetic3A_1386 = vector.broadcast %shift_right_arithmetic3A_1385 : i32 to vector<16xi32>
        %shift_right_arithmetic3A_1387 = arith.shrsi %bitcast3A_1384, %shift_right_arithmetic3A_1386 : vector<16xi32>
        %sub3A_1388 = arith.constant 127 : i32
        %sub3A_1389 = vector.broadcast %sub3A_1388 : i32 to vector<16xi32>
        %sub3A_1390 = arith.subi %shift_right_arithmetic3A_1387, %sub3A_1389 : vector<16xi32>
        %convert_element_type3A_1391 = arith.sitofp %sub3A_1390 : vector<16xi32> to vector<16xf32>
        %and3A_1392 = arith.constant 8388607 : i32
        %and3A_1393 = vector.broadcast %and3A_1392 : i32 to vector<16xi32>
        %and3A_1394 = arith.andi %bitcast3A_1384, %and3A_1393 : vector<16xi32>
        %or3A_1395 = arith.constant 1065353216 : i32
        %or3A_1396 = vector.broadcast %or3A_1395 : i32 to vector<16xi32>
        %or3A_1397 = arith.ori %and3A_1394, %or3A_1396 : vector<16xi32>
        %bitcast3A_1398 = vector.bitcast %or3A_1397 : vector<16xi32> to vector<16xf32>
        %sub3A_1399 = arith.constant 1.000000e+00 : f32
        %sub3A_1400 = vector.broadcast %sub3A_1399 : f32 to vector<16xf32>
        %sub3A_1401 = arith.subf %bitcast3A_1398, %sub3A_1400 : vector<16xf32>
        %mul3A_1402 = arith.constant 0.0301026255 : f32
        %mul3A_1403 = vector.broadcast %mul3A_1402 : f32 to vector<16xf32>
        %mul3A_1404 = arith.mulf %mul3A_1403, %sub3A_1401 : vector<16xf32>
        %add3A_1405 = arith.constant -0.130119413 : f32
        %add3A_1406 = vector.broadcast %add3A_1405 : f32 to vector<16xf32>
        %add3A_1407 = arith.addf %mul3A_1404, %add3A_1406 : vector<16xf32>
        %mul3A_1408 = arith.mulf %add3A_1407, %sub3A_1401 : vector<16xf32>
        %add3A_1409 = arith.constant 0.283304334 : f32
        %add3A_1410 = vector.broadcast %add3A_1409 : f32 to vector<16xf32>
        %add3A_1411 = arith.addf %mul3A_1408, %add3A_1410 : vector<16xf32>
        %mul3A_1412 = arith.mulf %add3A_1411, %sub3A_1401 : vector<16xf32>
        %add3A_1413 = arith.constant -0.489156842 : f32
        %add3A_1414 = vector.broadcast %add3A_1413 : f32 to vector<16xf32>
        %add3A_1415 = arith.addf %mul3A_1412, %add3A_1414 : vector<16xf32>
        %mul3A_1416 = arith.mulf %add3A_1415, %sub3A_1401 : vector<16xf32>
        %add3A_1417 = arith.constant 0.999010443 : f32
        %add3A_1418 = vector.broadcast %add3A_1417 : f32 to vector<16xf32>
        %add3A_1419 = arith.addf %mul3A_1416, %add3A_1418 : vector<16xf32>
        %mul3A_1420 = arith.mulf %add3A_1419, %sub3A_1401 : vector<16xf32>
        %add3A_1421 = arith.constant 2.21170303E-5 : f32
        %add3A_1422 = vector.broadcast %add3A_1421 : f32 to vector<16xf32>
        %add3A_1423 = arith.addf %mul3A_1420, %add3A_1422 : vector<16xf32>
        %mul3A_1424 = arith.constant 0.693147182 : f32
        %mul3A_1425 = vector.broadcast %mul3A_1424 : f32 to vector<16xf32>
        %mul3A_1426 = arith.mulf %convert_element_type3A_1391, %mul3A_1425 : vector<16xf32>
        %add3A_1427 = arith.addf %mul3A_1426, %add3A_1423 : vector<16xf32>
        tpu.vector_store_idx %arg12[%add3A_1383], %add3A_1427 : memref<16384xf32, #tpu.memory_space<vmem>>[vector<16xi32>], vector<16xf32>,
        %mul3A_1428 = arith.mulf %exp3A_1164, %exp3A_1254 : vector<16xf32>
        %mul3A_1429 = arith.mulf %exp3A_1169, %exp3A_1274 : vector<16xf32>
        %add3A_1430 = arith.addf %mul3A_1428, %mul3A_1429 : vector<16xf32>
        %mul3A_1431 = arith.mulf %exp3A_1174, %exp3A_1294 : vector<16xf32>
        %add3A_1432 = arith.addf %add3A_1430, %mul3A_1431 : vector<16xf32>
        %mul3A_1433 = arith.mulf %exp3A_1179, %exp3A_1314 : vector<16xf32>
        %add3A_1434 = arith.addf %add3A_1432, %mul3A_1433 : vector<16xf32>
        %add3A_1435 = arith.constant 2 : i32
        %add3A_1436 = vector.broadcast %add3A_1435 : i32 to vector<16xi32>
        %add3A_1437 = arith.addi %add3A_1159, %add3A_1436 : vector<16xi32>
        %bitcast3A_1438 = vector.bitcast %add3A_1434 : vector<16xf32> to vector<16xi32>
        %shift_right_arithmetic3A_1439 = arith.constant 23 : i32
        %shift_right_arithmetic3A_1440 = vector.broadcast %shift_right_arithmetic3A_1439 : i32 to vector<16xi32>
        %shift_right_arithmetic3A_1441 = arith.shrsi %bitcast3A_1438, %shift_right_arithmetic3A_1440 : vector<16xi32>
        %sub3A_1442 = arith.constant 127 : i32
        %sub3A_1443 = vector.broadcast %sub3A_1442 : i32 to vector<16xi32>
        %sub3A_1444 = arith.subi %shift_right_arithmetic3A_1441, %sub3A_1443 : vector<16xi32>
        %convert_element_type3A_1445 = arith.sitofp %sub3A_1444 : vector<16xi32> to vector<16xf32>
        %and3A_1446 = arith.constant 8388607 : i32
        %and3A_1447 = vector.broadcast %and3A_1446 : i32 to vector<16xi32>
        %and3A_1448 = arith.andi %bitcast3A_1438, %and3A_1447 : vector<16xi32>
        %or3A_1449 = arith.constant 1065353216 : i32
        %or3A_1450 = vector.broadcast %or3A_1449 : i32 to vector<16xi32>
        %or3A_1451 = arith.ori %and3A_1448, %or3A_1450 : vector<16xi32>
        %bitcast3A_1452 = vector.bitcast %or3A_1451 : vector<16xi32> to vector<16xf32>
        %sub3A_1453 = arith.constant 1.000000e+00 : f32
        %sub3A_1454 = vector.broadcast %sub3A_1453 : f32 to vector<16xf32>
        %sub3A_1455 = arith.subf %bitcast3A_1452, %sub3A_1454 : vector<16xf32>
        %mul3A_1456 = arith.constant 0.0301026255 : f32
        %mul3A_1457 = vector.broadcast %mul3A_1456 : f32 to vector<16xf32>
        %mul3A_1458 = arith.mulf %mul3A_1457, %sub3A_1455 : vector<16xf32>
        %add3A_1459 = arith.constant -0.130119413 : f32
        %add3A_1460 = vector.broadcast %add3A_1459 : f32 to vector<16xf32>
        %add3A_1461 = arith.addf %mul3A_1458, %add3A_1460 : vector<16xf32>
        %mul3A_1462 = arith.mulf %add3A_1461, %sub3A_1455 : vector<16xf32>
        %add3A_1463 = arith.constant 0.283304334 : f32
        %add3A_1464 = vector.broadcast %add3A_1463 : f32 to vector<16xf32>
        %add3A_1465 = arith.addf %mul3A_1462, %add3A_1464 : vector<16xf32>
        %mul3A_1466 = arith.mulf %add3A_1465, %sub3A_1455 : vector<16xf32>
        %add3A_1467 = arith.constant -0.489156842 : f32
        %add3A_1468 = vector.broadcast %add3A_1467 : f32 to vector<16xf32>
        %add3A_1469 = arith.addf %mul3A_1466, %add3A_1468 : vector<16xf32>
        %mul3A_1470 = arith.mulf %add3A_1469, %sub3A_1455 : vector<16xf32>
        %add3A_1471 = arith.constant 0.999010443 : f32
        %add3A_1472 = vector.broadcast %add3A_1471 : f32 to vector<16xf32>
        %add3A_1473 = arith.addf %mul3A_1470, %add3A_1472 : vector<16xf32>
        %mul3A_1474 = arith.mulf %add3A_1473, %sub3A_1455 : vector<16xf32>
        %add3A_1475 = arith.constant 2.21170303E-5 : f32
        %add3A_1476 = vector.broadcast %add3A_1475 : f32 to vector<16xf32>
        %add3A_1477 = arith.addf %mul3A_1474, %add3A_1476 : vector<16xf32>
        %mul3A_1478 = arith.constant 0.693147182 : f32
        %mul3A_1479 = vector.broadcast %mul3A_1478 : f32 to vector<16xf32>
        %mul3A_1480 = arith.mulf %convert_element_type3A_1445, %mul3A_1479 : vector<16xf32>
        %add3A_1481 = arith.addf %mul3A_1480, %add3A_1477 : vector<16xf32>
        tpu.vector_store_idx %arg12[%add3A_1437], %add3A_1481 : memref<16384xf32, #tpu.memory_space<vmem>>[vector<16xi32>], vector<16xf32>,
        %mul3A_1482 = arith.mulf %exp3A_1164, %exp3A_1259 : vector<16xf32>
        %mul3A_1483 = arith.mulf %exp3A_1169, %exp3A_1279 : vector<16xf32>
        %add3A_1484 = arith.addf %mul3A_1482, %mul3A_1483 : vector<16xf32>
        %mul3A_1485 = arith.mulf %exp3A_1174, %exp3A_1299 : vector<16xf32>
        %add3A_1486 = arith.addf %add3A_1484, %mul3A_1485 : vector<16xf32>
        %mul3A_1487 = arith.mulf %exp3A_1179, %exp3A_1319 : vector<16xf32>
        %add3A_1488 = arith.addf %add3A_1486, %mul3A_1487 : vector<16xf32>
        %add3A_1489 = arith.constant 3 : i32
        %add3A_1490 = vector.broadcast %add3A_1489 : i32 to vector<16xi32>
        %add3A_1491 = arith.addi %add3A_1159, %add3A_1490 : vector<16xi32>
        %bitcast3A_1492 = vector.bitcast %add3A_1488 : vector<16xf32> to vector<16xi32>
        %shift_right_arithmetic3A_1493 = arith.constant 23 : i32
        %shift_right_arithmetic3A_1494 = vector.broadcast %shift_right_arithmetic3A_1493 : i32 to vector<16xi32>
        %shift_right_arithmetic3A_1495 = arith.shrsi %bitcast3A_1492, %shift_right_arithmetic3A_1494 : vector<16xi32>
        %sub3A_1496 = arith.constant 127 : i32
        %sub3A_1497 = vector.broadcast %sub3A_1496 : i32 to vector<16xi32>
        %sub3A_1498 = arith.subi %shift_right_arithmetic3A_1495, %sub3A_1497 : vector<16xi32>
        %convert_element_type3A_1499 = arith.sitofp %sub3A_1498 : vector<16xi32> to vector<16xf32>
        %and3A_1500 = arith.constant 8388607 : i32
        %and3A_1501 = vector.broadcast %and3A_1500 : i32 to vector<16xi32>
        %and3A_1502 = arith.andi %bitcast3A_1492, %and3A_1501 : vector<16xi32>
        %or3A_1503 = arith.constant 1065353216 : i32
        %or3A_1504 = vector.broadcast %or3A_1503 : i32 to vector<16xi32>
        %or3A_1505 = arith.ori %and3A_1502, %or3A_1504 : vector<16xi32>
        %bitcast3A_1506 = vector.bitcast %or3A_1505 : vector<16xi32> to vector<16xf32>
        %sub3A_1507 = arith.constant 1.000000e+00 : f32
        %sub3A_1508 = vector.broadcast %sub3A_1507 : f32 to vector<16xf32>
        %sub3A_1509 = arith.subf %bitcast3A_1506, %sub3A_1508 : vector<16xf32>
        %mul3A_1510 = arith.constant 0.0301026255 : f32
        %mul3A_1511 = vector.broadcast %mul3A_1510 : f32 to vector<16xf32>
        %mul3A_1512 = arith.mulf %mul3A_1511, %sub3A_1509 : vector<16xf32>
        %add3A_1513 = arith.constant -0.130119413 : f32
        %add3A_1514 = vector.broadcast %add3A_1513 : f32 to vector<16xf32>
        %add3A_1515 = arith.addf %mul3A_1512, %add3A_1514 : vector<16xf32>
        %mul3A_1516 = arith.mulf %add3A_1515, %sub3A_1509 : vector<16xf32>
        %add3A_1517 = arith.constant 0.283304334 : f32
        %add3A_1518 = vector.broadcast %add3A_1517 : f32 to vector<16xf32>
        %add3A_1519 = arith.addf %mul3A_1516, %add3A_1518 : vector<16xf32>
        %mul3A_1520 = arith.mulf %add3A_1519, %sub3A_1509 : vector<16xf32>
        %add3A_1521 = arith.constant -0.489156842 : f32
        %add3A_1522 = vector.broadcast %add3A_1521 : f32 to vector<16xf32>
        %add3A_1523 = arith.addf %mul3A_1520, %add3A_1522 : vector<16xf32>
        %mul3A_1524 = arith.mulf %add3A_1523, %sub3A_1509 : vector<16xf32>
        %add3A_1525 = arith.constant 0.999010443 : f32
        %add3A_1526 = vector.broadcast %add3A_1525 : f32 to vector<16xf32>
        %add3A_1527 = arith.addf %mul3A_1524, %add3A_1526 : vector<16xf32>
        %mul3A_1528 = arith.mulf %add3A_1527, %sub3A_1509 : vector<16xf32>
        %add3A_1529 = arith.constant 2.21170303E-5 : f32
        %add3A_1530 = vector.broadcast %add3A_1529 : f32 to vector<16xf32>
        %add3A_1531 = arith.addf %mul3A_1528, %add3A_1530 : vector<16xf32>
        %mul3A_1532 = arith.constant 0.693147182 : f32
        %mul3A_1533 = vector.broadcast %mul3A_1532 : f32 to vector<16xf32>
        %mul3A_1534 = arith.mulf %convert_element_type3A_1499, %mul3A_1533 : vector<16xf32>
        %add3A_1535 = arith.addf %mul3A_1534, %add3A_1531 : vector<16xf32>
        tpu.vector_store_idx %arg12[%add3A_1491], %add3A_1535 : memref<16384xf32, #tpu.memory_space<vmem>>[vector<16xi32>], vector<16xf32>,
        %mul3A_1536 = arith.mulf %exp3A_1184, %exp3A_1244 : vector<16xf32>
        %mul3A_1537 = arith.mulf %exp3A_1189, %exp3A_1264 : vector<16xf32>
        %add3A_1538 = arith.addf %mul3A_1536, %mul3A_1537 : vector<16xf32>
        %mul3A_1539 = arith.mulf %exp3A_1194, %exp3A_1284 : vector<16xf32>
        %add3A_1540 = arith.addf %add3A_1538, %mul3A_1539 : vector<16xf32>
        %mul3A_1541 = arith.mulf %exp3A_1199, %exp3A_1304 : vector<16xf32>
        %add3A_1542 = arith.addf %add3A_1540, %mul3A_1541 : vector<16xf32>
        %add3A_1543 = arith.constant 4 : i32
        %add3A_1544 = vector.broadcast %add3A_1543 : i32 to vector<16xi32>
        %add3A_1545 = arith.addi %add3A_1159, %add3A_1544 : vector<16xi32>
        %bitcast3A_1546 = vector.bitcast %add3A_1542 : vector<16xf32> to vector<16xi32>
        %shift_right_arithmetic3A_1547 = arith.constant 23 : i32
        %shift_right_arithmetic3A_1548 = vector.broadcast %shift_right_arithmetic3A_1547 : i32 to vector<16xi32>
        %shift_right_arithmetic3A_1549 = arith.shrsi %bitcast3A_1546, %shift_right_arithmetic3A_1548 : vector<16xi32>
        %sub3A_1550 = arith.constant 127 : i32
        %sub3A_1551 = vector.broadcast %sub3A_1550 : i32 to vector<16xi32>
        %sub3A_1552 = arith.subi %shift_right_arithmetic3A_1549, %sub3A_1551 : vector<16xi32>
        %convert_element_type3A_1553 = arith.sitofp %sub3A_1552 : vector<16xi32> to vector<16xf32>
        %and3A_1554 = arith.constant 8388607 : i32
        %and3A_1555 = vector.broadcast %and3A_1554 : i32 to vector<16xi32>
        %and3A_1556 = arith.andi %bitcast3A_1546, %and3A_1555 : vector<16xi32>
        %or3A_1557 = arith.constant 1065353216 : i32
        %or3A_1558 = vector.broadcast %or3A_1557 : i32 to vector<16xi32>
        %or3A_1559 = arith.ori %and3A_1556, %or3A_1558 : vector<16xi32>
        %bitcast3A_1560 = vector.bitcast %or3A_1559 : vector<16xi32> to vector<16xf32>
        %sub3A_1561 = arith.constant 1.000000e+00 : f32
        %sub3A_1562 = vector.broadcast %sub3A_1561 : f32 to vector<16xf32>
        %sub3A_1563 = arith.subf %bitcast3A_1560, %sub3A_1562 : vector<16xf32>
        %mul3A_1564 = arith.constant 0.0301026255 : f32
        %mul3A_1565 = vector.broadcast %mul3A_1564 : f32 to vector<16xf32>
        %mul3A_1566 = arith.mulf %mul3A_1565, %sub3A_1563 : vector<16xf32>
        %add3A_1567 = arith.constant -0.130119413 : f32
        %add3A_1568 = vector.broadcast %add3A_1567 : f32 to vector<16xf32>
        %add3A_1569 = arith.addf %mul3A_1566, %add3A_1568 : vector<16xf32>
        %mul3A_1570 = arith.mulf %add3A_1569, %sub3A_1563 : vector<16xf32>
        %add3A_1571 = arith.constant 0.283304334 : f32
        %add3A_1572 = vector.broadcast %add3A_1571 : f32 to vector<16xf32>
        %add3A_1573 = arith.addf %mul3A_1570, %add3A_1572 : vector<16xf32>
        %mul3A_1574 = arith.mulf %add3A_1573, %sub3A_1563 : vector<16xf32>
        %add3A_1575 = arith.constant -0.489156842 : f32
        %add3A_1576 = vector.broadcast %add3A_1575 : f32 to vector<16xf32>
        %add3A_1577 = arith.addf %mul3A_1574, %add3A_1576 : vector<16xf32>
        %mul3A_1578 = arith.mulf %add3A_1577, %sub3A_1563 : vector<16xf32>
        %add3A_1579 = arith.constant 0.999010443 : f32
        %add3A_1580 = vector.broadcast %add3A_1579 : f32 to vector<16xf32>
        %add3A_1581 = arith.addf %mul3A_1578, %add3A_1580 : vector<16xf32>
        %mul3A_1582 = arith.mulf %add3A_1581, %sub3A_1563 : vector<16xf32>
        %add3A_1583 = arith.constant 2.21170303E-5 : f32
        %add3A_1584 = vector.broadcast %add3A_1583 : f32 to vector<16xf32>
        %add3A_1585 = arith.addf %mul3A_1582, %add3A_1584 : vector<16xf32>
        %mul3A_1586 = arith.constant 0.693147182 : f32
        %mul3A_1587 = vector.broadcast %mul3A_1586 : f32 to vector<16xf32>
        %mul3A_1588 = arith.mulf %convert_element_type3A_1553, %mul3A_1587 : vector<16xf32>
        %add3A_1589 = arith.addf %mul3A_1588, %add3A_1585 : vector<16xf32>
        tpu.vector_store_idx %arg12[%add3A_1545], %add3A_1589 : memref<16384xf32, #tpu.memory_space<vmem>>[vector<16xi32>], vector<16xf32>,
        %mul3A_1590 = arith.mulf %exp3A_1184, %exp3A_1249 : vector<16xf32>
        %mul3A_1591 = arith.mulf %exp3A_1189, %exp3A_1269 : vector<16xf32>
        %add3A_1592 = arith.addf %mul3A_1590, %mul3A_1591 : vector<16xf32>
        %mul3A_1593 = arith.mulf %exp3A_1194, %exp3A_1289 : vector<16xf32>
        %add3A_1594 = arith.addf %add3A_1592, %mul3A_1593 : vector<16xf32>
        %mul3A_1595 = arith.mulf %exp3A_1199, %exp3A_1309 : vector<16xf32>
        %add3A_1596 = arith.addf %add3A_1594, %mul3A_1595 : vector<16xf32>
        %add3A_1597 = arith.constant 5 : i32
        %add3A_1598 = vector.broadcast %add3A_1597 : i32 to vector<16xi32>
        %add3A_1599 = arith.addi %add3A_1159, %add3A_1598 : vector<16xi32>
        %bitcast3A_1600 = vector.bitcast %add3A_1596 : vector<16xf32> to vector<16xi32>
        %shift_right_arithmetic3A_1601 = arith.constant 23 : i32
        %shift_right_arithmetic3A_1602 = vector.broadcast %shift_right_arithmetic3A_1601 : i32 to vector<16xi32>
        %shift_right_arithmetic3A_1603 = arith.shrsi %bitcast3A_1600, %shift_right_arithmetic3A_1602 : vector<16xi32>
        %sub3A_1604 = arith.constant 127 : i32
        %sub3A_1605 = vector.broadcast %sub3A_1604 : i32 to vector<16xi32>
        %sub3A_1606 = arith.subi %shift_right_arithmetic3A_1603, %sub3A_1605 : vector<16xi32>
        %convert_element_type3A_1607 = arith.sitofp %sub3A_1606 : vector<16xi32> to vector<16xf32>
        %and3A_1608 = arith.constant 8388607 : i32
        %and3A_1609 = vector.broadcast %and3A_1608 : i32 to vector<16xi32>
        %and3A_1610 = arith.andi %bitcast3A_1600, %and3A_1609 : vector<16xi32>
        %or3A_1611 = arith.constant 1065353216 : i32
        %or3A_1612 = vector.broadcast %or3A_1611 : i32 to vector<16xi32>
        %or3A_1613 = arith.ori %and3A_1610, %or3A_1612 : vector<16xi32>
        %bitcast3A_1614 = vector.bitcast %or3A_1613 : vector<16xi32> to vector<16xf32>
        %sub3A_1615 = arith.constant 1.000000e+00 : f32
        %sub3A_1616 = vector.broadcast %sub3A_1615 : f32 to vector<16xf32>
        %sub3A_1617 = arith.subf %bitcast3A_1614, %sub3A_1616 : vector<16xf32>
        %mul3A_1618 = arith.constant 0.0301026255 : f32
        %mul3A_1619 = vector.broadcast %mul3A_1618 : f32 to vector<16xf32>
        %mul3A_1620 = arith.mulf %mul3A_1619, %sub3A_1617 : vector<16xf32>
        %add3A_1621 = arith.constant -0.130119413 : f32
        %add3A_1622 = vector.broadcast %add3A_1621 : f32 to vector<16xf32>
        %add3A_1623 = arith.addf %mul3A_1620, %add3A_1622 : vector<16xf32>
        %mul3A_1624 = arith.mulf %add3A_1623, %sub3A_1617 : vector<16xf32>
        %add3A_1625 = arith.constant 0.283304334 : f32
        %add3A_1626 = vector.broadcast %add3A_1625 : f32 to vector<16xf32>
        %add3A_1627 = arith.addf %mul3A_1624, %add3A_1626 : vector<16xf32>
        %mul3A_1628 = arith.mulf %add3A_1627, %sub3A_1617 : vector<16xf32>
        %add3A_1629 = arith.constant -0.489156842 : f32
        %add3A_1630 = vector.broadcast %add3A_1629 : f32 to vector<16xf32>
        %add3A_1631 = arith.addf %mul3A_1628, %add3A_1630 : vector<16xf32>
        %mul3A_1632 = arith.mulf %add3A_1631, %sub3A_1617 : vector<16xf32>
        %add3A_1633 = arith.constant 0.999010443 : f32
        %add3A_1634 = vector.broadcast %add3A_1633 : f32 to vector<16xf32>
        %add3A_1635 = arith.addf %mul3A_1632, %add3A_1634 : vector<16xf32>
        %mul3A_1636 = arith.mulf %add3A_1635, %sub3A_1617 : vector<16xf32>
        %add3A_1637 = arith.constant 2.21170303E-5 : f32
        %add3A_1638 = vector.broadcast %add3A_1637 : f32 to vector<16xf32>
        %add3A_1639 = arith.addf %mul3A_1636, %add3A_1638 : vector<16xf32>
        %mul3A_1640 = arith.constant 0.693147182 : f32
        %mul3A_1641 = vector.broadcast %mul3A_1640 : f32 to vector<16xf32>
        %mul3A_1642 = arith.mulf %convert_element_type3A_1607, %mul3A_1641 : vector<16xf32>
        %add3A_1643 = arith.addf %mul3A_1642, %add3A_1639 : vector<16xf32>
        tpu.vector_store_idx %arg12[%add3A_1599], %add3A_1643 : memref<16384xf32, #tpu.memory_space<vmem>>[vector<16xi32>], vector<16xf32>,
        %mul3A_1644 = arith.mulf %exp3A_1184, %exp3A_1254 : vector<16xf32>
        %mul3A_1645 = arith.mulf %exp3A_1189, %exp3A_1274 : vector<16xf32>
        %add3A_1646 = arith.addf %mul3A_1644, %mul3A_1645 : vector<16xf32>
        %mul3A_1647 = arith.mulf %exp3A_1194, %exp3A_1294 : vector<16xf32>
        %add3A_1648 = arith.addf %add3A_1646, %mul3A_1647 : vector<16xf32>
        %mul3A_1649 = arith.mulf %exp3A_1199, %exp3A_1314 : vector<16xf32>
        %add3A_1650 = arith.addf %add3A_1648, %mul3A_1649 : vector<16xf32>
        %add3A_1651 = arith.constant 6 : i32
        %add3A_1652 = vector.broadcast %add3A_1651 : i32 to vector<16xi32>
        %add3A_1653 = arith.addi %add3A_1159, %add3A_1652 : vector<16xi32>
        %bitcast3A_1654 = vector.bitcast %add3A_1650 : vector<16xf32> to vector<16xi32>
        %shift_right_arithmetic3A_1655 = arith.constant 23 : i32
        %shift_right_arithmetic3A_1656 = vector.broadcast %shift_right_arithmetic3A_1655 : i32 to vector<16xi32>
        %shift_right_arithmetic3A_1657 = arith.shrsi %bitcast3A_1654, %shift_right_arithmetic3A_1656 : vector<16xi32>
        %sub3A_1658 = arith.constant 127 : i32
        %sub3A_1659 = vector.broadcast %sub3A_1658 : i32 to vector<16xi32>
        %sub3A_1660 = arith.subi %shift_right_arithmetic3A_1657, %sub3A_1659 : vector<16xi32>
        %convert_element_type3A_1661 = arith.sitofp %sub3A_1660 : vector<16xi32> to vector<16xf32>
        %and3A_1662 = arith.constant 8388607 : i32
        %and3A_1663 = vector.broadcast %and3A_1662 : i32 to vector<16xi32>
        %and3A_1664 = arith.andi %bitcast3A_1654, %and3A_1663 : vector<16xi32>
        %or3A_1665 = arith.constant 1065353216 : i32
        %or3A_1666 = vector.broadcast %or3A_1665 : i32 to vector<16xi32>
        %or3A_1667 = arith.ori %and3A_1664, %or3A_1666 : vector<16xi32>
        %bitcast3A_1668 = vector.bitcast %or3A_1667 : vector<16xi32> to vector<16xf32>
        %sub3A_1669 = arith.constant 1.000000e+00 : f32
        %sub3A_1670 = vector.broadcast %sub3A_1669 : f32 to vector<16xf32>
        %sub3A_1671 = arith.subf %bitcast3A_1668, %sub3A_1670 : vector<16xf32>
        %mul3A_1672 = arith.constant 0.0301026255 : f32
        %mul3A_1673 = vector.broadcast %mul3A_1672 : f32 to vector<16xf32>
        %mul3A_1674 = arith.mulf %mul3A_1673, %sub3A_1671 : vector<16xf32>
        %add3A_1675 = arith.constant -0.130119413 : f32
        %add3A_1676 = vector.broadcast %add3A_1675 : f32 to vector<16xf32>
        %add3A_1677 = arith.addf %mul3A_1674, %add3A_1676 : vector<16xf32>
        %mul3A_1678 = arith.mulf %add3A_1677, %sub3A_1671 : vector<16xf32>
        %add3A_1679 = arith.constant 0.283304334 : f32
        %add3A_1680 = vector.broadcast %add3A_1679 : f32 to vector<16xf32>
        %add3A_1681 = arith.addf %mul3A_1678, %add3A_1680 : vector<16xf32>
        %mul3A_1682 = arith.mulf %add3A_1681, %sub3A_1671 : vector<16xf32>
        %add3A_1683 = arith.constant -0.489156842 : f32
        %add3A_1684 = vector.broadcast %add3A_1683 : f32 to vector<16xf32>
        %add3A_1685 = arith.addf %mul3A_1682, %add3A_1684 : vector<16xf32>
        %mul3A_1686 = arith.mulf %add3A_1685, %sub3A_1671 : vector<16xf32>
        %add3A_1687 = arith.constant 0.999010443 : f32
        %add3A_1688 = vector.broadcast %add3A_1687 : f32 to vector<16xf32>
        %add3A_1689 = arith.addf %mul3A_1686, %add3A_1688 : vector<16xf32>
        %mul3A_1690 = arith.mulf %add3A_1689, %sub3A_1671 : vector<16xf32>
        %add3A_1691 = arith.constant 2.21170303E-5 : f32
        %add3A_1692 = vector.broadcast %add3A_1691 : f32 to vector<16xf32>
        %add3A_1693 = arith.addf %mul3A_1690, %add3A_1692 : vector<16xf32>
        %mul3A_1694 = arith.constant 0.693147182 : f32
        %mul3A_1695 = vector.broadcast %mul3A_1694 : f32 to vector<16xf32>
        %mul3A_1696 = arith.mulf %convert_element_type3A_1661, %mul3A_1695 : vector<16xf32>
        %add3A_1697 = arith.addf %mul3A_1696, %add3A_1693 : vector<16xf32>
        tpu.vector_store_idx %arg12[%add3A_1653], %add3A_1697 : memref<16384xf32, #tpu.memory_space<vmem>>[vector<16xi32>], vector<16xf32>,
        %mul3A_1698 = arith.mulf %exp3A_1184, %exp3A_1259 : vector<16xf32>
        %mul3A_1699 = arith.mulf %exp3A_1189, %exp3A_1279 : vector<16xf32>
        %add3A_1700 = arith.addf %mul3A_1698, %mul3A_1699 : vector<16xf32>
        %mul3A_1701 = arith.mulf %exp3A_1194, %exp3A_1299 : vector<16xf32>
        %add3A_1702 = arith.addf %add3A_1700, %mul3A_1701 : vector<16xf32>
        %mul3A_1703 = arith.mulf %exp3A_1199, %exp3A_1319 : vector<16xf32>
        %add3A_1704 = arith.addf %add3A_1702, %mul3A_1703 : vector<16xf32>
        %add3A_1705 = arith.constant 7 : i32
        %add3A_1706 = vector.broadcast %add3A_1705 : i32 to vector<16xi32>
        %add3A_1707 = arith.addi %add3A_1159, %add3A_1706 : vector<16xi32>
        %bitcast3A_1708 = vector.bitcast %add3A_1704 : vector<16xf32> to vector<16xi32>
        %shift_right_arithmetic3A_1709 = arith.constant 23 : i32
        %shift_right_arithmetic3A_1710 = vector.broadcast %shift_right_arithmetic3A_1709 : i32 to vector<16xi32>
        %shift_right_arithmetic3A_1711 = arith.shrsi %bitcast3A_1708, %shift_right_arithmetic3A_1710 : vector<16xi32>
        %sub3A_1712 = arith.constant 127 : i32
        %sub3A_1713 = vector.broadcast %sub3A_1712 : i32 to vector<16xi32>
        %sub3A_1714 = arith.subi %shift_right_arithmetic3A_1711, %sub3A_1713 : vector<16xi32>
        %convert_element_type3A_1715 = arith.sitofp %sub3A_1714 : vector<16xi32> to vector<16xf32>
        %and3A_1716 = arith.constant 8388607 : i32
        %and3A_1717 = vector.broadcast %and3A_1716 : i32 to vector<16xi32>
        %and3A_1718 = arith.andi %bitcast3A_1708, %and3A_1717 : vector<16xi32>
        %or3A_1719 = arith.constant 1065353216 : i32
        %or3A_1720 = vector.broadcast %or3A_1719 : i32 to vector<16xi32>
        %or3A_1721 = arith.ori %and3A_1718, %or3A_1720 : vector<16xi32>
        %bitcast3A_1722 = vector.bitcast %or3A_1721 : vector<16xi32> to vector<16xf32>
        %sub3A_1723 = arith.constant 1.000000e+00 : f32
        %sub3A_1724 = vector.broadcast %sub3A_1723 : f32 to vector<16xf32>
        %sub3A_1725 = arith.subf %bitcast3A_1722, %sub3A_1724 : vector<16xf32>
        %mul3A_1726 = arith.constant 0.0301026255 : f32
        %mul3A_1727 = vector.broadcast %mul3A_1726 : f32 to vector<16xf32>
        %mul3A_1728 = arith.mulf %mul3A_1727, %sub3A_1725 : vector<16xf32>
        %add3A_1729 = arith.constant -0.130119413 : f32
        %add3A_1730 = vector.broadcast %add3A_1729 : f32 to vector<16xf32>
        %add3A_1731 = arith.addf %mul3A_1728, %add3A_1730 : vector<16xf32>
        %mul3A_1732 = arith.mulf %add3A_1731, %sub3A_1725 : vector<16xf32>
        %add3A_1733 = arith.constant 0.283304334 : f32
        %add3A_1734 = vector.broadcast %add3A_1733 : f32 to vector<16xf32>
        %add3A_1735 = arith.addf %mul3A_1732, %add3A_1734 : vector<16xf32>
        %mul3A_1736 = arith.mulf %add3A_1735, %sub3A_1725 : vector<16xf32>
        %add3A_1737 = arith.constant -0.489156842 : f32
        %add3A_1738 = vector.broadcast %add3A_1737 : f32 to vector<16xf32>
        %add3A_1739 = arith.addf %mul3A_1736, %add3A_1738 : vector<16xf32>
        %mul3A_1740 = arith.mulf %add3A_1739, %sub3A_1725 : vector<16xf32>
        %add3A_1741 = arith.constant 0.999010443 : f32
        %add3A_1742 = vector.broadcast %add3A_1741 : f32 to vector<16xf32>
        %add3A_1743 = arith.addf %mul3A_1740, %add3A_1742 : vector<16xf32>
        %mul3A_1744 = arith.mulf %add3A_1743, %sub3A_1725 : vector<16xf32>
        %add3A_1745 = arith.constant 2.21170303E-5 : f32
        %add3A_1746 = vector.broadcast %add3A_1745 : f32 to vector<16xf32>
        %add3A_1747 = arith.addf %mul3A_1744, %add3A_1746 : vector<16xf32>
        %mul3A_1748 = arith.constant 0.693147182 : f32
        %mul3A_1749 = vector.broadcast %mul3A_1748 : f32 to vector<16xf32>
        %mul3A_1750 = arith.mulf %convert_element_type3A_1715, %mul3A_1749 : vector<16xf32>
        %add3A_1751 = arith.addf %mul3A_1750, %add3A_1747 : vector<16xf32>
        tpu.vector_store_idx %arg12[%add3A_1707], %add3A_1751 : memref<16384xf32, #tpu.memory_space<vmem>>[vector<16xi32>], vector<16xf32>,
        %mul3A_1752 = arith.mulf %exp3A_1204, %exp3A_1244 : vector<16xf32>
        %mul3A_1753 = arith.mulf %exp3A_1209, %exp3A_1264 : vector<16xf32>
        %add3A_1754 = arith.addf %mul3A_1752, %mul3A_1753 : vector<16xf32>
        %mul3A_1755 = arith.mulf %exp3A_1214, %exp3A_1284 : vector<16xf32>
        %add3A_1756 = arith.addf %add3A_1754, %mul3A_1755 : vector<16xf32>
        %mul3A_1757 = arith.mulf %exp3A_1219, %exp3A_1304 : vector<16xf32>
        %add3A_1758 = arith.addf %add3A_1756, %mul3A_1757 : vector<16xf32>
        %add3A_1759 = arith.constant 8 : i32
        %add3A_1760 = vector.broadcast %add3A_1759 : i32 to vector<16xi32>
        %add3A_1761 = arith.addi %add3A_1159, %add3A_1760 : vector<16xi32>
        %bitcast3A_1762 = vector.bitcast %add3A_1758 : vector<16xf32> to vector<16xi32>
        %shift_right_arithmetic3A_1763 = arith.constant 23 : i32
        %shift_right_arithmetic3A_1764 = vector.broadcast %shift_right_arithmetic3A_1763 : i32 to vector<16xi32>
        %shift_right_arithmetic3A_1765 = arith.shrsi %bitcast3A_1762, %shift_right_arithmetic3A_1764 : vector<16xi32>
        %sub3A_1766 = arith.constant 127 : i32
        %sub3A_1767 = vector.broadcast %sub3A_1766 : i32 to vector<16xi32>
        %sub3A_1768 = arith.subi %shift_right_arithmetic3A_1765, %sub3A_1767 : vector<16xi32>
        %convert_element_type3A_1769 = arith.sitofp %sub3A_1768 : vector<16xi32> to vector<16xf32>
        %and3A_1770 = arith.constant 8388607 : i32
        %and3A_1771 = vector.broadcast %and3A_1770 : i32 to vector<16xi32>
        %and3A_1772 = arith.andi %bitcast3A_1762, %and3A_1771 : vector<16xi32>
        %or3A_1773 = arith.constant 1065353216 : i32
        %or3A_1774 = vector.broadcast %or3A_1773 : i32 to vector<16xi32>
        %or3A_1775 = arith.ori %and3A_1772, %or3A_1774 : vector<16xi32>
        %bitcast3A_1776 = vector.bitcast %or3A_1775 : vector<16xi32> to vector<16xf32>
        %sub3A_1777 = arith.constant 1.000000e+00 : f32
        %sub3A_1778 = vector.broadcast %sub3A_1777 : f32 to vector<16xf32>
        %sub3A_1779 = arith.subf %bitcast3A_1776, %sub3A_1778 : vector<16xf32>
        %mul3A_1780 = arith.constant 0.0301026255 : f32
        %mul3A_1781 = vector.broadcast %mul3A_1780 : f32 to vector<16xf32>
        %mul3A_1782 = arith.mulf %mul3A_1781, %sub3A_1779 : vector<16xf32>
        %add3A_1783 = arith.constant -0.130119413 : f32
        %add3A_1784 = vector.broadcast %add3A_1783 : f32 to vector<16xf32>
        %add3A_1785 = arith.addf %mul3A_1782, %add3A_1784 : vector<16xf32>
        %mul3A_1786 = arith.mulf %add3A_1785, %sub3A_1779 : vector<16xf32>
        %add3A_1787 = arith.constant 0.283304334 : f32
        %add3A_1788 = vector.broadcast %add3A_1787 : f32 to vector<16xf32>
        %add3A_1789 = arith.addf %mul3A_1786, %add3A_1788 : vector<16xf32>
        %mul3A_1790 = arith.mulf %add3A_1789, %sub3A_1779 : vector<16xf32>
        %add3A_1791 = arith.constant -0.489156842 : f32
        %add3A_1792 = vector.broadcast %add3A_1791 : f32 to vector<16xf32>
        %add3A_1793 = arith.addf %mul3A_1790, %add3A_1792 : vector<16xf32>
        %mul3A_1794 = arith.mulf %add3A_1793, %sub3A_1779 : vector<16xf32>
        %add3A_1795 = arith.constant 0.999010443 : f32
        %add3A_1796 = vector.broadcast %add3A_1795 : f32 to vector<16xf32>
        %add3A_1797 = arith.addf %mul3A_1794, %add3A_1796 : vector<16xf32>
        %mul3A_1798 = arith.mulf %add3A_1797, %sub3A_1779 : vector<16xf32>
        %add3A_1799 = arith.constant 2.21170303E-5 : f32
        %add3A_1800 = vector.broadcast %add3A_1799 : f32 to vector<16xf32>
        %add3A_1801 = arith.addf %mul3A_1798, %add3A_1800 : vector<16xf32>
        %mul3A_1802 = arith.constant 0.693147182 : f32
        %mul3A_1803 = vector.broadcast %mul3A_1802 : f32 to vector<16xf32>
        %mul3A_1804 = arith.mulf %convert_element_type3A_1769, %mul3A_1803 : vector<16xf32>
        %add3A_1805 = arith.addf %mul3A_1804, %add3A_1801 : vector<16xf32>
        tpu.vector_store_idx %arg12[%add3A_1761], %add3A_1805 : memref<16384xf32, #tpu.memory_space<vmem>>[vector<16xi32>], vector<16xf32>,
        %mul3A_1806 = arith.mulf %exp3A_1204, %exp3A_1249 : vector<16xf32>
        %mul3A_1807 = arith.mulf %exp3A_1209, %exp3A_1269 : vector<16xf32>
        %add3A_1808 = arith.addf %mul3A_1806, %mul3A_1807 : vector<16xf32>
        %mul3A_1809 = arith.mulf %exp3A_1214, %exp3A_1289 : vector<16xf32>
        %add3A_1810 = arith.addf %add3A_1808, %mul3A_1809 : vector<16xf32>
        %mul3A_1811 = arith.mulf %exp3A_1219, %exp3A_1309 : vector<16xf32>
        %add3A_1812 = arith.addf %add3A_1810, %mul3A_1811 : vector<16xf32>
        %add3A_1813 = arith.constant 9 : i32
        %add3A_1814 = vector.broadcast %add3A_1813 : i32 to vector<16xi32>
        %add3A_1815 = arith.addi %add3A_1159, %add3A_1814 : vector<16xi32>
        %bitcast3A_1816 = vector.bitcast %add3A_1812 : vector<16xf32> to vector<16xi32>
        %shift_right_arithmetic3A_1817 = arith.constant 23 : i32
        %shift_right_arithmetic3A_1818 = vector.broadcast %shift_right_arithmetic3A_1817 : i32 to vector<16xi32>
        %shift_right_arithmetic3A_1819 = arith.shrsi %bitcast3A_1816, %shift_right_arithmetic3A_1818 : vector<16xi32>
        %sub3A_1820 = arith.constant 127 : i32
        %sub3A_1821 = vector.broadcast %sub3A_1820 : i32 to vector<16xi32>
        %sub3A_1822 = arith.subi %shift_right_arithmetic3A_1819, %sub3A_1821 : vector<16xi32>
        %convert_element_type3A_1823 = arith.sitofp %sub3A_1822 : vector<16xi32> to vector<16xf32>
        %and3A_1824 = arith.constant 8388607 : i32
        %and3A_1825 = vector.broadcast %and3A_1824 : i32 to vector<16xi32>
        %and3A_1826 = arith.andi %bitcast3A_1816, %and3A_1825 : vector<16xi32>
        %or3A_1827 = arith.constant 1065353216 : i32
        %or3A_1828 = vector.broadcast %or3A_1827 : i32 to vector<16xi32>
        %or3A_1829 = arith.ori %and3A_1826, %or3A_1828 : vector<16xi32>
        %bitcast3A_1830 = vector.bitcast %or3A_1829 : vector<16xi32> to vector<16xf32>
        %sub3A_1831 = arith.constant 1.000000e+00 : f32
        %sub3A_1832 = vector.broadcast %sub3A_1831 : f32 to vector<16xf32>
        %sub3A_1833 = arith.subf %bitcast3A_1830, %sub3A_1832 : vector<16xf32>
        %mul3A_1834 = arith.constant 0.0301026255 : f32
        %mul3A_1835 = vector.broadcast %mul3A_1834 : f32 to vector<16xf32>
        %mul3A_1836 = arith.mulf %mul3A_1835, %sub3A_1833 : vector<16xf32>
        %add3A_1837 = arith.constant -0.130119413 : f32
        %add3A_1838 = vector.broadcast %add3A_1837 : f32 to vector<16xf32>
        %add3A_1839 = arith.addf %mul3A_1836, %add3A_1838 : vector<16xf32>
        %mul3A_1840 = arith.mulf %add3A_1839, %sub3A_1833 : vector<16xf32>
        %add3A_1841 = arith.constant 0.283304334 : f32
        %add3A_1842 = vector.broadcast %add3A_1841 : f32 to vector<16xf32>
        %add3A_1843 = arith.addf %mul3A_1840, %add3A_1842 : vector<16xf32>
        %mul3A_1844 = arith.mulf %add3A_1843, %sub3A_1833 : vector<16xf32>
        %add3A_1845 = arith.constant -0.489156842 : f32
        %add3A_1846 = vector.broadcast %add3A_1845 : f32 to vector<16xf32>
        %add3A_1847 = arith.addf %mul3A_1844, %add3A_1846 : vector<16xf32>
        %mul3A_1848 = arith.mulf %add3A_1847, %sub3A_1833 : vector<16xf32>
        %add3A_1849 = arith.constant 0.999010443 : f32
        %add3A_1850 = vector.broadcast %add3A_1849 : f32 to vector<16xf32>
        %add3A_1851 = arith.addf %mul3A_1848, %add3A_1850 : vector<16xf32>
        %mul3A_1852 = arith.mulf %add3A_1851, %sub3A_1833 : vector<16xf32>
        %add3A_1853 = arith.constant 2.21170303E-5 : f32
        %add3A_1854 = vector.broadcast %add3A_1853 : f32 to vector<16xf32>
        %add3A_1855 = arith.addf %mul3A_1852, %add3A_1854 : vector<16xf32>
        %mul3A_1856 = arith.constant 0.693147182 : f32
        %mul3A_1857 = vector.broadcast %mul3A_1856 : f32 to vector<16xf32>
        %mul3A_1858 = arith.mulf %convert_element_type3A_1823, %mul3A_1857 : vector<16xf32>
        %add3A_1859 = arith.addf %mul3A_1858, %add3A_1855 : vector<16xf32>
        tpu.vector_store_idx %arg12[%add3A_1815], %add3A_1859 : memref<16384xf32, #tpu.memory_space<vmem>>[vector<16xi32>], vector<16xf32>,
        %mul3A_1860 = arith.mulf %exp3A_1204, %exp3A_1254 : vector<16xf32>
        %mul3A_1861 = arith.mulf %exp3A_1209, %exp3A_1274 : vector<16xf32>
        %add3A_1862 = arith.addf %mul3A_1860, %mul3A_1861 : vector<16xf32>
        %mul3A_1863 = arith.mulf %exp3A_1214, %exp3A_1294 : vector<16xf32>
        %add3A_1864 = arith.addf %add3A_1862, %mul3A_1863 : vector<16xf32>
        %mul3A_1865 = arith.mulf %exp3A_1219, %exp3A_1314 : vector<16xf32>
        %add3A_1866 = arith.addf %add3A_1864, %mul3A_1865 : vector<16xf32>
        %add3A_1867 = arith.constant 10 : i32
        %add3A_1868 = vector.broadcast %add3A_1867 : i32 to vector<16xi32>
        %add3A_1869 = arith.addi %add3A_1159, %add3A_1868 : vector<16xi32>
        %bitcast3A_1870 = vector.bitcast %add3A_1866 : vector<16xf32> to vector<16xi32>
        %shift_right_arithmetic3A_1871 = arith.constant 23 : i32
        %shift_right_arithmetic3A_1872 = vector.broadcast %shift_right_arithmetic3A_1871 : i32 to vector<16xi32>
        %shift_right_arithmetic3A_1873 = arith.shrsi %bitcast3A_1870, %shift_right_arithmetic3A_1872 : vector<16xi32>
        %sub3A_1874 = arith.constant 127 : i32
        %sub3A_1875 = vector.broadcast %sub3A_1874 : i32 to vector<16xi32>
        %sub3A_1876 = arith.subi %shift_right_arithmetic3A_1873, %sub3A_1875 : vector<16xi32>
        %convert_element_type3A_1877 = arith.sitofp %sub3A_1876 : vector<16xi32> to vector<16xf32>
        %and3A_1878 = arith.constant 8388607 : i32
        %and3A_1879 = vector.broadcast %and3A_1878 : i32 to vector<16xi32>
        %and3A_1880 = arith.andi %bitcast3A_1870, %and3A_1879 : vector<16xi32>
        %or3A_1881 = arith.constant 1065353216 : i32
        %or3A_1882 = vector.broadcast %or3A_1881 : i32 to vector<16xi32>
        %or3A_1883 = arith.ori %and3A_1880, %or3A_1882 : vector<16xi32>
        %bitcast3A_1884 = vector.bitcast %or3A_1883 : vector<16xi32> to vector<16xf32>
        %sub3A_1885 = arith.constant 1.000000e+00 : f32
        %sub3A_1886 = vector.broadcast %sub3A_1885 : f32 to vector<16xf32>
        %sub3A_1887 = arith.subf %bitcast3A_1884, %sub3A_1886 : vector<16xf32>
        %mul3A_1888 = arith.constant 0.0301026255 : f32
        %mul3A_1889 = vector.broadcast %mul3A_1888 : f32 to vector<16xf32>
        %mul3A_1890 = arith.mulf %mul3A_1889, %sub3A_1887 : vector<16xf32>
        %add3A_1891 = arith.constant -0.130119413 : f32
        %add3A_1892 = vector.broadcast %add3A_1891 : f32 to vector<16xf32>
        %add3A_1893 = arith.addf %mul3A_1890, %add3A_1892 : vector<16xf32>
        %mul3A_1894 = arith.mulf %add3A_1893, %sub3A_1887 : vector<16xf32>
        %add3A_1895 = arith.constant 0.283304334 : f32
        %add3A_1896 = vector.broadcast %add3A_1895 : f32 to vector<16xf32>
        %add3A_1897 = arith.addf %mul3A_1894, %add3A_1896 : vector<16xf32>
        %mul3A_1898 = arith.mulf %add3A_1897, %sub3A_1887 : vector<16xf32>
        %add3A_1899 = arith.constant -0.489156842 : f32
        %add3A_1900 = vector.broadcast %add3A_1899 : f32 to vector<16xf32>
        %add3A_1901 = arith.addf %mul3A_1898, %add3A_1900 : vector<16xf32>
        %mul3A_1902 = arith.mulf %add3A_1901, %sub3A_1887 : vector<16xf32>
        %add3A_1903 = arith.constant 0.999010443 : f32
        %add3A_1904 = vector.broadcast %add3A_1903 : f32 to vector<16xf32>
        %add3A_1905 = arith.addf %mul3A_1902, %add3A_1904 : vector<16xf32>
        %mul3A_1906 = arith.mulf %add3A_1905, %sub3A_1887 : vector<16xf32>
        %add3A_1907 = arith.constant 2.21170303E-5 : f32
        %add3A_1908 = vector.broadcast %add3A_1907 : f32 to vector<16xf32>
        %add3A_1909 = arith.addf %mul3A_1906, %add3A_1908 : vector<16xf32>
        %mul3A_1910 = arith.constant 0.693147182 : f32
        %mul3A_1911 = vector.broadcast %mul3A_1910 : f32 to vector<16xf32>
        %mul3A_1912 = arith.mulf %convert_element_type3A_1877, %mul3A_1911 : vector<16xf32>
        %add3A_1913 = arith.addf %mul3A_1912, %add3A_1909 : vector<16xf32>
        tpu.vector_store_idx %arg12[%add3A_1869], %add3A_1913 : memref<16384xf32, #tpu.memory_space<vmem>>[vector<16xi32>], vector<16xf32>,
        %mul3A_1914 = arith.mulf %exp3A_1204, %exp3A_1259 : vector<16xf32>
        %mul3A_1915 = arith.mulf %exp3A_1209, %exp3A_1279 : vector<16xf32>
        %add3A_1916 = arith.addf %mul3A_1914, %mul3A_1915 : vector<16xf32>
        %mul3A_1917 = arith.mulf %exp3A_1214, %exp3A_1299 : vector<16xf32>
        %add3A_1918 = arith.addf %add3A_1916, %mul3A_1917 : vector<16xf32>
        %mul3A_1919 = arith.mulf %exp3A_1219, %exp3A_1319 : vector<16xf32>
        %add3A_1920 = arith.addf %add3A_1918, %mul3A_1919 : vector<16xf32>
        %add3A_1921 = arith.constant 11 : i32
        %add3A_1922 = vector.broadcast %add3A_1921 : i32 to vector<16xi32>
        %add3A_1923 = arith.addi %add3A_1159, %add3A_1922 : vector<16xi32>
        %bitcast3A_1924 = vector.bitcast %add3A_1920 : vector<16xf32> to vector<16xi32>
        %shift_right_arithmetic3A_1925 = arith.constant 23 : i32
        %shift_right_arithmetic3A_1926 = vector.broadcast %shift_right_arithmetic3A_1925 : i32 to vector<16xi32>
        %shift_right_arithmetic3A_1927 = arith.shrsi %bitcast3A_1924, %shift_right_arithmetic3A_1926 : vector<16xi32>
        %sub3A_1928 = arith.constant 127 : i32
        %sub3A_1929 = vector.broadcast %sub3A_1928 : i32 to vector<16xi32>
        %sub3A_1930 = arith.subi %shift_right_arithmetic3A_1927, %sub3A_1929 : vector<16xi32>
        %convert_element_type3A_1931 = arith.sitofp %sub3A_1930 : vector<16xi32> to vector<16xf32>
        %and3A_1932 = arith.constant 8388607 : i32
        %and3A_1933 = vector.broadcast %and3A_1932 : i32 to vector<16xi32>
        %and3A_1934 = arith.andi %bitcast3A_1924, %and3A_1933 : vector<16xi32>
        %or3A_1935 = arith.constant 1065353216 : i32
        %or3A_1936 = vector.broadcast %or3A_1935 : i32 to vector<16xi32>
        %or3A_1937 = arith.ori %and3A_1934, %or3A_1936 : vector<16xi32>
        %bitcast3A_1938 = vector.bitcast %or3A_1937 : vector<16xi32> to vector<16xf32>
        %sub3A_1939 = arith.constant 1.000000e+00 : f32
        %sub3A_1940 = vector.broadcast %sub3A_1939 : f32 to vector<16xf32>
        %sub3A_1941 = arith.subf %bitcast3A_1938, %sub3A_1940 : vector<16xf32>
        %mul3A_1942 = arith.constant 0.0301026255 : f32
        %mul3A_1943 = vector.broadcast %mul3A_1942 : f32 to vector<16xf32>
        %mul3A_1944 = arith.mulf %mul3A_1943, %sub3A_1941 : vector<16xf32>
        %add3A_1945 = arith.constant -0.130119413 : f32
        %add3A_1946 = vector.broadcast %add3A_1945 : f32 to vector<16xf32>
        %add3A_1947 = arith.addf %mul3A_1944, %add3A_1946 : vector<16xf32>
        %mul3A_1948 = arith.mulf %add3A_1947, %sub3A_1941 : vector<16xf32>
        %add3A_1949 = arith.constant 0.283304334 : f32
        %add3A_1950 = vector.broadcast %add3A_1949 : f32 to vector<16xf32>
        %add3A_1951 = arith.addf %mul3A_1948, %add3A_1950 : vector<16xf32>
        %mul3A_1952 = arith.mulf %add3A_1951, %sub3A_1941 : vector<16xf32>
        %add3A_1953 = arith.constant -0.489156842 : f32
        %add3A_1954 = vector.broadcast %add3A_1953 : f32 to vector<16xf32>
        %add3A_1955 = arith.addf %mul3A_1952, %add3A_1954 : vector<16xf32>
        %mul3A_1956 = arith.mulf %add3A_1955, %sub3A_1941 : vector<16xf32>
        %add3A_1957 = arith.constant 0.999010443 : f32
        %add3A_1958 = vector.broadcast %add3A_1957 : f32 to vector<16xf32>
        %add3A_1959 = arith.addf %mul3A_1956, %add3A_1958 : vector<16xf32>
        %mul3A_1960 = arith.mulf %add3A_1959, %sub3A_1941 : vector<16xf32>
        %add3A_1961 = arith.constant 2.21170303E-5 : f32
        %add3A_1962 = vector.broadcast %add3A_1961 : f32 to vector<16xf32>
        %add3A_1963 = arith.addf %mul3A_1960, %add3A_1962 : vector<16xf32>
        %mul3A_1964 = arith.constant 0.693147182 : f32
        %mul3A_1965 = vector.broadcast %mul3A_1964 : f32 to vector<16xf32>
        %mul3A_1966 = arith.mulf %convert_element_type3A_1931, %mul3A_1965 : vector<16xf32>
        %add3A_1967 = arith.addf %mul3A_1966, %add3A_1963 : vector<16xf32>
        tpu.vector_store_idx %arg12[%add3A_1923], %add3A_1967 : memref<16384xf32, #tpu.memory_space<vmem>>[vector<16xi32>], vector<16xf32>,
        %mul3A_1968 = arith.mulf %exp3A_1224, %exp3A_1244 : vector<16xf32>
        %mul3A_1969 = arith.mulf %exp3A_1229, %exp3A_1264 : vector<16xf32>
        %add3A_1970 = arith.addf %mul3A_1968, %mul3A_1969 : vector<16xf32>
        %mul3A_1971 = arith.mulf %exp3A_1234, %exp3A_1284 : vector<16xf32>
        %add3A_1972 = arith.addf %add3A_1970, %mul3A_1971 : vector<16xf32>
        %mul3A_1973 = arith.mulf %exp3A_1239, %exp3A_1304 : vector<16xf32>
        %add3A_1974 = arith.addf %add3A_1972, %mul3A_1973 : vector<16xf32>
        %add3A_1975 = arith.constant 12 : i32
        %add3A_1976 = vector.broadcast %add3A_1975 : i32 to vector<16xi32>
        %add3A_1977 = arith.addi %add3A_1159, %add3A_1976 : vector<16xi32>
        %bitcast3A_1978 = vector.bitcast %add3A_1974 : vector<16xf32> to vector<16xi32>
        %shift_right_arithmetic3A_1979 = arith.constant 23 : i32
        %shift_right_arithmetic3A_1980 = vector.broadcast %shift_right_arithmetic3A_1979 : i32 to vector<16xi32>
        %shift_right_arithmetic3A_1981 = arith.shrsi %bitcast3A_1978, %shift_right_arithmetic3A_1980 : vector<16xi32>
        %sub3A_1982 = arith.constant 127 : i32
        %sub3A_1983 = vector.broadcast %sub3A_1982 : i32 to vector<16xi32>
        %sub3A_1984 = arith.subi %shift_right_arithmetic3A_1981, %sub3A_1983 : vector<16xi32>
        %convert_element_type3A_1985 = arith.sitofp %sub3A_1984 : vector<16xi32> to vector<16xf32>
        %and3A_1986 = arith.constant 8388607 : i32
        %and3A_1987 = vector.broadcast %and3A_1986 : i32 to vector<16xi32>
        %and3A_1988 = arith.andi %bitcast3A_1978, %and3A_1987 : vector<16xi32>
        %or3A_1989 = arith.constant 1065353216 : i32
        %or3A_1990 = vector.broadcast %or3A_1989 : i32 to vector<16xi32>
        %or3A_1991 = arith.ori %and3A_1988, %or3A_1990 : vector<16xi32>
        %bitcast3A_1992 = vector.bitcast %or3A_1991 : vector<16xi32> to vector<16xf32>
        %sub3A_1993 = arith.constant 1.000000e+00 : f32
        %sub3A_1994 = vector.broadcast %sub3A_1993 : f32 to vector<16xf32>
        %sub3A_1995 = arith.subf %bitcast3A_1992, %sub3A_1994 : vector<16xf32>
        %mul3A_1996 = arith.constant 0.0301026255 : f32
        %mul3A_1997 = vector.broadcast %mul3A_1996 : f32 to vector<16xf32>
        %mul3A_1998 = arith.mulf %mul3A_1997, %sub3A_1995 : vector<16xf32>
        %add3A_1999 = arith.constant -0.130119413 : f32
        %add3A_2000 = vector.broadcast %add3A_1999 : f32 to vector<16xf32>
        %add3A_2001 = arith.addf %mul3A_1998, %add3A_2000 : vector<16xf32>
        %mul3A_2002 = arith.mulf %add3A_2001, %sub3A_1995 : vector<16xf32>
        %add3A_2003 = arith.constant 0.283304334 : f32
        %add3A_2004 = vector.broadcast %add3A_2003 : f32 to vector<16xf32>
        %add3A_2005 = arith.addf %mul3A_2002, %add3A_2004 : vector<16xf32>
        %mul3A_2006 = arith.mulf %add3A_2005, %sub3A_1995 : vector<16xf32>
        %add3A_2007 = arith.constant -0.489156842 : f32
        %add3A_2008 = vector.broadcast %add3A_2007 : f32 to vector<16xf32>
        %add3A_2009 = arith.addf %mul3A_2006, %add3A_2008 : vector<16xf32>
        %mul3A_2010 = arith.mulf %add3A_2009, %sub3A_1995 : vector<16xf32>
        %add3A_2011 = arith.constant 0.999010443 : f32
        %add3A_2012 = vector.broadcast %add3A_2011 : f32 to vector<16xf32>
        %add3A_2013 = arith.addf %mul3A_2010, %add3A_2012 : vector<16xf32>
        %mul3A_2014 = arith.mulf %add3A_2013, %sub3A_1995 : vector<16xf32>
        %add3A_2015 = arith.constant 2.21170303E-5 : f32
        %add3A_2016 = vector.broadcast %add3A_2015 : f32 to vector<16xf32>
        %add3A_2017 = arith.addf %mul3A_2014, %add3A_2016 : vector<16xf32>
        %mul3A_2018 = arith.constant 0.693147182 : f32
        %mul3A_2019 = vector.broadcast %mul3A_2018 : f32 to vector<16xf32>
        %mul3A_2020 = arith.mulf %convert_element_type3A_1985, %mul3A_2019 : vector<16xf32>
        %add3A_2021 = arith.addf %mul3A_2020, %add3A_2017 : vector<16xf32>
        tpu.vector_store_idx %arg12[%add3A_1977], %add3A_2021 : memref<16384xf32, #tpu.memory_space<vmem>>[vector<16xi32>], vector<16xf32>,
        %mul3A_2022 = arith.mulf %exp3A_1224, %exp3A_1249 : vector<16xf32>
        %mul3A_2023 = arith.mulf %exp3A_1229, %exp3A_1269 : vector<16xf32>
        %add3A_2024 = arith.addf %mul3A_2022, %mul3A_2023 : vector<16xf32>
        %mul3A_2025 = arith.mulf %exp3A_1234, %exp3A_1289 : vector<16xf32>
        %add3A_2026 = arith.addf %add3A_2024, %mul3A_2025 : vector<16xf32>
        %mul3A_2027 = arith.mulf %exp3A_1239, %exp3A_1309 : vector<16xf32>
        %add3A_2028 = arith.addf %add3A_2026, %mul3A_2027 : vector<16xf32>
        %add3A_2029 = arith.constant 13 : i32
        %add3A_2030 = vector.broadcast %add3A_2029 : i32 to vector<16xi32>
        %add3A_2031 = arith.addi %add3A_1159, %add3A_2030 : vector<16xi32>
        %bitcast3A_2032 = vector.bitcast %add3A_2028 : vector<16xf32> to vector<16xi32>
        %shift_right_arithmetic3A_2033 = arith.constant 23 : i32
        %shift_right_arithmetic3A_2034 = vector.broadcast %shift_right_arithmetic3A_2033 : i32 to vector<16xi32>
        %shift_right_arithmetic3A_2035 = arith.shrsi %bitcast3A_2032, %shift_right_arithmetic3A_2034 : vector<16xi32>
        %sub3A_2036 = arith.constant 127 : i32
        %sub3A_2037 = vector.broadcast %sub3A_2036 : i32 to vector<16xi32>
        %sub3A_2038 = arith.subi %shift_right_arithmetic3A_2035, %sub3A_2037 : vector<16xi32>
        %convert_element_type3A_2039 = arith.sitofp %sub3A_2038 : vector<16xi32> to vector<16xf32>
        %and3A_2040 = arith.constant 8388607 : i32
        %and3A_2041 = vector.broadcast %and3A_2040 : i32 to vector<16xi32>
        %and3A_2042 = arith.andi %bitcast3A_2032, %and3A_2041 : vector<16xi32>
        %or3A_2043 = arith.constant 1065353216 : i32
        %or3A_2044 = vector.broadcast %or3A_2043 : i32 to vector<16xi32>
        %or3A_2045 = arith.ori %and3A_2042, %or3A_2044 : vector<16xi32>
        %bitcast3A_2046 = vector.bitcast %or3A_2045 : vector<16xi32> to vector<16xf32>
        %sub3A_2047 = arith.constant 1.000000e+00 : f32
        %sub3A_2048 = vector.broadcast %sub3A_2047 : f32 to vector<16xf32>
        %sub3A_2049 = arith.subf %bitcast3A_2046, %sub3A_2048 : vector<16xf32>
        %mul3A_2050 = arith.constant 0.0301026255 : f32
        %mul3A_2051 = vector.broadcast %mul3A_2050 : f32 to vector<16xf32>
        %mul3A_2052 = arith.mulf %mul3A_2051, %sub3A_2049 : vector<16xf32>
        %add3A_2053 = arith.constant -0.130119413 : f32
        %add3A_2054 = vector.broadcast %add3A_2053 : f32 to vector<16xf32>
        %add3A_2055 = arith.addf %mul3A_2052, %add3A_2054 : vector<16xf32>
        %mul3A_2056 = arith.mulf %add3A_2055, %sub3A_2049 : vector<16xf32>
        %add3A_2057 = arith.constant 0.283304334 : f32
        %add3A_2058 = vector.broadcast %add3A_2057 : f32 to vector<16xf32>
        %add3A_2059 = arith.addf %mul3A_2056, %add3A_2058 : vector<16xf32>
        %mul3A_2060 = arith.mulf %add3A_2059, %sub3A_2049 : vector<16xf32>
        %add3A_2061 = arith.constant -0.489156842 : f32
        %add3A_2062 = vector.broadcast %add3A_2061 : f32 to vector<16xf32>
        %add3A_2063 = arith.addf %mul3A_2060, %add3A_2062 : vector<16xf32>
        %mul3A_2064 = arith.mulf %add3A_2063, %sub3A_2049 : vector<16xf32>
        %add3A_2065 = arith.constant 0.999010443 : f32
        %add3A_2066 = vector.broadcast %add3A_2065 : f32 to vector<16xf32>
        %add3A_2067 = arith.addf %mul3A_2064, %add3A_2066 : vector<16xf32>
        %mul3A_2068 = arith.mulf %add3A_2067, %sub3A_2049 : vector<16xf32>
        %add3A_2069 = arith.constant 2.21170303E-5 : f32
        %add3A_2070 = vector.broadcast %add3A_2069 : f32 to vector<16xf32>
        %add3A_2071 = arith.addf %mul3A_2068, %add3A_2070 : vector<16xf32>
        %mul3A_2072 = arith.constant 0.693147182 : f32
        %mul3A_2073 = vector.broadcast %mul3A_2072 : f32 to vector<16xf32>
        %mul3A_2074 = arith.mulf %convert_element_type3A_2039, %mul3A_2073 : vector<16xf32>
        %add3A_2075 = arith.addf %mul3A_2074, %add3A_2071 : vector<16xf32>
        tpu.vector_store_idx %arg12[%add3A_2031], %add3A_2075 : memref<16384xf32, #tpu.memory_space<vmem>>[vector<16xi32>], vector<16xf32>,
        %mul3A_2076 = arith.mulf %exp3A_1224, %exp3A_1254 : vector<16xf32>
        %mul3A_2077 = arith.mulf %exp3A_1229, %exp3A_1274 : vector<16xf32>
        %add3A_2078 = arith.addf %mul3A_2076, %mul3A_2077 : vector<16xf32>
        %mul3A_2079 = arith.mulf %exp3A_1234, %exp3A_1294 : vector<16xf32>
        %add3A_2080 = arith.addf %add3A_2078, %mul3A_2079 : vector<16xf32>
        %mul3A_2081 = arith.mulf %exp3A_1239, %exp3A_1314 : vector<16xf32>
        %add3A_2082 = arith.addf %add3A_2080, %mul3A_2081 : vector<16xf32>
        %add3A_2083 = arith.constant 14 : i32
        %add3A_2084 = vector.broadcast %add3A_2083 : i32 to vector<16xi32>
        %add3A_2085 = arith.addi %add3A_1159, %add3A_2084 : vector<16xi32>
        %bitcast3A_2086 = vector.bitcast %add3A_2082 : vector<16xf32> to vector<16xi32>
        %shift_right_arithmetic3A_2087 = arith.constant 23 : i32
        %shift_right_arithmetic3A_2088 = vector.broadcast %shift_right_arithmetic3A_2087 : i32 to vector<16xi32>
        %shift_right_arithmetic3A_2089 = arith.shrsi %bitcast3A_2086, %shift_right_arithmetic3A_2088 : vector<16xi32>
        %sub3A_2090 = arith.constant 127 : i32
        %sub3A_2091 = vector.broadcast %sub3A_2090 : i32 to vector<16xi32>
        %sub3A_2092 = arith.subi %shift_right_arithmetic3A_2089, %sub3A_2091 : vector<16xi32>
        %convert_element_type3A_2093 = arith.sitofp %sub3A_2092 : vector<16xi32> to vector<16xf32>
        %and3A_2094 = arith.constant 8388607 : i32
        %and3A_2095 = vector.broadcast %and3A_2094 : i32 to vector<16xi32>
        %and3A_2096 = arith.andi %bitcast3A_2086, %and3A_2095 : vector<16xi32>
        %or3A_2097 = arith.constant 1065353216 : i32
        %or3A_2098 = vector.broadcast %or3A_2097 : i32 to vector<16xi32>
        %or3A_2099 = arith.ori %and3A_2096, %or3A_2098 : vector<16xi32>
        %bitcast3A_2100 = vector.bitcast %or3A_2099 : vector<16xi32> to vector<16xf32>
        %sub3A_2101 = arith.constant 1.000000e+00 : f32
        %sub3A_2102 = vector.broadcast %sub3A_2101 : f32 to vector<16xf32>
        %sub3A_2103 = arith.subf %bitcast3A_2100, %sub3A_2102 : vector<16xf32>
        %mul3A_2104 = arith.constant 0.0301026255 : f32
        %mul3A_2105 = vector.broadcast %mul3A_2104 : f32 to vector<16xf32>
        %mul3A_2106 = arith.mulf %mul3A_2105, %sub3A_2103 : vector<16xf32>
        %add3A_2107 = arith.constant -0.130119413 : f32
        %add3A_2108 = vector.broadcast %add3A_2107 : f32 to vector<16xf32>
        %add3A_2109 = arith.addf %mul3A_2106, %add3A_2108 : vector<16xf32>
        %mul3A_2110 = arith.mulf %add3A_2109, %sub3A_2103 : vector<16xf32>
        %add3A_2111 = arith.constant 0.283304334 : f32
        %add3A_2112 = vector.broadcast %add3A_2111 : f32 to vector<16xf32>
        %add3A_2113 = arith.addf %mul3A_2110, %add3A_2112 : vector<16xf32>
        %mul3A_2114 = arith.mulf %add3A_2113, %sub3A_2103 : vector<16xf32>
        %add3A_2115 = arith.constant -0.489156842 : f32
        %add3A_2116 = vector.broadcast %add3A_2115 : f32 to vector<16xf32>
        %add3A_2117 = arith.addf %mul3A_2114, %add3A_2116 : vector<16xf32>
        %mul3A_2118 = arith.mulf %add3A_2117, %sub3A_2103 : vector<16xf32>
        %add3A_2119 = arith.constant 0.999010443 : f32
        %add3A_2120 = vector.broadcast %add3A_2119 : f32 to vector<16xf32>
        %add3A_2121 = arith.addf %mul3A_2118, %add3A_2120 : vector<16xf32>
        %mul3A_2122 = arith.mulf %add3A_2121, %sub3A_2103 : vector<16xf32>
        %add3A_2123 = arith.constant 2.21170303E-5 : f32
        %add3A_2124 = vector.broadcast %add3A_2123 : f32 to vector<16xf32>
        %add3A_2125 = arith.addf %mul3A_2122, %add3A_2124 : vector<16xf32>
        %mul3A_2126 = arith.constant 0.693147182 : f32
        %mul3A_2127 = vector.broadcast %mul3A_2126 : f32 to vector<16xf32>
        %mul3A_2128 = arith.mulf %convert_element_type3A_2093, %mul3A_2127 : vector<16xf32>
        %add3A_2129 = arith.addf %mul3A_2128, %add3A_2125 : vector<16xf32>
        tpu.vector_store_idx %arg12[%add3A_2085], %add3A_2129 : memref<16384xf32, #tpu.memory_space<vmem>>[vector<16xi32>], vector<16xf32>,
        %mul3A_2130 = arith.mulf %exp3A_1224, %exp3A_1259 : vector<16xf32>
        %mul3A_2131 = arith.mulf %exp3A_1229, %exp3A_1279 : vector<16xf32>
        %add3A_2132 = arith.addf %mul3A_2130, %mul3A_2131 : vector<16xf32>
        %mul3A_2133 = arith.mulf %exp3A_1234, %exp3A_1299 : vector<16xf32>
        %add3A_2134 = arith.addf %add3A_2132, %mul3A_2133 : vector<16xf32>
        %mul3A_2135 = arith.mulf %exp3A_1239, %exp3A_1319 : vector<16xf32>
        %add3A_2136 = arith.addf %add3A_2134, %mul3A_2135 : vector<16xf32>
        %add3A_2137 = arith.constant 15 : i32
        %add3A_2138 = vector.broadcast %add3A_2137 : i32 to vector<16xi32>
        %add3A_2139 = arith.addi %add3A_1159, %add3A_2138 : vector<16xi32>
        %bitcast3A_2140 = vector.bitcast %add3A_2136 : vector<16xf32> to vector<16xi32>
        %shift_right_arithmetic3A_2141 = arith.constant 23 : i32
        %shift_right_arithmetic3A_2142 = vector.broadcast %shift_right_arithmetic3A_2141 : i32 to vector<16xi32>
        %shift_right_arithmetic3A_2143 = arith.shrsi %bitcast3A_2140, %shift_right_arithmetic3A_2142 : vector<16xi32>
        %sub3A_2144 = arith.constant 127 : i32
        %sub3A_2145 = vector.broadcast %sub3A_2144 : i32 to vector<16xi32>
        %sub3A_2146 = arith.subi %shift_right_arithmetic3A_2143, %sub3A_2145 : vector<16xi32>
        %convert_element_type3A_2147 = arith.sitofp %sub3A_2146 : vector<16xi32> to vector<16xf32>
        %and3A_2148 = arith.constant 8388607 : i32
        %and3A_2149 = vector.broadcast %and3A_2148 : i32 to vector<16xi32>
        %and3A_2150 = arith.andi %bitcast3A_2140, %and3A_2149 : vector<16xi32>
        %or3A_2151 = arith.constant 1065353216 : i32
        %or3A_2152 = vector.broadcast %or3A_2151 : i32 to vector<16xi32>
        %or3A_2153 = arith.ori %and3A_2150, %or3A_2152 : vector<16xi32>
        %bitcast3A_2154 = vector.bitcast %or3A_2153 : vector<16xi32> to vector<16xf32>
        %sub3A_2155 = arith.constant 1.000000e+00 : f32
        %sub3A_2156 = vector.broadcast %sub3A_2155 : f32 to vector<16xf32>
        %sub3A_2157 = arith.subf %bitcast3A_2154, %sub3A_2156 : vector<16xf32>
        %mul3A_2158 = arith.constant 0.0301026255 : f32
        %mul3A_2159 = vector.broadcast %mul3A_2158 : f32 to vector<16xf32>
        %mul3A_2160 = arith.mulf %mul3A_2159, %sub3A_2157 : vector<16xf32>
        %add3A_2161 = arith.constant -0.130119413 : f32
        %add3A_2162 = vector.broadcast %add3A_2161 : f32 to vector<16xf32>
        %add3A_2163 = arith.addf %mul3A_2160, %add3A_2162 : vector<16xf32>
        %mul3A_2164 = arith.mulf %add3A_2163, %sub3A_2157 : vector<16xf32>
        %add3A_2165 = arith.constant 0.283304334 : f32
        %add3A_2166 = vector.broadcast %add3A_2165 : f32 to vector<16xf32>
        %add3A_2167 = arith.addf %mul3A_2164, %add3A_2166 : vector<16xf32>
        %mul3A_2168 = arith.mulf %add3A_2167, %sub3A_2157 : vector<16xf32>
        %add3A_2169 = arith.constant -0.489156842 : f32
        %add3A_2170 = vector.broadcast %add3A_2169 : f32 to vector<16xf32>
        %add3A_2171 = arith.addf %mul3A_2168, %add3A_2170 : vector<16xf32>
        %mul3A_2172 = arith.mulf %add3A_2171, %sub3A_2157 : vector<16xf32>
        %add3A_2173 = arith.constant 0.999010443 : f32
        %add3A_2174 = vector.broadcast %add3A_2173 : f32 to vector<16xf32>
        %add3A_2175 = arith.addf %mul3A_2172, %add3A_2174 : vector<16xf32>
        %mul3A_2176 = arith.mulf %add3A_2175, %sub3A_2157 : vector<16xf32>
        %add3A_2177 = arith.constant 2.21170303E-5 : f32
        %add3A_2178 = vector.broadcast %add3A_2177 : f32 to vector<16xf32>
        %add3A_2179 = arith.addf %mul3A_2176, %add3A_2178 : vector<16xf32>
        %mul3A_2180 = arith.constant 0.693147182 : f32
        %mul3A_2181 = vector.broadcast %mul3A_2180 : f32 to vector<16xf32>
        %mul3A_2182 = arith.mulf %convert_element_type3A_2147, %mul3A_2181 : vector<16xf32>
        %add3A_2183 = arith.addf %mul3A_2182, %add3A_2179 : vector<16xf32>
        tpu.vector_store_idx %arg12[%add3A_2139], %add3A_2183 : memref<16384xf32, #tpu.memory_space<vmem>>[vector<16xi32>], vector<16xf32>,
      }
      %scan3A_61 = arith.constant 32 : i32
      %mul3A_62 = arith.constant 512 : i32
      %mul3A_63 = arith.muli %add3A_41, %mul3A_62 : i32
      %add3A_64 = arith.addi %mul3A_2, %mul3A_63 : i32
      %mul3A_65 = arith.constant 32 : i32
      %mul3A_66 = arith.muli %add3A_64, %mul3A_65 : i32
      %multiple_of3A_67 = tpu.assume_multiple %mul3A_66, 256 : i32
      %dma_start3A_68 = tpu.memref_slice %arg5[%multiple_of3A_67] : memref<8388608xf32, #tpu.memory_space<hbm>> -> memref<16384xf32, #tpu.memory_space<hbm>>
      %dma_start3A_69 = tpu.memref_slice %arg5[%multiple_of3A_67] : memref<8388608xf32, #tpu.memory_space<hbm>> -> memref<16384xf32, #tpu.memory_space<hbm>>
      tpu.enqueue_dma source(%arg12 : memref<16384xf32, #tpu.memory_space<vmem>>) target(%dma_start3A_69 : memref<16384xf32, #tpu.memory_space<hbm>>) target_semaphore(%arg16 : memref<!tpu.dma_semaphore, #tpu.memory_space<semaphore_mem>>)
      %add3A_70 = arith.constant 2 : i32
      %add3A_71 = arith.addi %add3A_41, %add3A_70 : i32
      %lt3A = arith.constant 16 : i32
      %lt3A_72 = arith.cmpi slt, %add3A_71, %lt3A : i32
      %convert_element_type3A_73 = arith.extui %lt3A_72 : i1 to i32
      %cond3A_74 = arith.constant 0 : i32
      %cond3A_75 = arith.cmpi ne, %convert_element_type3A_73, %cond3A_74 : i32
      scf.if %cond3A_75 {
        %add3A_119 = arith.constant 2 : i32
        %add3A_120 = arith.addi %add3A_41, %add3A_119 : i32
        %mul3A_121 = arith.constant 512 : i32
        %mul3A_122 = arith.muli %add3A_120, %mul3A_121 : i32
        %add3A_123 = arith.addi %mul3A_2, %mul3A_122 : i32
        %mul3A_124 = arith.constant 32 : i32
        %mul3A_125 = arith.muli %add3A_123, %mul3A_124 : i32
        %multiple_of3A_126 = tpu.assume_multiple %mul3A_125, 256 : i32
        %dma_start3A_127 = tpu.memref_slice %arg2[%multiple_of3A_126] : memref<8388608xf32, #tpu.memory_space<hbm>> -> memref<16384xf32, #tpu.memory_space<hbm>>
        %dma_start3A_128 = tpu.memref_slice %arg2[%multiple_of3A_126] : memref<8388608xf32, #tpu.memory_space<hbm>> -> memref<16384xf32, #tpu.memory_space<hbm>>
        tpu.enqueue_dma source(%dma_start3A_128 : memref<16384xf32, #tpu.memory_space<hbm>>) target(%arg6 : memref<16384xf32, #tpu.memory_space<vmem>>) target_semaphore(%arg14 : memref<!tpu.dma_semaphore, #tpu.memory_space<semaphore_mem>>)
        %dma_start3A_129 = tpu.memref_slice %arg3[%multiple_of3A_126] : memref<8388608xf32, #tpu.memory_space<hbm>> -> memref<16384xf32, #tpu.memory_space<hbm>>
        %dma_start3A_130 = tpu.memref_slice %arg3[%multiple_of3A_126] : memref<8388608xf32, #tpu.memory_space<hbm>> -> memref<16384xf32, #tpu.memory_space<hbm>>
        tpu.enqueue_dma source(%dma_start3A_130 : memref<16384xf32, #tpu.memory_space<hbm>>) target(%arg8 : memref<16384xf32, #tpu.memory_space<vmem>>) target_semaphore(%arg14 : memref<!tpu.dma_semaphore, #tpu.memory_space<semaphore_mem>>)
        %multiple_of3A_131 = tpu.assume_multiple %add3A_123, 8 : i32
        %dma_start3A_132 = tpu.memref_slice %arg4[%multiple_of3A_131] : memref<262144xi32, #tpu.memory_space<hbm>> -> memref<512xi32, #tpu.memory_space<hbm>>
        %dma_start3A_133 = tpu.memref_slice %arg4[%multiple_of3A_131] : memref<262144xi32, #tpu.memory_space<hbm>> -> memref<512xi32, #tpu.memory_space<hbm>>
        tpu.enqueue_dma source(%dma_start3A_133 : memref<512xi32, #tpu.memory_space<hbm>>) target(%arg10 : memref<512xi32, #tpu.memory_space<vmem>>) target_semaphore(%arg14 : memref<!tpu.dma_semaphore, #tpu.memory_space<semaphore_mem>>)
      } else {
      }
      %mul3A_76 = arith.constant 2 : i32
      %mul3A_77 = arith.muli %scan3A_37, %mul3A_76 : i32
      %add3A_78 = arith.constant 1 : i32
      %add3A_79 = arith.addi %mul3A_77, %add3A_78 : i32
      %dma_wait3A_80 = arith.constant 0 : i32
      %dma_wait3A_81 = tpu.memref_slice %arg2[%dma_wait3A_80] : memref<8388608xf32, #tpu.memory_space<hbm>> -> memref<16384xf32, #tpu.memory_space<hbm>>
      %dma_wait3A_82 = arith.constant 0 : i32
      %dma_wait3A_83 = tpu.memref_slice %arg2[%dma_wait3A_82] : memref<8388608xf32, #tpu.memory_space<hbm>> -> memref<16384xf32, #tpu.memory_space<hbm>>
      tpu.wait_dma2 semaphore(%arg15 : memref<!tpu.dma_semaphore, #tpu.memory_space<semaphore_mem>>) src(%dma_wait3A_83 : memref<16384xf32, #tpu.memory_space<hbm>>) dst(%arg7 : memref<16384xf32, #tpu.memory_space<vmem>>)
      %dma_wait3A_84 = arith.constant 0 : i32
      %dma_wait3A_85 = tpu.memref_slice %arg3[%dma_wait3A_84] : memref<8388608xf32, #tpu.memory_space<hbm>> -> memref<16384xf32, #tpu.memory_space<hbm>>
      %dma_wait3A_86 = arith.constant 0 : i32
      %dma_wait3A_87 = tpu.memref_slice %arg3[%dma_wait3A_86] : memref<8388608xf32, #tpu.memory_space<hbm>> -> memref<16384xf32, #tpu.memory_space<hbm>>
      tpu.wait_dma2 semaphore(%arg15 : memref<!tpu.dma_semaphore, #tpu.memory_space<semaphore_mem>>) src(%dma_wait3A_87 : memref<16384xf32, #tpu.memory_space<hbm>>) dst(%arg9 : memref<16384xf32, #tpu.memory_space<vmem>>)
      %dma_wait3A_88 = arith.constant 0 : i32
      %dma_wait3A_89 = tpu.memref_slice %arg4[%dma_wait3A_88] : memref<262144xi32, #tpu.memory_space<hbm>> -> memref<512xi32, #tpu.memory_space<hbm>>
      %dma_wait3A_90 = arith.constant 0 : i32
      %dma_wait3A_91 = tpu.memref_slice %arg4[%dma_wait3A_90] : memref<262144xi32, #tpu.memory_space<hbm>> -> memref<512xi32, #tpu.memory_space<hbm>>
      tpu.wait_dma2 semaphore(%arg15 : memref<!tpu.dma_semaphore, #tpu.memory_space<semaphore_mem>>) src(%dma_wait3A_91 : memref<512xi32, #tpu.memory_space<hbm>>) dst(%arg11 : memref<512xi32, #tpu.memory_space<vmem>>)
      %gt3A_92 = arith.constant 0 : i32
      %gt3A_93 = arith.cmpi sgt, %scan3A_37, %gt3A_92 : i32
      %convert_element_type3A_94 = arith.extui %gt3A_93 : i1 to i32
      %cond3A_95 = arith.constant 0 : i32
      %cond3A_96 = arith.cmpi ne, %convert_element_type3A_94, %cond3A_95 : i32
      scf.if %cond3A_96 {
        %dma_wait3A_119 = arith.constant 0 : i32
        %dma_wait3A_120 = tpu.memref_slice %arg5[%dma_wait3A_119] : memref<8388608xf32, #tpu.memory_space<hbm>> -> memref<16384xf32, #tpu.memory_space<hbm>>
        %dma_wait3A_121 = arith.constant 0 : i32
        %dma_wait3A_122 = tpu.memref_slice %arg5[%dma_wait3A_121] : memref<8388608xf32, #tpu.memory_space<hbm>> -> memref<16384xf32, #tpu.memory_space<hbm>>
        tpu.wait_dma2 semaphore(%arg17 : memref<!tpu.dma_semaphore, #tpu.memory_space<semaphore_mem>>) src(%arg13 : memref<16384xf32, #tpu.memory_space<vmem>>) dst(%dma_wait3A_122 : memref<16384xf32, #tpu.memory_space<hbm>>)
      } else {
      }
      %iota3A_97 = tpu.iota {dimensions = array<i32: 0>} : vector<16xi32>
      %scan3A_98 = arith.constant 0 : i32
      %scan3A_99 = arith.constant 0 : i32
      %scan3A_100 = arith.constant 32 : i32
      %scan3A_101 = arith.addi %scan3A_99, %scan3A_100 : i32
      %scan3A_102 = arith.constant 1 : i32
      scf.for %scan3A_119 = %scan3A_99 to %scan3A_101 step %scan3A_102  : i32 {
        %mul3A_120 = arith.constant 16 : i32
        %mul3A_121 = arith.muli %scan3A_119, %mul3A_120 : i32
        %add3A_122 = vector.broadcast %mul3A_121 : i32 to vector<16xi32>
        %add3A_123 = arith.addi %iota3A_97, %add3A_122 : vector<16xi32>
        %mul3A_124 = arith.constant 32 : i32
        %mul3A_125 = vector.broadcast %mul3A_124 : i32 to vector<16xi32>
        %mul3A_126 = arith.muli %add3A_123, %mul3A_125 : vector<16xi32>
        %get3A = arith.index_cast %mul3A_121 : i32 to index
        %get3A_127 = tpu.vector_load %arg11[%get3A] {strides = array<i32>} : memref<512xi32, #tpu.memory_space<vmem>>, vector<16xi32>,
        %shift_left3A = arith.constant 4 : i32
        %shift_left3A_128 = vector.broadcast %shift_left3A : i32 to vector<16xi32>
        %shift_left3A_129 = arith.shli %get3A_127, %shift_left3A_128 : vector<16xi32>
        %xor3A = arith.constant 0 : i32
        %xor3A_130 = vector.broadcast %xor3A : i32 to vector<16xi32>
        %xor3A_131 = arith.xori %xor3A_130, %shift_left3A_129 : vector<16xi32>
        %add3A_132 = arith.addi %mul3A_126, %xor3A_131 : vector<16xi32>
        %add3A_133 = arith.constant 0 : i32
        %add3A_134 = vector.broadcast %add3A_133 : i32 to vector<16xi32>
        %add3A_135 = arith.addi %mul3A_126, %add3A_134 : vector<16xi32>
        %add3A_136 = arith.constant 0 : i32
        %add3A_137 = vector.broadcast %add3A_136 : i32 to vector<16xi32>
        %add3A_138 = arith.addi %add3A_132, %add3A_137 : vector<16xi32>
        %gather3A = tpu.vector_load_idx %arg7[%add3A_138] : memref<16384xf32, #tpu.memory_space<vmem>>[vector<16xi32>], vector<16xf32>,
        %exp3A = math.exp %gather3A : vector<16xf32>
        %add3A_139 = arith.constant 1 : i32
        %add3A_140 = vector.broadcast %add3A_139 : i32 to vector<16xi32>
        %add3A_141 = arith.addi %add3A_132, %add3A_140 : vector<16xi32>
        %gather3A_142 = tpu.vector_load_idx %arg7[%add3A_141] : memref<16384xf32, #tpu.memory_space<vmem>>[vector<16xi32>], vector<16xf32>,
        %exp3A_143 = math.exp %gather3A_142 : vector<16xf32>
        %add3A_144 = arith.constant 2 : i32
        %add3A_145 = vector.broadcast %add3A_144 : i32 to vector<16xi32>
        %add3A_146 = arith.addi %add3A_132, %add3A_145 : vector<16xi32>
        %gather3A_147 = tpu.vector_load_idx %arg7[%add3A_146] : memref<16384xf32, #tpu.memory_space<vmem>>[vector<16xi32>], vector<16xf32>,
        %exp3A_148 = math.exp %gather3A_147 : vector<16xf32>
        %add3A_149 = arith.constant 3 : i32
        %add3A_150 = vector.broadcast %add3A_149 : i32 to vector<16xi32>
        %add3A_151 = arith.addi %add3A_132, %add3A_150 : vector<16xi32>
        %gather3A_152 = tpu.vector_load_idx %arg7[%add3A_151] : memref<16384xf32, #tpu.memory_space<vmem>>[vector<16xi32>], vector<16xf32>,
        %exp3A_153 = math.exp %gather3A_152 : vector<16xf32>
        %add3A_154 = arith.constant 4 : i32
        %add3A_155 = vector.broadcast %add3A_154 : i32 to vector<16xi32>
        %add3A_156 = arith.addi %add3A_132, %add3A_155 : vector<16xi32>
        %gather3A_157 = tpu.vector_load_idx %arg7[%add3A_156] : memref<16384xf32, #tpu.memory_space<vmem>>[vector<16xi32>], vector<16xf32>,
        %exp3A_158 = math.exp %gather3A_157 : vector<16xf32>
        %add3A_159 = arith.constant 5 : i32
        %add3A_160 = vector.broadcast %add3A_159 : i32 to vector<16xi32>
        %add3A_161 = arith.addi %add3A_132, %add3A_160 : vector<16xi32>
        %gather3A_162 = tpu.vector_load_idx %arg7[%add3A_161] : memref<16384xf32, #tpu.memory_space<vmem>>[vector<16xi32>], vector<16xf32>,
        %exp3A_163 = math.exp %gather3A_162 : vector<16xf32>
        %add3A_164 = arith.constant 6 : i32
        %add3A_165 = vector.broadcast %add3A_164 : i32 to vector<16xi32>
        %add3A_166 = arith.addi %add3A_132, %add3A_165 : vector<16xi32>
        %gather3A_167 = tpu.vector_load_idx %arg7[%add3A_166] : memref<16384xf32, #tpu.memory_space<vmem>>[vector<16xi32>], vector<16xf32>,
        %exp3A_168 = math.exp %gather3A_167 : vector<16xf32>
        %add3A_169 = arith.constant 7 : i32
        %add3A_170 = vector.broadcast %add3A_169 : i32 to vector<16xi32>
        %add3A_171 = arith.addi %add3A_132, %add3A_170 : vector<16xi32>
        %gather3A_172 = tpu.vector_load_idx %arg7[%add3A_171] : memref<16384xf32, #tpu.memory_space<vmem>>[vector<16xi32>], vector<16xf32>,
        %exp3A_173 = math.exp %gather3A_172 : vector<16xf32>
        %add3A_174 = arith.constant 8 : i32
        %add3A_175 = vector.broadcast %add3A_174 : i32 to vector<16xi32>
        %add3A_176 = arith.addi %add3A_132, %add3A_175 : vector<16xi32>
        %gather3A_177 = tpu.vector_load_idx %arg7[%add3A_176] : memref<16384xf32, #tpu.memory_space<vmem>>[vector<16xi32>], vector<16xf32>,
        %exp3A_178 = math.exp %gather3A_177 : vector<16xf32>
        %add3A_179 = arith.constant 9 : i32
        %add3A_180 = vector.broadcast %add3A_179 : i32 to vector<16xi32>
        %add3A_181 = arith.addi %add3A_132, %add3A_180 : vector<16xi32>
        %gather3A_182 = tpu.vector_load_idx %arg7[%add3A_181] : memref<16384xf32, #tpu.memory_space<vmem>>[vector<16xi32>], vector<16xf32>,
        %exp3A_183 = math.exp %gather3A_182 : vector<16xf32>
        %add3A_184 = arith.constant 10 : i32
        %add3A_185 = vector.broadcast %add3A_184 : i32 to vector<16xi32>
        %add3A_186 = arith.addi %add3A_132, %add3A_185 : vector<16xi32>
        %gather3A_187 = tpu.vector_load_idx %arg7[%add3A_186] : memref<16384xf32, #tpu.memory_space<vmem>>[vector<16xi32>], vector<16xf32>,
        %exp3A_188 = math.exp %gather3A_187 : vector<16xf32>
        %add3A_189 = arith.constant 11 : i32
        %add3A_190 = vector.broadcast %add3A_189 : i32 to vector<16xi32>
        %add3A_191 = arith.addi %add3A_132, %add3A_190 : vector<16xi32>
        %gather3A_192 = tpu.vector_load_idx %arg7[%add3A_191] : memref<16384xf32, #tpu.memory_space<vmem>>[vector<16xi32>], vector<16xf32>,
        %exp3A_193 = math.exp %gather3A_192 : vector<16xf32>
        %add3A_194 = arith.constant 12 : i32
        %add3A_195 = vector.broadcast %add3A_194 : i32 to vector<16xi32>
        %add3A_196 = arith.addi %add3A_132, %add3A_195 : vector<16xi32>
        %gather3A_197 = tpu.vector_load_idx %arg7[%add3A_196] : memref<16384xf32, #tpu.memory_space<vmem>>[vector<16xi32>], vector<16xf32>,
        %exp3A_198 = math.exp %gather3A_197 : vector<16xf32>
        %add3A_199 = arith.constant 13 : i32
        %add3A_200 = vector.broadcast %add3A_199 : i32 to vector<16xi32>
        %add3A_201 = arith.addi %add3A_132, %add3A_200 : vector<16xi32>
        %gather3A_202 = tpu.vector_load_idx %arg7[%add3A_201] : memref<16384xf32, #tpu.memory_space<vmem>>[vector<16xi32>], vector<16xf32>,
        %exp3A_203 = math.exp %gather3A_202 : vector<16xf32>
        %add3A_204 = arith.constant 14 : i32
        %add3A_205 = vector.broadcast %add3A_204 : i32 to vector<16xi32>
        %add3A_206 = arith.addi %add3A_132, %add3A_205 : vector<16xi32>
        %gather3A_207 = tpu.vector_load_idx %arg7[%add3A_206] : memref<16384xf32, #tpu.memory_space<vmem>>[vector<16xi32>], vector<16xf32>,
        %exp3A_208 = math.exp %gather3A_207 : vector<16xf32>
        %add3A_209 = arith.constant 15 : i32
        %add3A_210 = vector.broadcast %add3A_209 : i32 to vector<16xi32>
        %add3A_211 = arith.addi %add3A_132, %add3A_210 : vector<16xi32>
        %gather3A_212 = tpu.vector_load_idx %arg7[%add3A_211] : memref<16384xf32, #tpu.memory_space<vmem>>[vector<16xi32>], vector<16xf32>,
        %exp3A_213 = math.exp %gather3A_212 : vector<16xf32>
        %add3A_214 = arith.constant 0 : i32
        %add3A_215 = vector.broadcast %add3A_214 : i32 to vector<16xi32>
        %add3A_216 = arith.addi %add3A_135, %add3A_215 : vector<16xi32>
        %gather3A_217 = tpu.vector_load_idx %arg9[%add3A_216] : memref<16384xf32, #tpu.memory_space<vmem>>[vector<16xi32>], vector<16xf32>,
        %exp3A_218 = math.exp %gather3A_217 : vector<16xf32>
        %add3A_219 = arith.constant 1 : i32
        %add3A_220 = vector.broadcast %add3A_219 : i32 to vector<16xi32>
        %add3A_221 = arith.addi %add3A_135, %add3A_220 : vector<16xi32>
        %gather3A_222 = tpu.vector_load_idx %arg9[%add3A_221] : memref<16384xf32, #tpu.memory_space<vmem>>[vector<16xi32>], vector<16xf32>,
        %exp3A_223 = math.exp %gather3A_222 : vector<16xf32>
        %add3A_224 = arith.constant 2 : i32
        %add3A_225 = vector.broadcast %add3A_224 : i32 to vector<16xi32>
        %add3A_226 = arith.addi %add3A_135, %add3A_225 : vector<16xi32>
        %gather3A_227 = tpu.vector_load_idx %arg9[%add3A_226] : memref<16384xf32, #tpu.memory_space<vmem>>[vector<16xi32>], vector<16xf32>,
        %exp3A_228 = math.exp %gather3A_227 : vector<16xf32>
        %add3A_229 = arith.constant 3 : i32
        %add3A_230 = vector.broadcast %add3A_229 : i32 to vector<16xi32>
        %add3A_231 = arith.addi %add3A_135, %add3A_230 : vector<16xi32>
        %gather3A_232 = tpu.vector_load_idx %arg9[%add3A_231] : memref<16384xf32, #tpu.memory_space<vmem>>[vector<16xi32>], vector<16xf32>,
        %exp3A_233 = math.exp %gather3A_232 : vector<16xf32>
        %add3A_234 = arith.constant 4 : i32
        %add3A_235 = vector.broadcast %add3A_234 : i32 to vector<16xi32>
        %add3A_236 = arith.addi %add3A_135, %add3A_235 : vector<16xi32>
        %gather3A_237 = tpu.vector_load_idx %arg9[%add3A_236] : memref<16384xf32, #tpu.memory_space<vmem>>[vector<16xi32>], vector<16xf32>,
        %exp3A_238 = math.exp %gather3A_237 : vector<16xf32>
        %add3A_239 = arith.constant 5 : i32
        %add3A_240 = vector.broadcast %add3A_239 : i32 to vector<16xi32>
        %add3A_241 = arith.addi %add3A_135, %add3A_240 : vector<16xi32>
        %gather3A_242 = tpu.vector_load_idx %arg9[%add3A_241] : memref<16384xf32, #tpu.memory_space<vmem>>[vector<16xi32>], vector<16xf32>,
        %exp3A_243 = math.exp %gather3A_242 : vector<16xf32>
        %add3A_244 = arith.constant 6 : i32
        %add3A_245 = vector.broadcast %add3A_244 : i32 to vector<16xi32>
        %add3A_246 = arith.addi %add3A_135, %add3A_245 : vector<16xi32>
        %gather3A_247 = tpu.vector_load_idx %arg9[%add3A_246] : memref<16384xf32, #tpu.memory_space<vmem>>[vector<16xi32>], vector<16xf32>,
        %exp3A_248 = math.exp %gather3A_247 : vector<16xf32>
        %add3A_249 = arith.constant 7 : i32
        %add3A_250 = vector.broadcast %add3A_249 : i32 to vector<16xi32>
        %add3A_251 = arith.addi %add3A_135, %add3A_250 : vector<16xi32>
        %gather3A_252 = tpu.vector_load_idx %arg9[%add3A_251] : memref<16384xf32, #tpu.memory_space<vmem>>[vector<16xi32>], vector<16xf32>,
        %exp3A_253 = math.exp %gather3A_252 : vector<16xf32>
        %add3A_254 = arith.constant 8 : i32
        %add3A_255 = vector.broadcast %add3A_254 : i32 to vector<16xi32>
        %add3A_256 = arith.addi %add3A_135, %add3A_255 : vector<16xi32>
        %gather3A_257 = tpu.vector_load_idx %arg9[%add3A_256] : memref<16384xf32, #tpu.memory_space<vmem>>[vector<16xi32>], vector<16xf32>,
        %exp3A_258 = math.exp %gather3A_257 : vector<16xf32>
        %add3A_259 = arith.constant 9 : i32
        %add3A_260 = vector.broadcast %add3A_259 : i32 to vector<16xi32>
        %add3A_261 = arith.addi %add3A_135, %add3A_260 : vector<16xi32>
        %gather3A_262 = tpu.vector_load_idx %arg9[%add3A_261] : memref<16384xf32, #tpu.memory_space<vmem>>[vector<16xi32>], vector<16xf32>,
        %exp3A_263 = math.exp %gather3A_262 : vector<16xf32>
        %add3A_264 = arith.constant 10 : i32
        %add3A_265 = vector.broadcast %add3A_264 : i32 to vector<16xi32>
        %add3A_266 = arith.addi %add3A_135, %add3A_265 : vector<16xi32>
        %gather3A_267 = tpu.vector_load_idx %arg9[%add3A_266] : memref<16384xf32, #tpu.memory_space<vmem>>[vector<16xi32>], vector<16xf32>,
        %exp3A_268 = math.exp %gather3A_267 : vector<16xf32>
        %add3A_269 = arith.constant 11 : i32
        %add3A_270 = vector.broadcast %add3A_269 : i32 to vector<16xi32>
        %add3A_271 = arith.addi %add3A_135, %add3A_270 : vector<16xi32>
        %gather3A_272 = tpu.vector_load_idx %arg9[%add3A_271] : memref<16384xf32, #tpu.memory_space<vmem>>[vector<16xi32>], vector<16xf32>,
        %exp3A_273 = math.exp %gather3A_272 : vector<16xf32>
        %add3A_274 = arith.constant 12 : i32
        %add3A_275 = vector.broadcast %add3A_274 : i32 to vector<16xi32>
        %add3A_276 = arith.addi %add3A_135, %add3A_275 : vector<16xi32>
        %gather3A_277 = tpu.vector_load_idx %arg9[%add3A_276] : memref<16384xf32, #tpu.memory_space<vmem>>[vector<16xi32>], vector<16xf32>,
        %exp3A_278 = math.exp %gather3A_277 : vector<16xf32>
        %add3A_279 = arith.constant 13 : i32
        %add3A_280 = vector.broadcast %add3A_279 : i32 to vector<16xi32>
        %add3A_281 = arith.addi %add3A_135, %add3A_280 : vector<16xi32>
        %gather3A_282 = tpu.vector_load_idx %arg9[%add3A_281] : memref<16384xf32, #tpu.memory_space<vmem>>[vector<16xi32>], vector<16xf32>,
        %exp3A_283 = math.exp %gather3A_282 : vector<16xf32>
        %add3A_284 = arith.constant 14 : i32
        %add3A_285 = vector.broadcast %add3A_284 : i32 to vector<16xi32>
        %add3A_286 = arith.addi %add3A_135, %add3A_285 : vector<16xi32>
        %gather3A_287 = tpu.vector_load_idx %arg9[%add3A_286] : memref<16384xf32, #tpu.memory_space<vmem>>[vector<16xi32>], vector<16xf32>,
        %exp3A_288 = math.exp %gather3A_287 : vector<16xf32>
        %add3A_289 = arith.constant 15 : i32
        %add3A_290 = vector.broadcast %add3A_289 : i32 to vector<16xi32>
        %add3A_291 = arith.addi %add3A_135, %add3A_290 : vector<16xi32>
        %gather3A_292 = tpu.vector_load_idx %arg9[%add3A_291] : memref<16384xf32, #tpu.memory_space<vmem>>[vector<16xi32>], vector<16xf32>,
        %exp3A_293 = math.exp %gather3A_292 : vector<16xf32>
        %mul3A_294 = arith.mulf %exp3A, %exp3A_218 : vector<16xf32>
        %mul3A_295 = arith.mulf %exp3A_143, %exp3A_238 : vector<16xf32>
        %add3A_296 = arith.addf %mul3A_294, %mul3A_295 : vector<16xf32>
        %mul3A_297 = arith.mulf %exp3A_148, %exp3A_258 : vector<16xf32>
        %add3A_298 = arith.addf %add3A_296, %mul3A_297 : vector<16xf32>
        %mul3A_299 = arith.mulf %exp3A_153, %exp3A_278 : vector<16xf32>
        %add3A_300 = arith.addf %add3A_298, %mul3A_299 : vector<16xf32>
        %add3A_301 = arith.constant 0 : i32
        %add3A_302 = vector.broadcast %add3A_301 : i32 to vector<16xi32>
        %add3A_303 = arith.addi %add3A_135, %add3A_302 : vector<16xi32>
        %bitcast3A = vector.bitcast %add3A_300 : vector<16xf32> to vector<16xi32>
        %shift_right_arithmetic3A = arith.constant 23 : i32
        %shift_right_arithmetic3A_304 = vector.broadcast %shift_right_arithmetic3A : i32 to vector<16xi32>
        %shift_right_arithmetic3A_305 = arith.shrsi %bitcast3A, %shift_right_arithmetic3A_304 : vector<16xi32>
        %sub3A = arith.constant 127 : i32
        %sub3A_306 = vector.broadcast %sub3A : i32 to vector<16xi32>
        %sub3A_307 = arith.subi %shift_right_arithmetic3A_305, %sub3A_306 : vector<16xi32>
        %convert_element_type3A_308 = arith.sitofp %sub3A_307 : vector<16xi32> to vector<16xf32>
        %and3A = arith.constant 8388607 : i32
        %and3A_309 = vector.broadcast %and3A : i32 to vector<16xi32>
        %and3A_310 = arith.andi %bitcast3A, %and3A_309 : vector<16xi32>
        %or3A = arith.constant 1065353216 : i32
        %or3A_311 = vector.broadcast %or3A : i32 to vector<16xi32>
        %or3A_312 = arith.ori %and3A_310, %or3A_311 : vector<16xi32>
        %bitcast3A_313 = vector.bitcast %or3A_312 : vector<16xi32> to vector<16xf32>
        %sub3A_314 = arith.constant 1.000000e+00 : f32
        %sub3A_315 = vector.broadcast %sub3A_314 : f32 to vector<16xf32>
        %sub3A_316 = arith.subf %bitcast3A_313, %sub3A_315 : vector<16xf32>
        %mul3A_317 = arith.constant 0.0301026255 : f32
        %mul3A_318 = vector.broadcast %mul3A_317 : f32 to vector<16xf32>
        %mul3A_319 = arith.mulf %mul3A_318, %sub3A_316 : vector<16xf32>
        %add3A_320 = arith.constant -0.130119413 : f32
        %add3A_321 = vector.broadcast %add3A_320 : f32 to vector<16xf32>
        %add3A_322 = arith.addf %mul3A_319, %add3A_321 : vector<16xf32>
        %mul3A_323 = arith.mulf %add3A_322, %sub3A_316 : vector<16xf32>
        %add3A_324 = arith.constant 0.283304334 : f32
        %add3A_325 = vector.broadcast %add3A_324 : f32 to vector<16xf32>
        %add3A_326 = arith.addf %mul3A_323, %add3A_325 : vector<16xf32>
        %mul3A_327 = arith.mulf %add3A_326, %sub3A_316 : vector<16xf32>
        %add3A_328 = arith.constant -0.489156842 : f32
        %add3A_329 = vector.broadcast %add3A_328 : f32 to vector<16xf32>
        %add3A_330 = arith.addf %mul3A_327, %add3A_329 : vector<16xf32>
        %mul3A_331 = arith.mulf %add3A_330, %sub3A_316 : vector<16xf32>
        %add3A_332 = arith.constant 0.999010443 : f32
        %add3A_333 = vector.broadcast %add3A_332 : f32 to vector<16xf32>
        %add3A_334 = arith.addf %mul3A_331, %add3A_333 : vector<16xf32>
        %mul3A_335 = arith.mulf %add3A_334, %sub3A_316 : vector<16xf32>
        %add3A_336 = arith.constant 2.21170303E-5 : f32
        %add3A_337 = vector.broadcast %add3A_336 : f32 to vector<16xf32>
        %add3A_338 = arith.addf %mul3A_335, %add3A_337 : vector<16xf32>
        %mul3A_339 = arith.constant 0.693147182 : f32
        %mul3A_340 = vector.broadcast %mul3A_339 : f32 to vector<16xf32>
        %mul3A_341 = arith.mulf %convert_element_type3A_308, %mul3A_340 : vector<16xf32>
        %add3A_342 = arith.addf %mul3A_341, %add3A_338 : vector<16xf32>
        tpu.vector_store_idx %arg13[%add3A_303], %add3A_342 : memref<16384xf32, #tpu.memory_space<vmem>>[vector<16xi32>], vector<16xf32>,
        %mul3A_343 = arith.mulf %exp3A, %exp3A_223 : vector<16xf32>
        %mul3A_344 = arith.mulf %exp3A_143, %exp3A_243 : vector<16xf32>
        %add3A_345 = arith.addf %mul3A_343, %mul3A_344 : vector<16xf32>
        %mul3A_346 = arith.mulf %exp3A_148, %exp3A_263 : vector<16xf32>
        %add3A_347 = arith.addf %add3A_345, %mul3A_346 : vector<16xf32>
        %mul3A_348 = arith.mulf %exp3A_153, %exp3A_283 : vector<16xf32>
        %add3A_349 = arith.addf %add3A_347, %mul3A_348 : vector<16xf32>
        %add3A_350 = arith.constant 1 : i32
        %add3A_351 = vector.broadcast %add3A_350 : i32 to vector<16xi32>
        %add3A_352 = arith.addi %add3A_135, %add3A_351 : vector<16xi32>
        %bitcast3A_353 = vector.bitcast %add3A_349 : vector<16xf32> to vector<16xi32>
        %shift_right_arithmetic3A_354 = arith.constant 23 : i32
        %shift_right_arithmetic3A_355 = vector.broadcast %shift_right_arithmetic3A_354 : i32 to vector<16xi32>
        %shift_right_arithmetic3A_356 = arith.shrsi %bitcast3A_353, %shift_right_arithmetic3A_355 : vector<16xi32>
        %sub3A_357 = arith.constant 127 : i32
        %sub3A_358 = vector.broadcast %sub3A_357 : i32 to vector<16xi32>
        %sub3A_359 = arith.subi %shift_right_arithmetic3A_356, %sub3A_358 : vector<16xi32>
        %convert_element_type3A_360 = arith.sitofp %sub3A_359 : vector<16xi32> to vector<16xf32>
        %and3A_361 = arith.constant 8388607 : i32
        %and3A_362 = vector.broadcast %and3A_361 : i32 to vector<16xi32>
        %and3A_363 = arith.andi %bitcast3A_353, %and3A_362 : vector<16xi32>
        %or3A_364 = arith.constant 1065353216 : i32
        %or3A_365 = vector.broadcast %or3A_364 : i32 to vector<16xi32>
        %or3A_366 = arith.ori %and3A_363, %or3A_365 : vector<16xi32>
        %bitcast3A_367 = vector.bitcast %or3A_366 : vector<16xi32> to vector<16xf32>
        %sub3A_368 = arith.constant 1.000000e+00 : f32
        %sub3A_369 = vector.broadcast %sub3A_368 : f32 to vector<16xf32>
        %sub3A_370 = arith.subf %bitcast3A_367, %sub3A_369 : vector<16xf32>
        %mul3A_371 = arith.constant 0.0301026255 : f32
        %mul3A_372 = vector.broadcast %mul3A_371 : f32 to vector<16xf32>
        %mul3A_373 = arith.mulf %mul3A_372, %sub3A_370 : vector<16xf32>
        %add3A_374 = arith.constant -0.130119413 : f32
        %add3A_375 = vector.broadcast %add3A_374 : f32 to vector<16xf32>
        %add3A_376 = arith.addf %mul3A_373, %add3A_375 : vector<16xf32>
        %mul3A_377 = arith.mulf %add3A_376, %sub3A_370 : vector<16xf32>
        %add3A_378 = arith.constant 0.283304334 : f32
        %add3A_379 = vector.broadcast %add3A_378 : f32 to vector<16xf32>
        %add3A_380 = arith.addf %mul3A_377, %add3A_379 : vector<16xf32>
        %mul3A_381 = arith.mulf %add3A_380, %sub3A_370 : vector<16xf32>
        %add3A_382 = arith.constant -0.489156842 : f32
        %add3A_383 = vector.broadcast %add3A_382 : f32 to vector<16xf32>
        %add3A_384 = arith.addf %mul3A_381, %add3A_383 : vector<16xf32>
        %mul3A_385 = arith.mulf %add3A_384, %sub3A_370 : vector<16xf32>
        %add3A_386 = arith.constant 0.999010443 : f32
        %add3A_387 = vector.broadcast %add3A_386 : f32 to vector<16xf32>
        %add3A_388 = arith.addf %mul3A_385, %add3A_387 : vector<16xf32>
        %mul3A_389 = arith.mulf %add3A_388, %sub3A_370 : vector<16xf32>
        %add3A_390 = arith.constant 2.21170303E-5 : f32
        %add3A_391 = vector.broadcast %add3A_390 : f32 to vector<16xf32>
        %add3A_392 = arith.addf %mul3A_389, %add3A_391 : vector<16xf32>
        %mul3A_393 = arith.constant 0.693147182 : f32
        %mul3A_394 = vector.broadcast %mul3A_393 : f32 to vector<16xf32>
        %mul3A_395 = arith.mulf %convert_element_type3A_360, %mul3A_394 : vector<16xf32>
        %add3A_396 = arith.addf %mul3A_395, %add3A_392 : vector<16xf32>
        tpu.vector_store_idx %arg13[%add3A_352], %add3A_396 : memref<16384xf32, #tpu.memory_space<vmem>>[vector<16xi32>], vector<16xf32>,
        %mul3A_397 = arith.mulf %exp3A, %exp3A_228 : vector<16xf32>
        %mul3A_398 = arith.mulf %exp3A_143, %exp3A_248 : vector<16xf32>
        %add3A_399 = arith.addf %mul3A_397, %mul3A_398 : vector<16xf32>
        %mul3A_400 = arith.mulf %exp3A_148, %exp3A_268 : vector<16xf32>
        %add3A_401 = arith.addf %add3A_399, %mul3A_400 : vector<16xf32>
        %mul3A_402 = arith.mulf %exp3A_153, %exp3A_288 : vector<16xf32>
        %add3A_403 = arith.addf %add3A_401, %mul3A_402 : vector<16xf32>
        %add3A_404 = arith.constant 2 : i32
        %add3A_405 = vector.broadcast %add3A_404 : i32 to vector<16xi32>
        %add3A_406 = arith.addi %add3A_135, %add3A_405 : vector<16xi32>
        %bitcast3A_407 = vector.bitcast %add3A_403 : vector<16xf32> to vector<16xi32>
        %shift_right_arithmetic3A_408 = arith.constant 23 : i32
        %shift_right_arithmetic3A_409 = vector.broadcast %shift_right_arithmetic3A_408 : i32 to vector<16xi32>
        %shift_right_arithmetic3A_410 = arith.shrsi %bitcast3A_407, %shift_right_arithmetic3A_409 : vector<16xi32>
        %sub3A_411 = arith.constant 127 : i32
        %sub3A_412 = vector.broadcast %sub3A_411 : i32 to vector<16xi32>
        %sub3A_413 = arith.subi %shift_right_arithmetic3A_410, %sub3A_412 : vector<16xi32>
        %convert_element_type3A_414 = arith.sitofp %sub3A_413 : vector<16xi32> to vector<16xf32>
        %and3A_415 = arith.constant 8388607 : i32
        %and3A_416 = vector.broadcast %and3A_415 : i32 to vector<16xi32>
        %and3A_417 = arith.andi %bitcast3A_407, %and3A_416 : vector<16xi32>
        %or3A_418 = arith.constant 1065353216 : i32
        %or3A_419 = vector.broadcast %or3A_418 : i32 to vector<16xi32>
        %or3A_420 = arith.ori %and3A_417, %or3A_419 : vector<16xi32>
        %bitcast3A_421 = vector.bitcast %or3A_420 : vector<16xi32> to vector<16xf32>
        %sub3A_422 = arith.constant 1.000000e+00 : f32
        %sub3A_423 = vector.broadcast %sub3A_422 : f32 to vector<16xf32>
        %sub3A_424 = arith.subf %bitcast3A_421, %sub3A_423 : vector<16xf32>
        %mul3A_425 = arith.constant 0.0301026255 : f32
        %mul3A_426 = vector.broadcast %mul3A_425 : f32 to vector<16xf32>
        %mul3A_427 = arith.mulf %mul3A_426, %sub3A_424 : vector<16xf32>
        %add3A_428 = arith.constant -0.130119413 : f32
        %add3A_429 = vector.broadcast %add3A_428 : f32 to vector<16xf32>
        %add3A_430 = arith.addf %mul3A_427, %add3A_429 : vector<16xf32>
        %mul3A_431 = arith.mulf %add3A_430, %sub3A_424 : vector<16xf32>
        %add3A_432 = arith.constant 0.283304334 : f32
        %add3A_433 = vector.broadcast %add3A_432 : f32 to vector<16xf32>
        %add3A_434 = arith.addf %mul3A_431, %add3A_433 : vector<16xf32>
        %mul3A_435 = arith.mulf %add3A_434, %sub3A_424 : vector<16xf32>
        %add3A_436 = arith.constant -0.489156842 : f32
        %add3A_437 = vector.broadcast %add3A_436 : f32 to vector<16xf32>
        %add3A_438 = arith.addf %mul3A_435, %add3A_437 : vector<16xf32>
        %mul3A_439 = arith.mulf %add3A_438, %sub3A_424 : vector<16xf32>
        %add3A_440 = arith.constant 0.999010443 : f32
        %add3A_441 = vector.broadcast %add3A_440 : f32 to vector<16xf32>
        %add3A_442 = arith.addf %mul3A_439, %add3A_441 : vector<16xf32>
        %mul3A_443 = arith.mulf %add3A_442, %sub3A_424 : vector<16xf32>
        %add3A_444 = arith.constant 2.21170303E-5 : f32
        %add3A_445 = vector.broadcast %add3A_444 : f32 to vector<16xf32>
        %add3A_446 = arith.addf %mul3A_443, %add3A_445 : vector<16xf32>
        %mul3A_447 = arith.constant 0.693147182 : f32
        %mul3A_448 = vector.broadcast %mul3A_447 : f32 to vector<16xf32>
        %mul3A_449 = arith.mulf %convert_element_type3A_414, %mul3A_448 : vector<16xf32>
        %add3A_450 = arith.addf %mul3A_449, %add3A_446 : vector<16xf32>
        tpu.vector_store_idx %arg13[%add3A_406], %add3A_450 : memref<16384xf32, #tpu.memory_space<vmem>>[vector<16xi32>], vector<16xf32>,
        %mul3A_451 = arith.mulf %exp3A, %exp3A_233 : vector<16xf32>
        %mul3A_452 = arith.mulf %exp3A_143, %exp3A_253 : vector<16xf32>
        %add3A_453 = arith.addf %mul3A_451, %mul3A_452 : vector<16xf32>
        %mul3A_454 = arith.mulf %exp3A_148, %exp3A_273 : vector<16xf32>
        %add3A_455 = arith.addf %add3A_453, %mul3A_454 : vector<16xf32>
        %mul3A_456 = arith.mulf %exp3A_153, %exp3A_293 : vector<16xf32>
        %add3A_457 = arith.addf %add3A_455, %mul3A_456 : vector<16xf32>
        %add3A_458 = arith.constant 3 : i32
        %add3A_459 = vector.broadcast %add3A_458 : i32 to vector<16xi32>
        %add3A_460 = arith.addi %add3A_135, %add3A_459 : vector<16xi32>
        %bitcast3A_461 = vector.bitcast %add3A_457 : vector<16xf32> to vector<16xi32>
        %shift_right_arithmetic3A_462 = arith.constant 23 : i32
        %shift_right_arithmetic3A_463 = vector.broadcast %shift_right_arithmetic3A_462 : i32 to vector<16xi32>
        %shift_right_arithmetic3A_464 = arith.shrsi %bitcast3A_461, %shift_right_arithmetic3A_463 : vector<16xi32>
        %sub3A_465 = arith.constant 127 : i32
        %sub3A_466 = vector.broadcast %sub3A_465 : i32 to vector<16xi32>
        %sub3A_467 = arith.subi %shift_right_arithmetic3A_464, %sub3A_466 : vector<16xi32>
        %convert_element_type3A_468 = arith.sitofp %sub3A_467 : vector<16xi32> to vector<16xf32>
        %and3A_469 = arith.constant 8388607 : i32
        %and3A_470 = vector.broadcast %and3A_469 : i32 to vector<16xi32>
        %and3A_471 = arith.andi %bitcast3A_461, %and3A_470 : vector<16xi32>
        %or3A_472 = arith.constant 1065353216 : i32
        %or3A_473 = vector.broadcast %or3A_472 : i32 to vector<16xi32>
        %or3A_474 = arith.ori %and3A_471, %or3A_473 : vector<16xi32>
        %bitcast3A_475 = vector.bitcast %or3A_474 : vector<16xi32> to vector<16xf32>
        %sub3A_476 = arith.constant 1.000000e+00 : f32
        %sub3A_477 = vector.broadcast %sub3A_476 : f32 to vector<16xf32>
        %sub3A_478 = arith.subf %bitcast3A_475, %sub3A_477 : vector<16xf32>
        %mul3A_479 = arith.constant 0.0301026255 : f32
        %mul3A_480 = vector.broadcast %mul3A_479 : f32 to vector<16xf32>
        %mul3A_481 = arith.mulf %mul3A_480, %sub3A_478 : vector<16xf32>
        %add3A_482 = arith.constant -0.130119413 : f32
        %add3A_483 = vector.broadcast %add3A_482 : f32 to vector<16xf32>
        %add3A_484 = arith.addf %mul3A_481, %add3A_483 : vector<16xf32>
        %mul3A_485 = arith.mulf %add3A_484, %sub3A_478 : vector<16xf32>
        %add3A_486 = arith.constant 0.283304334 : f32
        %add3A_487 = vector.broadcast %add3A_486 : f32 to vector<16xf32>
        %add3A_488 = arith.addf %mul3A_485, %add3A_487 : vector<16xf32>
        %mul3A_489 = arith.mulf %add3A_488, %sub3A_478 : vector<16xf32>
        %add3A_490 = arith.constant -0.489156842 : f32
        %add3A_491 = vector.broadcast %add3A_490 : f32 to vector<16xf32>
        %add3A_492 = arith.addf %mul3A_489, %add3A_491 : vector<16xf32>
        %mul3A_493 = arith.mulf %add3A_492, %sub3A_478 : vector<16xf32>
        %add3A_494 = arith.constant 0.999010443 : f32
        %add3A_495 = vector.broadcast %add3A_494 : f32 to vector<16xf32>
        %add3A_496 = arith.addf %mul3A_493, %add3A_495 : vector<16xf32>
        %mul3A_497 = arith.mulf %add3A_496, %sub3A_478 : vector<16xf32>
        %add3A_498 = arith.constant 2.21170303E-5 : f32
        %add3A_499 = vector.broadcast %add3A_498 : f32 to vector<16xf32>
        %add3A_500 = arith.addf %mul3A_497, %add3A_499 : vector<16xf32>
        %mul3A_501 = arith.constant 0.693147182 : f32
        %mul3A_502 = vector.broadcast %mul3A_501 : f32 to vector<16xf32>
        %mul3A_503 = arith.mulf %convert_element_type3A_468, %mul3A_502 : vector<16xf32>
        %add3A_504 = arith.addf %mul3A_503, %add3A_500 : vector<16xf32>
        tpu.vector_store_idx %arg13[%add3A_460], %add3A_504 : memref<16384xf32, #tpu.memory_space<vmem>>[vector<16xi32>], vector<16xf32>,
        %mul3A_505 = arith.mulf %exp3A_158, %exp3A_218 : vector<16xf32>
        %mul3A_506 = arith.mulf %exp3A_163, %exp3A_238 : vector<16xf32>
        %add3A_507 = arith.addf %mul3A_505, %mul3A_506 : vector<16xf32>
        %mul3A_508 = arith.mulf %exp3A_168, %exp3A_258 : vector<16xf32>
        %add3A_509 = arith.addf %add3A_507, %mul3A_508 : vector<16xf32>
        %mul3A_510 = arith.mulf %exp3A_173, %exp3A_278 : vector<16xf32>
        %add3A_511 = arith.addf %add3A_509, %mul3A_510 : vector<16xf32>
        %add3A_512 = arith.constant 4 : i32
        %add3A_513 = vector.broadcast %add3A_512 : i32 to vector<16xi32>
        %add3A_514 = arith.addi %add3A_135, %add3A_513 : vector<16xi32>
        %bitcast3A_515 = vector.bitcast %add3A_511 : vector<16xf32> to vector<16xi32>
        %shift_right_arithmetic3A_516 = arith.constant 23 : i32
        %shift_right_arithmetic3A_517 = vector.broadcast %shift_right_arithmetic3A_516 : i32 to vector<16xi32>
        %shift_right_arithmetic3A_518 = arith.shrsi %bitcast3A_515, %shift_right_arithmetic3A_517 : vector<16xi32>
        %sub3A_519 = arith.constant 127 : i32
        %sub3A_520 = vector.broadcast %sub3A_519 : i32 to vector<16xi32>
        %sub3A_521 = arith.subi %shift_right_arithmetic3A_518, %sub3A_520 : vector<16xi32>
        %convert_element_type3A_522 = arith.sitofp %sub3A_521 : vector<16xi32> to vector<16xf32>
        %and3A_523 = arith.constant 8388607 : i32
        %and3A_524 = vector.broadcast %and3A_523 : i32 to vector<16xi32>
        %and3A_525 = arith.andi %bitcast3A_515, %and3A_524 : vector<16xi32>
        %or3A_526 = arith.constant 1065353216 : i32
        %or3A_527 = vector.broadcast %or3A_526 : i32 to vector<16xi32>
        %or3A_528 = arith.ori %and3A_525, %or3A_527 : vector<16xi32>
        %bitcast3A_529 = vector.bitcast %or3A_528 : vector<16xi32> to vector<16xf32>
        %sub3A_530 = arith.constant 1.000000e+00 : f32
        %sub3A_531 = vector.broadcast %sub3A_530 : f32 to vector<16xf32>
        %sub3A_532 = arith.subf %bitcast3A_529, %sub3A_531 : vector<16xf32>
        %mul3A_533 = arith.constant 0.0301026255 : f32
        %mul3A_534 = vector.broadcast %mul3A_533 : f32 to vector<16xf32>
        %mul3A_535 = arith.mulf %mul3A_534, %sub3A_532 : vector<16xf32>
        %add3A_536 = arith.constant -0.130119413 : f32
        %add3A_537 = vector.broadcast %add3A_536 : f32 to vector<16xf32>
        %add3A_538 = arith.addf %mul3A_535, %add3A_537 : vector<16xf32>
        %mul3A_539 = arith.mulf %add3A_538, %sub3A_532 : vector<16xf32>
        %add3A_540 = arith.constant 0.283304334 : f32
        %add3A_541 = vector.broadcast %add3A_540 : f32 to vector<16xf32>
        %add3A_542 = arith.addf %mul3A_539, %add3A_541 : vector<16xf32>
        %mul3A_543 = arith.mulf %add3A_542, %sub3A_532 : vector<16xf32>
        %add3A_544 = arith.constant -0.489156842 : f32
        %add3A_545 = vector.broadcast %add3A_544 : f32 to vector<16xf32>
        %add3A_546 = arith.addf %mul3A_543, %add3A_545 : vector<16xf32>
        %mul3A_547 = arith.mulf %add3A_546, %sub3A_532 : vector<16xf32>
        %add3A_548 = arith.constant 0.999010443 : f32
        %add3A_549 = vector.broadcast %add3A_548 : f32 to vector<16xf32>
        %add3A_550 = arith.addf %mul3A_547, %add3A_549 : vector<16xf32>
        %mul3A_551 = arith.mulf %add3A_550, %sub3A_532 : vector<16xf32>
        %add3A_552 = arith.constant 2.21170303E-5 : f32
        %add3A_553 = vector.broadcast %add3A_552 : f32 to vector<16xf32>
        %add3A_554 = arith.addf %mul3A_551, %add3A_553 : vector<16xf32>
        %mul3A_555 = arith.constant 0.693147182 : f32
        %mul3A_556 = vector.broadcast %mul3A_555 : f32 to vector<16xf32>
        %mul3A_557 = arith.mulf %convert_element_type3A_522, %mul3A_556 : vector<16xf32>
        %add3A_558 = arith.addf %mul3A_557, %add3A_554 : vector<16xf32>
        tpu.vector_store_idx %arg13[%add3A_514], %add3A_558 : memref<16384xf32, #tpu.memory_space<vmem>>[vector<16xi32>], vector<16xf32>,
        %mul3A_559 = arith.mulf %exp3A_158, %exp3A_223 : vector<16xf32>
        %mul3A_560 = arith.mulf %exp3A_163, %exp3A_243 : vector<16xf32>
        %add3A_561 = arith.addf %mul3A_559, %mul3A_560 : vector<16xf32>
        %mul3A_562 = arith.mulf %exp3A_168, %exp3A_263 : vector<16xf32>
        %add3A_563 = arith.addf %add3A_561, %mul3A_562 : vector<16xf32>
        %mul3A_564 = arith.mulf %exp3A_173, %exp3A_283 : vector<16xf32>
        %add3A_565 = arith.addf %add3A_563, %mul3A_564 : vector<16xf32>
        %add3A_566 = arith.constant 5 : i32
        %add3A_567 = vector.broadcast %add3A_566 : i32 to vector<16xi32>
        %add3A_568 = arith.addi %add3A_135, %add3A_567 : vector<16xi32>
        %bitcast3A_569 = vector.bitcast %add3A_565 : vector<16xf32> to vector<16xi32>
        %shift_right_arithmetic3A_570 = arith.constant 23 : i32
        %shift_right_arithmetic3A_571 = vector.broadcast %shift_right_arithmetic3A_570 : i32 to vector<16xi32>
        %shift_right_arithmetic3A_572 = arith.shrsi %bitcast3A_569, %shift_right_arithmetic3A_571 : vector<16xi32>
        %sub3A_573 = arith.constant 127 : i32
        %sub3A_574 = vector.broadcast %sub3A_573 : i32 to vector<16xi32>
        %sub3A_575 = arith.subi %shift_right_arithmetic3A_572, %sub3A_574 : vector<16xi32>
        %convert_element_type3A_576 = arith.sitofp %sub3A_575 : vector<16xi32> to vector<16xf32>
        %and3A_577 = arith.constant 8388607 : i32
        %and3A_578 = vector.broadcast %and3A_577 : i32 to vector<16xi32>
        %and3A_579 = arith.andi %bitcast3A_569, %and3A_578 : vector<16xi32>
        %or3A_580 = arith.constant 1065353216 : i32
        %or3A_581 = vector.broadcast %or3A_580 : i32 to vector<16xi32>
        %or3A_582 = arith.ori %and3A_579, %or3A_581 : vector<16xi32>
        %bitcast3A_583 = vector.bitcast %or3A_582 : vector<16xi32> to vector<16xf32>
        %sub3A_584 = arith.constant 1.000000e+00 : f32
        %sub3A_585 = vector.broadcast %sub3A_584 : f32 to vector<16xf32>
        %sub3A_586 = arith.subf %bitcast3A_583, %sub3A_585 : vector<16xf32>
        %mul3A_587 = arith.constant 0.0301026255 : f32
        %mul3A_588 = vector.broadcast %mul3A_587 : f32 to vector<16xf32>
        %mul3A_589 = arith.mulf %mul3A_588, %sub3A_586 : vector<16xf32>
        %add3A_590 = arith.constant -0.130119413 : f32
        %add3A_591 = vector.broadcast %add3A_590 : f32 to vector<16xf32>
        %add3A_592 = arith.addf %mul3A_589, %add3A_591 : vector<16xf32>
        %mul3A_593 = arith.mulf %add3A_592, %sub3A_586 : vector<16xf32>
        %add3A_594 = arith.constant 0.283304334 : f32
        %add3A_595 = vector.broadcast %add3A_594 : f32 to vector<16xf32>
        %add3A_596 = arith.addf %mul3A_593, %add3A_595 : vector<16xf32>
        %mul3A_597 = arith.mulf %add3A_596, %sub3A_586 : vector<16xf32>
        %add3A_598 = arith.constant -0.489156842 : f32
        %add3A_599 = vector.broadcast %add3A_598 : f32 to vector<16xf32>
        %add3A_600 = arith.addf %mul3A_597, %add3A_599 : vector<16xf32>
        %mul3A_601 = arith.mulf %add3A_600, %sub3A_586 : vector<16xf32>
        %add3A_602 = arith.constant 0.999010443 : f32
        %add3A_603 = vector.broadcast %add3A_602 : f32 to vector<16xf32>
        %add3A_604 = arith.addf %mul3A_601, %add3A_603 : vector<16xf32>
        %mul3A_605 = arith.mulf %add3A_604, %sub3A_586 : vector<16xf32>
        %add3A_606 = arith.constant 2.21170303E-5 : f32
        %add3A_607 = vector.broadcast %add3A_606 : f32 to vector<16xf32>
        %add3A_608 = arith.addf %mul3A_605, %add3A_607 : vector<16xf32>
        %mul3A_609 = arith.constant 0.693147182 : f32
        %mul3A_610 = vector.broadcast %mul3A_609 : f32 to vector<16xf32>
        %mul3A_611 = arith.mulf %convert_element_type3A_576, %mul3A_610 : vector<16xf32>
        %add3A_612 = arith.addf %mul3A_611, %add3A_608 : vector<16xf32>
        tpu.vector_store_idx %arg13[%add3A_568], %add3A_612 : memref<16384xf32, #tpu.memory_space<vmem>>[vector<16xi32>], vector<16xf32>,
        %mul3A_613 = arith.mulf %exp3A_158, %exp3A_228 : vector<16xf32>
        %mul3A_614 = arith.mulf %exp3A_163, %exp3A_248 : vector<16xf32>
        %add3A_615 = arith.addf %mul3A_613, %mul3A_614 : vector<16xf32>
        %mul3A_616 = arith.mulf %exp3A_168, %exp3A_268 : vector<16xf32>
        %add3A_617 = arith.addf %add3A_615, %mul3A_616 : vector<16xf32>
        %mul3A_618 = arith.mulf %exp3A_173, %exp3A_288 : vector<16xf32>
        %add3A_619 = arith.addf %add3A_617, %mul3A_618 : vector<16xf32>
        %add3A_620 = arith.constant 6 : i32
        %add3A_621 = vector.broadcast %add3A_620 : i32 to vector<16xi32>
        %add3A_622 = arith.addi %add3A_135, %add3A_621 : vector<16xi32>
        %bitcast3A_623 = vector.bitcast %add3A_619 : vector<16xf32> to vector<16xi32>
        %shift_right_arithmetic3A_624 = arith.constant 23 : i32
        %shift_right_arithmetic3A_625 = vector.broadcast %shift_right_arithmetic3A_624 : i32 to vector<16xi32>
        %shift_right_arithmetic3A_626 = arith.shrsi %bitcast3A_623, %shift_right_arithmetic3A_625 : vector<16xi32>
        %sub3A_627 = arith.constant 127 : i32
        %sub3A_628 = vector.broadcast %sub3A_627 : i32 to vector<16xi32>
        %sub3A_629 = arith.subi %shift_right_arithmetic3A_626, %sub3A_628 : vector<16xi32>
        %convert_element_type3A_630 = arith.sitofp %sub3A_629 : vector<16xi32> to vector<16xf32>
        %and3A_631 = arith.constant 8388607 : i32
        %and3A_632 = vector.broadcast %and3A_631 : i32 to vector<16xi32>
        %and3A_633 = arith.andi %bitcast3A_623, %and3A_632 : vector<16xi32>
        %or3A_634 = arith.constant 1065353216 : i32
        %or3A_635 = vector.broadcast %or3A_634 : i32 to vector<16xi32>
        %or3A_636 = arith.ori %and3A_633, %or3A_635 : vector<16xi32>
        %bitcast3A_637 = vector.bitcast %or3A_636 : vector<16xi32> to vector<16xf32>
        %sub3A_638 = arith.constant 1.000000e+00 : f32
        %sub3A_639 = vector.broadcast %sub3A_638 : f32 to vector<16xf32>
        %sub3A_640 = arith.subf %bitcast3A_637, %sub3A_639 : vector<16xf32>
        %mul3A_641 = arith.constant 0.0301026255 : f32
        %mul3A_642 = vector.broadcast %mul3A_641 : f32 to vector<16xf32>
        %mul3A_643 = arith.mulf %mul3A_642, %sub3A_640 : vector<16xf32>
        %add3A_644 = arith.constant -0.130119413 : f32
        %add3A_645 = vector.broadcast %add3A_644 : f32 to vector<16xf32>
        %add3A_646 = arith.addf %mul3A_643, %add3A_645 : vector<16xf32>
        %mul3A_647 = arith.mulf %add3A_646, %sub3A_640 : vector<16xf32>
        %add3A_648 = arith.constant 0.283304334 : f32
        %add3A_649 = vector.broadcast %add3A_648 : f32 to vector<16xf32>
        %add3A_650 = arith.addf %mul3A_647, %add3A_649 : vector<16xf32>
        %mul3A_651 = arith.mulf %add3A_650, %sub3A_640 : vector<16xf32>
        %add3A_652 = arith.constant -0.489156842 : f32
        %add3A_653 = vector.broadcast %add3A_652 : f32 to vector<16xf32>
        %add3A_654 = arith.addf %mul3A_651, %add3A_653 : vector<16xf32>
        %mul3A_655 = arith.mulf %add3A_654, %sub3A_640 : vector<16xf32>
        %add3A_656 = arith.constant 0.999010443 : f32
        %add3A_657 = vector.broadcast %add3A_656 : f32 to vector<16xf32>
        %add3A_658 = arith.addf %mul3A_655, %add3A_657 : vector<16xf32>
        %mul3A_659 = arith.mulf %add3A_658, %sub3A_640 : vector<16xf32>
        %add3A_660 = arith.constant 2.21170303E-5 : f32
        %add3A_661 = vector.broadcast %add3A_660 : f32 to vector<16xf32>
        %add3A_662 = arith.addf %mul3A_659, %add3A_661 : vector<16xf32>
        %mul3A_663 = arith.constant 0.693147182 : f32
        %mul3A_664 = vector.broadcast %mul3A_663 : f32 to vector<16xf32>
        %mul3A_665 = arith.mulf %convert_element_type3A_630, %mul3A_664 : vector<16xf32>
        %add3A_666 = arith.addf %mul3A_665, %add3A_662 : vector<16xf32>
        tpu.vector_store_idx %arg13[%add3A_622], %add3A_666 : memref<16384xf32, #tpu.memory_space<vmem>>[vector<16xi32>], vector<16xf32>,
        %mul3A_667 = arith.mulf %exp3A_158, %exp3A_233 : vector<16xf32>
        %mul3A_668 = arith.mulf %exp3A_163, %exp3A_253 : vector<16xf32>
        %add3A_669 = arith.addf %mul3A_667, %mul3A_668 : vector<16xf32>
        %mul3A_670 = arith.mulf %exp3A_168, %exp3A_273 : vector<16xf32>
        %add3A_671 = arith.addf %add3A_669, %mul3A_670 : vector<16xf32>
        %mul3A_672 = arith.mulf %exp3A_173, %exp3A_293 : vector<16xf32>
        %add3A_673 = arith.addf %add3A_671, %mul3A_672 : vector<16xf32>
        %add3A_674 = arith.constant 7 : i32
        %add3A_675 = vector.broadcast %add3A_674 : i32 to vector<16xi32>
        %add3A_676 = arith.addi %add3A_135, %add3A_675 : vector<16xi32>
        %bitcast3A_677 = vector.bitcast %add3A_673 : vector<16xf32> to vector<16xi32>
        %shift_right_arithmetic3A_678 = arith.constant 23 : i32
        %shift_right_arithmetic3A_679 = vector.broadcast %shift_right_arithmetic3A_678 : i32 to vector<16xi32>
        %shift_right_arithmetic3A_680 = arith.shrsi %bitcast3A_677, %shift_right_arithmetic3A_679 : vector<16xi32>
        %sub3A_681 = arith.constant 127 : i32
        %sub3A_682 = vector.broadcast %sub3A_681 : i32 to vector<16xi32>
        %sub3A_683 = arith.subi %shift_right_arithmetic3A_680, %sub3A_682 : vector<16xi32>
        %convert_element_type3A_684 = arith.sitofp %sub3A_683 : vector<16xi32> to vector<16xf32>
        %and3A_685 = arith.constant 8388607 : i32
        %and3A_686 = vector.broadcast %and3A_685 : i32 to vector<16xi32>
        %and3A_687 = arith.andi %bitcast3A_677, %and3A_686 : vector<16xi32>
        %or3A_688 = arith.constant 1065353216 : i32
        %or3A_689 = vector.broadcast %or3A_688 : i32 to vector<16xi32>
        %or3A_690 = arith.ori %and3A_687, %or3A_689 : vector<16xi32>
        %bitcast3A_691 = vector.bitcast %or3A_690 : vector<16xi32> to vector<16xf32>
        %sub3A_692 = arith.constant 1.000000e+00 : f32
        %sub3A_693 = vector.broadcast %sub3A_692 : f32 to vector<16xf32>
        %sub3A_694 = arith.subf %bitcast3A_691, %sub3A_693 : vector<16xf32>
        %mul3A_695 = arith.constant 0.0301026255 : f32
        %mul3A_696 = vector.broadcast %mul3A_695 : f32 to vector<16xf32>
        %mul3A_697 = arith.mulf %mul3A_696, %sub3A_694 : vector<16xf32>
        %add3A_698 = arith.constant -0.130119413 : f32
        %add3A_699 = vector.broadcast %add3A_698 : f32 to vector<16xf32>
        %add3A_700 = arith.addf %mul3A_697, %add3A_699 : vector<16xf32>
        %mul3A_701 = arith.mulf %add3A_700, %sub3A_694 : vector<16xf32>
        %add3A_702 = arith.constant 0.283304334 : f32
        %add3A_703 = vector.broadcast %add3A_702 : f32 to vector<16xf32>
        %add3A_704 = arith.addf %mul3A_701, %add3A_703 : vector<16xf32>
        %mul3A_705 = arith.mulf %add3A_704, %sub3A_694 : vector<16xf32>
        %add3A_706 = arith.constant -0.489156842 : f32
        %add3A_707 = vector.broadcast %add3A_706 : f32 to vector<16xf32>
        %add3A_708 = arith.addf %mul3A_705, %add3A_707 : vector<16xf32>
        %mul3A_709 = arith.mulf %add3A_708, %sub3A_694 : vector<16xf32>
        %add3A_710 = arith.constant 0.999010443 : f32
        %add3A_711 = vector.broadcast %add3A_710 : f32 to vector<16xf32>
        %add3A_712 = arith.addf %mul3A_709, %add3A_711 : vector<16xf32>
        %mul3A_713 = arith.mulf %add3A_712, %sub3A_694 : vector<16xf32>
        %add3A_714 = arith.constant 2.21170303E-5 : f32
        %add3A_715 = vector.broadcast %add3A_714 : f32 to vector<16xf32>
        %add3A_716 = arith.addf %mul3A_713, %add3A_715 : vector<16xf32>
        %mul3A_717 = arith.constant 0.693147182 : f32
        %mul3A_718 = vector.broadcast %mul3A_717 : f32 to vector<16xf32>
        %mul3A_719 = arith.mulf %convert_element_type3A_684, %mul3A_718 : vector<16xf32>
        %add3A_720 = arith.addf %mul3A_719, %add3A_716 : vector<16xf32>
        tpu.vector_store_idx %arg13[%add3A_676], %add3A_720 : memref<16384xf32, #tpu.memory_space<vmem>>[vector<16xi32>], vector<16xf32>,
        %mul3A_721 = arith.mulf %exp3A_178, %exp3A_218 : vector<16xf32>
        %mul3A_722 = arith.mulf %exp3A_183, %exp3A_238 : vector<16xf32>
        %add3A_723 = arith.addf %mul3A_721, %mul3A_722 : vector<16xf32>
        %mul3A_724 = arith.mulf %exp3A_188, %exp3A_258 : vector<16xf32>
        %add3A_725 = arith.addf %add3A_723, %mul3A_724 : vector<16xf32>
        %mul3A_726 = arith.mulf %exp3A_193, %exp3A_278 : vector<16xf32>
        %add3A_727 = arith.addf %add3A_725, %mul3A_726 : vector<16xf32>
        %add3A_728 = arith.constant 8 : i32
        %add3A_729 = vector.broadcast %add3A_728 : i32 to vector<16xi32>
        %add3A_730 = arith.addi %add3A_135, %add3A_729 : vector<16xi32>
        %bitcast3A_731 = vector.bitcast %add3A_727 : vector<16xf32> to vector<16xi32>
        %shift_right_arithmetic3A_732 = arith.constant 23 : i32
        %shift_right_arithmetic3A_733 = vector.broadcast %shift_right_arithmetic3A_732 : i32 to vector<16xi32>
        %shift_right_arithmetic3A_734 = arith.shrsi %bitcast3A_731, %shift_right_arithmetic3A_733 : vector<16xi32>
        %sub3A_735 = arith.constant 127 : i32
        %sub3A_736 = vector.broadcast %sub3A_735 : i32 to vector<16xi32>
        %sub3A_737 = arith.subi %shift_right_arithmetic3A_734, %sub3A_736 : vector<16xi32>
        %convert_element_type3A_738 = arith.sitofp %sub3A_737 : vector<16xi32> to vector<16xf32>
        %and3A_739 = arith.constant 8388607 : i32
        %and3A_740 = vector.broadcast %and3A_739 : i32 to vector<16xi32>
        %and3A_741 = arith.andi %bitcast3A_731, %and3A_740 : vector<16xi32>
        %or3A_742 = arith.constant 1065353216 : i32
        %or3A_743 = vector.broadcast %or3A_742 : i32 to vector<16xi32>
        %or3A_744 = arith.ori %and3A_741, %or3A_743 : vector<16xi32>
        %bitcast3A_745 = vector.bitcast %or3A_744 : vector<16xi32> to vector<16xf32>
        %sub3A_746 = arith.constant 1.000000e+00 : f32
        %sub3A_747 = vector.broadcast %sub3A_746 : f32 to vector<16xf32>
        %sub3A_748 = arith.subf %bitcast3A_745, %sub3A_747 : vector<16xf32>
        %mul3A_749 = arith.constant 0.0301026255 : f32
        %mul3A_750 = vector.broadcast %mul3A_749 : f32 to vector<16xf32>
        %mul3A_751 = arith.mulf %mul3A_750, %sub3A_748 : vector<16xf32>
        %add3A_752 = arith.constant -0.130119413 : f32
        %add3A_753 = vector.broadcast %add3A_752 : f32 to vector<16xf32>
        %add3A_754 = arith.addf %mul3A_751, %add3A_753 : vector<16xf32>
        %mul3A_755 = arith.mulf %add3A_754, %sub3A_748 : vector<16xf32>
        %add3A_756 = arith.constant 0.283304334 : f32
        %add3A_757 = vector.broadcast %add3A_756 : f32 to vector<16xf32>
        %add3A_758 = arith.addf %mul3A_755, %add3A_757 : vector<16xf32>
        %mul3A_759 = arith.mulf %add3A_758, %sub3A_748 : vector<16xf32>
        %add3A_760 = arith.constant -0.489156842 : f32
        %add3A_761 = vector.broadcast %add3A_760 : f32 to vector<16xf32>
        %add3A_762 = arith.addf %mul3A_759, %add3A_761 : vector<16xf32>
        %mul3A_763 = arith.mulf %add3A_762, %sub3A_748 : vector<16xf32>
        %add3A_764 = arith.constant 0.999010443 : f32
        %add3A_765 = vector.broadcast %add3A_764 : f32 to vector<16xf32>
        %add3A_766 = arith.addf %mul3A_763, %add3A_765 : vector<16xf32>
        %mul3A_767 = arith.mulf %add3A_766, %sub3A_748 : vector<16xf32>
        %add3A_768 = arith.constant 2.21170303E-5 : f32
        %add3A_769 = vector.broadcast %add3A_768 : f32 to vector<16xf32>
        %add3A_770 = arith.addf %mul3A_767, %add3A_769 : vector<16xf32>
        %mul3A_771 = arith.constant 0.693147182 : f32
        %mul3A_772 = vector.broadcast %mul3A_771 : f32 to vector<16xf32>
        %mul3A_773 = arith.mulf %convert_element_type3A_738, %mul3A_772 : vector<16xf32>
        %add3A_774 = arith.addf %mul3A_773, %add3A_770 : vector<16xf32>
        tpu.vector_store_idx %arg13[%add3A_730], %add3A_774 : memref<16384xf32, #tpu.memory_space<vmem>>[vector<16xi32>], vector<16xf32>,
        %mul3A_775 = arith.mulf %exp3A_178, %exp3A_223 : vector<16xf32>
        %mul3A_776 = arith.mulf %exp3A_183, %exp3A_243 : vector<16xf32>
        %add3A_777 = arith.addf %mul3A_775, %mul3A_776 : vector<16xf32>
        %mul3A_778 = arith.mulf %exp3A_188, %exp3A_263 : vector<16xf32>
        %add3A_779 = arith.addf %add3A_777, %mul3A_778 : vector<16xf32>
        %mul3A_780 = arith.mulf %exp3A_193, %exp3A_283 : vector<16xf32>
        %add3A_781 = arith.addf %add3A_779, %mul3A_780 : vector<16xf32>
        %add3A_782 = arith.constant 9 : i32
        %add3A_783 = vector.broadcast %add3A_782 : i32 to vector<16xi32>
        %add3A_784 = arith.addi %add3A_135, %add3A_783 : vector<16xi32>
        %bitcast3A_785 = vector.bitcast %add3A_781 : vector<16xf32> to vector<16xi32>
        %shift_right_arithmetic3A_786 = arith.constant 23 : i32
        %shift_right_arithmetic3A_787 = vector.broadcast %shift_right_arithmetic3A_786 : i32 to vector<16xi32>
        %shift_right_arithmetic3A_788 = arith.shrsi %bitcast3A_785, %shift_right_arithmetic3A_787 : vector<16xi32>
        %sub3A_789 = arith.constant 127 : i32
        %sub3A_790 = vector.broadcast %sub3A_789 : i32 to vector<16xi32>
        %sub3A_791 = arith.subi %shift_right_arithmetic3A_788, %sub3A_790 : vector<16xi32>
        %convert_element_type3A_792 = arith.sitofp %sub3A_791 : vector<16xi32> to vector<16xf32>
        %and3A_793 = arith.constant 8388607 : i32
        %and3A_794 = vector.broadcast %and3A_793 : i32 to vector<16xi32>
        %and3A_795 = arith.andi %bitcast3A_785, %and3A_794 : vector<16xi32>
        %or3A_796 = arith.constant 1065353216 : i32
        %or3A_797 = vector.broadcast %or3A_796 : i32 to vector<16xi32>
        %or3A_798 = arith.ori %and3A_795, %or3A_797 : vector<16xi32>
        %bitcast3A_799 = vector.bitcast %or3A_798 : vector<16xi32> to vector<16xf32>
        %sub3A_800 = arith.constant 1.000000e+00 : f32
        %sub3A_801 = vector.broadcast %sub3A_800 : f32 to vector<16xf32>
        %sub3A_802 = arith.subf %bitcast3A_799, %sub3A_801 : vector<16xf32>
        %mul3A_803 = arith.constant 0.0301026255 : f32
        %mul3A_804 = vector.broadcast %mul3A_803 : f32 to vector<16xf32>
        %mul3A_805 = arith.mulf %mul3A_804, %sub3A_802 : vector<16xf32>
        %add3A_806 = arith.constant -0.130119413 : f32
        %add3A_807 = vector.broadcast %add3A_806 : f32 to vector<16xf32>
        %add3A_808 = arith.addf %mul3A_805, %add3A_807 : vector<16xf32>
        %mul3A_809 = arith.mulf %add3A_808, %sub3A_802 : vector<16xf32>
        %add3A_810 = arith.constant 0.283304334 : f32
        %add3A_811 = vector.broadcast %add3A_810 : f32 to vector<16xf32>
        %add3A_812 = arith.addf %mul3A_809, %add3A_811 : vector<16xf32>
        %mul3A_813 = arith.mulf %add3A_812, %sub3A_802 : vector<16xf32>
        %add3A_814 = arith.constant -0.489156842 : f32
        %add3A_815 = vector.broadcast %add3A_814 : f32 to vector<16xf32>
        %add3A_816 = arith.addf %mul3A_813, %add3A_815 : vector<16xf32>
        %mul3A_817 = arith.mulf %add3A_816, %sub3A_802 : vector<16xf32>
        %add3A_818 = arith.constant 0.999010443 : f32
        %add3A_819 = vector.broadcast %add3A_818 : f32 to vector<16xf32>
        %add3A_820 = arith.addf %mul3A_817, %add3A_819 : vector<16xf32>
        %mul3A_821 = arith.mulf %add3A_820, %sub3A_802 : vector<16xf32>
        %add3A_822 = arith.constant 2.21170303E-5 : f32
        %add3A_823 = vector.broadcast %add3A_822 : f32 to vector<16xf32>
        %add3A_824 = arith.addf %mul3A_821, %add3A_823 : vector<16xf32>
        %mul3A_825 = arith.constant 0.693147182 : f32
        %mul3A_826 = vector.broadcast %mul3A_825 : f32 to vector<16xf32>
        %mul3A_827 = arith.mulf %convert_element_type3A_792, %mul3A_826 : vector<16xf32>
        %add3A_828 = arith.addf %mul3A_827, %add3A_824 : vector<16xf32>
        tpu.vector_store_idx %arg13[%add3A_784], %add3A_828 : memref<16384xf32, #tpu.memory_space<vmem>>[vector<16xi32>], vector<16xf32>,
        %mul3A_829 = arith.mulf %exp3A_178, %exp3A_228 : vector<16xf32>
        %mul3A_830 = arith.mulf %exp3A_183, %exp3A_248 : vector<16xf32>
        %add3A_831 = arith.addf %mul3A_829, %mul3A_830 : vector<16xf32>
        %mul3A_832 = arith.mulf %exp3A_188, %exp3A_268 : vector<16xf32>
        %add3A_833 = arith.addf %add3A_831, %mul3A_832 : vector<16xf32>
        %mul3A_834 = arith.mulf %exp3A_193, %exp3A_288 : vector<16xf32>
        %add3A_835 = arith.addf %add3A_833, %mul3A_834 : vector<16xf32>
        %add3A_836 = arith.constant 10 : i32
        %add3A_837 = vector.broadcast %add3A_836 : i32 to vector<16xi32>
        %add3A_838 = arith.addi %add3A_135, %add3A_837 : vector<16xi32>
        %bitcast3A_839 = vector.bitcast %add3A_835 : vector<16xf32> to vector<16xi32>
        %shift_right_arithmetic3A_840 = arith.constant 23 : i32
        %shift_right_arithmetic3A_841 = vector.broadcast %shift_right_arithmetic3A_840 : i32 to vector<16xi32>
        %shift_right_arithmetic3A_842 = arith.shrsi %bitcast3A_839, %shift_right_arithmetic3A_841 : vector<16xi32>
        %sub3A_843 = arith.constant 127 : i32
        %sub3A_844 = vector.broadcast %sub3A_843 : i32 to vector<16xi32>
        %sub3A_845 = arith.subi %shift_right_arithmetic3A_842, %sub3A_844 : vector<16xi32>
        %convert_element_type3A_846 = arith.sitofp %sub3A_845 : vector<16xi32> to vector<16xf32>
        %and3A_847 = arith.constant 8388607 : i32
        %and3A_848 = vector.broadcast %and3A_847 : i32 to vector<16xi32>
        %and3A_849 = arith.andi %bitcast3A_839, %and3A_848 : vector<16xi32>
        %or3A_850 = arith.constant 1065353216 : i32
        %or3A_851 = vector.broadcast %or3A_850 : i32 to vector<16xi32>
        %or3A_852 = arith.ori %and3A_849, %or3A_851 : vector<16xi32>
        %bitcast3A_853 = vector.bitcast %or3A_852 : vector<16xi32> to vector<16xf32>
        %sub3A_854 = arith.constant 1.000000e+00 : f32
        %sub3A_855 = vector.broadcast %sub3A_854 : f32 to vector<16xf32>
        %sub3A_856 = arith.subf %bitcast3A_853, %sub3A_855 : vector<16xf32>
        %mul3A_857 = arith.constant 0.0301026255 : f32
        %mul3A_858 = vector.broadcast %mul3A_857 : f32 to vector<16xf32>
        %mul3A_859 = arith.mulf %mul3A_858, %sub3A_856 : vector<16xf32>
        %add3A_860 = arith.constant -0.130119413 : f32
        %add3A_861 = vector.broadcast %add3A_860 : f32 to vector<16xf32>
        %add3A_862 = arith.addf %mul3A_859, %add3A_861 : vector<16xf32>
        %mul3A_863 = arith.mulf %add3A_862, %sub3A_856 : vector<16xf32>
        %add3A_864 = arith.constant 0.283304334 : f32
        %add3A_865 = vector.broadcast %add3A_864 : f32 to vector<16xf32>
        %add3A_866 = arith.addf %mul3A_863, %add3A_865 : vector<16xf32>
        %mul3A_867 = arith.mulf %add3A_866, %sub3A_856 : vector<16xf32>
        %add3A_868 = arith.constant -0.489156842 : f32
        %add3A_869 = vector.broadcast %add3A_868 : f32 to vector<16xf32>
        %add3A_870 = arith.addf %mul3A_867, %add3A_869 : vector<16xf32>
        %mul3A_871 = arith.mulf %add3A_870, %sub3A_856 : vector<16xf32>
        %add3A_872 = arith.constant 0.999010443 : f32
        %add3A_873 = vector.broadcast %add3A_872 : f32 to vector<16xf32>
        %add3A_874 = arith.addf %mul3A_871, %add3A_873 : vector<16xf32>
        %mul3A_875 = arith.mulf %add3A_874, %sub3A_856 : vector<16xf32>
        %add3A_876 = arith.constant 2.21170303E-5 : f32
        %add3A_877 = vector.broadcast %add3A_876 : f32 to vector<16xf32>
        %add3A_878 = arith.addf %mul3A_875, %add3A_877 : vector<16xf32>
        %mul3A_879 = arith.constant 0.693147182 : f32
        %mul3A_880 = vector.broadcast %mul3A_879 : f32 to vector<16xf32>
        %mul3A_881 = arith.mulf %convert_element_type3A_846, %mul3A_880 : vector<16xf32>
        %add3A_882 = arith.addf %mul3A_881, %add3A_878 : vector<16xf32>
        tpu.vector_store_idx %arg13[%add3A_838], %add3A_882 : memref<16384xf32, #tpu.memory_space<vmem>>[vector<16xi32>], vector<16xf32>,
        %mul3A_883 = arith.mulf %exp3A_178, %exp3A_233 : vector<16xf32>
        %mul3A_884 = arith.mulf %exp3A_183, %exp3A_253 : vector<16xf32>
        %add3A_885 = arith.addf %mul3A_883, %mul3A_884 : vector<16xf32>
        %mul3A_886 = arith.mulf %exp3A_188, %exp3A_273 : vector<16xf32>
        %add3A_887 = arith.addf %add3A_885, %mul3A_886 : vector<16xf32>
        %mul3A_888 = arith.mulf %exp3A_193, %exp3A_293 : vector<16xf32>
        %add3A_889 = arith.addf %add3A_887, %mul3A_888 : vector<16xf32>
        %add3A_890 = arith.constant 11 : i32
        %add3A_891 = vector.broadcast %add3A_890 : i32 to vector<16xi32>
        %add3A_892 = arith.addi %add3A_135, %add3A_891 : vector<16xi32>
        %bitcast3A_893 = vector.bitcast %add3A_889 : vector<16xf32> to vector<16xi32>
        %shift_right_arithmetic3A_894 = arith.constant 23 : i32
        %shift_right_arithmetic3A_895 = vector.broadcast %shift_right_arithmetic3A_894 : i32 to vector<16xi32>
        %shift_right_arithmetic3A_896 = arith.shrsi %bitcast3A_893, %shift_right_arithmetic3A_895 : vector<16xi32>
        %sub3A_897 = arith.constant 127 : i32
        %sub3A_898 = vector.broadcast %sub3A_897 : i32 to vector<16xi32>
        %sub3A_899 = arith.subi %shift_right_arithmetic3A_896, %sub3A_898 : vector<16xi32>
        %convert_element_type3A_900 = arith.sitofp %sub3A_899 : vector<16xi32> to vector<16xf32>
        %and3A_901 = arith.constant 8388607 : i32
        %and3A_902 = vector.broadcast %and3A_901 : i32 to vector<16xi32>
        %and3A_903 = arith.andi %bitcast3A_893, %and3A_902 : vector<16xi32>
        %or3A_904 = arith.constant 1065353216 : i32
        %or3A_905 = vector.broadcast %or3A_904 : i32 to vector<16xi32>
        %or3A_906 = arith.ori %and3A_903, %or3A_905 : vector<16xi32>
        %bitcast3A_907 = vector.bitcast %or3A_906 : vector<16xi32> to vector<16xf32>
        %sub3A_908 = arith.constant 1.000000e+00 : f32
        %sub3A_909 = vector.broadcast %sub3A_908 : f32 to vector<16xf32>
        %sub3A_910 = arith.subf %bitcast3A_907, %sub3A_909 : vector<16xf32>
        %mul3A_911 = arith.constant 0.0301026255 : f32
        %mul3A_912 = vector.broadcast %mul3A_911 : f32 to vector<16xf32>
        %mul3A_913 = arith.mulf %mul3A_912, %sub3A_910 : vector<16xf32>
        %add3A_914 = arith.constant -0.130119413 : f32
        %add3A_915 = vector.broadcast %add3A_914 : f32 to vector<16xf32>
        %add3A_916 = arith.addf %mul3A_913, %add3A_915 : vector<16xf32>
        %mul3A_917 = arith.mulf %add3A_916, %sub3A_910 : vector<16xf32>
        %add3A_918 = arith.constant 0.283304334 : f32
        %add3A_919 = vector.broadcast %add3A_918 : f32 to vector<16xf32>
        %add3A_920 = arith.addf %mul3A_917, %add3A_919 : vector<16xf32>
        %mul3A_921 = arith.mulf %add3A_920, %sub3A_910 : vector<16xf32>
        %add3A_922 = arith.constant -0.489156842 : f32
        %add3A_923 = vector.broadcast %add3A_922 : f32 to vector<16xf32>
        %add3A_924 = arith.addf %mul3A_921, %add3A_923 : vector<16xf32>
        %mul3A_925 = arith.mulf %add3A_924, %sub3A_910 : vector<16xf32>
        %add3A_926 = arith.constant 0.999010443 : f32
        %add3A_927 = vector.broadcast %add3A_926 : f32 to vector<16xf32>
        %add3A_928 = arith.addf %mul3A_925, %add3A_927 : vector<16xf32>
        %mul3A_929 = arith.mulf %add3A_928, %sub3A_910 : vector<16xf32>
        %add3A_930 = arith.constant 2.21170303E-5 : f32
        %add3A_931 = vector.broadcast %add3A_930 : f32 to vector<16xf32>
        %add3A_932 = arith.addf %mul3A_929, %add3A_931 : vector<16xf32>
        %mul3A_933 = arith.constant 0.693147182 : f32
        %mul3A_934 = vector.broadcast %mul3A_933 : f32 to vector<16xf32>
        %mul3A_935 = arith.mulf %convert_element_type3A_900, %mul3A_934 : vector<16xf32>
        %add3A_936 = arith.addf %mul3A_935, %add3A_932 : vector<16xf32>
        tpu.vector_store_idx %arg13[%add3A_892], %add3A_936 : memref<16384xf32, #tpu.memory_space<vmem>>[vector<16xi32>], vector<16xf32>,
        %mul3A_937 = arith.mulf %exp3A_198, %exp3A_218 : vector<16xf32>
        %mul3A_938 = arith.mulf %exp3A_203, %exp3A_238 : vector<16xf32>
        %add3A_939 = arith.addf %mul3A_937, %mul3A_938 : vector<16xf32>
        %mul3A_940 = arith.mulf %exp3A_208, %exp3A_258 : vector<16xf32>
        %add3A_941 = arith.addf %add3A_939, %mul3A_940 : vector<16xf32>
        %mul3A_942 = arith.mulf %exp3A_213, %exp3A_278 : vector<16xf32>
        %add3A_943 = arith.addf %add3A_941, %mul3A_942 : vector<16xf32>
        %add3A_944 = arith.constant 12 : i32
        %add3A_945 = vector.broadcast %add3A_944 : i32 to vector<16xi32>
        %add3A_946 = arith.addi %add3A_135, %add3A_945 : vector<16xi32>
        %bitcast3A_947 = vector.bitcast %add3A_943 : vector<16xf32> to vector<16xi32>
        %shift_right_arithmetic3A_948 = arith.constant 23 : i32
        %shift_right_arithmetic3A_949 = vector.broadcast %shift_right_arithmetic3A_948 : i32 to vector<16xi32>
        %shift_right_arithmetic3A_950 = arith.shrsi %bitcast3A_947, %shift_right_arithmetic3A_949 : vector<16xi32>
        %sub3A_951 = arith.constant 127 : i32
        %sub3A_952 = vector.broadcast %sub3A_951 : i32 to vector<16xi32>
        %sub3A_953 = arith.subi %shift_right_arithmetic3A_950, %sub3A_952 : vector<16xi32>
        %convert_element_type3A_954 = arith.sitofp %sub3A_953 : vector<16xi32> to vector<16xf32>
        %and3A_955 = arith.constant 8388607 : i32
        %and3A_956 = vector.broadcast %and3A_955 : i32 to vector<16xi32>
        %and3A_957 = arith.andi %bitcast3A_947, %and3A_956 : vector<16xi32>
        %or3A_958 = arith.constant 1065353216 : i32
        %or3A_959 = vector.broadcast %or3A_958 : i32 to vector<16xi32>
        %or3A_960 = arith.ori %and3A_957, %or3A_959 : vector<16xi32>
        %bitcast3A_961 = vector.bitcast %or3A_960 : vector<16xi32> to vector<16xf32>
        %sub3A_962 = arith.constant 1.000000e+00 : f32
        %sub3A_963 = vector.broadcast %sub3A_962 : f32 to vector<16xf32>
        %sub3A_964 = arith.subf %bitcast3A_961, %sub3A_963 : vector<16xf32>
        %mul3A_965 = arith.constant 0.0301026255 : f32
        %mul3A_966 = vector.broadcast %mul3A_965 : f32 to vector<16xf32>
        %mul3A_967 = arith.mulf %mul3A_966, %sub3A_964 : vector<16xf32>
        %add3A_968 = arith.constant -0.130119413 : f32
        %add3A_969 = vector.broadcast %add3A_968 : f32 to vector<16xf32>
        %add3A_970 = arith.addf %mul3A_967, %add3A_969 : vector<16xf32>
        %mul3A_971 = arith.mulf %add3A_970, %sub3A_964 : vector<16xf32>
        %add3A_972 = arith.constant 0.283304334 : f32
        %add3A_973 = vector.broadcast %add3A_972 : f32 to vector<16xf32>
        %add3A_974 = arith.addf %mul3A_971, %add3A_973 : vector<16xf32>
        %mul3A_975 = arith.mulf %add3A_974, %sub3A_964 : vector<16xf32>
        %add3A_976 = arith.constant -0.489156842 : f32
        %add3A_977 = vector.broadcast %add3A_976 : f32 to vector<16xf32>
        %add3A_978 = arith.addf %mul3A_975, %add3A_977 : vector<16xf32>
        %mul3A_979 = arith.mulf %add3A_978, %sub3A_964 : vector<16xf32>
        %add3A_980 = arith.constant 0.999010443 : f32
        %add3A_981 = vector.broadcast %add3A_980 : f32 to vector<16xf32>
        %add3A_982 = arith.addf %mul3A_979, %add3A_981 : vector<16xf32>
        %mul3A_983 = arith.mulf %add3A_982, %sub3A_964 : vector<16xf32>
        %add3A_984 = arith.constant 2.21170303E-5 : f32
        %add3A_985 = vector.broadcast %add3A_984 : f32 to vector<16xf32>
        %add3A_986 = arith.addf %mul3A_983, %add3A_985 : vector<16xf32>
        %mul3A_987 = arith.constant 0.693147182 : f32
        %mul3A_988 = vector.broadcast %mul3A_987 : f32 to vector<16xf32>
        %mul3A_989 = arith.mulf %convert_element_type3A_954, %mul3A_988 : vector<16xf32>
        %add3A_990 = arith.addf %mul3A_989, %add3A_986 : vector<16xf32>
        tpu.vector_store_idx %arg13[%add3A_946], %add3A_990 : memref<16384xf32, #tpu.memory_space<vmem>>[vector<16xi32>], vector<16xf32>,
        %mul3A_991 = arith.mulf %exp3A_198, %exp3A_223 : vector<16xf32>
        %mul3A_992 = arith.mulf %exp3A_203, %exp3A_243 : vector<16xf32>
        %add3A_993 = arith.addf %mul3A_991, %mul3A_992 : vector<16xf32>
        %mul3A_994 = arith.mulf %exp3A_208, %exp3A_263 : vector<16xf32>
        %add3A_995 = arith.addf %add3A_993, %mul3A_994 : vector<16xf32>
        %mul3A_996 = arith.mulf %exp3A_213, %exp3A_283 : vector<16xf32>
        %add3A_997 = arith.addf %add3A_995, %mul3A_996 : vector<16xf32>
        %add3A_998 = arith.constant 13 : i32
        %add3A_999 = vector.broadcast %add3A_998 : i32 to vector<16xi32>
        %add3A_1000 = arith.addi %add3A_135, %add3A_999 : vector<16xi32>
        %bitcast3A_1001 = vector.bitcast %add3A_997 : vector<16xf32> to vector<16xi32>
        %shift_right_arithmetic3A_1002 = arith.constant 23 : i32
        %shift_right_arithmetic3A_1003 = vector.broadcast %shift_right_arithmetic3A_1002 : i32 to vector<16xi32>
        %shift_right_arithmetic3A_1004 = arith.shrsi %bitcast3A_1001, %shift_right_arithmetic3A_1003 : vector<16xi32>
        %sub3A_1005 = arith.constant 127 : i32
        %sub3A_1006 = vector.broadcast %sub3A_1005 : i32 to vector<16xi32>
        %sub3A_1007 = arith.subi %shift_right_arithmetic3A_1004, %sub3A_1006 : vector<16xi32>
        %convert_element_type3A_1008 = arith.sitofp %sub3A_1007 : vector<16xi32> to vector<16xf32>
        %and3A_1009 = arith.constant 8388607 : i32
        %and3A_1010 = vector.broadcast %and3A_1009 : i32 to vector<16xi32>
        %and3A_1011 = arith.andi %bitcast3A_1001, %and3A_1010 : vector<16xi32>
        %or3A_1012 = arith.constant 1065353216 : i32
        %or3A_1013 = vector.broadcast %or3A_1012 : i32 to vector<16xi32>
        %or3A_1014 = arith.ori %and3A_1011, %or3A_1013 : vector<16xi32>
        %bitcast3A_1015 = vector.bitcast %or3A_1014 : vector<16xi32> to vector<16xf32>
        %sub3A_1016 = arith.constant 1.000000e+00 : f32
        %sub3A_1017 = vector.broadcast %sub3A_1016 : f32 to vector<16xf32>
        %sub3A_1018 = arith.subf %bitcast3A_1015, %sub3A_1017 : vector<16xf32>
        %mul3A_1019 = arith.constant 0.0301026255 : f32
        %mul3A_1020 = vector.broadcast %mul3A_1019 : f32 to vector<16xf32>
        %mul3A_1021 = arith.mulf %mul3A_1020, %sub3A_1018 : vector<16xf32>
        %add3A_1022 = arith.constant -0.130119413 : f32
        %add3A_1023 = vector.broadcast %add3A_1022 : f32 to vector<16xf32>
        %add3A_1024 = arith.addf %mul3A_1021, %add3A_1023 : vector<16xf32>
        %mul3A_1025 = arith.mulf %add3A_1024, %sub3A_1018 : vector<16xf32>
        %add3A_1026 = arith.constant 0.283304334 : f32
        %add3A_1027 = vector.broadcast %add3A_1026 : f32 to vector<16xf32>
        %add3A_1028 = arith.addf %mul3A_1025, %add3A_1027 : vector<16xf32>
        %mul3A_1029 = arith.mulf %add3A_1028, %sub3A_1018 : vector<16xf32>
        %add3A_1030 = arith.constant -0.489156842 : f32
        %add3A_1031 = vector.broadcast %add3A_1030 : f32 to vector<16xf32>
        %add3A_1032 = arith.addf %mul3A_1029, %add3A_1031 : vector<16xf32>
        %mul3A_1033 = arith.mulf %add3A_1032, %sub3A_1018 : vector<16xf32>
        %add3A_1034 = arith.constant 0.999010443 : f32
        %add3A_1035 = vector.broadcast %add3A_1034 : f32 to vector<16xf32>
        %add3A_1036 = arith.addf %mul3A_1033, %add3A_1035 : vector<16xf32>
        %mul3A_1037 = arith.mulf %add3A_1036, %sub3A_1018 : vector<16xf32>
        %add3A_1038 = arith.constant 2.21170303E-5 : f32
        %add3A_1039 = vector.broadcast %add3A_1038 : f32 to vector<16xf32>
        %add3A_1040 = arith.addf %mul3A_1037, %add3A_1039 : vector<16xf32>
        %mul3A_1041 = arith.constant 0.693147182 : f32
        %mul3A_1042 = vector.broadcast %mul3A_1041 : f32 to vector<16xf32>
        %mul3A_1043 = arith.mulf %convert_element_type3A_1008, %mul3A_1042 : vector<16xf32>
        %add3A_1044 = arith.addf %mul3A_1043, %add3A_1040 : vector<16xf32>
        tpu.vector_store_idx %arg13[%add3A_1000], %add3A_1044 : memref<16384xf32, #tpu.memory_space<vmem>>[vector<16xi32>], vector<16xf32>,
        %mul3A_1045 = arith.mulf %exp3A_198, %exp3A_228 : vector<16xf32>
        %mul3A_1046 = arith.mulf %exp3A_203, %exp3A_248 : vector<16xf32>
        %add3A_1047 = arith.addf %mul3A_1045, %mul3A_1046 : vector<16xf32>
        %mul3A_1048 = arith.mulf %exp3A_208, %exp3A_268 : vector<16xf32>
        %add3A_1049 = arith.addf %add3A_1047, %mul3A_1048 : vector<16xf32>
        %mul3A_1050 = arith.mulf %exp3A_213, %exp3A_288 : vector<16xf32>
        %add3A_1051 = arith.addf %add3A_1049, %mul3A_1050 : vector<16xf32>
        %add3A_1052 = arith.constant 14 : i32
        %add3A_1053 = vector.broadcast %add3A_1052 : i32 to vector<16xi32>
        %add3A_1054 = arith.addi %add3A_135, %add3A_1053 : vector<16xi32>
        %bitcast3A_1055 = vector.bitcast %add3A_1051 : vector<16xf32> to vector<16xi32>
        %shift_right_arithmetic3A_1056 = arith.constant 23 : i32
        %shift_right_arithmetic3A_1057 = vector.broadcast %shift_right_arithmetic3A_1056 : i32 to vector<16xi32>
        %shift_right_arithmetic3A_1058 = arith.shrsi %bitcast3A_1055, %shift_right_arithmetic3A_1057 : vector<16xi32>
        %sub3A_1059 = arith.constant 127 : i32
        %sub3A_1060 = vector.broadcast %sub3A_1059 : i32 to vector<16xi32>
        %sub3A_1061 = arith.subi %shift_right_arithmetic3A_1058, %sub3A_1060 : vector<16xi32>
        %convert_element_type3A_1062 = arith.sitofp %sub3A_1061 : vector<16xi32> to vector<16xf32>
        %and3A_1063 = arith.constant 8388607 : i32
        %and3A_1064 = vector.broadcast %and3A_1063 : i32 to vector<16xi32>
        %and3A_1065 = arith.andi %bitcast3A_1055, %and3A_1064 : vector<16xi32>
        %or3A_1066 = arith.constant 1065353216 : i32
        %or3A_1067 = vector.broadcast %or3A_1066 : i32 to vector<16xi32>
        %or3A_1068 = arith.ori %and3A_1065, %or3A_1067 : vector<16xi32>
        %bitcast3A_1069 = vector.bitcast %or3A_1068 : vector<16xi32> to vector<16xf32>
        %sub3A_1070 = arith.constant 1.000000e+00 : f32
        %sub3A_1071 = vector.broadcast %sub3A_1070 : f32 to vector<16xf32>
        %sub3A_1072 = arith.subf %bitcast3A_1069, %sub3A_1071 : vector<16xf32>
        %mul3A_1073 = arith.constant 0.0301026255 : f32
        %mul3A_1074 = vector.broadcast %mul3A_1073 : f32 to vector<16xf32>
        %mul3A_1075 = arith.mulf %mul3A_1074, %sub3A_1072 : vector<16xf32>
        %add3A_1076 = arith.constant -0.130119413 : f32
        %add3A_1077 = vector.broadcast %add3A_1076 : f32 to vector<16xf32>
        %add3A_1078 = arith.addf %mul3A_1075, %add3A_1077 : vector<16xf32>
        %mul3A_1079 = arith.mulf %add3A_1078, %sub3A_1072 : vector<16xf32>
        %add3A_1080 = arith.constant 0.283304334 : f32
        %add3A_1081 = vector.broadcast %add3A_1080 : f32 to vector<16xf32>
        %add3A_1082 = arith.addf %mul3A_1079, %add3A_1081 : vector<16xf32>
        %mul3A_1083 = arith.mulf %add3A_1082, %sub3A_1072 : vector<16xf32>
        %add3A_1084 = arith.constant -0.489156842 : f32
        %add3A_1085 = vector.broadcast %add3A_1084 : f32 to vector<16xf32>
        %add3A_1086 = arith.addf %mul3A_1083, %add3A_1085 : vector<16xf32>
        %mul3A_1087 = arith.mulf %add3A_1086, %sub3A_1072 : vector<16xf32>
        %add3A_1088 = arith.constant 0.999010443 : f32
        %add3A_1089 = vector.broadcast %add3A_1088 : f32 to vector<16xf32>
        %add3A_1090 = arith.addf %mul3A_1087, %add3A_1089 : vector<16xf32>
        %mul3A_1091 = arith.mulf %add3A_1090, %sub3A_1072 : vector<16xf32>
        %add3A_1092 = arith.constant 2.21170303E-5 : f32
        %add3A_1093 = vector.broadcast %add3A_1092 : f32 to vector<16xf32>
        %add3A_1094 = arith.addf %mul3A_1091, %add3A_1093 : vector<16xf32>
        %mul3A_1095 = arith.constant 0.693147182 : f32
        %mul3A_1096 = vector.broadcast %mul3A_1095 : f32 to vector<16xf32>
        %mul3A_1097 = arith.mulf %convert_element_type3A_1062, %mul3A_1096 : vector<16xf32>
        %add3A_1098 = arith.addf %mul3A_1097, %add3A_1094 : vector<16xf32>
        tpu.vector_store_idx %arg13[%add3A_1054], %add3A_1098 : memref<16384xf32, #tpu.memory_space<vmem>>[vector<16xi32>], vector<16xf32>,
        %mul3A_1099 = arith.mulf %exp3A_198, %exp3A_233 : vector<16xf32>
        %mul3A_1100 = arith.mulf %exp3A_203, %exp3A_253 : vector<16xf32>
        %add3A_1101 = arith.addf %mul3A_1099, %mul3A_1100 : vector<16xf32>
        %mul3A_1102 = arith.mulf %exp3A_208, %exp3A_273 : vector<16xf32>
        %add3A_1103 = arith.addf %add3A_1101, %mul3A_1102 : vector<16xf32>
        %mul3A_1104 = arith.mulf %exp3A_213, %exp3A_293 : vector<16xf32>
        %add3A_1105 = arith.addf %add3A_1103, %mul3A_1104 : vector<16xf32>
        %add3A_1106 = arith.constant 15 : i32
        %add3A_1107 = vector.broadcast %add3A_1106 : i32 to vector<16xi32>
        %add3A_1108 = arith.addi %add3A_135, %add3A_1107 : vector<16xi32>
        %bitcast3A_1109 = vector.bitcast %add3A_1105 : vector<16xf32> to vector<16xi32>
        %shift_right_arithmetic3A_1110 = arith.constant 23 : i32
        %shift_right_arithmetic3A_1111 = vector.broadcast %shift_right_arithmetic3A_1110 : i32 to vector<16xi32>
        %shift_right_arithmetic3A_1112 = arith.shrsi %bitcast3A_1109, %shift_right_arithmetic3A_1111 : vector<16xi32>
        %sub3A_1113 = arith.constant 127 : i32
        %sub3A_1114 = vector.broadcast %sub3A_1113 : i32 to vector<16xi32>
        %sub3A_1115 = arith.subi %shift_right_arithmetic3A_1112, %sub3A_1114 : vector<16xi32>
        %convert_element_type3A_1116 = arith.sitofp %sub3A_1115 : vector<16xi32> to vector<16xf32>
        %and3A_1117 = arith.constant 8388607 : i32
        %and3A_1118 = vector.broadcast %and3A_1117 : i32 to vector<16xi32>
        %and3A_1119 = arith.andi %bitcast3A_1109, %and3A_1118 : vector<16xi32>
        %or3A_1120 = arith.constant 1065353216 : i32
        %or3A_1121 = vector.broadcast %or3A_1120 : i32 to vector<16xi32>
        %or3A_1122 = arith.ori %and3A_1119, %or3A_1121 : vector<16xi32>
        %bitcast3A_1123 = vector.bitcast %or3A_1122 : vector<16xi32> to vector<16xf32>
        %sub3A_1124 = arith.constant 1.000000e+00 : f32
        %sub3A_1125 = vector.broadcast %sub3A_1124 : f32 to vector<16xf32>
        %sub3A_1126 = arith.subf %bitcast3A_1123, %sub3A_1125 : vector<16xf32>
        %mul3A_1127 = arith.constant 0.0301026255 : f32
        %mul3A_1128 = vector.broadcast %mul3A_1127 : f32 to vector<16xf32>
        %mul3A_1129 = arith.mulf %mul3A_1128, %sub3A_1126 : vector<16xf32>
        %add3A_1130 = arith.constant -0.130119413 : f32
        %add3A_1131 = vector.broadcast %add3A_1130 : f32 to vector<16xf32>
        %add3A_1132 = arith.addf %mul3A_1129, %add3A_1131 : vector<16xf32>
        %mul3A_1133 = arith.mulf %add3A_1132, %sub3A_1126 : vector<16xf32>
        %add3A_1134 = arith.constant 0.283304334 : f32
        %add3A_1135 = vector.broadcast %add3A_1134 : f32 to vector<16xf32>
        %add3A_1136 = arith.addf %mul3A_1133, %add3A_1135 : vector<16xf32>
        %mul3A_1137 = arith.mulf %add3A_1136, %sub3A_1126 : vector<16xf32>
        %add3A_1138 = arith.constant -0.489156842 : f32
        %add3A_1139 = vector.broadcast %add3A_1138 : f32 to vector<16xf32>
        %add3A_1140 = arith.addf %mul3A_1137, %add3A_1139 : vector<16xf32>
        %mul3A_1141 = arith.mulf %add3A_1140, %sub3A_1126 : vector<16xf32>
        %add3A_1142 = arith.constant 0.999010443 : f32
        %add3A_1143 = vector.broadcast %add3A_1142 : f32 to vector<16xf32>
        %add3A_1144 = arith.addf %mul3A_1141, %add3A_1143 : vector<16xf32>
        %mul3A_1145 = arith.mulf %add3A_1144, %sub3A_1126 : vector<16xf32>
        %add3A_1146 = arith.constant 2.21170303E-5 : f32
        %add3A_1147 = vector.broadcast %add3A_1146 : f32 to vector<16xf32>
        %add3A_1148 = arith.addf %mul3A_1145, %add3A_1147 : vector<16xf32>
        %mul3A_1149 = arith.constant 0.693147182 : f32
        %mul3A_1150 = vector.broadcast %mul3A_1149 : f32 to vector<16xf32>
        %mul3A_1151 = arith.mulf %convert_element_type3A_1116, %mul3A_1150 : vector<16xf32>
        %add3A_1152 = arith.addf %mul3A_1151, %add3A_1148 : vector<16xf32>
        tpu.vector_store_idx %arg13[%add3A_1108], %add3A_1152 : memref<16384xf32, #tpu.memory_space<vmem>>[vector<16xi32>], vector<16xf32>,
        %xor3A_1153 = arith.constant 16 : i32
        %xor3A_1154 = vector.broadcast %xor3A_1153 : i32 to vector<16xi32>
        %xor3A_1155 = arith.xori %xor3A_1154, %shift_left3A_129 : vector<16xi32>
        %add3A_1156 = arith.addi %mul3A_126, %xor3A_1155 : vector<16xi32>
        %add3A_1157 = arith.constant 16 : i32
        %add3A_1158 = vector.broadcast %add3A_1157 : i32 to vector<16xi32>
        %add3A_1159 = arith.addi %mul3A_126, %add3A_1158 : vector<16xi32>
        %add3A_1160 = arith.constant 0 : i32
        %add3A_1161 = vector.broadcast %add3A_1160 : i32 to vector<16xi32>
        %add3A_1162 = arith.addi %add3A_1156, %add3A_1161 : vector<16xi32>
        %gather3A_1163 = tpu.vector_load_idx %arg7[%add3A_1162] : memref<16384xf32, #tpu.memory_space<vmem>>[vector<16xi32>], vector<16xf32>,
        %exp3A_1164 = math.exp %gather3A_1163 : vector<16xf32>
        %add3A_1165 = arith.constant 1 : i32
        %add3A_1166 = vector.broadcast %add3A_1165 : i32 to vector<16xi32>
        %add3A_1167 = arith.addi %add3A_1156, %add3A_1166 : vector<16xi32>
        %gather3A_1168 = tpu.vector_load_idx %arg7[%add3A_1167] : memref<16384xf32, #tpu.memory_space<vmem>>[vector<16xi32>], vector<16xf32>,
        %exp3A_1169 = math.exp %gather3A_1168 : vector<16xf32>
        %add3A_1170 = arith.constant 2 : i32
        %add3A_1171 = vector.broadcast %add3A_1170 : i32 to vector<16xi32>
        %add3A_1172 = arith.addi %add3A_1156, %add3A_1171 : vector<16xi32>
        %gather3A_1173 = tpu.vector_load_idx %arg7[%add3A_1172] : memref<16384xf32, #tpu.memory_space<vmem>>[vector<16xi32>], vector<16xf32>,
        %exp3A_1174 = math.exp %gather3A_1173 : vector<16xf32>
        %add3A_1175 = arith.constant 3 : i32
        %add3A_1176 = vector.broadcast %add3A_1175 : i32 to vector<16xi32>
        %add3A_1177 = arith.addi %add3A_1156, %add3A_1176 : vector<16xi32>
        %gather3A_1178 = tpu.vector_load_idx %arg7[%add3A_1177] : memref<16384xf32, #tpu.memory_space<vmem>>[vector<16xi32>], vector<16xf32>,
        %exp3A_1179 = math.exp %gather3A_1178 : vector<16xf32>
        %add3A_1180 = arith.constant 4 : i32
        %add3A_1181 = vector.broadcast %add3A_1180 : i32 to vector<16xi32>
        %add3A_1182 = arith.addi %add3A_1156, %add3A_1181 : vector<16xi32>
        %gather3A_1183 = tpu.vector_load_idx %arg7[%add3A_1182] : memref<16384xf32, #tpu.memory_space<vmem>>[vector<16xi32>], vector<16xf32>,
        %exp3A_1184 = math.exp %gather3A_1183 : vector<16xf32>
        %add3A_1185 = arith.constant 5 : i32
        %add3A_1186 = vector.broadcast %add3A_1185 : i32 to vector<16xi32>
        %add3A_1187 = arith.addi %add3A_1156, %add3A_1186 : vector<16xi32>
        %gather3A_1188 = tpu.vector_load_idx %arg7[%add3A_1187] : memref<16384xf32, #tpu.memory_space<vmem>>[vector<16xi32>], vector<16xf32>,
        %exp3A_1189 = math.exp %gather3A_1188 : vector<16xf32>
        %add3A_1190 = arith.constant 6 : i32
        %add3A_1191 = vector.broadcast %add3A_1190 : i32 to vector<16xi32>
        %add3A_1192 = arith.addi %add3A_1156, %add3A_1191 : vector<16xi32>
        %gather3A_1193 = tpu.vector_load_idx %arg7[%add3A_1192] : memref<16384xf32, #tpu.memory_space<vmem>>[vector<16xi32>], vector<16xf32>,
        %exp3A_1194 = math.exp %gather3A_1193 : vector<16xf32>
        %add3A_1195 = arith.constant 7 : i32
        %add3A_1196 = vector.broadcast %add3A_1195 : i32 to vector<16xi32>
        %add3A_1197 = arith.addi %add3A_1156, %add3A_1196 : vector<16xi32>
        %gather3A_1198 = tpu.vector_load_idx %arg7[%add3A_1197] : memref<16384xf32, #tpu.memory_space<vmem>>[vector<16xi32>], vector<16xf32>,
        %exp3A_1199 = math.exp %gather3A_1198 : vector<16xf32>
        %add3A_1200 = arith.constant 8 : i32
        %add3A_1201 = vector.broadcast %add3A_1200 : i32 to vector<16xi32>
        %add3A_1202 = arith.addi %add3A_1156, %add3A_1201 : vector<16xi32>
        %gather3A_1203 = tpu.vector_load_idx %arg7[%add3A_1202] : memref<16384xf32, #tpu.memory_space<vmem>>[vector<16xi32>], vector<16xf32>,
        %exp3A_1204 = math.exp %gather3A_1203 : vector<16xf32>
        %add3A_1205 = arith.constant 9 : i32
        %add3A_1206 = vector.broadcast %add3A_1205 : i32 to vector<16xi32>
        %add3A_1207 = arith.addi %add3A_1156, %add3A_1206 : vector<16xi32>
        %gather3A_1208 = tpu.vector_load_idx %arg7[%add3A_1207] : memref<16384xf32, #tpu.memory_space<vmem>>[vector<16xi32>], vector<16xf32>,
        %exp3A_1209 = math.exp %gather3A_1208 : vector<16xf32>
        %add3A_1210 = arith.constant 10 : i32
        %add3A_1211 = vector.broadcast %add3A_1210 : i32 to vector<16xi32>
        %add3A_1212 = arith.addi %add3A_1156, %add3A_1211 : vector<16xi32>
        %gather3A_1213 = tpu.vector_load_idx %arg7[%add3A_1212] : memref<16384xf32, #tpu.memory_space<vmem>>[vector<16xi32>], vector<16xf32>,
        %exp3A_1214 = math.exp %gather3A_1213 : vector<16xf32>
        %add3A_1215 = arith.constant 11 : i32
        %add3A_1216 = vector.broadcast %add3A_1215 : i32 to vector<16xi32>
        %add3A_1217 = arith.addi %add3A_1156, %add3A_1216 : vector<16xi32>
        %gather3A_1218 = tpu.vector_load_idx %arg7[%add3A_1217] : memref<16384xf32, #tpu.memory_space<vmem>>[vector<16xi32>], vector<16xf32>,
        %exp3A_1219 = math.exp %gather3A_1218 : vector<16xf32>
        %add3A_1220 = arith.constant 12 : i32
        %add3A_1221 = vector.broadcast %add3A_1220 : i32 to vector<16xi32>
        %add3A_1222 = arith.addi %add3A_1156, %add3A_1221 : vector<16xi32>
        %gather3A_1223 = tpu.vector_load_idx %arg7[%add3A_1222] : memref<16384xf32, #tpu.memory_space<vmem>>[vector<16xi32>], vector<16xf32>,
        %exp3A_1224 = math.exp %gather3A_1223 : vector<16xf32>
        %add3A_1225 = arith.constant 13 : i32
        %add3A_1226 = vector.broadcast %add3A_1225 : i32 to vector<16xi32>
        %add3A_1227 = arith.addi %add3A_1156, %add3A_1226 : vector<16xi32>
        %gather3A_1228 = tpu.vector_load_idx %arg7[%add3A_1227] : memref<16384xf32, #tpu.memory_space<vmem>>[vector<16xi32>], vector<16xf32>,
        %exp3A_1229 = math.exp %gather3A_1228 : vector<16xf32>
        %add3A_1230 = arith.constant 14 : i32
        %add3A_1231 = vector.broadcast %add3A_1230 : i32 to vector<16xi32>
        %add3A_1232 = arith.addi %add3A_1156, %add3A_1231 : vector<16xi32>
        %gather3A_1233 = tpu.vector_load_idx %arg7[%add3A_1232] : memref<16384xf32, #tpu.memory_space<vmem>>[vector<16xi32>], vector<16xf32>,
        %exp3A_1234 = math.exp %gather3A_1233 : vector<16xf32>
        %add3A_1235 = arith.constant 15 : i32
        %add3A_1236 = vector.broadcast %add3A_1235 : i32 to vector<16xi32>
        %add3A_1237 = arith.addi %add3A_1156, %add3A_1236 : vector<16xi32>
        %gather3A_1238 = tpu.vector_load_idx %arg7[%add3A_1237] : memref<16384xf32, #tpu.memory_space<vmem>>[vector<16xi32>], vector<16xf32>,
        %exp3A_1239 = math.exp %gather3A_1238 : vector<16xf32>
        %add3A_1240 = arith.constant 0 : i32
        %add3A_1241 = vector.broadcast %add3A_1240 : i32 to vector<16xi32>
        %add3A_1242 = arith.addi %add3A_1159, %add3A_1241 : vector<16xi32>
        %gather3A_1243 = tpu.vector_load_idx %arg9[%add3A_1242] : memref<16384xf32, #tpu.memory_space<vmem>>[vector<16xi32>], vector<16xf32>,
        %exp3A_1244 = math.exp %gather3A_1243 : vector<16xf32>
        %add3A_1245 = arith.constant 1 : i32
        %add3A_1246 = vector.broadcast %add3A_1245 : i32 to vector<16xi32>
        %add3A_1247 = arith.addi %add3A_1159, %add3A_1246 : vector<16xi32>
        %gather3A_1248 = tpu.vector_load_idx %arg9[%add3A_1247] : memref<16384xf32, #tpu.memory_space<vmem>>[vector<16xi32>], vector<16xf32>,
        %exp3A_1249 = math.exp %gather3A_1248 : vector<16xf32>
        %add3A_1250 = arith.constant 2 : i32
        %add3A_1251 = vector.broadcast %add3A_1250 : i32 to vector<16xi32>
        %add3A_1252 = arith.addi %add3A_1159, %add3A_1251 : vector<16xi32>
        %gather3A_1253 = tpu.vector_load_idx %arg9[%add3A_1252] : memref<16384xf32, #tpu.memory_space<vmem>>[vector<16xi32>], vector<16xf32>,
        %exp3A_1254 = math.exp %gather3A_1253 : vector<16xf32>
        %add3A_1255 = arith.constant 3 : i32
        %add3A_1256 = vector.broadcast %add3A_1255 : i32 to vector<16xi32>
        %add3A_1257 = arith.addi %add3A_1159, %add3A_1256 : vector<16xi32>
        %gather3A_1258 = tpu.vector_load_idx %arg9[%add3A_1257] : memref<16384xf32, #tpu.memory_space<vmem>>[vector<16xi32>], vector<16xf32>,
        %exp3A_1259 = math.exp %gather3A_1258 : vector<16xf32>
        %add3A_1260 = arith.constant 4 : i32
        %add3A_1261 = vector.broadcast %add3A_1260 : i32 to vector<16xi32>
        %add3A_1262 = arith.addi %add3A_1159, %add3A_1261 : vector<16xi32>
        %gather3A_1263 = tpu.vector_load_idx %arg9[%add3A_1262] : memref<16384xf32, #tpu.memory_space<vmem>>[vector<16xi32>], vector<16xf32>,
        %exp3A_1264 = math.exp %gather3A_1263 : vector<16xf32>
        %add3A_1265 = arith.constant 5 : i32
        %add3A_1266 = vector.broadcast %add3A_1265 : i32 to vector<16xi32>
        %add3A_1267 = arith.addi %add3A_1159, %add3A_1266 : vector<16xi32>
        %gather3A_1268 = tpu.vector_load_idx %arg9[%add3A_1267] : memref<16384xf32, #tpu.memory_space<vmem>>[vector<16xi32>], vector<16xf32>,
        %exp3A_1269 = math.exp %gather3A_1268 : vector<16xf32>
        %add3A_1270 = arith.constant 6 : i32
        %add3A_1271 = vector.broadcast %add3A_1270 : i32 to vector<16xi32>
        %add3A_1272 = arith.addi %add3A_1159, %add3A_1271 : vector<16xi32>
        %gather3A_1273 = tpu.vector_load_idx %arg9[%add3A_1272] : memref<16384xf32, #tpu.memory_space<vmem>>[vector<16xi32>], vector<16xf32>,
        %exp3A_1274 = math.exp %gather3A_1273 : vector<16xf32>
        %add3A_1275 = arith.constant 7 : i32
        %add3A_1276 = vector.broadcast %add3A_1275 : i32 to vector<16xi32>
        %add3A_1277 = arith.addi %add3A_1159, %add3A_1276 : vector<16xi32>
        %gather3A_1278 = tpu.vector_load_idx %arg9[%add3A_1277] : memref<16384xf32, #tpu.memory_space<vmem>>[vector<16xi32>], vector<16xf32>,
        %exp3A_1279 = math.exp %gather3A_1278 : vector<16xf32>
        %add3A_1280 = arith.constant 8 : i32
        %add3A_1281 = vector.broadcast %add3A_1280 : i32 to vector<16xi32>
        %add3A_1282 = arith.addi %add3A_1159, %add3A_1281 : vector<16xi32>
        %gather3A_1283 = tpu.vector_load_idx %arg9[%add3A_1282] : memref<16384xf32, #tpu.memory_space<vmem>>[vector<16xi32>], vector<16xf32>,
        %exp3A_1284 = math.exp %gather3A_1283 : vector<16xf32>
        %add3A_1285 = arith.constant 9 : i32
        %add3A_1286 = vector.broadcast %add3A_1285 : i32 to vector<16xi32>
        %add3A_1287 = arith.addi %add3A_1159, %add3A_1286 : vector<16xi32>
        %gather3A_1288 = tpu.vector_load_idx %arg9[%add3A_1287] : memref<16384xf32, #tpu.memory_space<vmem>>[vector<16xi32>], vector<16xf32>,
        %exp3A_1289 = math.exp %gather3A_1288 : vector<16xf32>
        %add3A_1290 = arith.constant 10 : i32
        %add3A_1291 = vector.broadcast %add3A_1290 : i32 to vector<16xi32>
        %add3A_1292 = arith.addi %add3A_1159, %add3A_1291 : vector<16xi32>
        %gather3A_1293 = tpu.vector_load_idx %arg9[%add3A_1292] : memref<16384xf32, #tpu.memory_space<vmem>>[vector<16xi32>], vector<16xf32>,
        %exp3A_1294 = math.exp %gather3A_1293 : vector<16xf32>
        %add3A_1295 = arith.constant 11 : i32
        %add3A_1296 = vector.broadcast %add3A_1295 : i32 to vector<16xi32>
        %add3A_1297 = arith.addi %add3A_1159, %add3A_1296 : vector<16xi32>
        %gather3A_1298 = tpu.vector_load_idx %arg9[%add3A_1297] : memref<16384xf32, #tpu.memory_space<vmem>>[vector<16xi32>], vector<16xf32>,
        %exp3A_1299 = math.exp %gather3A_1298 : vector<16xf32>
        %add3A_1300 = arith.constant 12 : i32
        %add3A_1301 = vector.broadcast %add3A_1300 : i32 to vector<16xi32>
        %add3A_1302 = arith.addi %add3A_1159, %add3A_1301 : vector<16xi32>
        %gather3A_1303 = tpu.vector_load_idx %arg9[%add3A_1302] : memref<16384xf32, #tpu.memory_space<vmem>>[vector<16xi32>], vector<16xf32>,
        %exp3A_1304 = math.exp %gather3A_1303 : vector<16xf32>
        %add3A_1305 = arith.constant 13 : i32
        %add3A_1306 = vector.broadcast %add3A_1305 : i32 to vector<16xi32>
        %add3A_1307 = arith.addi %add3A_1159, %add3A_1306 : vector<16xi32>
        %gather3A_1308 = tpu.vector_load_idx %arg9[%add3A_1307] : memref<16384xf32, #tpu.memory_space<vmem>>[vector<16xi32>], vector<16xf32>,
        %exp3A_1309 = math.exp %gather3A_1308 : vector<16xf32>
        %add3A_1310 = arith.constant 14 : i32
        %add3A_1311 = vector.broadcast %add3A_1310 : i32 to vector<16xi32>
        %add3A_1312 = arith.addi %add3A_1159, %add3A_1311 : vector<16xi32>
        %gather3A_1313 = tpu.vector_load_idx %arg9[%add3A_1312] : memref<16384xf32, #tpu.memory_space<vmem>>[vector<16xi32>], vector<16xf32>,
        %exp3A_1314 = math.exp %gather3A_1313 : vector<16xf32>
        %add3A_1315 = arith.constant 15 : i32
        %add3A_1316 = vector.broadcast %add3A_1315 : i32 to vector<16xi32>
        %add3A_1317 = arith.addi %add3A_1159, %add3A_1316 : vector<16xi32>
        %gather3A_1318 = tpu.vector_load_idx %arg9[%add3A_1317] : memref<16384xf32, #tpu.memory_space<vmem>>[vector<16xi32>], vector<16xf32>,
        %exp3A_1319 = math.exp %gather3A_1318 : vector<16xf32>
        %mul3A_1320 = arith.mulf %exp3A_1164, %exp3A_1244 : vector<16xf32>
        %mul3A_1321 = arith.mulf %exp3A_1169, %exp3A_1264 : vector<16xf32>
        %add3A_1322 = arith.addf %mul3A_1320, %mul3A_1321 : vector<16xf32>
        %mul3A_1323 = arith.mulf %exp3A_1174, %exp3A_1284 : vector<16xf32>
        %add3A_1324 = arith.addf %add3A_1322, %mul3A_1323 : vector<16xf32>
        %mul3A_1325 = arith.mulf %exp3A_1179, %exp3A_1304 : vector<16xf32>
        %add3A_1326 = arith.addf %add3A_1324, %mul3A_1325 : vector<16xf32>
        %add3A_1327 = arith.constant 0 : i32
        %add3A_1328 = vector.broadcast %add3A_1327 : i32 to vector<16xi32>
        %add3A_1329 = arith.addi %add3A_1159, %add3A_1328 : vector<16xi32>
        %bitcast3A_1330 = vector.bitcast %add3A_1326 : vector<16xf32> to vector<16xi32>
        %shift_right_arithmetic3A_1331 = arith.constant 23 : i32
        %shift_right_arithmetic3A_1332 = vector.broadcast %shift_right_arithmetic3A_1331 : i32 to vector<16xi32>
        %shift_right_arithmetic3A_1333 = arith.shrsi %bitcast3A_1330, %shift_right_arithmetic3A_1332 : vector<16xi32>
        %sub3A_1334 = arith.constant 127 : i32
        %sub3A_1335 = vector.broadcast %sub3A_1334 : i32 to vector<16xi32>
        %sub3A_1336 = arith.subi %shift_right_arithmetic3A_1333, %sub3A_1335 : vector<16xi32>
        %convert_element_type3A_1337 = arith.sitofp %sub3A_1336 : vector<16xi32> to vector<16xf32>
        %and3A_1338 = arith.constant 8388607 : i32
        %and3A_1339 = vector.broadcast %and3A_1338 : i32 to vector<16xi32>
        %and3A_1340 = arith.andi %bitcast3A_1330, %and3A_1339 : vector<16xi32>
        %or3A_1341 = arith.constant 1065353216 : i32
        %or3A_1342 = vector.broadcast %or3A_1341 : i32 to vector<16xi32>
        %or3A_1343 = arith.ori %and3A_1340, %or3A_1342 : vector<16xi32>
        %bitcast3A_1344 = vector.bitcast %or3A_1343 : vector<16xi32> to vector<16xf32>
        %sub3A_1345 = arith.constant 1.000000e+00 : f32
        %sub3A_1346 = vector.broadcast %sub3A_1345 : f32 to vector<16xf32>
        %sub3A_1347 = arith.subf %bitcast3A_1344, %sub3A_1346 : vector<16xf32>
        %mul3A_1348 = arith.constant 0.0301026255 : f32
        %mul3A_1349 = vector.broadcast %mul3A_1348 : f32 to vector<16xf32>
        %mul3A_1350 = arith.mulf %mul3A_1349, %sub3A_1347 : vector<16xf32>
        %add3A_1351 = arith.constant -0.130119413 : f32
        %add3A_1352 = vector.broadcast %add3A_1351 : f32 to vector<16xf32>
        %add3A_1353 = arith.addf %mul3A_1350, %add3A_1352 : vector<16xf32>
        %mul3A_1354 = arith.mulf %add3A_1353, %sub3A_1347 : vector<16xf32>
        %add3A_1355 = arith.constant 0.283304334 : f32
        %add3A_1356 = vector.broadcast %add3A_1355 : f32 to vector<16xf32>
        %add3A_1357 = arith.addf %mul3A_1354, %add3A_1356 : vector<16xf32>
        %mul3A_1358 = arith.mulf %add3A_1357, %sub3A_1347 : vector<16xf32>
        %add3A_1359 = arith.constant -0.489156842 : f32
        %add3A_1360 = vector.broadcast %add3A_1359 : f32 to vector<16xf32>
        %add3A_1361 = arith.addf %mul3A_1358, %add3A_1360 : vector<16xf32>
        %mul3A_1362 = arith.mulf %add3A_1361, %sub3A_1347 : vector<16xf32>
        %add3A_1363 = arith.constant 0.999010443 : f32
        %add3A_1364 = vector.broadcast %add3A_1363 : f32 to vector<16xf32>
        %add3A_1365 = arith.addf %mul3A_1362, %add3A_1364 : vector<16xf32>
        %mul3A_1366 = arith.mulf %add3A_1365, %sub3A_1347 : vector<16xf32>
        %add3A_1367 = arith.constant 2.21170303E-5 : f32
        %add3A_1368 = vector.broadcast %add3A_1367 : f32 to vector<16xf32>
        %add3A_1369 = arith.addf %mul3A_1366, %add3A_1368 : vector<16xf32>
        %mul3A_1370 = arith.constant 0.693147182 : f32
        %mul3A_1371 = vector.broadcast %mul3A_1370 : f32 to vector<16xf32>
        %mul3A_1372 = arith.mulf %convert_element_type3A_1337, %mul3A_1371 : vector<16xf32>
        %add3A_1373 = arith.addf %mul3A_1372, %add3A_1369 : vector<16xf32>
        tpu.vector_store_idx %arg13[%add3A_1329], %add3A_1373 : memref<16384xf32, #tpu.memory_space<vmem>>[vector<16xi32>], vector<16xf32>,
        %mul3A_1374 = arith.mulf %exp3A_1164, %exp3A_1249 : vector<16xf32>
        %mul3A_1375 = arith.mulf %exp3A_1169, %exp3A_1269 : vector<16xf32>
        %add3A_1376 = arith.addf %mul3A_1374, %mul3A_1375 : vector<16xf32>
        %mul3A_1377 = arith.mulf %exp3A_1174, %exp3A_1289 : vector<16xf32>
        %add3A_1378 = arith.addf %add3A_1376, %mul3A_1377 : vector<16xf32>
        %mul3A_1379 = arith.mulf %exp3A_1179, %exp3A_1309 : vector<16xf32>
        %add3A_1380 = arith.addf %add3A_1378, %mul3A_1379 : vector<16xf32>
        %add3A_1381 = arith.constant 1 : i32
        %add3A_1382 = vector.broadcast %add3A_1381 : i32 to vector<16xi32>
        %add3A_1383 = arith.addi %add3A_1159, %add3A_1382 : vector<16xi32>
        %bitcast3A_1384 = vector.bitcast %add3A_1380 : vector<16xf32> to vector<16xi32>
        %shift_right_arithmetic3A_1385 = arith.constant 23 : i32
        %shift_right_arithmetic3A_1386 = vector.broadcast %shift_right_arithmetic3A_1385 : i32 to vector<16xi32>
        %shift_right_arithmetic3A_1387 = arith.shrsi %bitcast3A_1384, %shift_right_arithmetic3A_1386 : vector<16xi32>
        %sub3A_1388 = arith.constant 127 : i32
        %sub3A_1389 = vector.broadcast %sub3A_1388 : i32 to vector<16xi32>
        %sub3A_1390 = arith.subi %shift_right_arithmetic3A_1387, %sub3A_1389 : vector<16xi32>
        %convert_element_type3A_1391 = arith.sitofp %sub3A_1390 : vector<16xi32> to vector<16xf32>
        %and3A_1392 = arith.constant 8388607 : i32
        %and3A_1393 = vector.broadcast %and3A_1392 : i32 to vector<16xi32>
        %and3A_1394 = arith.andi %bitcast3A_1384, %and3A_1393 : vector<16xi32>
        %or3A_1395 = arith.constant 1065353216 : i32
        %or3A_1396 = vector.broadcast %or3A_1395 : i32 to vector<16xi32>
        %or3A_1397 = arith.ori %and3A_1394, %or3A_1396 : vector<16xi32>
        %bitcast3A_1398 = vector.bitcast %or3A_1397 : vector<16xi32> to vector<16xf32>
        %sub3A_1399 = arith.constant 1.000000e+00 : f32
        %sub3A_1400 = vector.broadcast %sub3A_1399 : f32 to vector<16xf32>
        %sub3A_1401 = arith.subf %bitcast3A_1398, %sub3A_1400 : vector<16xf32>
        %mul3A_1402 = arith.constant 0.0301026255 : f32
        %mul3A_1403 = vector.broadcast %mul3A_1402 : f32 to vector<16xf32>
        %mul3A_1404 = arith.mulf %mul3A_1403, %sub3A_1401 : vector<16xf32>
        %add3A_1405 = arith.constant -0.130119413 : f32
        %add3A_1406 = vector.broadcast %add3A_1405 : f32 to vector<16xf32>
        %add3A_1407 = arith.addf %mul3A_1404, %add3A_1406 : vector<16xf32>
        %mul3A_1408 = arith.mulf %add3A_1407, %sub3A_1401 : vector<16xf32>
        %add3A_1409 = arith.constant 0.283304334 : f32
        %add3A_1410 = vector.broadcast %add3A_1409 : f32 to vector<16xf32>
        %add3A_1411 = arith.addf %mul3A_1408, %add3A_1410 : vector<16xf32>
        %mul3A_1412 = arith.mulf %add3A_1411, %sub3A_1401 : vector<16xf32>
        %add3A_1413 = arith.constant -0.489156842 : f32
        %add3A_1414 = vector.broadcast %add3A_1413 : f32 to vector<16xf32>
        %add3A_1415 = arith.addf %mul3A_1412, %add3A_1414 : vector<16xf32>
        %mul3A_1416 = arith.mulf %add3A_1415, %sub3A_1401 : vector<16xf32>
        %add3A_1417 = arith.constant 0.999010443 : f32
        %add3A_1418 = vector.broadcast %add3A_1417 : f32 to vector<16xf32>
        %add3A_1419 = arith.addf %mul3A_1416, %add3A_1418 : vector<16xf32>
        %mul3A_1420 = arith.mulf %add3A_1419, %sub3A_1401 : vector<16xf32>
        %add3A_1421 = arith.constant 2.21170303E-5 : f32
        %add3A_1422 = vector.broadcast %add3A_1421 : f32 to vector<16xf32>
        %add3A_1423 = arith.addf %mul3A_1420, %add3A_1422 : vector<16xf32>
        %mul3A_1424 = arith.constant 0.693147182 : f32
        %mul3A_1425 = vector.broadcast %mul3A_1424 : f32 to vector<16xf32>
        %mul3A_1426 = arith.mulf %convert_element_type3A_1391, %mul3A_1425 : vector<16xf32>
        %add3A_1427 = arith.addf %mul3A_1426, %add3A_1423 : vector<16xf32>
        tpu.vector_store_idx %arg13[%add3A_1383], %add3A_1427 : memref<16384xf32, #tpu.memory_space<vmem>>[vector<16xi32>], vector<16xf32>,
        %mul3A_1428 = arith.mulf %exp3A_1164, %exp3A_1254 : vector<16xf32>
        %mul3A_1429 = arith.mulf %exp3A_1169, %exp3A_1274 : vector<16xf32>
        %add3A_1430 = arith.addf %mul3A_1428, %mul3A_1429 : vector<16xf32>
        %mul3A_1431 = arith.mulf %exp3A_1174, %exp3A_1294 : vector<16xf32>
        %add3A_1432 = arith.addf %add3A_1430, %mul3A_1431 : vector<16xf32>
        %mul3A_1433 = arith.mulf %exp3A_1179, %exp3A_1314 : vector<16xf32>
        %add3A_1434 = arith.addf %add3A_1432, %mul3A_1433 : vector<16xf32>
        %add3A_1435 = arith.constant 2 : i32
        %add3A_1436 = vector.broadcast %add3A_1435 : i32 to vector<16xi32>
        %add3A_1437 = arith.addi %add3A_1159, %add3A_1436 : vector<16xi32>
        %bitcast3A_1438 = vector.bitcast %add3A_1434 : vector<16xf32> to vector<16xi32>
        %shift_right_arithmetic3A_1439 = arith.constant 23 : i32
        %shift_right_arithmetic3A_1440 = vector.broadcast %shift_right_arithmetic3A_1439 : i32 to vector<16xi32>
        %shift_right_arithmetic3A_1441 = arith.shrsi %bitcast3A_1438, %shift_right_arithmetic3A_1440 : vector<16xi32>
        %sub3A_1442 = arith.constant 127 : i32
        %sub3A_1443 = vector.broadcast %sub3A_1442 : i32 to vector<16xi32>
        %sub3A_1444 = arith.subi %shift_right_arithmetic3A_1441, %sub3A_1443 : vector<16xi32>
        %convert_element_type3A_1445 = arith.sitofp %sub3A_1444 : vector<16xi32> to vector<16xf32>
        %and3A_1446 = arith.constant 8388607 : i32
        %and3A_1447 = vector.broadcast %and3A_1446 : i32 to vector<16xi32>
        %and3A_1448 = arith.andi %bitcast3A_1438, %and3A_1447 : vector<16xi32>
        %or3A_1449 = arith.constant 1065353216 : i32
        %or3A_1450 = vector.broadcast %or3A_1449 : i32 to vector<16xi32>
        %or3A_1451 = arith.ori %and3A_1448, %or3A_1450 : vector<16xi32>
        %bitcast3A_1452 = vector.bitcast %or3A_1451 : vector<16xi32> to vector<16xf32>
        %sub3A_1453 = arith.constant 1.000000e+00 : f32
        %sub3A_1454 = vector.broadcast %sub3A_1453 : f32 to vector<16xf32>
        %sub3A_1455 = arith.subf %bitcast3A_1452, %sub3A_1454 : vector<16xf32>
        %mul3A_1456 = arith.constant 0.0301026255 : f32
        %mul3A_1457 = vector.broadcast %mul3A_1456 : f32 to vector<16xf32>
        %mul3A_1458 = arith.mulf %mul3A_1457, %sub3A_1455 : vector<16xf32>
        %add3A_1459 = arith.constant -0.130119413 : f32
        %add3A_1460 = vector.broadcast %add3A_1459 : f32 to vector<16xf32>
        %add3A_1461 = arith.addf %mul3A_1458, %add3A_1460 : vector<16xf32>
        %mul3A_1462 = arith.mulf %add3A_1461, %sub3A_1455 : vector<16xf32>
        %add3A_1463 = arith.constant 0.283304334 : f32
        %add3A_1464 = vector.broadcast %add3A_1463 : f32 to vector<16xf32>
        %add3A_1465 = arith.addf %mul3A_1462, %add3A_1464 : vector<16xf32>
        %mul3A_1466 = arith.mulf %add3A_1465, %sub3A_1455 : vector<16xf32>
        %add3A_1467 = arith.constant -0.489156842 : f32
        %add3A_1468 = vector.broadcast %add3A_1467 : f32 to vector<16xf32>
        %add3A_1469 = arith.addf %mul3A_1466, %add3A_1468 : vector<16xf32>
        %mul3A_1470 = arith.mulf %add3A_1469, %sub3A_1455 : vector<16xf32>
        %add3A_1471 = arith.constant 0.999010443 : f32
        %add3A_1472 = vector.broadcast %add3A_1471 : f32 to vector<16xf32>
        %add3A_1473 = arith.addf %mul3A_1470, %add3A_1472 : vector<16xf32>
        %mul3A_1474 = arith.mulf %add3A_1473, %sub3A_1455 : vector<16xf32>
        %add3A_1475 = arith.constant 2.21170303E-5 : f32
        %add3A_1476 = vector.broadcast %add3A_1475 : f32 to vector<16xf32>
        %add3A_1477 = arith.addf %mul3A_1474, %add3A_1476 : vector<16xf32>
        %mul3A_1478 = arith.constant 0.693147182 : f32
        %mul3A_1479 = vector.broadcast %mul3A_1478 : f32 to vector<16xf32>
        %mul3A_1480 = arith.mulf %convert_element_type3A_1445, %mul3A_1479 : vector<16xf32>
        %add3A_1481 = arith.addf %mul3A_1480, %add3A_1477 : vector<16xf32>
        tpu.vector_store_idx %arg13[%add3A_1437], %add3A_1481 : memref<16384xf32, #tpu.memory_space<vmem>>[vector<16xi32>], vector<16xf32>,
        %mul3A_1482 = arith.mulf %exp3A_1164, %exp3A_1259 : vector<16xf32>
        %mul3A_1483 = arith.mulf %exp3A_1169, %exp3A_1279 : vector<16xf32>
        %add3A_1484 = arith.addf %mul3A_1482, %mul3A_1483 : vector<16xf32>
        %mul3A_1485 = arith.mulf %exp3A_1174, %exp3A_1299 : vector<16xf32>
        %add3A_1486 = arith.addf %add3A_1484, %mul3A_1485 : vector<16xf32>
        %mul3A_1487 = arith.mulf %exp3A_1179, %exp3A_1319 : vector<16xf32>
        %add3A_1488 = arith.addf %add3A_1486, %mul3A_1487 : vector<16xf32>
        %add3A_1489 = arith.constant 3 : i32
        %add3A_1490 = vector.broadcast %add3A_1489 : i32 to vector<16xi32>
        %add3A_1491 = arith.addi %add3A_1159, %add3A_1490 : vector<16xi32>
        %bitcast3A_1492 = vector.bitcast %add3A_1488 : vector<16xf32> to vector<16xi32>
        %shift_right_arithmetic3A_1493 = arith.constant 23 : i32
        %shift_right_arithmetic3A_1494 = vector.broadcast %shift_right_arithmetic3A_1493 : i32 to vector<16xi32>
        %shift_right_arithmetic3A_1495 = arith.shrsi %bitcast3A_1492, %shift_right_arithmetic3A_1494 : vector<16xi32>
        %sub3A_1496 = arith.constant 127 : i32
        %sub3A_1497 = vector.broadcast %sub3A_1496 : i32 to vector<16xi32>
        %sub3A_1498 = arith.subi %shift_right_arithmetic3A_1495, %sub3A_1497 : vector<16xi32>
        %convert_element_type3A_1499 = arith.sitofp %sub3A_1498 : vector<16xi32> to vector<16xf32>
        %and3A_1500 = arith.constant 8388607 : i32
        %and3A_1501 = vector.broadcast %and3A_1500 : i32 to vector<16xi32>
        %and3A_1502 = arith.andi %bitcast3A_1492, %and3A_1501 : vector<16xi32>
        %or3A_1503 = arith.constant 1065353216 : i32
        %or3A_1504 = vector.broadcast %or3A_1503 : i32 to vector<16xi32>
        %or3A_1505 = arith.ori %and3A_1502, %or3A_1504 : vector<16xi32>
        %bitcast3A_1506 = vector.bitcast %or3A_1505 : vector<16xi32> to vector<16xf32>
        %sub3A_1507 = arith.constant 1.000000e+00 : f32
        %sub3A_1508 = vector.broadcast %sub3A_1507 : f32 to vector<16xf32>
        %sub3A_1509 = arith.subf %bitcast3A_1506, %sub3A_1508 : vector<16xf32>
        %mul3A_1510 = arith.constant 0.0301026255 : f32
        %mul3A_1511 = vector.broadcast %mul3A_1510 : f32 to vector<16xf32>
        %mul3A_1512 = arith.mulf %mul3A_1511, %sub3A_1509 : vector<16xf32>
        %add3A_1513 = arith.constant -0.130119413 : f32
        %add3A_1514 = vector.broadcast %add3A_1513 : f32 to vector<16xf32>
        %add3A_1515 = arith.addf %mul3A_1512, %add3A_1514 : vector<16xf32>
        %mul3A_1516 = arith.mulf %add3A_1515, %sub3A_1509 : vector<16xf32>
        %add3A_1517 = arith.constant 0.283304334 : f32
        %add3A_1518 = vector.broadcast %add3A_1517 : f32 to vector<16xf32>
        %add3A_1519 = arith.addf %mul3A_1516, %add3A_1518 : vector<16xf32>
        %mul3A_1520 = arith.mulf %add3A_1519, %sub3A_1509 : vector<16xf32>
        %add3A_1521 = arith.constant -0.489156842 : f32
        %add3A_1522 = vector.broadcast %add3A_1521 : f32 to vector<16xf32>
        %add3A_1523 = arith.addf %mul3A_1520, %add3A_1522 : vector<16xf32>
        %mul3A_1524 = arith.mulf %add3A_1523, %sub3A_1509 : vector<16xf32>
        %add3A_1525 = arith.constant 0.999010443 : f32
        %add3A_1526 = vector.broadcast %add3A_1525 : f32 to vector<16xf32>
        %add3A_1527 = arith.addf %mul3A_1524, %add3A_1526 : vector<16xf32>
        %mul3A_1528 = arith.mulf %add3A_1527, %sub3A_1509 : vector<16xf32>
        %add3A_1529 = arith.constant 2.21170303E-5 : f32
        %add3A_1530 = vector.broadcast %add3A_1529 : f32 to vector<16xf32>
        %add3A_1531 = arith.addf %mul3A_1528, %add3A_1530 : vector<16xf32>
        %mul3A_1532 = arith.constant 0.693147182 : f32
        %mul3A_1533 = vector.broadcast %mul3A_1532 : f32 to vector<16xf32>
        %mul3A_1534 = arith.mulf %convert_element_type3A_1499, %mul3A_1533 : vector<16xf32>
        %add3A_1535 = arith.addf %mul3A_1534, %add3A_1531 : vector<16xf32>
        tpu.vector_store_idx %arg13[%add3A_1491], %add3A_1535 : memref<16384xf32, #tpu.memory_space<vmem>>[vector<16xi32>], vector<16xf32>,
        %mul3A_1536 = arith.mulf %exp3A_1184, %exp3A_1244 : vector<16xf32>
        %mul3A_1537 = arith.mulf %exp3A_1189, %exp3A_1264 : vector<16xf32>
        %add3A_1538 = arith.addf %mul3A_1536, %mul3A_1537 : vector<16xf32>
        %mul3A_1539 = arith.mulf %exp3A_1194, %exp3A_1284 : vector<16xf32>
        %add3A_1540 = arith.addf %add3A_1538, %mul3A_1539 : vector<16xf32>
        %mul3A_1541 = arith.mulf %exp3A_1199, %exp3A_1304 : vector<16xf32>
        %add3A_1542 = arith.addf %add3A_1540, %mul3A_1541 : vector<16xf32>
        %add3A_1543 = arith.constant 4 : i32
        %add3A_1544 = vector.broadcast %add3A_1543 : i32 to vector<16xi32>
        %add3A_1545 = arith.addi %add3A_1159, %add3A_1544 : vector<16xi32>
        %bitcast3A_1546 = vector.bitcast %add3A_1542 : vector<16xf32> to vector<16xi32>
        %shift_right_arithmetic3A_1547 = arith.constant 23 : i32
        %shift_right_arithmetic3A_1548 = vector.broadcast %shift_right_arithmetic3A_1547 : i32 to vector<16xi32>
        %shift_right_arithmetic3A_1549 = arith.shrsi %bitcast3A_1546, %shift_right_arithmetic3A_1548 : vector<16xi32>
        %sub3A_1550 = arith.constant 127 : i32
        %sub3A_1551 = vector.broadcast %sub3A_1550 : i32 to vector<16xi32>
        %sub3A_1552 = arith.subi %shift_right_arithmetic3A_1549, %sub3A_1551 : vector<16xi32>
        %convert_element_type3A_1553 = arith.sitofp %sub3A_1552 : vector<16xi32> to vector<16xf32>
        %and3A_1554 = arith.constant 8388607 : i32
        %and3A_1555 = vector.broadcast %and3A_1554 : i32 to vector<16xi32>
        %and3A_1556 = arith.andi %bitcast3A_1546, %and3A_1555 : vector<16xi32>
        %or3A_1557 = arith.constant 1065353216 : i32
        %or3A_1558 = vector.broadcast %or3A_1557 : i32 to vector<16xi32>
        %or3A_1559 = arith.ori %and3A_1556, %or3A_1558 : vector<16xi32>
        %bitcast3A_1560 = vector.bitcast %or3A_1559 : vector<16xi32> to vector<16xf32>
        %sub3A_1561 = arith.constant 1.000000e+00 : f32
        %sub3A_1562 = vector.broadcast %sub3A_1561 : f32 to vector<16xf32>
        %sub3A_1563 = arith.subf %bitcast3A_1560, %sub3A_1562 : vector<16xf32>
        %mul3A_1564 = arith.constant 0.0301026255 : f32
        %mul3A_1565 = vector.broadcast %mul3A_1564 : f32 to vector<16xf32>
        %mul3A_1566 = arith.mulf %mul3A_1565, %sub3A_1563 : vector<16xf32>
        %add3A_1567 = arith.constant -0.130119413 : f32
        %add3A_1568 = vector.broadcast %add3A_1567 : f32 to vector<16xf32>
        %add3A_1569 = arith.addf %mul3A_1566, %add3A_1568 : vector<16xf32>
        %mul3A_1570 = arith.mulf %add3A_1569, %sub3A_1563 : vector<16xf32>
        %add3A_1571 = arith.constant 0.283304334 : f32
        %add3A_1572 = vector.broadcast %add3A_1571 : f32 to vector<16xf32>
        %add3A_1573 = arith.addf %mul3A_1570, %add3A_1572 : vector<16xf32>
        %mul3A_1574 = arith.mulf %add3A_1573, %sub3A_1563 : vector<16xf32>
        %add3A_1575 = arith.constant -0.489156842 : f32
        %add3A_1576 = vector.broadcast %add3A_1575 : f32 to vector<16xf32>
        %add3A_1577 = arith.addf %mul3A_1574, %add3A_1576 : vector<16xf32>
        %mul3A_1578 = arith.mulf %add3A_1577, %sub3A_1563 : vector<16xf32>
        %add3A_1579 = arith.constant 0.999010443 : f32
        %add3A_1580 = vector.broadcast %add3A_1579 : f32 to vector<16xf32>
        %add3A_1581 = arith.addf %mul3A_1578, %add3A_1580 : vector<16xf32>
        %mul3A_1582 = arith.mulf %add3A_1581, %sub3A_1563 : vector<16xf32>
        %add3A_1583 = arith.constant 2.21170303E-5 : f32
        %add3A_1584 = vector.broadcast %add3A_1583 : f32 to vector<16xf32>
        %add3A_1585 = arith.addf %mul3A_1582, %add3A_1584 : vector<16xf32>
        %mul3A_1586 = arith.constant 0.693147182 : f32
        %mul3A_1587 = vector.broadcast %mul3A_1586 : f32 to vector<16xf32>
        %mul3A_1588 = arith.mulf %convert_element_type3A_1553, %mul3A_1587 : vector<16xf32>
        %add3A_1589 = arith.addf %mul3A_1588, %add3A_1585 : vector<16xf32>
        tpu.vector_store_idx %arg13[%add3A_1545], %add3A_1589 : memref<16384xf32, #tpu.memory_space<vmem>>[vector<16xi32>], vector<16xf32>,
        %mul3A_1590 = arith.mulf %exp3A_1184, %exp3A_1249 : vector<16xf32>
        %mul3A_1591 = arith.mulf %exp3A_1189, %exp3A_1269 : vector<16xf32>
        %add3A_1592 = arith.addf %mul3A_1590, %mul3A_1591 : vector<16xf32>
        %mul3A_1593 = arith.mulf %exp3A_1194, %exp3A_1289 : vector<16xf32>
        %add3A_1594 = arith.addf %add3A_1592, %mul3A_1593 : vector<16xf32>
        %mul3A_1595 = arith.mulf %exp3A_1199, %exp3A_1309 : vector<16xf32>
        %add3A_1596 = arith.addf %add3A_1594, %mul3A_1595 : vector<16xf32>
        %add3A_1597 = arith.constant 5 : i32
        %add3A_1598 = vector.broadcast %add3A_1597 : i32 to vector<16xi32>
        %add3A_1599 = arith.addi %add3A_1159, %add3A_1598 : vector<16xi32>
        %bitcast3A_1600 = vector.bitcast %add3A_1596 : vector<16xf32> to vector<16xi32>
        %shift_right_arithmetic3A_1601 = arith.constant 23 : i32
        %shift_right_arithmetic3A_1602 = vector.broadcast %shift_right_arithmetic3A_1601 : i32 to vector<16xi32>
        %shift_right_arithmetic3A_1603 = arith.shrsi %bitcast3A_1600, %shift_right_arithmetic3A_1602 : vector<16xi32>
        %sub3A_1604 = arith.constant 127 : i32
        %sub3A_1605 = vector.broadcast %sub3A_1604 : i32 to vector<16xi32>
        %sub3A_1606 = arith.subi %shift_right_arithmetic3A_1603, %sub3A_1605 : vector<16xi32>
        %convert_element_type3A_1607 = arith.sitofp %sub3A_1606 : vector<16xi32> to vector<16xf32>
        %and3A_1608 = arith.constant 8388607 : i32
        %and3A_1609 = vector.broadcast %and3A_1608 : i32 to vector<16xi32>
        %and3A_1610 = arith.andi %bitcast3A_1600, %and3A_1609 : vector<16xi32>
        %or3A_1611 = arith.constant 1065353216 : i32
        %or3A_1612 = vector.broadcast %or3A_1611 : i32 to vector<16xi32>
        %or3A_1613 = arith.ori %and3A_1610, %or3A_1612 : vector<16xi32>
        %bitcast3A_1614 = vector.bitcast %or3A_1613 : vector<16xi32> to vector<16xf32>
        %sub3A_1615 = arith.constant 1.000000e+00 : f32
        %sub3A_1616 = vector.broadcast %sub3A_1615 : f32 to vector<16xf32>
        %sub3A_1617 = arith.subf %bitcast3A_1614, %sub3A_1616 : vector<16xf32>
        %mul3A_1618 = arith.constant 0.0301026255 : f32
        %mul3A_1619 = vector.broadcast %mul3A_1618 : f32 to vector<16xf32>
        %mul3A_1620 = arith.mulf %mul3A_1619, %sub3A_1617 : vector<16xf32>
        %add3A_1621 = arith.constant -0.130119413 : f32
        %add3A_1622 = vector.broadcast %add3A_1621 : f32 to vector<16xf32>
        %add3A_1623 = arith.addf %mul3A_1620, %add3A_1622 : vector<16xf32>
        %mul3A_1624 = arith.mulf %add3A_1623, %sub3A_1617 : vector<16xf32>
        %add3A_1625 = arith.constant 0.283304334 : f32
        %add3A_1626 = vector.broadcast %add3A_1625 : f32 to vector<16xf32>
        %add3A_1627 = arith.addf %mul3A_1624, %add3A_1626 : vector<16xf32>
        %mul3A_1628 = arith.mulf %add3A_1627, %sub3A_1617 : vector<16xf32>
        %add3A_1629 = arith.constant -0.489156842 : f32
        %add3A_1630 = vector.broadcast %add3A_1629 : f32 to vector<16xf32>
        %add3A_1631 = arith.addf %mul3A_1628, %add3A_1630 : vector<16xf32>
        %mul3A_1632 = arith.mulf %add3A_1631, %sub3A_1617 : vector<16xf32>
        %add3A_1633 = arith.constant 0.999010443 : f32
        %add3A_1634 = vector.broadcast %add3A_1633 : f32 to vector<16xf32>
        %add3A_1635 = arith.addf %mul3A_1632, %add3A_1634 : vector<16xf32>
        %mul3A_1636 = arith.mulf %add3A_1635, %sub3A_1617 : vector<16xf32>
        %add3A_1637 = arith.constant 2.21170303E-5 : f32
        %add3A_1638 = vector.broadcast %add3A_1637 : f32 to vector<16xf32>
        %add3A_1639 = arith.addf %mul3A_1636, %add3A_1638 : vector<16xf32>
        %mul3A_1640 = arith.constant 0.693147182 : f32
        %mul3A_1641 = vector.broadcast %mul3A_1640 : f32 to vector<16xf32>
        %mul3A_1642 = arith.mulf %convert_element_type3A_1607, %mul3A_1641 : vector<16xf32>
        %add3A_1643 = arith.addf %mul3A_1642, %add3A_1639 : vector<16xf32>
        tpu.vector_store_idx %arg13[%add3A_1599], %add3A_1643 : memref<16384xf32, #tpu.memory_space<vmem>>[vector<16xi32>], vector<16xf32>,
        %mul3A_1644 = arith.mulf %exp3A_1184, %exp3A_1254 : vector<16xf32>
        %mul3A_1645 = arith.mulf %exp3A_1189, %exp3A_1274 : vector<16xf32>
        %add3A_1646 = arith.addf %mul3A_1644, %mul3A_1645 : vector<16xf32>
        %mul3A_1647 = arith.mulf %exp3A_1194, %exp3A_1294 : vector<16xf32>
        %add3A_1648 = arith.addf %add3A_1646, %mul3A_1647 : vector<16xf32>
        %mul3A_1649 = arith.mulf %exp3A_1199, %exp3A_1314 : vector<16xf32>
        %add3A_1650 = arith.addf %add3A_1648, %mul3A_1649 : vector<16xf32>
        %add3A_1651 = arith.constant 6 : i32
        %add3A_1652 = vector.broadcast %add3A_1651 : i32 to vector<16xi32>
        %add3A_1653 = arith.addi %add3A_1159, %add3A_1652 : vector<16xi32>
        %bitcast3A_1654 = vector.bitcast %add3A_1650 : vector<16xf32> to vector<16xi32>
        %shift_right_arithmetic3A_1655 = arith.constant 23 : i32
        %shift_right_arithmetic3A_1656 = vector.broadcast %shift_right_arithmetic3A_1655 : i32 to vector<16xi32>
        %shift_right_arithmetic3A_1657 = arith.shrsi %bitcast3A_1654, %shift_right_arithmetic3A_1656 : vector<16xi32>
        %sub3A_1658 = arith.constant 127 : i32
        %sub3A_1659 = vector.broadcast %sub3A_1658 : i32 to vector<16xi32>
        %sub3A_1660 = arith.subi %shift_right_arithmetic3A_1657, %sub3A_1659 : vector<16xi32>
        %convert_element_type3A_1661 = arith.sitofp %sub3A_1660 : vector<16xi32> to vector<16xf32>
        %and3A_1662 = arith.constant 8388607 : i32
        %and3A_1663 = vector.broadcast %and3A_1662 : i32 to vector<16xi32>
        %and3A_1664 = arith.andi %bitcast3A_1654, %and3A_1663 : vector<16xi32>
        %or3A_1665 = arith.constant 1065353216 : i32
        %or3A_1666 = vector.broadcast %or3A_1665 : i32 to vector<16xi32>
        %or3A_1667 = arith.ori %and3A_1664, %or3A_1666 : vector<16xi32>
        %bitcast3A_1668 = vector.bitcast %or3A_1667 : vector<16xi32> to vector<16xf32>
        %sub3A_1669 = arith.constant 1.000000e+00 : f32
        %sub3A_1670 = vector.broadcast %sub3A_1669 : f32 to vector<16xf32>
        %sub3A_1671 = arith.subf %bitcast3A_1668, %sub3A_1670 : vector<16xf32>
        %mul3A_1672 = arith.constant 0.0301026255 : f32
        %mul3A_1673 = vector.broadcast %mul3A_1672 : f32 to vector<16xf32>
        %mul3A_1674 = arith.mulf %mul3A_1673, %sub3A_1671 : vector<16xf32>
        %add3A_1675 = arith.constant -0.130119413 : f32
        %add3A_1676 = vector.broadcast %add3A_1675 : f32 to vector<16xf32>
        %add3A_1677 = arith.addf %mul3A_1674, %add3A_1676 : vector<16xf32>
        %mul3A_1678 = arith.mulf %add3A_1677, %sub3A_1671 : vector<16xf32>
        %add3A_1679 = arith.constant 0.283304334 : f32
        %add3A_1680 = vector.broadcast %add3A_1679 : f32 to vector<16xf32>
        %add3A_1681 = arith.addf %mul3A_1678, %add3A_1680 : vector<16xf32>
        %mul3A_1682 = arith.mulf %add3A_1681, %sub3A_1671 : vector<16xf32>
        %add3A_1683 = arith.constant -0.489156842 : f32
        %add3A_1684 = vector.broadcast %add3A_1683 : f32 to vector<16xf32>
        %add3A_1685 = arith.addf %mul3A_1682, %add3A_1684 : vector<16xf32>
        %mul3A_1686 = arith.mulf %add3A_1685, %sub3A_1671 : vector<16xf32>
        %add3A_1687 = arith.constant 0.999010443 : f32
        %add3A_1688 = vector.broadcast %add3A_1687 : f32 to vector<16xf32>
        %add3A_1689 = arith.addf %mul3A_1686, %add3A_1688 : vector<16xf32>
        %mul3A_1690 = arith.mulf %add3A_1689, %sub3A_1671 : vector<16xf32>
        %add3A_1691 = arith.constant 2.21170303E-5 : f32
        %add3A_1692 = vector.broadcast %add3A_1691 : f32 to vector<16xf32>
        %add3A_1693 = arith.addf %mul3A_1690, %add3A_1692 : vector<16xf32>
        %mul3A_1694 = arith.constant 0.693147182 : f32
        %mul3A_1695 = vector.broadcast %mul3A_1694 : f32 to vector<16xf32>
        %mul3A_1696 = arith.mulf %convert_element_type3A_1661, %mul3A_1695 : vector<16xf32>
        %add3A_1697 = arith.addf %mul3A_1696, %add3A_1693 : vector<16xf32>
        tpu.vector_store_idx %arg13[%add3A_1653], %add3A_1697 : memref<16384xf32, #tpu.memory_space<vmem>>[vector<16xi32>], vector<16xf32>,
        %mul3A_1698 = arith.mulf %exp3A_1184, %exp3A_1259 : vector<16xf32>
        %mul3A_1699 = arith.mulf %exp3A_1189, %exp3A_1279 : vector<16xf32>
        %add3A_1700 = arith.addf %mul3A_1698, %mul3A_1699 : vector<16xf32>
        %mul3A_1701 = arith.mulf %exp3A_1194, %exp3A_1299 : vector<16xf32>
        %add3A_1702 = arith.addf %add3A_1700, %mul3A_1701 : vector<16xf32>
        %mul3A_1703 = arith.mulf %exp3A_1199, %exp3A_1319 : vector<16xf32>
        %add3A_1704 = arith.addf %add3A_1702, %mul3A_1703 : vector<16xf32>
        %add3A_1705 = arith.constant 7 : i32
        %add3A_1706 = vector.broadcast %add3A_1705 : i32 to vector<16xi32>
        %add3A_1707 = arith.addi %add3A_1159, %add3A_1706 : vector<16xi32>
        %bitcast3A_1708 = vector.bitcast %add3A_1704 : vector<16xf32> to vector<16xi32>
        %shift_right_arithmetic3A_1709 = arith.constant 23 : i32
        %shift_right_arithmetic3A_1710 = vector.broadcast %shift_right_arithmetic3A_1709 : i32 to vector<16xi32>
        %shift_right_arithmetic3A_1711 = arith.shrsi %bitcast3A_1708, %shift_right_arithmetic3A_1710 : vector<16xi32>
        %sub3A_1712 = arith.constant 127 : i32
        %sub3A_1713 = vector.broadcast %sub3A_1712 : i32 to vector<16xi32>
        %sub3A_1714 = arith.subi %shift_right_arithmetic3A_1711, %sub3A_1713 : vector<16xi32>
        %convert_element_type3A_1715 = arith.sitofp %sub3A_1714 : vector<16xi32> to vector<16xf32>
        %and3A_1716 = arith.constant 8388607 : i32
        %and3A_1717 = vector.broadcast %and3A_1716 : i32 to vector<16xi32>
        %and3A_1718 = arith.andi %bitcast3A_1708, %and3A_1717 : vector<16xi32>
        %or3A_1719 = arith.constant 1065353216 : i32
        %or3A_1720 = vector.broadcast %or3A_1719 : i32 to vector<16xi32>
        %or3A_1721 = arith.ori %and3A_1718, %or3A_1720 : vector<16xi32>
        %bitcast3A_1722 = vector.bitcast %or3A_1721 : vector<16xi32> to vector<16xf32>
        %sub3A_1723 = arith.constant 1.000000e+00 : f32
        %sub3A_1724 = vector.broadcast %sub3A_1723 : f32 to vector<16xf32>
        %sub3A_1725 = arith.subf %bitcast3A_1722, %sub3A_1724 : vector<16xf32>
        %mul3A_1726 = arith.constant 0.0301026255 : f32
        %mul3A_1727 = vector.broadcast %mul3A_1726 : f32 to vector<16xf32>
        %mul3A_1728 = arith.mulf %mul3A_1727, %sub3A_1725 : vector<16xf32>
        %add3A_1729 = arith.constant -0.130119413 : f32
        %add3A_1730 = vector.broadcast %add3A_1729 : f32 to vector<16xf32>
        %add3A_1731 = arith.addf %mul3A_1728, %add3A_1730 : vector<16xf32>
        %mul3A_1732 = arith.mulf %add3A_1731, %sub3A_1725 : vector<16xf32>
        %add3A_1733 = arith.constant 0.283304334 : f32
        %add3A_1734 = vector.broadcast %add3A_1733 : f32 to vector<16xf32>
        %add3A_1735 = arith.addf %mul3A_1732, %add3A_1734 : vector<16xf32>
        %mul3A_1736 = arith.mulf %add3A_1735, %sub3A_1725 : vector<16xf32>
        %add3A_1737 = arith.constant -0.489156842 : f32
        %add3A_1738 = vector.broadcast %add3A_1737 : f32 to vector<16xf32>
        %add3A_1739 = arith.addf %mul3A_1736, %add3A_1738 : vector<16xf32>
        %mul3A_1740 = arith.mulf %add3A_1739, %sub3A_1725 : vector<16xf32>
        %add3A_1741 = arith.constant 0.999010443 : f32
        %add3A_1742 = vector.broadcast %add3A_1741 : f32 to vector<16xf32>
        %add3A_1743 = arith.addf %mul3A_1740, %add3A_1742 : vector<16xf32>
        %mul3A_1744 = arith.mulf %add3A_1743, %sub3A_1725 : vector<16xf32>
        %add3A_1745 = arith.constant 2.21170303E-5 : f32
        %add3A_1746 = vector.broadcast %add3A_1745 : f32 to vector<16xf32>
        %add3A_1747 = arith.addf %mul3A_1744, %add3A_1746 : vector<16xf32>
        %mul3A_1748 = arith.constant 0.693147182 : f32
        %mul3A_1749 = vector.broadcast %mul3A_1748 : f32 to vector<16xf32>
        %mul3A_1750 = arith.mulf %convert_element_type3A_1715, %mul3A_1749 : vector<16xf32>
        %add3A_1751 = arith.addf %mul3A_1750, %add3A_1747 : vector<16xf32>
        tpu.vector_store_idx %arg13[%add3A_1707], %add3A_1751 : memref<16384xf32, #tpu.memory_space<vmem>>[vector<16xi32>], vector<16xf32>,
        %mul3A_1752 = arith.mulf %exp3A_1204, %exp3A_1244 : vector<16xf32>
        %mul3A_1753 = arith.mulf %exp3A_1209, %exp3A_1264 : vector<16xf32>
        %add3A_1754 = arith.addf %mul3A_1752, %mul3A_1753 : vector<16xf32>
        %mul3A_1755 = arith.mulf %exp3A_1214, %exp3A_1284 : vector<16xf32>
        %add3A_1756 = arith.addf %add3A_1754, %mul3A_1755 : vector<16xf32>
        %mul3A_1757 = arith.mulf %exp3A_1219, %exp3A_1304 : vector<16xf32>
        %add3A_1758 = arith.addf %add3A_1756, %mul3A_1757 : vector<16xf32>
        %add3A_1759 = arith.constant 8 : i32
        %add3A_1760 = vector.broadcast %add3A_1759 : i32 to vector<16xi32>
        %add3A_1761 = arith.addi %add3A_1159, %add3A_1760 : vector<16xi32>
        %bitcast3A_1762 = vector.bitcast %add3A_1758 : vector<16xf32> to vector<16xi32>
        %shift_right_arithmetic3A_1763 = arith.constant 23 : i32
        %shift_right_arithmetic3A_1764 = vector.broadcast %shift_right_arithmetic3A_1763 : i32 to vector<16xi32>
        %shift_right_arithmetic3A_1765 = arith.shrsi %bitcast3A_1762, %shift_right_arithmetic3A_1764 : vector<16xi32>
        %sub3A_1766 = arith.constant 127 : i32
        %sub3A_1767 = vector.broadcast %sub3A_1766 : i32 to vector<16xi32>
        %sub3A_1768 = arith.subi %shift_right_arithmetic3A_1765, %sub3A_1767 : vector<16xi32>
        %convert_element_type3A_1769 = arith.sitofp %sub3A_1768 : vector<16xi32> to vector<16xf32>
        %and3A_1770 = arith.constant 8388607 : i32
        %and3A_1771 = vector.broadcast %and3A_1770 : i32 to vector<16xi32>
        %and3A_1772 = arith.andi %bitcast3A_1762, %and3A_1771 : vector<16xi32>
        %or3A_1773 = arith.constant 1065353216 : i32
        %or3A_1774 = vector.broadcast %or3A_1773 : i32 to vector<16xi32>
        %or3A_1775 = arith.ori %and3A_1772, %or3A_1774 : vector<16xi32>
        %bitcast3A_1776 = vector.bitcast %or3A_1775 : vector<16xi32> to vector<16xf32>
        %sub3A_1777 = arith.constant 1.000000e+00 : f32
        %sub3A_1778 = vector.broadcast %sub3A_1777 : f32 to vector<16xf32>
        %sub3A_1779 = arith.subf %bitcast3A_1776, %sub3A_1778 : vector<16xf32>
        %mul3A_1780 = arith.constant 0.0301026255 : f32
        %mul3A_1781 = vector.broadcast %mul3A_1780 : f32 to vector<16xf32>
        %mul3A_1782 = arith.mulf %mul3A_1781, %sub3A_1779 : vector<16xf32>
        %add3A_1783 = arith.constant -0.130119413 : f32
        %add3A_1784 = vector.broadcast %add3A_1783 : f32 to vector<16xf32>
        %add3A_1785 = arith.addf %mul3A_1782, %add3A_1784 : vector<16xf32>
        %mul3A_1786 = arith.mulf %add3A_1785, %sub3A_1779 : vector<16xf32>
        %add3A_1787 = arith.constant 0.283304334 : f32
        %add3A_1788 = vector.broadcast %add3A_1787 : f32 to vector<16xf32>
        %add3A_1789 = arith.addf %mul3A_1786, %add3A_1788 : vector<16xf32>
        %mul3A_1790 = arith.mulf %add3A_1789, %sub3A_1779 : vector<16xf32>
        %add3A_1791 = arith.constant -0.489156842 : f32
        %add3A_1792 = vector.broadcast %add3A_1791 : f32 to vector<16xf32>
        %add3A_1793 = arith.addf %mul3A_1790, %add3A_1792 : vector<16xf32>
        %mul3A_1794 = arith.mulf %add3A_1793, %sub3A_1779 : vector<16xf32>
        %add3A_1795 = arith.constant 0.999010443 : f32
        %add3A_1796 = vector.broadcast %add3A_1795 : f32 to vector<16xf32>
        %add3A_1797 = arith.addf %mul3A_1794, %add3A_1796 : vector<16xf32>
        %mul3A_1798 = arith.mulf %add3A_1797, %sub3A_1779 : vector<16xf32>
        %add3A_1799 = arith.constant 2.21170303E-5 : f32
        %add3A_1800 = vector.broadcast %add3A_1799 : f32 to vector<16xf32>
        %add3A_1801 = arith.addf %mul3A_1798, %add3A_1800 : vector<16xf32>
        %mul3A_1802 = arith.constant 0.693147182 : f32
        %mul3A_1803 = vector.broadcast %mul3A_1802 : f32 to vector<16xf32>
        %mul3A_1804 = arith.mulf %convert_element_type3A_1769, %mul3A_1803 : vector<16xf32>
        %add3A_1805 = arith.addf %mul3A_1804, %add3A_1801 : vector<16xf32>
        tpu.vector_store_idx %arg13[%add3A_1761], %add3A_1805 : memref<16384xf32, #tpu.memory_space<vmem>>[vector<16xi32>], vector<16xf32>,
        %mul3A_1806 = arith.mulf %exp3A_1204, %exp3A_1249 : vector<16xf32>
        %mul3A_1807 = arith.mulf %exp3A_1209, %exp3A_1269 : vector<16xf32>
        %add3A_1808 = arith.addf %mul3A_1806, %mul3A_1807 : vector<16xf32>
        %mul3A_1809 = arith.mulf %exp3A_1214, %exp3A_1289 : vector<16xf32>
        %add3A_1810 = arith.addf %add3A_1808, %mul3A_1809 : vector<16xf32>
        %mul3A_1811 = arith.mulf %exp3A_1219, %exp3A_1309 : vector<16xf32>
        %add3A_1812 = arith.addf %add3A_1810, %mul3A_1811 : vector<16xf32>
        %add3A_1813 = arith.constant 9 : i32
        %add3A_1814 = vector.broadcast %add3A_1813 : i32 to vector<16xi32>
        %add3A_1815 = arith.addi %add3A_1159, %add3A_1814 : vector<16xi32>
        %bitcast3A_1816 = vector.bitcast %add3A_1812 : vector<16xf32> to vector<16xi32>
        %shift_right_arithmetic3A_1817 = arith.constant 23 : i32
        %shift_right_arithmetic3A_1818 = vector.broadcast %shift_right_arithmetic3A_1817 : i32 to vector<16xi32>
        %shift_right_arithmetic3A_1819 = arith.shrsi %bitcast3A_1816, %shift_right_arithmetic3A_1818 : vector<16xi32>
        %sub3A_1820 = arith.constant 127 : i32
        %sub3A_1821 = vector.broadcast %sub3A_1820 : i32 to vector<16xi32>
        %sub3A_1822 = arith.subi %shift_right_arithmetic3A_1819, %sub3A_1821 : vector<16xi32>
        %convert_element_type3A_1823 = arith.sitofp %sub3A_1822 : vector<16xi32> to vector<16xf32>
        %and3A_1824 = arith.constant 8388607 : i32
        %and3A_1825 = vector.broadcast %and3A_1824 : i32 to vector<16xi32>
        %and3A_1826 = arith.andi %bitcast3A_1816, %and3A_1825 : vector<16xi32>
        %or3A_1827 = arith.constant 1065353216 : i32
        %or3A_1828 = vector.broadcast %or3A_1827 : i32 to vector<16xi32>
        %or3A_1829 = arith.ori %and3A_1826, %or3A_1828 : vector<16xi32>
        %bitcast3A_1830 = vector.bitcast %or3A_1829 : vector<16xi32> to vector<16xf32>
        %sub3A_1831 = arith.constant 1.000000e+00 : f32
        %sub3A_1832 = vector.broadcast %sub3A_1831 : f32 to vector<16xf32>
        %sub3A_1833 = arith.subf %bitcast3A_1830, %sub3A_1832 : vector<16xf32>
        %mul3A_1834 = arith.constant 0.0301026255 : f32
        %mul3A_1835 = vector.broadcast %mul3A_1834 : f32 to vector<16xf32>
        %mul3A_1836 = arith.mulf %mul3A_1835, %sub3A_1833 : vector<16xf32>
        %add3A_1837 = arith.constant -0.130119413 : f32
        %add3A_1838 = vector.broadcast %add3A_1837 : f32 to vector<16xf32>
        %add3A_1839 = arith.addf %mul3A_1836, %add3A_1838 : vector<16xf32>
        %mul3A_1840 = arith.mulf %add3A_1839, %sub3A_1833 : vector<16xf32>
        %add3A_1841 = arith.constant 0.283304334 : f32
        %add3A_1842 = vector.broadcast %add3A_1841 : f32 to vector<16xf32>
        %add3A_1843 = arith.addf %mul3A_1840, %add3A_1842 : vector<16xf32>
        %mul3A_1844 = arith.mulf %add3A_1843, %sub3A_1833 : vector<16xf32>
        %add3A_1845 = arith.constant -0.489156842 : f32
        %add3A_1846 = vector.broadcast %add3A_1845 : f32 to vector<16xf32>
        %add3A_1847 = arith.addf %mul3A_1844, %add3A_1846 : vector<16xf32>
        %mul3A_1848 = arith.mulf %add3A_1847, %sub3A_1833 : vector<16xf32>
        %add3A_1849 = arith.constant 0.999010443 : f32
        %add3A_1850 = vector.broadcast %add3A_1849 : f32 to vector<16xf32>
        %add3A_1851 = arith.addf %mul3A_1848, %add3A_1850 : vector<16xf32>
        %mul3A_1852 = arith.mulf %add3A_1851, %sub3A_1833 : vector<16xf32>
        %add3A_1853 = arith.constant 2.21170303E-5 : f32
        %add3A_1854 = vector.broadcast %add3A_1853 : f32 to vector<16xf32>
        %add3A_1855 = arith.addf %mul3A_1852, %add3A_1854 : vector<16xf32>
        %mul3A_1856 = arith.constant 0.693147182 : f32
        %mul3A_1857 = vector.broadcast %mul3A_1856 : f32 to vector<16xf32>
        %mul3A_1858 = arith.mulf %convert_element_type3A_1823, %mul3A_1857 : vector<16xf32>
        %add3A_1859 = arith.addf %mul3A_1858, %add3A_1855 : vector<16xf32>
        tpu.vector_store_idx %arg13[%add3A_1815], %add3A_1859 : memref<16384xf32, #tpu.memory_space<vmem>>[vector<16xi32>], vector<16xf32>,
        %mul3A_1860 = arith.mulf %exp3A_1204, %exp3A_1254 : vector<16xf32>
        %mul3A_1861 = arith.mulf %exp3A_1209, %exp3A_1274 : vector<16xf32>
        %add3A_1862 = arith.addf %mul3A_1860, %mul3A_1861 : vector<16xf32>
        %mul3A_1863 = arith.mulf %exp3A_1214, %exp3A_1294 : vector<16xf32>
        %add3A_1864 = arith.addf %add3A_1862, %mul3A_1863 : vector<16xf32>
        %mul3A_1865 = arith.mulf %exp3A_1219, %exp3A_1314 : vector<16xf32>
        %add3A_1866 = arith.addf %add3A_1864, %mul3A_1865 : vector<16xf32>
        %add3A_1867 = arith.constant 10 : i32
        %add3A_1868 = vector.broadcast %add3A_1867 : i32 to vector<16xi32>
        %add3A_1869 = arith.addi %add3A_1159, %add3A_1868 : vector<16xi32>
        %bitcast3A_1870 = vector.bitcast %add3A_1866 : vector<16xf32> to vector<16xi32>
        %shift_right_arithmetic3A_1871 = arith.constant 23 : i32
        %shift_right_arithmetic3A_1872 = vector.broadcast %shift_right_arithmetic3A_1871 : i32 to vector<16xi32>
        %shift_right_arithmetic3A_1873 = arith.shrsi %bitcast3A_1870, %shift_right_arithmetic3A_1872 : vector<16xi32>
        %sub3A_1874 = arith.constant 127 : i32
        %sub3A_1875 = vector.broadcast %sub3A_1874 : i32 to vector<16xi32>
        %sub3A_1876 = arith.subi %shift_right_arithmetic3A_1873, %sub3A_1875 : vector<16xi32>
        %convert_element_type3A_1877 = arith.sitofp %sub3A_1876 : vector<16xi32> to vector<16xf32>
        %and3A_1878 = arith.constant 8388607 : i32
        %and3A_1879 = vector.broadcast %and3A_1878 : i32 to vector<16xi32>
        %and3A_1880 = arith.andi %bitcast3A_1870, %and3A_1879 : vector<16xi32>
        %or3A_1881 = arith.constant 1065353216 : i32
        %or3A_1882 = vector.broadcast %or3A_1881 : i32 to vector<16xi32>
        %or3A_1883 = arith.ori %and3A_1880, %or3A_1882 : vector<16xi32>
        %bitcast3A_1884 = vector.bitcast %or3A_1883 : vector<16xi32> to vector<16xf32>
        %sub3A_1885 = arith.constant 1.000000e+00 : f32
        %sub3A_1886 = vector.broadcast %sub3A_1885 : f32 to vector<16xf32>
        %sub3A_1887 = arith.subf %bitcast3A_1884, %sub3A_1886 : vector<16xf32>
        %mul3A_1888 = arith.constant 0.0301026255 : f32
        %mul3A_1889 = vector.broadcast %mul3A_1888 : f32 to vector<16xf32>
        %mul3A_1890 = arith.mulf %mul3A_1889, %sub3A_1887 : vector<16xf32>
        %add3A_1891 = arith.constant -0.130119413 : f32
        %add3A_1892 = vector.broadcast %add3A_1891 : f32 to vector<16xf32>
        %add3A_1893 = arith.addf %mul3A_1890, %add3A_1892 : vector<16xf32>
        %mul3A_1894 = arith.mulf %add3A_1893, %sub3A_1887 : vector<16xf32>
        %add3A_1895 = arith.constant 0.283304334 : f32
        %add3A_1896 = vector.broadcast %add3A_1895 : f32 to vector<16xf32>
        %add3A_1897 = arith.addf %mul3A_1894, %add3A_1896 : vector<16xf32>
        %mul3A_1898 = arith.mulf %add3A_1897, %sub3A_1887 : vector<16xf32>
        %add3A_1899 = arith.constant -0.489156842 : f32
        %add3A_1900 = vector.broadcast %add3A_1899 : f32 to vector<16xf32>
        %add3A_1901 = arith.addf %mul3A_1898, %add3A_1900 : vector<16xf32>
        %mul3A_1902 = arith.mulf %add3A_1901, %sub3A_1887 : vector<16xf32>
        %add3A_1903 = arith.constant 0.999010443 : f32
        %add3A_1904 = vector.broadcast %add3A_1903 : f32 to vector<16xf32>
        %add3A_1905 = arith.addf %mul3A_1902, %add3A_1904 : vector<16xf32>
        %mul3A_1906 = arith.mulf %add3A_1905, %sub3A_1887 : vector<16xf32>
        %add3A_1907 = arith.constant 2.21170303E-5 : f32
        %add3A_1908 = vector.broadcast %add3A_1907 : f32 to vector<16xf32>
        %add3A_1909 = arith.addf %mul3A_1906, %add3A_1908 : vector<16xf32>
        %mul3A_1910 = arith.constant 0.693147182 : f32
        %mul3A_1911 = vector.broadcast %mul3A_1910 : f32 to vector<16xf32>
        %mul3A_1912 = arith.mulf %convert_element_type3A_1877, %mul3A_1911 : vector<16xf32>
        %add3A_1913 = arith.addf %mul3A_1912, %add3A_1909 : vector<16xf32>
        tpu.vector_store_idx %arg13[%add3A_1869], %add3A_1913 : memref<16384xf32, #tpu.memory_space<vmem>>[vector<16xi32>], vector<16xf32>,
        %mul3A_1914 = arith.mulf %exp3A_1204, %exp3A_1259 : vector<16xf32>
        %mul3A_1915 = arith.mulf %exp3A_1209, %exp3A_1279 : vector<16xf32>
        %add3A_1916 = arith.addf %mul3A_1914, %mul3A_1915 : vector<16xf32>
        %mul3A_1917 = arith.mulf %exp3A_1214, %exp3A_1299 : vector<16xf32>
        %add3A_1918 = arith.addf %add3A_1916, %mul3A_1917 : vector<16xf32>
        %mul3A_1919 = arith.mulf %exp3A_1219, %exp3A_1319 : vector<16xf32>
        %add3A_1920 = arith.addf %add3A_1918, %mul3A_1919 : vector<16xf32>
        %add3A_1921 = arith.constant 11 : i32
        %add3A_1922 = vector.broadcast %add3A_1921 : i32 to vector<16xi32>
        %add3A_1923 = arith.addi %add3A_1159, %add3A_1922 : vector<16xi32>
        %bitcast3A_1924 = vector.bitcast %add3A_1920 : vector<16xf32> to vector<16xi32>
        %shift_right_arithmetic3A_1925 = arith.constant 23 : i32
        %shift_right_arithmetic3A_1926 = vector.broadcast %shift_right_arithmetic3A_1925 : i32 to vector<16xi32>
        %shift_right_arithmetic3A_1927 = arith.shrsi %bitcast3A_1924, %shift_right_arithmetic3A_1926 : vector<16xi32>
        %sub3A_1928 = arith.constant 127 : i32
        %sub3A_1929 = vector.broadcast %sub3A_1928 : i32 to vector<16xi32>
        %sub3A_1930 = arith.subi %shift_right_arithmetic3A_1927, %sub3A_1929 : vector<16xi32>
        %convert_element_type3A_1931 = arith.sitofp %sub3A_1930 : vector<16xi32> to vector<16xf32>
        %and3A_1932 = arith.constant 8388607 : i32
        %and3A_1933 = vector.broadcast %and3A_1932 : i32 to vector<16xi32>
        %and3A_1934 = arith.andi %bitcast3A_1924, %and3A_1933 : vector<16xi32>
        %or3A_1935 = arith.constant 1065353216 : i32
        %or3A_1936 = vector.broadcast %or3A_1935 : i32 to vector<16xi32>
        %or3A_1937 = arith.ori %and3A_1934, %or3A_1936 : vector<16xi32>
        %bitcast3A_1938 = vector.bitcast %or3A_1937 : vector<16xi32> to vector<16xf32>
        %sub3A_1939 = arith.constant 1.000000e+00 : f32
        %sub3A_1940 = vector.broadcast %sub3A_1939 : f32 to vector<16xf32>
        %sub3A_1941 = arith.subf %bitcast3A_1938, %sub3A_1940 : vector<16xf32>
        %mul3A_1942 = arith.constant 0.0301026255 : f32
        %mul3A_1943 = vector.broadcast %mul3A_1942 : f32 to vector<16xf32>
        %mul3A_1944 = arith.mulf %mul3A_1943, %sub3A_1941 : vector<16xf32>
        %add3A_1945 = arith.constant -0.130119413 : f32
        %add3A_1946 = vector.broadcast %add3A_1945 : f32 to vector<16xf32>
        %add3A_1947 = arith.addf %mul3A_1944, %add3A_1946 : vector<16xf32>
        %mul3A_1948 = arith.mulf %add3A_1947, %sub3A_1941 : vector<16xf32>
        %add3A_1949 = arith.constant 0.283304334 : f32
        %add3A_1950 = vector.broadcast %add3A_1949 : f32 to vector<16xf32>
        %add3A_1951 = arith.addf %mul3A_1948, %add3A_1950 : vector<16xf32>
        %mul3A_1952 = arith.mulf %add3A_1951, %sub3A_1941 : vector<16xf32>
        %add3A_1953 = arith.constant -0.489156842 : f32
        %add3A_1954 = vector.broadcast %add3A_1953 : f32 to vector<16xf32>
        %add3A_1955 = arith.addf %mul3A_1952, %add3A_1954 : vector<16xf32>
        %mul3A_1956 = arith.mulf %add3A_1955, %sub3A_1941 : vector<16xf32>
        %add3A_1957 = arith.constant 0.999010443 : f32
        %add3A_1958 = vector.broadcast %add3A_1957 : f32 to vector<16xf32>
        %add3A_1959 = arith.addf %mul3A_1956, %add3A_1958 : vector<16xf32>
        %mul3A_1960 = arith.mulf %add3A_1959, %sub3A_1941 : vector<16xf32>
        %add3A_1961 = arith.constant 2.21170303E-5 : f32
        %add3A_1962 = vector.broadcast %add3A_1961 : f32 to vector<16xf32>
        %add3A_1963 = arith.addf %mul3A_1960, %add3A_1962 : vector<16xf32>
        %mul3A_1964 = arith.constant 0.693147182 : f32
        %mul3A_1965 = vector.broadcast %mul3A_1964 : f32 to vector<16xf32>
        %mul3A_1966 = arith.mulf %convert_element_type3A_1931, %mul3A_1965 : vector<16xf32>
        %add3A_1967 = arith.addf %mul3A_1966, %add3A_1963 : vector<16xf32>
        tpu.vector_store_idx %arg13[%add3A_1923], %add3A_1967 : memref<16384xf32, #tpu.memory_space<vmem>>[vector<16xi32>], vector<16xf32>,
        %mul3A_1968 = arith.mulf %exp3A_1224, %exp3A_1244 : vector<16xf32>
        %mul3A_1969 = arith.mulf %exp3A_1229, %exp3A_1264 : vector<16xf32>
        %add3A_1970 = arith.addf %mul3A_1968, %mul3A_1969 : vector<16xf32>
        %mul3A_1971 = arith.mulf %exp3A_1234, %exp3A_1284 : vector<16xf32>
        %add3A_1972 = arith.addf %add3A_1970, %mul3A_1971 : vector<16xf32>
        %mul3A_1973 = arith.mulf %exp3A_1239, %exp3A_1304 : vector<16xf32>
        %add3A_1974 = arith.addf %add3A_1972, %mul3A_1973 : vector<16xf32>
        %add3A_1975 = arith.constant 12 : i32
        %add3A_1976 = vector.broadcast %add3A_1975 : i32 to vector<16xi32>
        %add3A_1977 = arith.addi %add3A_1159, %add3A_1976 : vector<16xi32>
        %bitcast3A_1978 = vector.bitcast %add3A_1974 : vector<16xf32> to vector<16xi32>
        %shift_right_arithmetic3A_1979 = arith.constant 23 : i32
        %shift_right_arithmetic3A_1980 = vector.broadcast %shift_right_arithmetic3A_1979 : i32 to vector<16xi32>
        %shift_right_arithmetic3A_1981 = arith.shrsi %bitcast3A_1978, %shift_right_arithmetic3A_1980 : vector<16xi32>
        %sub3A_1982 = arith.constant 127 : i32
        %sub3A_1983 = vector.broadcast %sub3A_1982 : i32 to vector<16xi32>
        %sub3A_1984 = arith.subi %shift_right_arithmetic3A_1981, %sub3A_1983 : vector<16xi32>
        %convert_element_type3A_1985 = arith.sitofp %sub3A_1984 : vector<16xi32> to vector<16xf32>
        %and3A_1986 = arith.constant 8388607 : i32
        %and3A_1987 = vector.broadcast %and3A_1986 : i32 to vector<16xi32>
        %and3A_1988 = arith.andi %bitcast3A_1978, %and3A_1987 : vector<16xi32>
        %or3A_1989 = arith.constant 1065353216 : i32
        %or3A_1990 = vector.broadcast %or3A_1989 : i32 to vector<16xi32>
        %or3A_1991 = arith.ori %and3A_1988, %or3A_1990 : vector<16xi32>
        %bitcast3A_1992 = vector.bitcast %or3A_1991 : vector<16xi32> to vector<16xf32>
        %sub3A_1993 = arith.constant 1.000000e+00 : f32
        %sub3A_1994 = vector.broadcast %sub3A_1993 : f32 to vector<16xf32>
        %sub3A_1995 = arith.subf %bitcast3A_1992, %sub3A_1994 : vector<16xf32>
        %mul3A_1996 = arith.constant 0.0301026255 : f32
        %mul3A_1997 = vector.broadcast %mul3A_1996 : f32 to vector<16xf32>
        %mul3A_1998 = arith.mulf %mul3A_1997, %sub3A_1995 : vector<16xf32>
        %add3A_1999 = arith.constant -0.130119413 : f32
        %add3A_2000 = vector.broadcast %add3A_1999 : f32 to vector<16xf32>
        %add3A_2001 = arith.addf %mul3A_1998, %add3A_2000 : vector<16xf32>
        %mul3A_2002 = arith.mulf %add3A_2001, %sub3A_1995 : vector<16xf32>
        %add3A_2003 = arith.constant 0.283304334 : f32
        %add3A_2004 = vector.broadcast %add3A_2003 : f32 to vector<16xf32>
        %add3A_2005 = arith.addf %mul3A_2002, %add3A_2004 : vector<16xf32>
        %mul3A_2006 = arith.mulf %add3A_2005, %sub3A_1995 : vector<16xf32>
        %add3A_2007 = arith.constant -0.489156842 : f32
        %add3A_2008 = vector.broadcast %add3A_2007 : f32 to vector<16xf32>
        %add3A_2009 = arith.addf %mul3A_2006, %add3A_2008 : vector<16xf32>
        %mul3A_2010 = arith.mulf %add3A_2009, %sub3A_1995 : vector<16xf32>
        %add3A_2011 = arith.constant 0.999010443 : f32
        %add3A_2012 = vector.broadcast %add3A_2011 : f32 to vector<16xf32>
        %add3A_2013 = arith.addf %mul3A_2010, %add3A_2012 : vector<16xf32>
        %mul3A_2014 = arith.mulf %add3A_2013, %sub3A_1995 : vector<16xf32>
        %add3A_2015 = arith.constant 2.21170303E-5 : f32
        %add3A_2016 = vector.broadcast %add3A_2015 : f32 to vector<16xf32>
        %add3A_2017 = arith.addf %mul3A_2014, %add3A_2016 : vector<16xf32>
        %mul3A_2018 = arith.constant 0.693147182 : f32
        %mul3A_2019 = vector.broadcast %mul3A_2018 : f32 to vector<16xf32>
        %mul3A_2020 = arith.mulf %convert_element_type3A_1985, %mul3A_2019 : vector<16xf32>
        %add3A_2021 = arith.addf %mul3A_2020, %add3A_2017 : vector<16xf32>
        tpu.vector_store_idx %arg13[%add3A_1977], %add3A_2021 : memref<16384xf32, #tpu.memory_space<vmem>>[vector<16xi32>], vector<16xf32>,
        %mul3A_2022 = arith.mulf %exp3A_1224, %exp3A_1249 : vector<16xf32>
        %mul3A_2023 = arith.mulf %exp3A_1229, %exp3A_1269 : vector<16xf32>
        %add3A_2024 = arith.addf %mul3A_2022, %mul3A_2023 : vector<16xf32>
        %mul3A_2025 = arith.mulf %exp3A_1234, %exp3A_1289 : vector<16xf32>
        %add3A_2026 = arith.addf %add3A_2024, %mul3A_2025 : vector<16xf32>
        %mul3A_2027 = arith.mulf %exp3A_1239, %exp3A_1309 : vector<16xf32>
        %add3A_2028 = arith.addf %add3A_2026, %mul3A_2027 : vector<16xf32>
        %add3A_2029 = arith.constant 13 : i32
        %add3A_2030 = vector.broadcast %add3A_2029 : i32 to vector<16xi32>
        %add3A_2031 = arith.addi %add3A_1159, %add3A_2030 : vector<16xi32>
        %bitcast3A_2032 = vector.bitcast %add3A_2028 : vector<16xf32> to vector<16xi32>
        %shift_right_arithmetic3A_2033 = arith.constant 23 : i32
        %shift_right_arithmetic3A_2034 = vector.broadcast %shift_right_arithmetic3A_2033 : i32 to vector<16xi32>
        %shift_right_arithmetic3A_2035 = arith.shrsi %bitcast3A_2032, %shift_right_arithmetic3A_2034 : vector<16xi32>
        %sub3A_2036 = arith.constant 127 : i32
        %sub3A_2037 = vector.broadcast %sub3A_2036 : i32 to vector<16xi32>
        %sub3A_2038 = arith.subi %shift_right_arithmetic3A_2035, %sub3A_2037 : vector<16xi32>
        %convert_element_type3A_2039 = arith.sitofp %sub3A_2038 : vector<16xi32> to vector<16xf32>
        %and3A_2040 = arith.constant 8388607 : i32
        %and3A_2041 = vector.broadcast %and3A_2040 : i32 to vector<16xi32>
        %and3A_2042 = arith.andi %bitcast3A_2032, %and3A_2041 : vector<16xi32>
        %or3A_2043 = arith.constant 1065353216 : i32
        %or3A_2044 = vector.broadcast %or3A_2043 : i32 to vector<16xi32>
        %or3A_2045 = arith.ori %and3A_2042, %or3A_2044 : vector<16xi32>
        %bitcast3A_2046 = vector.bitcast %or3A_2045 : vector<16xi32> to vector<16xf32>
        %sub3A_2047 = arith.constant 1.000000e+00 : f32
        %sub3A_2048 = vector.broadcast %sub3A_2047 : f32 to vector<16xf32>
        %sub3A_2049 = arith.subf %bitcast3A_2046, %sub3A_2048 : vector<16xf32>
        %mul3A_2050 = arith.constant 0.0301026255 : f32
        %mul3A_2051 = vector.broadcast %mul3A_2050 : f32 to vector<16xf32>
        %mul3A_2052 = arith.mulf %mul3A_2051, %sub3A_2049 : vector<16xf32>
        %add3A_2053 = arith.constant -0.130119413 : f32
        %add3A_2054 = vector.broadcast %add3A_2053 : f32 to vector<16xf32>
        %add3A_2055 = arith.addf %mul3A_2052, %add3A_2054 : vector<16xf32>
        %mul3A_2056 = arith.mulf %add3A_2055, %sub3A_2049 : vector<16xf32>
        %add3A_2057 = arith.constant 0.283304334 : f32
        %add3A_2058 = vector.broadcast %add3A_2057 : f32 to vector<16xf32>
        %add3A_2059 = arith.addf %mul3A_2056, %add3A_2058 : vector<16xf32>
        %mul3A_2060 = arith.mulf %add3A_2059, %sub3A_2049 : vector<16xf32>
        %add3A_2061 = arith.constant -0.489156842 : f32
        %add3A_2062 = vector.broadcast %add3A_2061 : f32 to vector<16xf32>
        %add3A_2063 = arith.addf %mul3A_2060, %add3A_2062 : vector<16xf32>
        %mul3A_2064 = arith.mulf %add3A_2063, %sub3A_2049 : vector<16xf32>
        %add3A_2065 = arith.constant 0.999010443 : f32
        %add3A_2066 = vector.broadcast %add3A_2065 : f32 to vector<16xf32>
        %add3A_2067 = arith.addf %mul3A_2064, %add3A_2066 : vector<16xf32>
        %mul3A_2068 = arith.mulf %add3A_2067, %sub3A_2049 : vector<16xf32>
        %add3A_2069 = arith.constant 2.21170303E-5 : f32
        %add3A_2070 = vector.broadcast %add3A_2069 : f32 to vector<16xf32>
        %add3A_2071 = arith.addf %mul3A_2068, %add3A_2070 : vector<16xf32>
        %mul3A_2072 = arith.constant 0.693147182 : f32
        %mul3A_2073 = vector.broadcast %mul3A_2072 : f32 to vector<16xf32>
        %mul3A_2074 = arith.mulf %convert_element_type3A_2039, %mul3A_2073 : vector<16xf32>
        %add3A_2075 = arith.addf %mul3A_2074, %add3A_2071 : vector<16xf32>
        tpu.vector_store_idx %arg13[%add3A_2031], %add3A_2075 : memref<16384xf32, #tpu.memory_space<vmem>>[vector<16xi32>], vector<16xf32>,
        %mul3A_2076 = arith.mulf %exp3A_1224, %exp3A_1254 : vector<16xf32>
        %mul3A_2077 = arith.mulf %exp3A_1229, %exp3A_1274 : vector<16xf32>
        %add3A_2078 = arith.addf %mul3A_2076, %mul3A_2077 : vector<16xf32>
        %mul3A_2079 = arith.mulf %exp3A_1234, %exp3A_1294 : vector<16xf32>
        %add3A_2080 = arith.addf %add3A_2078, %mul3A_2079 : vector<16xf32>
        %mul3A_2081 = arith.mulf %exp3A_1239, %exp3A_1314 : vector<16xf32>
        %add3A_2082 = arith.addf %add3A_2080, %mul3A_2081 : vector<16xf32>
        %add3A_2083 = arith.constant 14 : i32
        %add3A_2084 = vector.broadcast %add3A_2083 : i32 to vector<16xi32>
        %add3A_2085 = arith.addi %add3A_1159, %add3A_2084 : vector<16xi32>
        %bitcast3A_2086 = vector.bitcast %add3A_2082 : vector<16xf32> to vector<16xi32>
        %shift_right_arithmetic3A_2087 = arith.constant 23 : i32
        %shift_right_arithmetic3A_2088 = vector.broadcast %shift_right_arithmetic3A_2087 : i32 to vector<16xi32>
        %shift_right_arithmetic3A_2089 = arith.shrsi %bitcast3A_2086, %shift_right_arithmetic3A_2088 : vector<16xi32>
        %sub3A_2090 = arith.constant 127 : i32
        %sub3A_2091 = vector.broadcast %sub3A_2090 : i32 to vector<16xi32>
        %sub3A_2092 = arith.subi %shift_right_arithmetic3A_2089, %sub3A_2091 : vector<16xi32>
        %convert_element_type3A_2093 = arith.sitofp %sub3A_2092 : vector<16xi32> to vector<16xf32>
        %and3A_2094 = arith.constant 8388607 : i32
        %and3A_2095 = vector.broadcast %and3A_2094 : i32 to vector<16xi32>
        %and3A_2096 = arith.andi %bitcast3A_2086, %and3A_2095 : vector<16xi32>
        %or3A_2097 = arith.constant 1065353216 : i32
        %or3A_2098 = vector.broadcast %or3A_2097 : i32 to vector<16xi32>
        %or3A_2099 = arith.ori %and3A_2096, %or3A_2098 : vector<16xi32>
        %bitcast3A_2100 = vector.bitcast %or3A_2099 : vector<16xi32> to vector<16xf32>
        %sub3A_2101 = arith.constant 1.000000e+00 : f32
        %sub3A_2102 = vector.broadcast %sub3A_2101 : f32 to vector<16xf32>
        %sub3A_2103 = arith.subf %bitcast3A_2100, %sub3A_2102 : vector<16xf32>
        %mul3A_2104 = arith.constant 0.0301026255 : f32
        %mul3A_2105 = vector.broadcast %mul3A_2104 : f32 to vector<16xf32>
        %mul3A_2106 = arith.mulf %mul3A_2105, %sub3A_2103 : vector<16xf32>
        %add3A_2107 = arith.constant -0.130119413 : f32
        %add3A_2108 = vector.broadcast %add3A_2107 : f32 to vector<16xf32>
        %add3A_2109 = arith.addf %mul3A_2106, %add3A_2108 : vector<16xf32>
        %mul3A_2110 = arith.mulf %add3A_2109, %sub3A_2103 : vector<16xf32>
        %add3A_2111 = arith.constant 0.283304334 : f32
        %add3A_2112 = vector.broadcast %add3A_2111 : f32 to vector<16xf32>
        %add3A_2113 = arith.addf %mul3A_2110, %add3A_2112 : vector<16xf32>
        %mul3A_2114 = arith.mulf %add3A_2113, %sub3A_2103 : vector<16xf32>
        %add3A_2115 = arith.constant -0.489156842 : f32
        %add3A_2116 = vector.broadcast %add3A_2115 : f32 to vector<16xf32>
        %add3A_2117 = arith.addf %mul3A_2114, %add3A_2116 : vector<16xf32>
        %mul3A_2118 = arith.mulf %add3A_2117, %sub3A_2103 : vector<16xf32>
        %add3A_2119 = arith.constant 0.999010443 : f32
        %add3A_2120 = vector.broadcast %add3A_2119 : f32 to vector<16xf32>
        %add3A_2121 = arith.addf %mul3A_2118, %add3A_2120 : vector<16xf32>
        %mul3A_2122 = arith.mulf %add3A_2121, %sub3A_2103 : vector<16xf32>
        %add3A_2123 = arith.constant 2.21170303E-5 : f32
        %add3A_2124 = vector.broadcast %add3A_2123 : f32 to vector<16xf32>
        %add3A_2125 = arith.addf %mul3A_2122, %add3A_2124 : vector<16xf32>
        %mul3A_2126 = arith.constant 0.693147182 : f32
        %mul3A_2127 = vector.broadcast %mul3A_2126 : f32 to vector<16xf32>
        %mul3A_2128 = arith.mulf %convert_element_type3A_2093, %mul3A_2127 : vector<16xf32>
        %add3A_2129 = arith.addf %mul3A_2128, %add3A_2125 : vector<16xf32>
        tpu.vector_store_idx %arg13[%add3A_2085], %add3A_2129 : memref<16384xf32, #tpu.memory_space<vmem>>[vector<16xi32>], vector<16xf32>,
        %mul3A_2130 = arith.mulf %exp3A_1224, %exp3A_1259 : vector<16xf32>
        %mul3A_2131 = arith.mulf %exp3A_1229, %exp3A_1279 : vector<16xf32>
        %add3A_2132 = arith.addf %mul3A_2130, %mul3A_2131 : vector<16xf32>
        %mul3A_2133 = arith.mulf %exp3A_1234, %exp3A_1299 : vector<16xf32>
        %add3A_2134 = arith.addf %add3A_2132, %mul3A_2133 : vector<16xf32>
        %mul3A_2135 = arith.mulf %exp3A_1239, %exp3A_1319 : vector<16xf32>
        %add3A_2136 = arith.addf %add3A_2134, %mul3A_2135 : vector<16xf32>
        %add3A_2137 = arith.constant 15 : i32
        %add3A_2138 = vector.broadcast %add3A_2137 : i32 to vector<16xi32>
        %add3A_2139 = arith.addi %add3A_1159, %add3A_2138 : vector<16xi32>
        %bitcast3A_2140 = vector.bitcast %add3A_2136 : vector<16xf32> to vector<16xi32>
        %shift_right_arithmetic3A_2141 = arith.constant 23 : i32
        %shift_right_arithmetic3A_2142 = vector.broadcast %shift_right_arithmetic3A_2141 : i32 to vector<16xi32>
        %shift_right_arithmetic3A_2143 = arith.shrsi %bitcast3A_2140, %shift_right_arithmetic3A_2142 : vector<16xi32>
        %sub3A_2144 = arith.constant 127 : i32
        %sub3A_2145 = vector.broadcast %sub3A_2144 : i32 to vector<16xi32>
        %sub3A_2146 = arith.subi %shift_right_arithmetic3A_2143, %sub3A_2145 : vector<16xi32>
        %convert_element_type3A_2147 = arith.sitofp %sub3A_2146 : vector<16xi32> to vector<16xf32>
        %and3A_2148 = arith.constant 8388607 : i32
        %and3A_2149 = vector.broadcast %and3A_2148 : i32 to vector<16xi32>
        %and3A_2150 = arith.andi %bitcast3A_2140, %and3A_2149 : vector<16xi32>
        %or3A_2151 = arith.constant 1065353216 : i32
        %or3A_2152 = vector.broadcast %or3A_2151 : i32 to vector<16xi32>
        %or3A_2153 = arith.ori %and3A_2150, %or3A_2152 : vector<16xi32>
        %bitcast3A_2154 = vector.bitcast %or3A_2153 : vector<16xi32> to vector<16xf32>
        %sub3A_2155 = arith.constant 1.000000e+00 : f32
        %sub3A_2156 = vector.broadcast %sub3A_2155 : f32 to vector<16xf32>
        %sub3A_2157 = arith.subf %bitcast3A_2154, %sub3A_2156 : vector<16xf32>
        %mul3A_2158 = arith.constant 0.0301026255 : f32
        %mul3A_2159 = vector.broadcast %mul3A_2158 : f32 to vector<16xf32>
        %mul3A_2160 = arith.mulf %mul3A_2159, %sub3A_2157 : vector<16xf32>
        %add3A_2161 = arith.constant -0.130119413 : f32
        %add3A_2162 = vector.broadcast %add3A_2161 : f32 to vector<16xf32>
        %add3A_2163 = arith.addf %mul3A_2160, %add3A_2162 : vector<16xf32>
        %mul3A_2164 = arith.mulf %add3A_2163, %sub3A_2157 : vector<16xf32>
        %add3A_2165 = arith.constant 0.283304334 : f32
        %add3A_2166 = vector.broadcast %add3A_2165 : f32 to vector<16xf32>
        %add3A_2167 = arith.addf %mul3A_2164, %add3A_2166 : vector<16xf32>
        %mul3A_2168 = arith.mulf %add3A_2167, %sub3A_2157 : vector<16xf32>
        %add3A_2169 = arith.constant -0.489156842 : f32
        %add3A_2170 = vector.broadcast %add3A_2169 : f32 to vector<16xf32>
        %add3A_2171 = arith.addf %mul3A_2168, %add3A_2170 : vector<16xf32>
        %mul3A_2172 = arith.mulf %add3A_2171, %sub3A_2157 : vector<16xf32>
        %add3A_2173 = arith.constant 0.999010443 : f32
        %add3A_2174 = vector.broadcast %add3A_2173 : f32 to vector<16xf32>
        %add3A_2175 = arith.addf %mul3A_2172, %add3A_2174 : vector<16xf32>
        %mul3A_2176 = arith.mulf %add3A_2175, %sub3A_2157 : vector<16xf32>
        %add3A_2177 = arith.constant 2.21170303E-5 : f32
        %add3A_2178 = vector.broadcast %add3A_2177 : f32 to vector<16xf32>
        %add3A_2179 = arith.addf %mul3A_2176, %add3A_2178 : vector<16xf32>
        %mul3A_2180 = arith.constant 0.693147182 : f32
        %mul3A_2181 = vector.broadcast %mul3A_2180 : f32 to vector<16xf32>
        %mul3A_2182 = arith.mulf %convert_element_type3A_2147, %mul3A_2181 : vector<16xf32>
        %add3A_2183 = arith.addf %mul3A_2182, %add3A_2179 : vector<16xf32>
        tpu.vector_store_idx %arg13[%add3A_2139], %add3A_2183 : memref<16384xf32, #tpu.memory_space<vmem>>[vector<16xi32>], vector<16xf32>,
      }
      %scan3A_103 = arith.constant 32 : i32
      %mul3A_104 = arith.constant 512 : i32
      %mul3A_105 = arith.muli %add3A_79, %mul3A_104 : i32
      %add3A_106 = arith.addi %mul3A_2, %mul3A_105 : i32
      %mul3A_107 = arith.constant 32 : i32
      %mul3A_108 = arith.muli %add3A_106, %mul3A_107 : i32
      %multiple_of3A_109 = tpu.assume_multiple %mul3A_108, 256 : i32
      %dma_start3A_110 = tpu.memref_slice %arg5[%multiple_of3A_109] : memref<8388608xf32, #tpu.memory_space<hbm>> -> memref<16384xf32, #tpu.memory_space<hbm>>
      %dma_start3A_111 = tpu.memref_slice %arg5[%multiple_of3A_109] : memref<8388608xf32, #tpu.memory_space<hbm>> -> memref<16384xf32, #tpu.memory_space<hbm>>
      tpu.enqueue_dma source(%arg13 : memref<16384xf32, #tpu.memory_space<vmem>>) target(%dma_start3A_111 : memref<16384xf32, #tpu.memory_space<hbm>>) target_semaphore(%arg17 : memref<!tpu.dma_semaphore, #tpu.memory_space<semaphore_mem>>)
      %add3A_112 = arith.constant 2 : i32
      %add3A_113 = arith.addi %add3A_79, %add3A_112 : i32
      %lt3A_114 = arith.constant 16 : i32
      %lt3A_115 = arith.cmpi slt, %add3A_113, %lt3A_114 : i32
      %convert_element_type3A_116 = arith.extui %lt3A_115 : i1 to i32
      %cond3A_117 = arith.constant 0 : i32
      %cond3A_118 = arith.cmpi ne, %convert_element_type3A_116, %cond3A_117 : i32
      scf.if %cond3A_118 {
        %add3A_119 = arith.constant 2 : i32
        %add3A_120 = arith.addi %add3A_79, %add3A_119 : i32
        %mul3A_121 = arith.constant 512 : i32
        %mul3A_122 = arith.muli %add3A_120, %mul3A_121 : i32
        %add3A_123 = arith.addi %mul3A_2, %mul3A_122 : i32
        %mul3A_124 = arith.constant 32 : i32
        %mul3A_125 = arith.muli %add3A_123, %mul3A_124 : i32
        %multiple_of3A_126 = tpu.assume_multiple %mul3A_125, 256 : i32
        %dma_start3A_127 = tpu.memref_slice %arg2[%multiple_of3A_126] : memref<8388608xf32, #tpu.memory_space<hbm>> -> memref<16384xf32, #tpu.memory_space<hbm>>
        %dma_start3A_128 = tpu.memref_slice %arg2[%multiple_of3A_126] : memref<8388608xf32, #tpu.memory_space<hbm>> -> memref<16384xf32, #tpu.memory_space<hbm>>
        tpu.enqueue_dma source(%dma_start3A_128 : memref<16384xf32, #tpu.memory_space<hbm>>) target(%arg7 : memref<16384xf32, #tpu.memory_space<vmem>>) target_semaphore(%arg15 : memref<!tpu.dma_semaphore, #tpu.memory_space<semaphore_mem>>)
        %dma_start3A_129 = tpu.memref_slice %arg3[%multiple_of3A_126] : memref<8388608xf32, #tpu.memory_space<hbm>> -> memref<16384xf32, #tpu.memory_space<hbm>>
        %dma_start3A_130 = tpu.memref_slice %arg3[%multiple_of3A_126] : memref<8388608xf32, #tpu.memory_space<hbm>> -> memref<16384xf32, #tpu.memory_space<hbm>>
        tpu.enqueue_dma source(%dma_start3A_130 : memref<16384xf32, #tpu.memory_space<hbm>>) target(%arg9 : memref<16384xf32, #tpu.memory_space<vmem>>) target_semaphore(%arg15 : memref<!tpu.dma_semaphore, #tpu.memory_space<semaphore_mem>>)
        %multiple_of3A_131 = tpu.assume_multiple %add3A_123, 8 : i32
        %dma_start3A_132 = tpu.memref_slice %arg4[%multiple_of3A_131] : memref<262144xi32, #tpu.memory_space<hbm>> -> memref<512xi32, #tpu.memory_space<hbm>>
        %dma_start3A_133 = tpu.memref_slice %arg4[%multiple_of3A_131] : memref<262144xi32, #tpu.memory_space<hbm>> -> memref<512xi32, #tpu.memory_space<hbm>>
        tpu.enqueue_dma source(%dma_start3A_133 : memref<512xi32, #tpu.memory_space<hbm>>) target(%arg11 : memref<512xi32, #tpu.memory_space<vmem>>) target_semaphore(%arg15 : memref<!tpu.dma_semaphore, #tpu.memory_space<semaphore_mem>>)
      } else {
      }
    }
    %scan3A_29 = arith.constant 8 : i32
    %dma_wait3A = arith.constant 0 : i32
    %dma_wait3A_30 = tpu.memref_slice %arg5[%dma_wait3A] : memref<8388608xf32, #tpu.memory_space<hbm>> -> memref<16384xf32, #tpu.memory_space<hbm>>
    %dma_wait3A_31 = arith.constant 0 : i32
    %dma_wait3A_32 = tpu.memref_slice %arg5[%dma_wait3A_31] : memref<8388608xf32, #tpu.memory_space<hbm>> -> memref<16384xf32, #tpu.memory_space<hbm>>
    tpu.wait_dma2 semaphore(%arg16 : memref<!tpu.dma_semaphore, #tpu.memory_space<semaphore_mem>>) src(%arg12 : memref<16384xf32, #tpu.memory_space<vmem>>) dst(%dma_wait3A_32 : memref<16384xf32, #tpu.memory_space<hbm>>)
    %dma_wait3A_33 = arith.constant 0 : i32
    %dma_wait3A_34 = tpu.memref_slice %arg5[%dma_wait3A_33] : memref<8388608xf32, #tpu.memory_space<hbm>> -> memref<16384xf32, #tpu.memory_space<hbm>>
    %dma_wait3A_35 = arith.constant 0 : i32
    %dma_wait3A_36 = tpu.memref_slice %arg5[%dma_wait3A_35] : memref<8388608xf32, #tpu.memory_space<hbm>> -> memref<16384xf32, #tpu.memory_space<hbm>>
    tpu.wait_dma2 semaphore(%arg17 : memref<!tpu.dma_semaphore, #tpu.memory_space<semaphore_mem>>) src(%arg13 : memref<16384xf32, #tpu.memory_space<vmem>>) dst(%dma_wait3A_36 : memref<16384xf32, #tpu.memory_space<hbm>>)
    return
  }
}

</mosaic_0001>

<sc_bundles>
// kernel: kernel.3.cloned.1.call-start
scs
__scs_entry_jumppad:
0x0: {  	(pc) =	sbr.rel $0x88, $3  }
0x1: {  	(tag) =	ssettag $0x0;
	lr =	simm.s32 $0x1  }
0x2: {  	[smem:$0x3F9E] =	sst lr;
	_ =	strace $0xD0000000  }
0x3: {  	_ = 	snop  }
0x4: {  	_ = 	snop  }
0x5: {  	_ = 	snop  }
0x6: {  	_ = 	snop  }
0x7: {  	_ = 	snop  }
__scs_overlays_trampoline_lowered:
0x8: {  	[smem:$0x3FAD] =	sst s0  }
0x9: {  	[smem:$0x3FAE] =	sst s1  }
0xa: {  	[smem:$0x3FAF] =	sst s2  }
0xb: {  	[smem:$0x3FB0] =	sst s3  }
0xc: {  	[smem:$0x3FB1] =	sst s4  }
0xd: {  	[smem:$0x3FB2] =	sst s5  }
0xe: {  	[smem:$0x3FB3] =	sst s6  }
0xf: {  	[smem:$0x3FB4] =	sst s7  }
0x10: {  	[smem:$0x3FB5] =	sst s8  }
0x11: {  	[smem:$0x3FB6] =	sst s9;
	s0 =	simm.s32 @!p0 $0x0  }
0x12: {  	s1 =	sld [smem:$0x3F9C];
	s0 =	simm.s32 @p0 $0x1  }
0x13: {  	[smem:$0x3FB7] =	sst s0;
	s0 =	simm.s32 @!p1 $0x0  }
0x14: {  	s2 =	sld [smem:$0x3F9B];
	s0 =	simm.s32 @p1 $0x1  }
0x15: {  	[smem:$0x3FB8] =	sst s0;
	s0 =	simm.s32 @!p2 $0x0  }
0x16: {  	s3 =	sld [smem:$0x3FDB];
	s0 =	simm.s32 @p2 $0x1  }
0x17: {  	s4 =	simm.s32 $0x1BF5;
	[smem:$0x3FBA] =	sst s0  }
0x18: {  	s0 =	sld [smem:$0x3F9D];
	_ =	swait.ge [sflag:s4], $0x0  }
0x19: {  	s7 =	sld [smem:$0x3F9E]  }
0x1a: {  	s8 =	sadd.s32 $0xFFFFE003, lr  }
0x1b: {  	s9 =	sadd.s32 $0xFFFFFEF7, lr;
	s5 =	simm.s32 $0xFFFFFFFF;
	p2 =	slt.u32 s8, $0xFFFFF086  }
0x1c: {  	p1 =	slt.u32 s9, $0xF7A;
	s5 =	simm.s32 @!p2 $0x0  }
0x1d: {  	s5 =	simm.s32 @p1 $0x1;
	p0 =	seq.s32 s7, s2  }
0x1e: {  	s7 =	smul.u32 @!p0 $0xF7A, s2;
	p2 =	seq.s32 @!p0 s5, $0x0  }
0x1f: {  	s9 =	smul.u32 $0xF7A, s1;
	s8 =	simm.s32 @!p0 $0x1BF5;
	p2 =	por !p2, p0  }
0x20: {  	[sflag:s8] =	ssyncset.s32 @!p0 $0xFFFFF086;
	s6 =	sadd.s32 @!p0 s3, s7;
	s7 =	simm.s32 @!p0 $0x108  }
0x21: {  	s3 =	sadd.s32 s3, s9;
	s6 =	sadd.s32 @!p0 $0x88, s6;
	s7 =	simm.s32 @p2 $0x1082  }
0x22: {  	[simem:s7], [sflag:s8] =	dma.local @!p0 [hbm:s6], $0xF7A  }
0x23: {  	s9 =	sor.u32 $0xD0000000, s2;
	s6 =	simm.s32 $0x108;
	_ =	swait.ge @!p0 [sflag:s8], $0x0  }
0x24: {  	s3 =	sadd.s32 $0x88, s3;
	s6 =	simm.s32 @!p1 $0x1082;
	[sflag:s4] =	ssyncset.s32 $0xFFFFF086  }
0x25: {  	[simem:s6], [sflag:s4] =	dma.local [hbm:s3], $0xF7A  }
0x26: {  	[smem:$0x3F9E] =	sst s1;
	(tag) =	ssettag s2;
	_ =	strace s9  }
0x27: {  	s1 =	sld [smem:$0x3FAE]  }
0x28: {  	s2 =	sld [smem:$0x3FAF]  }
0x29: {  	s4 =	sld [smem:$0x3FB1]  }
0x2a: {  	p0 =	seq.s32 s5, $0x0;
	s5 =	sld [smem:$0x3FB2]  }
0x2b: {  	s6 =	sld [smem:$0x3FB3]  }
0x2c: {  	s7 =	sld [smem:$0x3FB4]  }
0x2d: {  	s3 =	simm.s32 $0x108;
	s8 =	sld [smem:$0x3FB5]  }
0x2e: {  	s3 =	simm.s32 @!p0 $0x1082;
	s9 =	sld [smem:$0x3FB6]  }
0x2f: {  	lr =	sadd.s32 s0, s3;
	s0 =	sld [smem:$0x3FAD]  }
0x30: {  	s3 =	sld [smem:$0x3FB0]  }
0x31: {  	[smem:$0x3FB9] =	sst s10  }
0x32: {  	s10 =	sld [smem:$0x3FB7];
	_ =	sdelay $0x3  }
0x33: {  	p0 =	seq.s32 s10, $0x1;
	s10 =	sld [smem:$0x3FB9];
	_ =	sdelay $0x3  }
0x34: {  	[smem:$0x3FB9] =	sst s10  }
0x35: {  	s10 =	sld [smem:$0x3FB8];
	_ =	sdelay $0x3  }
0x36: {  	p1 =	seq.s32 s10, $0x1;
	s10 =	sld [smem:$0x3FB9];
	_ =	sdelay $0x3  }
0x37: {  	[smem:$0x3FB9] =	sst s10  }
0x38: {  	s10 =	sld [smem:$0x3FBA]  }
0x39: {  	_ = 	snop;
	(pc) =	sbr.ind lr, $3  }
0x3a: {  	_ = 	snop  }
0x3b: {  	_ = 	snop  }
0x3c: {  	p2 =	seq.s32 s10, $0x1;
	s10 =	sld [smem:$0x3FB9]  }
0x3d: {  	_ =	shalt  }
0x3e: {  	_ =	shalt  }
0x3f: {  	_ =	shalt  }
0x40: {  	_ =	shalt  }
0x41: {  	_ =	shalt  }
0x42: {  	_ =	shalt  }
0x43: {  	_ =	shalt  }
0x44: {  	_ =	shalt  }
0x45: {  	_ =	shalt  }
0x46: {  	_ =	shalt  }
0x47: {  	_ =	shalt  }
0x48: {  	_ =	shalt  }
0x49: {  	_ =	shalt  }
0x4a: {  	_ =	shalt  }
0x4b: {  	_ =	shalt  }
0x4c: {  	_ =	shalt  }
0x4d: {  	_ =	shalt  }
0x4e: {  	_ =	shalt  }
0x4f: {  	_ =	shalt  }
0x50: {  	_ =	shalt  }
0x51: {  	_ =	shalt  }
0x52: {  	_ =	shalt  }
0x53: {  	_ =	shalt  }
0x54: {  	_ =	shalt  }
0x55: {  	_ =	shalt  }
0x56: {  	_ =	shalt  }
0x57: {  	_ =	shalt  }
0x58: {  	_ =	shalt  }
0x59: {  	_ =	shalt  }
0x5a: {  	_ =	shalt  }
0x5b: {  	_ =	shalt  }
0x5c: {  	_ =	shalt  }
0x5d: {  	_ =	shalt  }
0x5e: {  	_ =	shalt  }
0x5f: {  	_ =	shalt  }
0x60: {  	_ =	shalt  }
0x61: {  	_ =	shalt  }
0x62: {  	_ =	shalt  }
0x63: {  	_ =	shalt  }
0x64: {  	_ =	shalt  }
0x65: {  	_ =	shalt  }
0x66: {  	_ =	shalt  }
0x67: {  	_ =	shalt  }
0x68: {  	_ =	shalt  }
0x69: {  	_ =	shalt  }
0x6a: {  	_ =	shalt  }
0x6b: {  	_ =	shalt  }
0x6c: {  	_ =	shalt  }
0x6d: {  	_ =	shalt  }
0x6e: {  	_ =	shalt  }
0x6f: {  	_ =	shalt  }
0x70: {  	_ =	shalt  }
0x71: {  	_ =	shalt  }
0x72: {  	_ =	shalt  }
0x73: {  	_ =	shalt  }
0x74: {  	_ =	shalt  }
0x75: {  	_ =	shalt  }
0x76: {  	_ =	shalt  }
0x77: {  	_ =	shalt  }
0x78: {  	_ =	shalt  }
0x79: {  	_ =	shalt  }
0x7a: {  	_ =	shalt  }
0x7b: {  	_ =	shalt  }
0x7c: {  	_ =	shalt  }
0x7d: {  	_ =	shalt  }
0x7e: {  	_ =	shalt  }
0x7f: {  	_ =	shalt  }
0x80: {  	_ =	shalt  }
0x81: {  	_ =	shalt  }
0x82: {  	_ =	shalt  }
0x83: {  	_ =	shalt  }
0x84: {  	_ =	shalt  }
0x85: {  	_ =	shalt  }
0x86: {  	_ =	shalt  }
0x87: {  	_ =	shalt  }
.Lfunc_end0:
.L_simem_size_0:
called_computation.1_lowered:
.L_overlay_start_0:
0x88: {  	s2 =	sld [smem:$0x3FD9]  }
0x89: {  	s3 =	sld [smem:$0x3FFE];
	_ =	sdelay $0x1  }
0x8a: {  	s1 =	srdreg.scid  }
0x8b: {  	s0 =	sand.u32 $0x1, s1  }
0x8c: {  	s17 =	sshll.u32 s0, $0xA;
	s2 =	sadd.s32 s3, s2  }
0x8d: {  	s2 =	sadd.s32 s2, s17  }
0x8e: {  	[smem:$0x3FC5] =	sst s2  }
0x8f: {  	_ = 	snop  }
0x90: {  	s2 =	sld [smem:$0x3FC7]  }
0x91: {  	s18 =	sld [smem:$0x3FD0];
	(tm) =	ssettm $0x1  }
0x92: {  	s4 =	sld [smem:$0x3FFB];
	_ =	sdelay $0x3  }
0x93: {  	_ =	strace s4  }
0x94: {  	s4 =	sld [smem:$0x3FFC];
	_ =	sdelay $0x3  }
0x95: {  	_ =	strace s4  }
0x96: {  	s4 =	sld [smem:$0x3FFD];
	_ =	sdelay $0x3  }
0x97: {  	_ =	strace s4  }
0x98: {  	_ =	strace $0x8FFFFFFF  }
0x99: {  	s19 =	sld [smem:$0x3FDB];
	_ =	sdelay $0x1  }
0x9a: {  	s5 =	simm.s32 $_scs_section_size  }
0x9b: {  	s6 =	simm.s32 $_size__tile_overlayer_lowered;
	s7 =	simm.s32 $_tile_overlayer_lowered  }
0x9c: {  	s22 =	simm.s32 $0x1BFF;
	s21 =	sshll.u32 s7, $0x1;
	s4 =	sadd.s32 s5, s19  }
0x9d: {  	s8 =	simm.s32 $0x0;
	s20 =	sshll.u32 s6, $0x1;
	s6 =	sadd.s32 s21, s4  }
0x9e: {  	[timem:s8], [sflag:s22] =	dma.local [hbm:s6], s20  }
0x9f: {  	_ =	swait.ge [sflag:s22], s20  }
0xa0: {  	s5 =	ssub.s32 $0x0, s20;
	[sflag:s22] =	ssyncset.done $0x0  }
0xa1: {  	[sflag:s22] =	ssyncadd.s32 s5;
	_ =	sdelay $0x1  }
0xa2: {  	s23 =	simm.s32 $0x1B8B  }
0xa3: {  	_ =	swait.ge [sflag:s23], $0x1  }
0xa4: {  	[sflag:s23] =	ssyncset.done $0x0  }
0xa5: {  	s25 =	simm.s32 $0x1B8E;
	s24 =	sld [smem:$0x3FFE];
	[sflag:s23] =	ssyncadd.s32 $0xFFFFFFFF  }
0xa6: {  	s26 =	simm.s32 $execute0_lowered;
	[smem:$0x3FD2] =	sst s25  }
0xa7: {  	s6 =	sshll.u32 s26, $0x1;
	_ =	strace $0x80000046;
	[dreg:$0x1] =	wrdreg $0xFFFFFFFF  }
0xa8: {  	s28 =	simm.s32 $_size_execute0_lowered;
	s4 =	sadd.s32 s4, s6;
	[dreg:$0x0] =	wrdreg $0x0  }
0xa9: {  	s6 =	sshll.u32 s28, $0x1;
	[dreg:$0x2] =	wrdreg s4  }
0xaa: {  	[dreg:$0x3] =	wrdreg s6  }
0xab: {  	[dreg:$0x4] =	wrdreg $0xC0  }
0xac: {  	_ =	task [dreg:s8], $0x5FFFF  }
0xad: {  	[dreg:$0x1] =	wrdreg $0xFFFFFFFF  }
0xae: {  	[dreg:$0x0] =	wrdreg $0x60  }
0xaf: {  	[dreg:$0x2] =	wrdreg s18  }
0xb0: {  	[dreg:$0x3] =	wrdreg s24  }
0xb1: {  	[dreg:$0x4] =	wrdreg s2  }
0xb2: {  	[dreg:$0x5] =	wrdreg $0x9  }
0xb3: {  	_ =	task.clear_ibuf [dreg:s8], $0x6FFFF;
	_ =	strace $0x90000046  }
0xb4: {  	s29 =	simm.s32 $0x9;
	_ =	strace $0x80000048  }
0xb5: {  	_ =	swait.ge [sflag:s29], $0x1  }
0xb6: {  	[sflag:s29] =	ssyncadd.s32 $0xFFFFFFFF  }
0xb7: {  	_ =	strace $0x90000048  }
0xb8: {  	_ =	sfence  }
0xb9: {  	s30 =	sld [smem:$0x0];
	_ =	sdelay $0x2  }
0xba: {  	s31 =	sshll.u32 s1, $0xD;
	s1 =	sshrl.u32 s1, $0x2  }
0xbb: {  	s3 =	sand.u32 $0x4000, s31;
	s1 =	sadd.s32 s1, s30  }
0xbc: {  	s0 =	sor.u32 s3, s0;
	s1 =	sshll.u32 s1, $0x11  }
0xbd: {  	s0 =	sor.u32 s1, s0  }
0xbe: {  	s0 =	sadd.s32 $0x8F2B, s0  }
0xbf: {  	[sflag:s0] =	ssyncadd.remote.s32 $0x1  }
0xc0: {  	_ =	sfence.sel $0xFFFF  }
0xc1: {  	[dreg:$0x0] =	wrdreg $0xFFFFFFFF;
	(pc) =	sbr.abs _section_cstart, $3  }
0xc2: {  	[dreg:$0x1] =	wrdreg $0xFFFFFFFF  }
0xc3: {  	_ =	task.clear_ibuf [dreg:s8], $0x2FFFF;
	_ =	strace $0x9FFFFFFF  }
0xc4: {  	(tm) =	ssettm $0x7FFFFFFF  }
0xc5: {  	_ =	shalt  }
tec
execute0_lowered:
.L_overlay_start_1:
0x0: {  	(tag) =	ssettag $0x1  }
0x1: {  	s1 =	rddreg [dreg:$0x0]  }
0x2: {  	s0 =	rddreg [dreg:$0x1]  }
0x3: {  	s2 =	rddreg [dreg:$0x2];
	s4 =	simm.s32 $0x0  }
0x4: {  	s3 =	srdreg.scid;
	s6 =	stileid.u32;
	s18 =	simm.s32 $0x8000  }
0x5: {  	s20 =	simm.s32 $0x4000;
	s21 =	simm.s32 $0xC000;
	s22 =	simm.s32 $0x10200  }
0x6: {  	s23 =	simm.s32 $0x1;
	s28 =	simm.s32 $0x3;
	s29 =	simm.s32 $0x4  }
0x7: {  	s30 =	simm.s32 $0x0;
	[smem:$0x7FF] =	sst s4;
	s5 =	sadd.s32 $0x2000800, s0  }
0x8: {  	s3 =	sand.u32 $0x1, s3;
	s7 =	sshll.u32 s6, $0x1;
	s6 =	sadd.s32 $0x800, s0  }
0x9: {  	_ =	strace $0x80000047;
	s24 =	ssub.s32 $0x2, s3;
	s3 =	sor.u32 s3, s7  }
0xa: {  	s8 =	sshrl.u32 s24, $0x1;
	s7 =	sshll.u32 s3, $0xD;
	s14 =	sshll.u32 s3, $0xF  }
0xb: {  	s3 =	sshll.u32 s3, $0xA;
	s0 =	ssub.s32 s24, s8;
	s25 =	sadd.s32 s1, s14  }
0xc: {  	s12 =	sor.u32 $0x200, s7;
	s26 =	sadd.s32 s5, s14;
	s10 =	sadd.s32 s2, s3  }
.Ltmp0:
0xd: {  	s14 =	sadd.s32 s6, s14;
	s15 =	sor.u32 $0x400, s7;
	(pc) =	sbr.rel .LBB2_1-.Ltmp0, $4  }
0xe: {  	s16 =	sor.u32 $0x600, s7;
	s24 =	simm.s32 $0x10400;
	[dreg:$0x4] =	wrdreg s25  }
0xf: {  	[dreg:$0x5] =	wrdreg s26;
	s13 =	sshll.u32 s12, $0x2;
	s31 =	sshrl.u32 s12, $0x3  }
0x10: {  	v0 =	vlaneseq.u32;
	s17 =	smax.u32 s0, $0x1;
	s25 =	simm.s32 $0x2;
	s26 =	simm.s32 $0x14400  }
0x11: {  	v0 =	vmul.u32 $0x20, v0;
	s11 =	sadd.s32 s1, s13;
	s12 =	sadd.s32 s5, s13;
	s13 =	sadd.s32 s2, s31  }
.LBB2_8:
0x12: {  	s30 =	sadd.s32 $0x1, s30  }
0x13: {  	_ =	swait.ge [sflag:s28], $0x4000;
	p0 =	sne.s32 s30, s17  }
.Ltmp1:
0x14: {  	[sflag:s28] =	ssyncset.done $0x0;
	(pc) =	sbr.rel @!p0 .LBB2_9-.Ltmp1, $4  }
0x15: {  	[sflag:s28] =	ssyncadd.s32 $0xFFFFC000  }
0x16: {  	_ =	swait.ge [sflag:s29], $0x4000  }
0x17: {  	[sflag:s29] =	ssyncset.done $0x0  }
0x18: {  	[sflag:s29] =	ssyncadd.s32 $0xFFFFC000  }
.LBB2_1:
0x19: {  	s0 =	rddreg [dreg:$0x4]  }
0x1a: {  	[tilespmem:s4], [sflag:$0x1] =	stream.linear.gather [hbm4b:s0+s4], $0x4000, $0x38;
	[tilespmem:$0x18400] =	vst v63  }
0x1b: {  	s9 =	rddreg [dreg:$0x5]  }
0x1c: {  	[tilespmem:s18], [sflag:$0x1] =	stream.linear.gather [hbm4b:s9+s4], $0x4000, $0x38;
	[tilespmem:$0x18400] =	vst v63  }
0x1d: {  	s19 =	simm.s32 $0x10000  }
0x1e: {  	[tilespmem:s19], [sflag:$0x1] =	stream.linear.gather [hbm4b:s10+s4], $0x200, $0x38;
	[tilespmem:$0x18400] =	vst v63  }
0x1f: {  	_ = 	snop  }
0x20: {  	[tilespmem:s20], [sflag:$0x2] =	stream.linear.gather [hbm4b:s11+s4], $0x4000, $0x38;
	[tilespmem:$0x18400] =	vst v63  }
0x21: {  	_ = 	snop  }
0x22: {  	[tilespmem:s21], [sflag:$0x2] =	stream.linear.gather [hbm4b:s12+s4], $0x4000, $0x38;
	[tilespmem:$0x18400] =	vst v63  }
0x23: {  	s31 =	simm.s32 $0x0  }
0x24: {  	[tilespmem:s22], [sflag:$0x2] =	stream.linear.gather [hbm4b:s13+s4], $0x200, $0x38;
	[tilespmem:$0x18400] =	vst v63  }
.LBB2_2:
0x25: {  	_ =	swait.ge [sflag:s23], $0x4000  }
0x26: {  	[sflag:s23] =	ssyncset.done $0x0  }
0x27: {  	[sflag:s23] =	ssyncadd.s32 $0xFFFFC000  }
0x28: {  	_ =	swait.ge [sflag:s23], $0x4000  }
0x29: {  	[sflag:s23] =	ssyncset.done $0x0  }
0x2a: {  	[sflag:s23] =	ssyncadd.s32 $0xFFFFC000  }
0x2b: {  	_ =	swait.ge [sflag:s23], $0x200  }
0x2c: {  	p0 =	seq.s32 s31, $0x0;
	[sflag:s23] =	ssyncset.done $0x0  }
0x2d: {  	s3 =	simm.s32 @!p0 $0x3;
	[sflag:s23] =	ssyncadd.s32 $0xFFFFFE00  }
0x2e: {  	_ =	swait.ge @!p0 [sflag:s3], $0x4000  }
0x2f: {  	s0 =	sshll.u32 s31, $0xA;
	[sflag:s3] =	ssyncset.done @!p0 $0x0  }
0x30: {  	s19 =	simm.s32 $0x10000;
	[sflag:s3] =	ssyncadd.s32 @!p0 $0xFFFFC000;
	s3 =	simm.s32 $0x0  }
.LBB2_3:
0x31: {  	v2 =	vld [tilespmem:s19+$0x0];
	_ =	sdelay $0x2  }
0x32: {  	v1 =	vmov s3  }
0x33: {  	v1 =	vshll.u32 v1, $0x5  }
0x34: {  	v1 =	vor.u32 v0, v1;
	v2 =	vshll.u32 v2, $0x4  }
0x35: {  	v3 =	vadd.s32 v1, v2  }
0x36: {  	v4 =	vor.u32 $0x1, v3  }
0x37: {  	v5 =	vor.u32 $0x2, v3  }
0x38: {  	v6 =	vor.u32 $0x3, v3  }
0x39: {  	v7 =	vor.u32 $0x4, v3  }
0x3a: {  	v9 =	vor.u32 $0x5, v3;
	v8 =	vld.idx.msk [tilespmem:v3+s4+$0x0], $0xffff  }
0x3b: {  	v10 =	vor.u32 $0x6, v3;
	v4 =	vld.idx.msk [tilespmem:v4+s4+$0x0], $0xffff  }
0x3c: {  	v11 =	vor.u32 $0x7, v3;
	v5 =	vld.idx.msk [tilespmem:v5+s4+$0x0], $0xffff  }
0x3d: {  	v12 =	vor.u32 $0x8, v3;
	v6 =	vld.idx.msk [tilespmem:v6+s4+$0x0], $0xffff  }
0x3e: {  	v13 =	vor.u32 $0x9, v3;
	v7 =	vld.idx.msk [tilespmem:v7+s4+$0x0], $0xffff  }
0x3f: {  	v14 =	vor.u32 $0xA, v3;
	v9 =	vld.idx.msk [tilespmem:v9+s4+$0x0], $0xffff;
	v8 =	vmul.f32 $1.442695020e+00, v8  }
0x40: {  	v15 =	vor.u32 $0xB, v3;
	v10 =	vld.idx.msk [tilespmem:v10+s4+$0x0], $0xffff;
	v4 =	vmul.f32 $1.442695020e+00, v4  }
0x41: {  	v16 =	vor.u32 $0xC, v3;
	v63 =	vld.idx.msk [tilespmem:v11+s4+$0x0], $0xffff;
	v5 =	vmul.f32 $1.442695020e+00, v5;
	(erf) = vpow2.f32 v8  }
0x42: {  	v19 =	vor.u32 $0xD, v3;
	v18 =	vld.idx.msk [tilespmem:v12+s4+$0x0], $0xffff;
	v17 =	vmul.f32 $1.442695020e+00, v6;
	(erf) = vpow2.f32 v4  }
0x43: {  	v22 =	vor.u32 $0xE, v3;
	v21 =	vld.idx.msk [tilespmem:v13+s4+$0x0], $0xffff;
	v20 =	vmul.f32 $1.442695020e+00, v7;
	(erf) = vpow2.f32 v5  }
0x44: {  	v25 =	vor.u32 $0xF, v3;
	v24 =	vld.idx.msk [tilespmem:v14+s4+$0x0], $0xffff;
	v23 =	vmul.f32 $1.442695020e+00, v9;
	(erf) = vpow2.f32 v17  }
0x45: {  	v27 =	vld.idx.msk [tilespmem:v15+s4+$0x0], $0xffff;
	v26 =	vmul.f32 $1.442695020e+00, v10;
	(erf) = vpow2.f32 v20  }
0x46: {  	v3 =	vor.u32 $0x1, v1;
	v11 =	vld.idx.msk [tilespmem:v16+s4+$0x0], $0xffff;
	v8 =	vmul.f32 $1.442695020e+00, v63;
	(erf) = vpow2.f32 v23  }
0x47: {  	v12 =	vld.idx.msk [tilespmem:v19+s4+$0x0], $0xffff;
	v6 =	vmul.f32 $1.442695020e+00, v18;
	v4 =	vor.u32 $0x2, v1;
	(erf) = vpow2.f32 v26  }
0x48: {  	v13 =	vld.idx.msk [tilespmem:v22+s4+$0x0], $0xffff;
	v7 =	vmul.f32 $1.442695020e+00, v21;
	v5 =	vor.u32 $0x3, v1;
	(erf) = vpow2.f32 v8  }
0x49: {  	v14 =	vld.idx.msk [tilespmem:v25+s4+$0x0], $0xffff;
	v28 =	vmul.f32 $1.442695020e+00, v24;
	(erf) = vpow2.f32 v6;
	v6 =	vor.u32 $0x4, v1  }
0x4a: {  	v30 =	vld.idx.msk [tilespmem:v1+s18+$0x0], $0xffff;
	v29 =	vmul.f32 $1.442695020e+00, v27;
	v36 =	vpop (erf);
	(erf) = vpow2.f32 v7;
	v7 =	vor.u32 $0x5, v1  }
0x4b: {  	v16 =	vld.idx.msk [tilespmem:v3+s18+$0x0], $0xffff;
	v31 =	vmul.f32 $1.442695020e+00, v11;
	v8 =	vor.u32 $0x6, v1;
	v48 =	vpop (erf);
	(erf) = vpow2.f32 v28  }
0x4c: {  	v32 =	vmul.f32 $1.442695020e+00, v12;
	v9 =	vor.u32 $0x7, v1;
	v17 =	vld.idx.msk [tilespmem:v4+s18+$0x0], $0xffff;
	v42 =	vpop (erf);
	(erf) = vpow2.f32 v29  }
0x4d: {  	v33 =	vmul.f32 $1.442695020e+00, v13;
	v10 =	vor.u32 $0x8, v1;
	v18 =	vld.idx.msk [tilespmem:v5+s18+$0x0], $0xffff;
	v43 =	vpop (erf);
	(erf) = vpow2.f32 v31  }
0x4e: {  	v34 =	vmul.f32 $1.442695020e+00, v14;
	v11 =	vor.u32 $0x9, v1;
	v44 =	vpop (erf);
	(erf) = vpow2.f32 v32;
	v19 =	vld.idx.msk [tilespmem:v6+s18+$0x0], $0xffff  }
0x4f: {  	v35 =	vmul.f32 $1.442695020e+00, v30;
	v12 =	vor.u32 $0xA, v1;
	v47 =	vpop (erf);
	(erf) = vpow2.f32 v33;
	v37 =	vld.idx.msk [tilespmem:v7+s18+$0x0], $0xffff  }
0x50: {  	v13 =	vor.u32 $0xB, v1;
	v16 =	vmul.f32 $1.442695020e+00, v16;
	v20 =	vld.idx.msk [tilespmem:v8+s18+$0x0], $0xffff;
	v46 =	vpop (erf);
	(erf) = vpow2.f32 v34  }
0x51: {  	v14 =	vor.u32 $0xC, v1;
	v21 =	vld.idx.msk [tilespmem:v9+s18+$0x0], $0xffff;
	v17 =	vmul.f32 $1.442695020e+00, v17;
	v45 =	vpop (erf);
	(erf) = vpow2.f32 v35  }
0x52: {  	v39 =	vld.idx.msk [tilespmem:v10+s18+$0x0], $0xffff;
	v38 =	vmul.f32 $1.442695020e+00, v18;
	v30 =	vpop (erf);
	(erf) = vpow2.f32 v16  }
0x53: {  	v22 =	vld.idx.msk [tilespmem:v11+s18+$0x0], $0xffff;
	v34 =	vpop (erf);
	(erf) = vpow2.f32 v17;
	v40 =	vmul.f32 $1.442695020e+00, v19  }
0x54: {  	v41 =	vld.idx.msk [tilespmem:v12+s18+$0x0], $0xffff;
	v31 =	vpop (erf);
	(erf) = vpow2.f32 v38;
	v15 =	vmul.f32 $1.442695020e+00, v37  }
0x55: {  	v23 =	vld.idx.msk [tilespmem:v13+s18+$0x0], $0xffff;
	v49 =	vmul.f32 $1.442695020e+00, v20;
	v29 =	vpop (erf);
	(erf) = vpow2.f32 v40  }
0x56: {  	v24 =	vld.idx.msk [tilespmem:v14+s18+$0x0], $0xffff;
	v50 =	vmul.f32 $1.442695020e+00, v21;
	v19 =	vpop (erf);
	(erf) = vpow2.f32 v15  }
0x57: {  	v51 =	vmul.f32 $1.442695020e+00, v39;
	v21 =	vpop (erf);
	(erf) = vpow2.f32 v49  }
0x58: {  	v52 =	vmul.f32 $1.442695020e+00, v22;
	v20 =	vpop (erf);
	(erf) = vpow2.f32 v50  }
0x59: {  	v16 =	vmul.f32 $1.442695020e+00, v41;
	v15 =	vor.u32 $0xD, v1;
	v18 =	vpop (erf);
	(erf) = vpow2.f32 v51  }
0x5a: {  	v53 =	vmul.f32 $1.442695020e+00, v23;
	v35 =	vpop (erf);
	(erf) = vpow2.f32 v52  }
0x5b: {  	v54 =	vmul.f32 $1.442695020e+00, v24;
	v28 =	vpop (erf);
	(erf) = vpow2.f32 v16  }
0x5c: {  	v23 =	vpop (erf);
	(erf) = vpow2.f32 v53  }
0x5d: {  	v16 =	vor.u32 $0xE, v1;
	v22 =	vpop (erf);
	(erf) = vpow2.f32 v54  }
0x5e: {  	v17 =	vor.u32 $0xF, v1;
	v37 =	vld.idx.msk [tilespmem:v15+s18+$0x0], $0xffff;
	v39 =	vpop (erf)  }
0x5f: {  	v32 =	vpop (erf)  }
0x60: {  	v24 =	vpop (erf)  }
0x61: {  	v25 =	vpop (erf)  }
0x62: {  	v41 =	vmul.f32 v39, v48;
	v49 =	vld.idx.msk [tilespmem:v16+s18+$0x0], $0xffff;
	v40 =	vpop (erf)  }
0x63: {  	v57 =	vld.idx.msk [tilespmem:v17+s18+$0x0], $0xffff;
	v38 =	vmul.f32 v35, v36;
	v37 =	vmul.f32 $1.442695020e+00, v37;
	v33 =	vpop (erf)  }
0x64: {  	v27 =	vpop (erf)  }
0x65: {  	v38 =	vadd.f32 v41, v38;
	(erf) = vpow2.f32 v37;
	v50 =	vmul.f32 v40, v42;
	v26 =	vpop (erf)  }
0x66: {  	v41 =	vpop (erf)  }
0x67: {  	v55 =	vadd.f32 v50, v38;
	v58 =	vmul.f32 $1.442695020e+00, v49;
	v56 =	vmul.f32 v41, v43  }
0x68: {  	v50 =	vmul.f32 $1.442695020e+00, v57  }
0x69: {  	v60 =	vmul.f32 v28, v36;
	(erf) = vpow2.f32 v58;
	v51 =	vadd.f32 v56, v55  }
0x6a: {  	v61 =	vmul.f32 v32, v48;
	(erf) = vpow2.f32 v50  }
0x6b: {  	v54 =	vmul.f32 v24, v48;
	v38 =	vand.u32 $0x7FFFFF, v51  }
0x6c: {  	v37 =	vadd.f32 v61, v60;
	v53 =	vmul.f32 v33, v42;
	v59 =	vor.u32 $0x3F800000, v38  }
0x6d: {  	v48 =	vmul.f32 v25, v48;
	v57 =	vmul.f32 v23, v36;
	v49 =	vadd.f32 $-1.000000000e+00, v59  }
0x6e: {  	v36 =	vmul.f32 v22, v36;
	v37 =	vadd.f32 v53, v37;
	v61 =	vmul.f32 v26, v42;
	v38 =	vpop (erf)  }
0x6f: {  	v52 =	vmul.f32 $3.010262550e-02, v49;
	v63 =	vmul.f32 v38, v43  }
0x70: {  	v53 =	vadd.f32 v54, v57;
	v58 =	vmul.f32 v27, v42;
	v36 =	vadd.f32 v48, v36  }
0x71: {  	v2 =	vxor.u32 $0x10, v2;
	v62 =	vadd.f32 $-1.301194130e-01, v52;
	v52 =	vadd.f32 v63, v37  }
0x72: {  	v53 =	vadd.f32 v58, v53;
	v36 =	vadd.f32 v61, v36;
	v51 =	vshra.s32 v51, $0x17;
	v37 =	vpop (erf)  }
0x73: {  	v59 =	vmul.f32 v37, v43;
	v42 =	vpop (erf);
	v50 =	vmul.f32 v62, v49;
	v55 =	vand.u32 $0x7FFFFF, v52  }
0x74: {  	v43 =	vmul.f32 v42, v43;
	v62 =	vadd.s32 $0xFFFFFF81, v51;
	v52 =	vshra.s32 v52, $0x17  }
0x75: {  	v55 =	vor.u32 $0x3F800000, v55;
	v53 =	vadd.f32 v59, v53;
	v58 =	vcvt.s32.f32 v62  }
0x76: {  	v52 =	vadd.s32 $0xFFFFFF81, v52;
	v50 =	vadd.f32 $2.833043340e-01, v50;
	v55 =	vadd.f32 $-1.000000000e+00, v55  }
0x77: {  	v43 =	vadd.f32 v43, v36;
	v52 =	vcvt.s32.f32 v52;
	v56 =	vand.u32 $0x7FFFFF, v53  }
0x78: {  	v36 =	vmul.f32 $6.931471820e-01, v58;
	v53 =	vshra.s32 v53, $0x17;
	v50 =	vmul.f32 v50, v49  }
0x79: {  	v58 =	vmul.f32 v28, v44;
	v60 =	vmul.f32 $3.010262550e-02, v55;
	v56 =	vor.u32 $0x3F800000, v56  }
0x7a: {  	v62 =	vand.u32 $0x7FFFFF, v43;
	v53 =	vadd.s32 $0xFFFFFF81, v53;
	v50 =	vadd.f32 $-4.891568420e-01, v50  }
0x7b: {  	v52 =	vmul.f32 $6.931471820e-01, v52;
	v56 =	vadd.f32 $-1.000000000e+00, v56;
	v54 =	vadd.f32 $-1.301194130e-01, v60  }
0x7c: {  	v43 =	vshra.s32 v43, $0x17;
	v53 =	vcvt.s32.f32 v53;
	v50 =	vmul.f32 v50, v49  }
0x7d: {  	v51 =	vor.u32 $0x3F800000, v62;
	v57 =	vmul.f32 $3.010262550e-02, v56;
	v63 =	vmul.f32 v54, v55  }
0x7e: {  	v62 =	vmul.f32 v40, v46;
	v53 =	vmul.f32 $6.931471820e-01, v53;
	v50 =	vadd.f32 $9.990104430e-01, v50  }
0x7f: {  	v61 =	vadd.f32 $-1.301194130e-01, v57;
	v57 =	vmul.f32 v39, v47;
	v60 =	vadd.f32 $2.833043340e-01, v63  }
0x80: {  	v51 =	vadd.f32 $-1.000000000e+00, v51;
	v63 =	vmul.f32 v35, v44;
	v59 =	vmul.f32 v50, v49  }
0x81: {  	v43 =	vadd.s32 $0xFFFFFF81, v43;
	v49 =	vmul.f32 v60, v55;
	v50 =	vmul.f32 v61, v56  }
0x82: {  	v61 =	vmul.f32 $3.010262550e-02, v51;
	v54 =	vadd.f32 v57, v63;
	v48 =	vadd.f32 $2.211703030e-05, v59  }
0x83: {  	v63 =	vmul.f32 v41, v45;
	v60 =	vadd.f32 $2.833043340e-01, v50;
	v49 =	vadd.f32 $-4.891568420e-01, v49  }
0x84: {  	v57 =	vcvt.s32.f32 v43;
	v50 =	vadd.f32 $-1.301194130e-01, v61;
	v54 =	vadd.f32 v62, v54  }
0x85: {  	v59 =	vmul.f32 v32, v47;
	v36 =	vadd.f32 v48, v36;
	v48 =	vmul.f32 v60, v56  }
0x86: {  	v2 =	vadd.s32 v1, v2;
	v49 =	vmul.f32 v49, v55;
	v50 =	vmul.f32 v50, v51  }
0x87: {  	v62 =	vmul.f32 v23, v44;
	v54 =	vadd.f32 v63, v54;
	v48 =	vadd.f32 $-4.891568420e-01, v48  }
0x88: {  	v44 =	vmul.f32 v22, v44;
	v49 =	vadd.f32 $9.990104430e-01, v49;
	v50 =	vadd.f32 $2.833043340e-01, v50  }
0x89: {  	v63 =	vmul.f32 v24, v47;
	v60 =	vand.u32 $0x7FFFFF, v54;
	v48 =	vmul.f32 v48, v56  }
0x8a: {  	v49 =	vmul.f32 v49, v55;
	v50 =	vmul.f32 v50, v51;
	v55 =	vor.u32 $0x3F800000, v60  }
0x8b: {  	v58 =	vadd.f32 v59, v58;
	v47 =	vmul.f32 v25, v47;
	v55 =	vadd.f32 $-1.000000000e+00, v55  }
0x8c: {  	v60 =	vmul.f32 v33, v46;
	v48 =	vadd.f32 $9.990104430e-01, v48;
	v50 =	vadd.f32 $-4.891568420e-01, v50  }
0x8d: {  	v44 =	vadd.f32 v47, v44;
	v49 =	vadd.f32 $2.211703030e-05, v49;
	v61 =	vmul.f32 $3.010262550e-02, v55  }
0x8e: {  	v58 =	vadd.f32 v60, v58;
	v48 =	vmul.f32 v48, v56;
	v50 =	vmul.f32 v50, v51  }
0x8f: {  	v43 =	vadd.f32 v49, v52;
	v49 =	vadd.f32 v63, v62;
	v62 =	vmul.f32 v38, v45  }
0x90: {  	v63 =	vmul.f32 v37, v45;
	v56 =	vadd.f32 $-1.301194130e-01, v61;
	v61 =	vmul.f32 v27, v46  }
0x91: {  	v45 =	vmul.f32 v42, v45;
	v46 =	vmul.f32 v26, v46;
	v50 =	vadd.f32 $9.990104430e-01, v50  }
0x92: {  	v52 =	vshra.s32 v54, $0x17;
	v56 =	vmul.f32 v56, v55;
	v49 =	vadd.f32 v61, v49  }
0x93: {  	v44 =	vadd.f32 v46, v44;
	v47 =	vmul.f32 v50, v51;
	v51 =	vadd.f32 v62, v58  }
0x94: {  	v52 =	vadd.s32 $0xFFFFFF81, v52;
	v46 =	vmul.f32 $6.931471820e-01, v57;
	v56 =	vadd.f32 $2.833043340e-01, v56  }
0x95: {  	v49 =	vadd.f32 v63, v49;
	v57 =	vadd.f32 v45, v44;
	v61 =	vand.u32 $0x7FFFFF, v51  }
0x96: {  	v47 =	vadd.f32 $2.211703030e-05, v47;
	v51 =	vshra.s32 v51, $0x17;
	v60 =	vmul.f32 v56, v55  }
0x97: {  	v62 =	vand.u32 $0x7FFFFF, v49;
	v58 =	vor.u32 $0x3F800000, v61;
	v51 =	vadd.s32 $0xFFFFFF81, v51  }
0x98: {  	v49 =	vshra.s32 v49, $0x17;
	v59 =	vor.u32 $0x3F800000, v62;
	v50 =	vadd.f32 $-4.891568420e-01, v60  }
0x99: {  	v54 =	vadd.f32 $-1.000000000e+00, v58;
	v51 =	vcvt.s32.f32 v51;
	v49 =	vadd.s32 $0xFFFFFF81, v49  }
0x9a: {  	v60 =	vand.u32 $0x7FFFFF, v57;
	v49 =	vcvt.s32.f32 v49;
	v63 =	vmul.f32 v50, v55  }
0x9b: {  	v45 =	vor.u32 $0x3F800000, v60;
	v61 =	vmul.f32 $3.010262550e-02, v54;
	v50 =	vadd.f32 $-1.000000000e+00, v59  }
0x9c: {  	v51 =	vmul.f32 $6.931471820e-01, v51;
	v59 =	vadd.f32 $-1.000000000e+00, v45;
	v44 =	vadd.f32 $9.990104430e-01, v63  }
0x9d: {  	v49 =	vmul.f32 $6.931471820e-01, v49;
	v62 =	vmul.f32 $3.010262550e-02, v50;
	v63 =	vadd.f32 $2.211703030e-05, v48  }
0x9e: {  	v48 =	vcvt.s32.f32 v52;
	v52 =	vmul.f32 v44, v55;
	v55 =	vadd.f32 $-1.301194130e-01, v61  }
0x9f: {  	v60 =	vadd.f32 $-1.301194130e-01, v62;
	v61 =	vmul.f32 $3.010262550e-02, v59;
	v62 =	vmul.f32 v35, v30  }
0xa0: {  	v44 =	vadd.f32 v63, v53;
	v63 =	vmul.f32 v39, v34;
	v48 =	vmul.f32 $6.931471820e-01, v48  }
0xa1: {  	v57 =	vshra.s32 v57, $0x17;
	v35 =	vmul.f32 v35, v19;
	v39 =	vmul.f32 v39, v21  }
0xa2: {  	v55 =	vmul.f32 v55, v54;
	v56 =	vmul.f32 v60, v50;
	v58 =	vadd.f32 $-1.301194130e-01, v61  }
0xa3: {  	v45 =	vadd.f32 v63, v62;
	v60 =	vmul.f32 v40, v31;
	v61 =	vmul.f32 v28, v30  }
0xa4: {  	v62 =	vmul.f32 v32, v34;
	v63 =	vmul.f32 v33, v31;
	v35 =	vadd.f32 v39, v35  }
0xa5: {  	v55 =	vadd.f32 $2.833043340e-01, v55;
	v56 =	vadd.f32 $2.833043340e-01, v56;
	v58 =	vmul.f32 v58, v59  }
0xa6: {  	v53 =	vadd.f32 v60, v45;
	v60 =	vmul.f32 v41, v29;
	v45 =	vadd.f32 v47, v46  }
0xa7: {  	v46 =	vadd.f32 v62, v61;
	v55 =	vmul.f32 v55, v54;
	v56 =	vmul.f32 v56, v50  }
0xa8: {  	v28 =	vmul.f32 v28, v19;
	v53 =	vadd.f32 v60, v53;
	v58 =	vadd.f32 $2.833043340e-01, v58  }
0xa9: {  	v32 =	vmul.f32 v32, v21;
	v55 =	vadd.f32 $-4.891568420e-01, v55;
	v56 =	vadd.f32 $-4.891568420e-01, v56  }
0xaa: {  	v46 =	vadd.f32 v63, v46;
	v60 =	vmul.f32 v38, v29;
	v58 =	vmul.f32 v58, v59  }
0xab: {  	v28 =	vadd.f32 v32, v28;
	v55 =	vmul.f32 v55, v54;
	v56 =	vmul.f32 v56, v50  }
0xac: {  	v60 =	vadd.f32 v60, v46;
	v61 =	vand.u32 $0x7FFFFF, v53;
	v58 =	vadd.f32 $-4.891568420e-01, v58  }
0xad: {  	v46 =	vor.u32 $0x3F800000, v61;
	v62 =	vadd.f32 $9.990104430e-01, v55;
	v63 =	vadd.f32 $9.990104430e-01, v56  }
0xae: {  	v53 =	vshra.s32 v53, $0x17;
	v61 =	vmul.f32 v58, v59;
	v58 =	vadd.f32 $-1.000000000e+00, v46  }
0xaf: {  	v46 =	vadd.f32 $2.211703030e-05, v52;
	v47 =	vmul.f32 v62, v54;
	v50 =	vmul.f32 v63, v50  }
0xb0: {  	v52 =	vadd.f32 $9.990104430e-01, v61;
	v54 =	vmul.f32 $3.010262550e-02, v58;
	v62 =	vand.u32 $0x7FFFFF, v60  }
0xb1: {  	v61 =	vor.u32 $0x3F800000, v62;
	v62 =	vmul.f32 v24, v34;
	v63 =	vadd.f32 $2.211703030e-05, v47  }
0xb2: {  	v54 =	vadd.f32 $-1.301194130e-01, v54;
	v47 =	vadd.f32 v46, v48;
	v48 =	vmul.f32 v23, v30  }
0xb3: {  	v34 =	vmul.f32 v25, v34;
	v55 =	vadd.f32 $-1.000000000e+00, v61;
	v46 =	vadd.f32 v63, v51  }
0xb4: {  	v63 =	vmul.f32 v54, v58;
	v48 =	vadd.f32 v62, v48;
	v62 =	vmul.f32 v27, v31  }
0xb5: {  	v53 =	vadd.s32 $0xFFFFFF81, v53;
	v24 =	vmul.f32 v24, v21;
	v61 =	vmul.f32 $3.010262550e-02, v55  }
0xb6: {  	v51 =	vadd.f32 $2.833043340e-01, v63;
	v48 =	vadd.f32 v62, v48;
	v63 =	vmul.f32 v37, v29  }
0xb7: {  	v21 =	vmul.f32 v25, v21;
	v52 =	vmul.f32 v52, v59;
	v50 =	vadd.f32 $2.211703030e-05, v50  }
0xb8: {  	v59 =	vadd.s32 $0xFFFFFF81, v57;
	v54 =	vadd.f32 $-1.301194130e-01, v61;
	v56 =	vadd.f32 v63, v48  }
0xb9: {  	v30 =	vmul.f32 v22, v30;
	v23 =	vmul.f32 v23, v19;
	v52 =	vadd.f32 $2.211703030e-05, v52  }
0xba: {  	v49 =	vadd.f32 v50, v49;
	v54 =	vmul.f32 v54, v55;
	v61 =	vand.u32 $0x7FFFFF, v56  }
0xbb: {  	v34 =	vadd.f32 v34, v30;
	v51 =	vmul.f32 v51, v58;
	v57 =	vor.u32 $0x3F800000, v61  }
0xbc: {  	v19 =	vmul.f32 v22, v19;
	v54 =	vadd.f32 $2.833043340e-01, v54;
	v57 =	vadd.f32 $-1.000000000e+00, v57  }
0xbd: {  	v31 =	vmul.f32 v26, v31;
	v62 =	vcvt.s32.f32 v53;
	v51 =	vadd.f32 $-4.891568420e-01, v51  }
0xbe: {  	v23 =	vadd.f32 v24, v23;
	v54 =	vmul.f32 v54, v55;
	v63 =	vmul.f32 $3.010262550e-02, v57  }
0xbf: {  	v31 =	vadd.f32 v31, v34;
	v48 =	vcvt.s32.f32 v59;
	v51 =	vmul.f32 v51, v58  }
0xc0: {  	v29 =	vmul.f32 v42, v29;
	v54 =	vadd.f32 $-4.891568420e-01, v54;
	v53 =	vadd.f32 $-1.301194130e-01, v63  }
0xc1: {  	v50 =	vmul.f32 $6.931471820e-01, v62;
	v48 =	vmul.f32 $6.931471820e-01, v48;
	v51 =	vadd.f32 $9.990104430e-01, v51  }
0xc2: {  	v29 =	vadd.f32 v29, v31;
	v59 =	vmul.f32 v54, v55;
	v53 =	vmul.f32 v53, v57  }
0xc3: {  	v61 =	vshra.s32 v60, $0x17;
	v48 =	vadd.f32 v52, v48;
	v51 =	vmul.f32 v51, v58  }
0xc4: {  	v54 =	vadd.s32 $0xFFFFFF81, v61;
	v52 =	vadd.f32 $9.990104430e-01, v59;
	v63 =	vadd.f32 $2.833043340e-01, v53  }
0xc5: {  	v34 =	vcvt.s32.f32 v54;
	v51 =	vadd.f32 $2.211703030e-05, v51;
	v59 =	vmul.f32 v40, v20  }
0xc6: {  	v19 =	vadd.f32 v21, v19;
	v62 =	vmul.f32 v52, v55;
	v55 =	vmul.f32 v63, v57  }
0xc7: {  	v61 =	vand.u32 $0x7FFFFF, v29;
	v34 =	vmul.f32 $6.931471820e-01, v34;
	v30 =	vadd.f32 v51, v50  }
0xc8: {  	v50 =	vor.u32 $0x3F800000, v61;
	v35 =	vadd.f32 v59, v35;
	v60 =	vadd.f32 $-4.891568420e-01, v55  }
0xc9: {  	v50 =	vadd.f32 $-1.000000000e+00, v50;
	v58 =	vadd.f32 $2.211703030e-05, v62;
	v62 =	vmul.f32 v41, v18  }
0xca: {  	v63 =	vshra.s32 v56, $0x17;
	v56 =	vmul.f32 v33, v20;
	v40 =	vmul.f32 v60, v57  }
0xcb: {  	v52 =	vadd.s32 $0xFFFFFF81, v63;
	v54 =	vmul.f32 $3.010262550e-02, v50;
	v35 =	vadd.f32 v62, v35  }
0xcc: {  	v31 =	vadd.f32 v58, v34;
	v34 =	vcvt.s32.f32 v52;
	v53 =	vadd.f32 $9.990104430e-01, v40  }
0xcd: {  	v28 =	vadd.f32 v56, v28;
	v62 =	vmul.f32 v27, v20;
	v55 =	vand.u32 $0x7FFFFF, v35  }
0xce: {  	v60 =	vmul.f32 v38, v18;
	v41 =	vor.u32 $0x3F800000, v55;
	v39 =	vmul.f32 v53, v57  }
0xcf: {  	v20 =	vmul.f32 v26, v20;
	v23 =	vadd.f32 v62, v23;
	v41 =	vadd.f32 $-1.000000000e+00, v41  }
0xd0: {  	v34 =	vmul.f32 $6.931471820e-01, v34;
	v28 =	vadd.f32 v60, v28;
	v57 =	vadd.f32 $2.211703030e-05, v39  }
0xd1: {  	v19 =	vadd.f32 v20, v19;
	v38 =	vshra.s32 v29, $0x17;
	v59 =	vmul.f32 $3.010262550e-02, v41  }
0xd2: {  	v63 =	vand.u32 $0x7FFFFF, v28;
	v33 =	vadd.f32 v57, v34;
	v34 =	vmul.f32 v37, v18  }
0xd3: {  	v32 =	vor.u32 $0x3F800000, v63;
	v61 =	vadd.f32 $-1.301194130e-01, v59;
	v18 =	vmul.f32 v42, v18  }
0xd4: {  	v24 =	vadd.s32 $0xFFFFFF81, v38;
	v21 =	vadd.f32 $-1.000000000e+00, v32;
	v23 =	vadd.f32 v34, v23  }
0xd5: {  	v40 =	vadd.f32 $-1.301194130e-01, v54;
	v22 =	vmul.f32 v61, v41;
	v18 =	vadd.f32 v18, v19  }
0xd6: {  	v24 =	vcvt.s32.f32 v24;
	v39 =	vmul.f32 $3.010262550e-02, v21;
	v51 =	vand.u32 $0x7FFFFF, v23  }
0xd7: {  	v42 =	vadd.f32 $2.833043340e-01, v22;
	v52 =	vand.u32 $0x7FFFFF, v18;
	v22 =	vor.u32 $0x3F800000, v51  }
0xd8: {  	v58 =	vmul.f32 v40, v50;
	v26 =	vor.u32 $0x3F800000, v52;
	v22 =	vadd.f32 $-1.000000000e+00, v22  }
0xd9: {  	v55 =	vshra.s32 v35, $0x17;
	v25 =	vadd.f32 $-1.301194130e-01, v39;
	v26 =	vadd.f32 $-1.000000000e+00, v26  }
0xda: {  	v24 =	vmul.f32 $6.931471820e-01, v24;
	v37 =	vadd.f32 $2.833043340e-01, v58;
	v53 =	vmul.f32 $3.010262550e-02, v22  }
0xdb: {  	v28 =	vshra.s32 v28, $0x17;
	v25 =	vmul.f32 v25, v21;
	v54 =	vmul.f32 $3.010262550e-02, v26  }
0xdc: {  	v32 =	vadd.s32 $0xFFFFFF81, v55;
	v40 =	vmul.f32 v37, v50;
	v27 =	vadd.f32 $-1.301194130e-01, v53  }
0xdd: {  	v20 =	vmul.f32 v42, v41;
	v25 =	vadd.f32 $2.833043340e-01, v25;
	v29 =	vadd.f32 $-1.301194130e-01, v54  }
0xde: {  	v59 =	vadd.s32 $0xFFFFFF81, v28;
	v19 =	vadd.f32 $-4.891568420e-01, v40;
	v27 =	vmul.f32 v27, v22  }
0xdf: {  	[tilespmem:v1+s24+$0x0] =	vst.idx.msk $0xffff, v36;
	v20 =	vadd.f32 $-4.891568420e-01, v20;
	v25 =	vmul.f32 v25, v21;
	v29 =	vmul.f32 v29, v26  }
0xe0: {  	[tilespmem:v3+s24+$0x0] =	vst.idx.msk $0xffff, v43;
	v32 =	vcvt.s32.f32 v32;
	v19 =	vmul.f32 v19, v50;
	v27 =	vadd.f32 $2.833043340e-01, v27  }
0xe1: {  	[tilespmem:v4+s24+$0x0] =	vst.idx.msk $0xffff, v44;
	v20 =	vmul.f32 v20, v41;
	v25 =	vadd.f32 $-4.891568420e-01, v25;
	v29 =	vadd.f32 $2.833043340e-01, v29  }
0xe2: {  	[tilespmem:v5+s24+$0x0] =	vst.idx.msk $0xffff, v45;
	v5 =	vcvt.s32.f32 v59;
	v19 =	vadd.f32 $9.990104430e-01, v19;
	v27 =	vmul.f32 v27, v22  }
0xe3: {  	v20 =	vadd.f32 $9.990104430e-01, v20;
	v25 =	vmul.f32 v25, v21;
	v57 =	vmul.f32 v29, v26  }
0xe4: {  	v58 =	vmul.f32 $6.931471820e-01, v32;
	v19 =	vmul.f32 v19, v50;
	v27 =	vadd.f32 $-4.891568420e-01, v27  }
0xe5: {  	v20 =	vmul.f32 v20, v41;
	v56 =	vadd.f32 $9.990104430e-01, v25;
	v60 =	vadd.f32 $-4.891568420e-01, v57  }
0xe6: {  	[tilespmem:v6+s24+$0x0] =	vst.idx.msk $0xffff, v47;
	v5 =	vmul.f32 $6.931471820e-01, v5;
	v19 =	vadd.f32 $2.211703030e-05, v19;
	v62 =	vmul.f32 v27, v22  }
0xe7: {  	[tilespmem:v7+s24+$0x0] =	vst.idx.msk $0xffff, v46;
	v3 =	vadd.f32 $2.211703030e-05, v20;
	v20 =	vmul.f32 v56, v21;
	v21 =	vmul.f32 v60, v26  }
0xe8: {  	[tilespmem:v8+s24+$0x0] =	vst.idx.msk $0xffff, v49;
	v23 =	vshra.s32 v23, $0x17;
	v61 =	vadd.f32 v19, v24;
	v19 =	vadd.f32 $9.990104430e-01, v62  }
0xe9: {  	[tilespmem:v9+s24+$0x0] =	vst.idx.msk $0xffff, v48;
	v8 =	vadd.s32 $0xFFFFFF81, v23;
	v24 =	vshra.s32 v18, $0x17;
	v7 =	vadd.f32 $9.990104430e-01, v21  }
0xea: {  	[tilespmem:v10+s24+$0x0] =	vst.idx.msk $0xffff, v30;
	v8 =	vcvt.s32.f32 v8;
	v9 =	vadd.s32 $0xFFFFFF81, v24;
	v25 =	vmul.f32 v19, v22  }
0xeb: {  	[tilespmem:v11+s24+$0x0] =	vst.idx.msk $0xffff, v31;
	v63 =	vadd.f32 $2.211703030e-05, v20;
	v27 =	vcvt.s32.f32 v9;
	v7 =	vmul.f32 v7, v26  }
0xec: {  	[tilespmem:v12+s24+$0x0] =	vst.idx.msk $0xffff, v33;
	v8 =	vmul.f32 $6.931471820e-01, v8;
	v3 =	vadd.f32 v3, v58;
	v28 =	vadd.f32 $2.211703030e-05, v25  }
0xed: {  	[tilespmem:v13+s24+$0x0] =	vst.idx.msk $0xffff, v61;
	v4 =	vadd.f32 v63, v5;
	v5 =	vmul.f32 $6.931471820e-01, v27;
	v29 =	vadd.f32 $2.211703030e-05, v7  }
0xee: {  	v30 =	vor.u32 $0x1, v2;
	[tilespmem:v14+s24+$0x0] =	vst.idx.msk $0xffff, v3;
	v3 =	vadd.f32 v28, v8  }
0xef: {  	v32 =	vor.u32 $0x2, v2;
	[tilespmem:v15+s24+$0x0] =	vst.idx.msk $0xffff, v4;
	v31 =	vadd.f32 v29, v5  }
0xf0: {  	[tilespmem:v16+s24+$0x0] =	vst.idx.msk $0xffff, v3;
	v3 =	vor.u32 $0x3, v2  }
0xf1: {  	v33 =	vor.u32 $0x4, v2;
	[tilespmem:v17+s24+$0x0] =	vst.idx.msk $0xffff, v31  }
0xf2: {  	v35 =	vor.u32 $0x5, v2;
	v34 =	vld.idx.msk [tilespmem:v2+s4+$0x0], $0xffff  }
0xf3: {  	v36 =	vor.u32 $0x6, v2;
	v7 =	vld.idx.msk [tilespmem:v30+s4+$0x0], $0xffff  }
0xf4: {  	v37 =	vor.u32 $0x7, v2;
	v5 =	vld.idx.msk [tilespmem:v32+s4+$0x0], $0xffff  }
0xf5: {  	v38 =	vor.u32 $0x8, v2;
	v3 =	vld.idx.msk [tilespmem:v3+s4+$0x0], $0xffff  }
0xf6: {  	v39 =	vor.u32 $0x9, v2;
	v4 =	vld.idx.msk [tilespmem:v33+s4+$0x0], $0xffff  }
0xf7: {  	v40 =	vor.u32 $0xA, v2;
	v8 =	vld.idx.msk [tilespmem:v35+s4+$0x0], $0xffff;
	v6 =	vmul.f32 $1.442695020e+00, v34  }
0xf8: {  	v41 =	vor.u32 $0xB, v2;
	v9 =	vld.idx.msk [tilespmem:v36+s4+$0x0], $0xffff;
	v7 =	vmul.f32 $1.442695020e+00, v7  }
0xf9: {  	v43 =	vor.u32 $0xC, v2;
	v42 =	vld.idx.msk [tilespmem:v37+s4+$0x0], $0xffff;
	v5 =	vmul.f32 $1.442695020e+00, v5;
	(erf) = vpow2.f32 v6  }
0xfa: {  	v45 =	vor.u32 $0xD, v2;
	v44 =	vld.idx.msk [tilespmem:v38+s4+$0x0], $0xffff;
	(erf) = vpow2.f32 v7;
	v3 =	vmul.f32 $1.442695020e+00, v3  }
0xfb: {  	v47 =	vor.u32 $0xE, v2;
	v46 =	vld.idx.msk [tilespmem:v39+s4+$0x0], $0xffff;
	v4 =	vmul.f32 $1.442695020e+00, v4;
	(erf) = vpow2.f32 v5  }
0xfc: {  	v49 =	vor.u32 $0xF, v2;
	v48 =	vld.idx.msk [tilespmem:v40+s4+$0x0], $0xffff;
	(erf) = vpow2.f32 v3;
	v3 =	vmul.f32 $1.442695020e+00, v8  }
0xfd: {  	v2 =	vor.u32 $0x10, v1;
	v51 =	vld.idx.msk [tilespmem:v41+s4+$0x0], $0xffff;
	v50 =	vmul.f32 $1.442695020e+00, v9;
	(erf) = vpow2.f32 v4  }
0xfe: {  	v10 =	vld.idx.msk [tilespmem:v43+s4+$0x0], $0xffff;
	v6 =	vmul.f32 $1.442695020e+00, v42;
	(erf) = vpow2.f32 v3;
	v3 =	vor.u32 $0x11, v1  }
0xff: {  	v11 =	vld.idx.msk [tilespmem:v45+s4+$0x0], $0xffff;
	v7 =	vmul.f32 $1.442695020e+00, v44;
	v4 =	vor.u32 $0x12, v1;
	(erf) = vpow2.f32 v50  }
0x100: {  	v12 =	vld.idx.msk [tilespmem:v47+s4+$0x0], $0xffff;
	v52 =	vmul.f32 $1.442695020e+00, v46;
	v5 =	vor.u32 $0x13, v1;
	(erf) = vpow2.f32 v6  }
0x101: {  	v13 =	vld.idx.msk [tilespmem:v49+s4+$0x0], $0xffff;
	v8 =	vmul.f32 $1.442695020e+00, v48;
	v6 =	vor.u32 $0x14, v1;
	(erf) = vpow2.f32 v7  }
0x102: {  	v9 =	vmul.f32 $1.442695020e+00, v51;
	v53 =	vld.idx.msk [tilespmem:v2+s18+$0x0], $0xffff;
	v7 =	vor.u32 $0x15, v1;
	v36 =	vpop (erf);
	(erf) = vpow2.f32 v52  }
0x103: {  	v10 =	vmul.f32 $1.442695020e+00, v10;
	v43 =	vpop (erf);
	(erf) = vpow2.f32 v8;
	v15 =	vld.idx.msk [tilespmem:v3+s18+$0x0], $0xffff;
	v8 =	vor.u32 $0x16, v1  }
0x104: {  	v11 =	vmul.f32 $1.442695020e+00, v11;
	v16 =	vld.idx.msk [tilespmem:v4+s18+$0x0], $0xffff;
	v41 =	vpop (erf);
	(erf) = vpow2.f32 v9;
	v9 =	vor.u32 $0x17, v1  }
0x105: {  	v12 =	vmul.f32 $1.442695020e+00, v12;
	v17 =	vld.idx.msk [tilespmem:v5+s18+$0x0], $0xffff;
	v42 =	vpop (erf);
	(erf) = vpow2.f32 v10;
	v10 =	vor.u32 $0x18, v1  }
0x106: {  	v13 =	vmul.f32 $1.442695020e+00, v13;
	v54 =	vld.idx.msk [tilespmem:v6+s18+$0x0], $0xffff;
	v44 =	vpop (erf);
	(erf) = vpow2.f32 v11;
	v11 =	vor.u32 $0x19, v1  }
0x107: {  	v14 =	vmul.f32 $1.442695020e+00, v53;
	v55 =	vld.idx.msk [tilespmem:v7+s18+$0x0], $0xffff;
	v47 =	vpop (erf);
	(erf) = vpow2.f32 v12;
	v12 =	vor.u32 $0x1A, v1  }
0x108: {  	v46 =	vpop (erf);
	(erf) = vpow2.f32 v13;
	v15 =	vmul.f32 $1.442695020e+00, v15;
	v56 =	vld.idx.msk [tilespmem:v8+s18+$0x0], $0xffff;
	v13 =	vor.u32 $0x1B, v1  }
0x109: {  	v16 =	vmul.f32 $1.442695020e+00, v16;
	v45 =	vpop (erf);
	(erf) = vpow2.f32 v14;
	v57 =	vld.idx.msk [tilespmem:v9+s18+$0x0], $0xffff;
	v14 =	vor.u32 $0x1C, v1  }
0x10a: {  	v58 =	vmul.f32 $1.442695020e+00, v17;
	v35 =	vpop (erf);
	(erf) = vpow2.f32 v15;
	v59 =	vld.idx.msk [tilespmem:v10+s18+$0x0], $0xffff  }
0x10b: {  	v60 =	vmul.f32 $1.442695020e+00, v54;
	v38 =	vpop (erf);
	(erf) = vpow2.f32 v16;
	v61 =	vld.idx.msk [tilespmem:v11+s18+$0x0], $0xffff  }
0x10c: {  	v62 =	vmul.f32 $1.442695020e+00, v55;
	v34 =	vpop (erf);
	(erf) = vpow2.f32 v58;
	v63 =	vld.idx.msk [tilespmem:v12+s18+$0x0], $0xffff  }
0x10d: {  	v30 =	vpop (erf);
	(erf) = vpow2.f32 v60;
	v29 =	vmul.f32 $1.442695020e+00, v56;
	v31 =	vld.idx.msk [tilespmem:v13+s18+$0x0], $0xffff  }
0x10e: {  	v18 =	vpop (erf);
	(erf) = vpow2.f32 v62;
	v32 =	vmul.f32 $1.442695020e+00, v57;
	v33 =	vld.idx.msk [tilespmem:v14+s18+$0x0], $0xffff  }
0x10f: {  	v20 =	vpop (erf);
	(erf) = vpow2.f32 v29;
	v40 =	vmul.f32 $1.442695020e+00, v59  }
0x110: {  	v19 =	vpop (erf);
	(erf) = vpow2.f32 v32;
	v48 =	vmul.f32 $1.442695020e+00, v61  }
0x111: {  	v15 =	vor.u32 $0x1D, v1;
	v17 =	vpop (erf);
	(erf) = vpow2.f32 v40;
	v49 =	vmul.f32 $1.442695020e+00, v63  }
0x112: {  	v37 =	vpop (erf);
	(erf) = vpow2.f32 v48;
	v50 =	vmul.f32 $1.442695020e+00, v31  }
0x113: {  	v24 =	vpop (erf);
	(erf) = vpow2.f32 v49;
	v51 =	vmul.f32 $1.442695020e+00, v33  }
0x114: {  	v16 =	vor.u32 $0x1E, v1;
	v22 =	vpop (erf);
	(erf) = vpow2.f32 v50  }
0x115: {  	v21 =	vpop (erf);
	(erf) = vpow2.f32 v51  }
0x116: {  	v52 =	vld.idx.msk [tilespmem:v15+s18+$0x0], $0xffff;
	v40 =	vpop (erf)  }
0x117: {  	v28 =	vpop (erf)  }
0x118: {  	v25 =	vpop (erf)  }
0x119: {  	v48 =	vld.idx.msk [tilespmem:v16+s18+$0x0], $0xffff;
	v23 =	vpop (erf)  }
0x11a: {  	v53 =	vmul.f32 v37, v36;
	v39 =	vpop (erf)  }
0x11b: {  	v55 =	vmul.f32 $1.442695020e+00, v52;
	v54 =	vmul.f32 v40, v43;
	v29 =	vpop (erf)  }
0x11c: {  	v26 =	vpop (erf)  }
0x11d: {  	v31 =	vadd.f32 v54, v53;
	v56 =	vmul.f32 v39, v41;
	v27 =	vpop (erf);
	(erf) = vpow2.f32 v55  }
0x11e: {  	v48 =	vmul.f32 $1.442695020e+00, v48;
	v32 =	vpop (erf)  }
0x11f: {  	v1 =	vor.u32 $0x1F, v1;
	v31 =	vadd.f32 v56, v31;
	v57 =	vmul.f32 v32, v42  }
0x120: {  	(erf) = vpow2.f32 v48  }
0x121: {  	v58 =	vmul.f32 v24, v36;
	v59 =	vmul.f32 v28, v43;
	v49 =	vadd.f32 v57, v31;
	_ =	sdelay $0x1  }
0x122: {  	v60 =	vadd.f32 v59, v58;
	v61 =	vmul.f32 v29, v41;
	v31 =	vand.u32 $0x7FFFFF, v49  }
0x123: {  	v63 =	vld.idx.msk [tilespmem:v1+s18+$0x0], $0xffff;
	v31 =	vor.u32 $0x3F800000, v31  }
0x124: {  	v50 =	vadd.f32 $-1.000000000e+00, v31;
	v31 =	vadd.f32 v61, v60  }
0x125: {  	v58 =	vmul.f32 v25, v43;
	v57 =	vmul.f32 v22, v36;
	v33 =	vpop (erf)  }
0x126: {  	v56 =	vmul.f32 v33, v42  }
0x127: {  	v53 =	vadd.f32 v58, v57;
	v60 =	vmul.f32 v26, v41;
	v62 =	vmul.f32 $3.010262550e-02, v50  }
0x128: {  	v52 =	vmul.f32 $1.442695020e+00, v63;
	v48 =	vadd.f32 v56, v31;
	v31 =	vpop (erf)  }
0x129: {  	v53 =	vadd.f32 v60, v53;
	v51 =	vadd.f32 $-1.301194130e-01, v62;
	v61 =	vmul.f32 v31, v42  }
0x12a: {  	(erf) = vpow2.f32 v52;
	v59 =	vand.u32 $0x7FFFFF, v48  }
0x12b: {  	v51 =	vmul.f32 v51, v50;
	v54 =	vor.u32 $0x3F800000, v59;
	v53 =	vadd.f32 v61, v53  }
0x12c: {  	v54 =	vadd.f32 $-1.000000000e+00, v54  }
0x12d: {  	v43 =	vmul.f32 v23, v43;
	v51 =	vadd.f32 $2.833043340e-01, v51;
	v55 =	vand.u32 $0x7FFFFF, v53  }
0x12e: {  	v36 =	vmul.f32 v21, v36;
	v62 =	vmul.f32 $3.010262550e-02, v54;
	v55 =	vor.u32 $0x3F800000, v55  }
0x12f: {  	v49 =	vshra.s32 v49, $0x17;
	v51 =	vmul.f32 v51, v50;
	v55 =	vadd.f32 $-1.000000000e+00, v55  }
0x130: {  	v36 =	vadd.f32 v43, v36;
	v58 =	vmul.f32 v27, v41;
	v52 =	vadd.f32 $-1.301194130e-01, v62  }
0x131: {  	v49 =	vadd.s32 $0xFFFFFF81, v49;
	v51 =	vadd.f32 $-4.891568420e-01, v51;
	v63 =	vmul.f32 $3.010262550e-02, v55  }
0x132: {  	v49 =	vcvt.s32.f32 v49;
	v52 =	vmul.f32 v52, v54  }
0x133: {  	v36 =	vadd.f32 v58, v36;
	v41 =	vpop (erf);
	v51 =	vmul.f32 v51, v50;
	v60 =	vadd.f32 $-1.301194130e-01, v63  }
0x134: {  	v43 =	vmul.f32 $6.931471820e-01, v49;
	v42 =	vmul.f32 v41, v42;
	v52 =	vadd.f32 $2.833043340e-01, v52  }
0x135: {  	v63 =	vmul.f32 v37, v44;
	v51 =	vadd.f32 $9.990104430e-01, v51;
	v62 =	vmul.f32 v60, v55  }
0x136: {  	v48 =	vshra.s32 v48, $0x17;
	v60 =	vmul.f32 v40, v47;
	v59 =	vmul.f32 v52, v54  }
0x137: {  	v50 =	vmul.f32 v51, v50;
	v52 =	vadd.f32 v42, v36;
	v51 =	vadd.f32 $2.833043340e-01, v62  }
0x138: {  	v36 =	vadd.f32 v60, v63;
	v62 =	vmul.f32 v39, v46;
	v61 =	vadd.f32 $-4.891568420e-01, v59  }
0x139: {  	v63 =	vmul.f32 v32, v45;
	v50 =	vadd.f32 $2.211703030e-05, v50;
	v51 =	vmul.f32 v51, v55  }
0x13a: {  	v42 =	vadd.f32 v62, v36;
	v49 =	vmul.f32 v61, v54;
	v61 =	vand.u32 $0x7FFFFF, v52  }
0x13b: {  	v59 =	vadd.s32 $0xFFFFFF81, v48;
	v56 =	vor.u32 $0x3F800000, v61;
	v61 =	vadd.f32 $-4.891568420e-01, v51  }
0x13c: {  	v51 =	vadd.f32 v63, v42;
	v42 =	vcvt.s32.f32 v59;
	v63 =	vshra.s32 v53, $0x17  }
0x13d: {  	v49 =	vadd.f32 $9.990104430e-01, v49;
	v56 =	vadd.f32 $-1.000000000e+00, v56;
	v48 =	vadd.s32 $0xFFFFFF81, v63  }
0x13e: {  	v36 =	vadd.f32 v50, v43;
	v48 =	vcvt.s32.f32 v48;
	v42 =	vmul.f32 $6.931471820e-01, v42  }
0x13f: {  	v59 =	vand.u32 $0x7FFFFF, v51;
	v60 =	vmul.f32 v49, v54;
	v62 =	vmul.f32 $3.010262550e-02, v56  }
0x140: {  	v49 =	vmul.f32 v61, v55;
	v53 =	vor.u32 $0x3F800000, v59;
	v61 =	vmul.f32 v28, v47  }
0x141: {  	v53 =	vadd.f32 $-1.000000000e+00, v53;
	v48 =	vmul.f32 $6.931471820e-01, v48;
	v43 =	vadd.f32 $2.211703030e-05, v60  }
0x142: {  	v50 =	vadd.f32 $-1.301194130e-01, v62;
	v60 =	vmul.f32 v24, v44;
	v49 =	vadd.f32 $9.990104430e-01, v49  }
0x143: {  	v51 =	vshra.s32 v51, $0x17;
	v62 =	vmul.f32 v29, v46;
	v63 =	vmul.f32 $3.010262550e-02, v53  }
0x144: {  	v50 =	vmul.f32 v50, v56;
	v54 =	vadd.f32 v61, v60;
	v49 =	vmul.f32 v49, v55  }
0x145: {  	v60 =	vmul.f32 v33, v45;
	v43 =	vadd.f32 v43, v42;
	v61 =	vadd.f32 $-1.301194130e-01, v63  }
0x146: {  	v63 =	vshra.s32 v52, $0x17;
	v50 =	vadd.f32 $2.833043340e-01, v50;
	v54 =	vadd.f32 v62, v54  }
0x147: {  	v49 =	vadd.f32 $2.211703030e-05, v49;
	v62 =	vmul.f32 v61, v53;
	v61 =	vmul.f32 v22, v44  }
0x148: {  	v44 =	vmul.f32 v21, v44;
	v50 =	vmul.f32 v50, v56;
	v54 =	vadd.f32 v60, v54  }
0x149: {  	v42 =	vadd.f32 v49, v48;
	v48 =	vadd.s32 $0xFFFFFF81, v63;
	v60 =	vadd.f32 $2.833043340e-01, v62  }
0x14a: {  	v62 =	vmul.f32 v25, v47;
	v48 =	vcvt.s32.f32 v48;
	v59 =	vand.u32 $0x7FFFFF, v54  }
0x14b: {  	v47 =	vmul.f32 v23, v47;
	v50 =	vadd.f32 $-4.891568420e-01, v50;
	v49 =	vor.u32 $0x3F800000, v59  }
0x14c: {  	v52 =	vmul.f32 v60, v53;
	v55 =	vadd.f32 v62, v61;
	v60 =	vmul.f32 v26, v46  }
0x14d: {  	v62 =	vmul.f32 v31, v45;
	v44 =	vadd.f32 v47, v44;
	v49 =	vadd.f32 $-1.000000000e+00, v49  }
0x14e: {  	v46 =	vmul.f32 v27, v46;
	v50 =	vmul.f32 v50, v56;
	v52 =	vadd.f32 $-4.891568420e-01, v52  }
0x14f: {  	v45 =	vmul.f32 v41, v45;
	v55 =	vadd.f32 v60, v55;
	v63 =	vmul.f32 $3.010262550e-02, v49  }
0x150: {  	v44 =	vadd.f32 v46, v44;
	v50 =	vadd.f32 $9.990104430e-01, v50;
	v52 =	vmul.f32 v52, v53  }
0x151: {  	v59 =	vshra.s32 v54, $0x17;
	v55 =	vadd.f32 v62, v55;
	v61 =	vadd.f32 $-1.301194130e-01, v63  }
0x152: {  	v62 =	vadd.s32 $0xFFFFFF81, v51;
	v50 =	vmul.f32 v50, v56;
	v47 =	vadd.f32 $9.990104430e-01, v52  }
0x153: {  	v60 =	vand.u32 $0x7FFFFF, v55;
	v55 =	vshra.s32 v55, $0x17;
	v56 =	vmul.f32 v61, v49  }
0x154: {  	v50 =	vadd.f32 $2.211703030e-05, v50;
	v61 =	vmul.f32 $6.931471820e-01, v48;
	v55 =	vadd.s32 $0xFFFFFF81, v55  }
0x155: {  	v47 =	vmul.f32 v47, v53;
	v53 =	vadd.f32 v45, v44;
	v63 =	vadd.f32 $2.833043340e-01, v56  }
0x156: {  	v56 =	vor.u32 $0x3F800000, v60;
	v44 =	vadd.f32 v50, v61;
	v60 =	vadd.s32 $0xFFFFFF81, v59  }
0x157: {  	v51 =	vadd.f32 $-1.000000000e+00, v56;
	v47 =	vadd.f32 $2.211703030e-05, v47;
	v58 =	vand.u32 $0x7FFFFF, v53  }
0x158: {  	v53 =	vshra.s32 v53, $0x17;
	v52 =	vmul.f32 v63, v49;
	v63 =	vcvt.s32.f32 v62  }
0x159: {  	v50 =	vor.u32 $0x3F800000, v58;
	v62 =	vmul.f32 v37, v35;
	v58 =	vmul.f32 v26, v34  }
0x15a: {  	v37 =	vmul.f32 v37, v18;
	v56 =	vmul.f32 $3.010262550e-02, v51;
	v50 =	vadd.f32 $-1.000000000e+00, v50  }
0x15b: {  	v57 =	vadd.f32 $-4.891568420e-01, v52;
	v45 =	vmul.f32 $6.931471820e-01, v63;
	v63 =	vmul.f32 v40, v38  }
0x15c: {  	v40 =	vmul.f32 v40, v20;
	v46 =	vadd.f32 $-1.301194130e-01, v56;
	v61 =	vmul.f32 $3.010262550e-02, v50  }
0x15d: {  	v48 =	vmul.f32 v57, v49;
	v45 =	vadd.f32 v47, v45;
	v47 =	vcvt.s32.f32 v60  }
0x15e: {  	v37 =	vadd.f32 v40, v37;
	v46 =	vmul.f32 v46, v51;
	v60 =	vadd.f32 $-1.301194130e-01, v61  }
0x15f: {  	v61 =	vadd.f32 v63, v62;
	v62 =	vmul.f32 v39, v34;
	v63 =	vmul.f32 v32, v30  }
0x160: {  	v39 =	vmul.f32 v39, v19;
	v32 =	vmul.f32 v32, v17;
	v48 =	vadd.f32 $9.990104430e-01, v48  }
0x161: {  	v47 =	vmul.f32 $6.931471820e-01, v47;
	v52 =	vadd.f32 v62, v61;
	v61 =	vmul.f32 v28, v38  }
0x162: {  	v46 =	vadd.f32 $2.833043340e-01, v46;
	v62 =	vmul.f32 v29, v34;
	v28 =	vmul.f32 v28, v20  }
0x163: {  	v37 =	vadd.f32 v39, v37;
	v48 =	vmul.f32 v48, v49;
	v49 =	vmul.f32 v60, v50  }
0x164: {  	v53 =	vadd.s32 $0xFFFFFF81, v53;
	v60 =	vmul.f32 v24, v35;
	v24 =	vmul.f32 v24, v18  }
0x165: {  	v46 =	vmul.f32 v46, v51;
	v52 =	vadd.f32 v63, v52;
	v32 =	vadd.f32 v32, v37  }
0x166: {  	v48 =	vadd.f32 $2.211703030e-05, v48;
	v54 =	vadd.f32 v61, v60;
	v60 =	vmul.f32 v33, v30  }
0x167: {  	v49 =	vadd.f32 $2.833043340e-01, v49;
	v61 =	vmul.f32 v22, v35;
	v35 =	vmul.f32 v21, v35  }
0x168: {  	v24 =	vadd.f32 v28, v24;
	v22 =	vmul.f32 v22, v18;
	v18 =	vmul.f32 v21, v18  }
0x169: {  	v46 =	vadd.f32 $-4.891568420e-01, v46;
	v63 =	vand.u32 $0x7FFFFF, v52;
	v49 =	vmul.f32 v49, v50  }
0x16a: {  	v54 =	vadd.f32 v62, v54;
	v62 =	vmul.f32 v25, v38;
	v38 =	vmul.f32 v23, v38  }
0x16b: {  	v57 =	vor.u32 $0x3F800000, v63;
	v25 =	vmul.f32 v25, v20;
	v20 =	vmul.f32 v23, v20  }
0x16c: {  	v46 =	vmul.f32 v46, v51;
	v49 =	vadd.f32 $-4.891568420e-01, v49;
	v54 =	vadd.f32 v60, v54  }
0x16d: {  	v56 =	vadd.f32 v62, v61;
	v61 =	vmul.f32 v31, v30;
	v62 =	vcvt.s32.f32 v55  }
0x16e: {  	v35 =	vadd.f32 v38, v35;
	v30 =	vmul.f32 v41, v30;
	v22 =	vadd.f32 v25, v22  }
0x16f: {  	v18 =	vadd.f32 v20, v18;
	v46 =	vadd.f32 $9.990104430e-01, v46;
	v63 =	vmul.f32 v49, v50  }
0x170: {  	v49 =	vadd.f32 $-1.000000000e+00, v57;
	v57 =	vand.u32 $0x7FFFFF, v54;
	v56 =	vadd.f32 v58, v56  }
0x171: {  	v51 =	vmul.f32 v46, v51;
	v57 =	vor.u32 $0x3F800000, v57;
	v46 =	vadd.f32 v48, v47  }
0x172: {  	v48 =	vmul.f32 $6.931471820e-01, v62;
	v62 =	vmul.f32 v27, v34;
	v55 =	vadd.f32 v61, v56  }
0x173: {  	v59 =	vadd.f32 $9.990104430e-01, v63;
	v60 =	vmul.f32 $3.010262550e-02, v49;
	v57 =	vadd.f32 $-1.000000000e+00, v57  }
0x174: {  	v51 =	vadd.f32 $2.211703030e-05, v51;
	v35 =	vadd.f32 v62, v35;
	v61 =	vand.u32 $0x7FFFFF, v55  }
0x175: {  	v63 =	vadd.f32 $-1.301194130e-01, v60;
	v60 =	vmul.f32 $3.010262550e-02, v57;
	v38 =	vor.u32 $0x3F800000, v61  }
0x176: {  	v47 =	vmul.f32 v59, v50;
	v34 =	vadd.f32 v51, v48;
	v38 =	vadd.f32 $-1.000000000e+00, v38  }
0x177: {  	v50 =	vmul.f32 v63, v49;
	v56 =	vadd.f32 $-1.301194130e-01, v60;
	v63 =	vcvt.s32.f32 v53  }
0x178: {  	v35 =	vadd.f32 v30, v35;
	v47 =	vadd.f32 $2.211703030e-05, v47;
	v59 =	vmul.f32 $3.010262550e-02, v38  }
0x179: {  	v50 =	vadd.f32 $2.833043340e-01, v50;
	v56 =	vmul.f32 v56, v57;
	v48 =	vmul.f32 $6.931471820e-01, v63  }
0x17a: {  	v63 =	vand.u32 $0x7FFFFF, v35;
	v35 =	vshra.s32 v35, $0x17;
	v53 =	vadd.f32 $-1.301194130e-01, v59  }
0x17b: {  	v40 =	vor.u32 $0x3F800000, v63;
	v63 =	vand.u32 $0x7FFFFF, v32;
	v32 =	vshra.s32 v32, $0x17  }
0x17c: {  	v50 =	vmul.f32 v50, v49;
	v56 =	vadd.f32 $2.833043340e-01, v56;
	v61 =	vmul.f32 v53, v38  }
0x17d: {  	v30 =	vadd.f32 v47, v48;
	v40 =	vadd.f32 $-1.000000000e+00, v40;
	v32 =	vadd.s32 $0xFFFFFF81, v32  }
0x17e: {  	[tilespmem:v2+s24+$0x0] =	vst.idx.msk $0xffff, v36;
	v2 =	vcvt.s32.f32 v32;
	v51 =	vmul.f32 v56, v57;
	v48 =	vadd.f32 $2.833043340e-01, v61  }
0x17f: {  	v50 =	vadd.f32 $-4.891568420e-01, v50;
	v59 =	vmul.f32 $3.010262550e-02, v40;
	v53 =	vmul.f32 v33, v17  }
0x180: {  	v56 =	vshra.s32 v52, $0x17;
	v2 =	vmul.f32 $6.931471820e-01, v2;
	v48 =	vmul.f32 v48, v38  }
0x181: {  	v60 =	vmul.f32 v50, v49;
	v62 =	vadd.f32 $-4.891568420e-01, v51;
	v51 =	vadd.s32 $0xFFFFFF81, v56  }
0x182: {  	v61 =	vshra.s32 v54, $0x17;
	v54 =	vor.u32 $0x3F800000, v63;
	v48 =	vadd.f32 $-4.891568420e-01, v48  }
0x183: {  	v47 =	vadd.f32 $9.990104430e-01, v60;
	v50 =	vmul.f32 v62, v57;
	v60 =	vcvt.s32.f32 v51  }
0x184: {  	v51 =	vadd.s32 $0xFFFFFF81, v61;
	v62 =	vshra.s32 v55, $0x17;
	v48 =	vmul.f32 v48, v38  }
0x185: {  	v56 =	vmul.f32 v26, v19;
	v51 =	vcvt.s32.f32 v51;
	v52 =	vadd.s32 $0xFFFFFF81, v62  }
0x186: {  	v62 =	vadd.s32 $0xFFFFFF81, v35;
	v47 =	vmul.f32 v47, v49;
	v48 =	vadd.f32 $9.990104430e-01, v48  }
0x187: {  	v58 =	vadd.f32 $9.990104430e-01, v50;
	v39 =	vmul.f32 $6.931471820e-01, v60;
	v52 =	vcvt.s32.f32 v52  }
0x188: {  	v50 =	vadd.f32 $-1.301194130e-01, v59;
	v23 =	vcvt.s32.f32 v62;
	v38 =	vmul.f32 v48, v38  }
0x189: {  	v55 =	vadd.f32 $-1.000000000e+00, v54;
	v48 =	vmul.f32 $6.931471820e-01, v52;
	v52 =	vmul.f32 v29, v19  }
0x18a: {  	v22 =	vadd.f32 v56, v22;
	v49 =	vmul.f32 v58, v57;
	v50 =	vmul.f32 v50, v40  }
0x18b: {  	v47 =	vadd.f32 $2.211703030e-05, v47;
	v19 =	vmul.f32 v27, v19;
	v24 =	vadd.f32 v52, v24  }
0x18c: {  	v57 =	vmul.f32 $3.010262550e-02, v55;
	v58 =	vmul.f32 v31, v17;
	v50 =	vadd.f32 $2.833043340e-01, v50  }
0x18d: {  	v17 =	vmul.f32 v41, v17;
	v18 =	vadd.f32 v19, v18;
	v24 =	vadd.f32 v53, v24  }
0x18e: {  	v23 =	vmul.f32 $6.931471820e-01, v23;
	v39 =	vadd.f32 v47, v39;
	v22 =	vadd.f32 v58, v22  }
0x18f: {  	v47 =	vmul.f32 $6.931471820e-01, v51;
	v17 =	vadd.f32 v17, v18;
	v59 =	vand.u32 $0x7FFFFF, v24  }
0x190: {  	v37 =	vadd.f32 $2.211703030e-05, v49;
	v29 =	vand.u32 $0x7FFFFF, v22;
	v61 =	vor.u32 $0x3F800000, v59  }
0x191: {  	[tilespmem:v3+s24+$0x0] =	vst.idx.msk $0xffff, v43;
	v25 =	vor.u32 $0x3F800000, v29;
	v33 =	vand.u32 $0x7FFFFF, v17;
	v20 =	vadd.f32 $-1.000000000e+00, v61  }
0x192: {  	[tilespmem:v4+s24+$0x0] =	vst.idx.msk $0xffff, v42;
	v60 =	vadd.f32 $-1.301194130e-01, v57;
	v25 =	vadd.f32 $-1.000000000e+00, v25;
	v27 =	vor.u32 $0x3F800000, v33  }
0x193: {  	[tilespmem:v5+s24+$0x0] =	vst.idx.msk $0xffff, v44;
	v50 =	vmul.f32 v50, v40;
	v27 =	vadd.f32 $-1.000000000e+00, v27;
	v31 =	vmul.f32 $3.010262550e-02, v20  }
0x194: {  	[tilespmem:v6+s24+$0x0] =	vst.idx.msk $0xffff, v45;
	v37 =	vadd.f32 v37, v47;
	v19 =	vmul.f32 v60, v55;
	v35 =	vmul.f32 $3.010262550e-02, v25  }
0x195: {  	[tilespmem:v7+s24+$0x0] =	vst.idx.msk $0xffff, v46;
	v57 =	vshra.s32 v22, $0x17;
	v41 =	vmul.f32 $3.010262550e-02, v27;
	v26 =	vadd.f32 $-1.301194130e-01, v31  }
0x196: {  	[tilespmem:v8+s24+$0x0] =	vst.idx.msk $0xffff, v34;
	v8 =	vadd.s32 $0xFFFFFF81, v57;
	v19 =	vadd.f32 $2.833043340e-01, v19;
	v28 =	vadd.f32 $-1.301194130e-01, v35  }
0x197: {  	v49 =	vadd.f32 $-4.891568420e-01, v50;
	v31 =	vadd.f32 $-1.301194130e-01, v41;
	v26 =	vmul.f32 v26, v20  }
0x198: {  	v47 =	vadd.f32 $2.211703030e-05, v38;
	v19 =	vmul.f32 v19, v55;
	v28 =	vmul.f32 v28, v25  }
0x199: {  	v8 =	vcvt.s32.f32 v8;
	v31 =	vmul.f32 v31, v27;
	v26 =	vadd.f32 $2.833043340e-01, v26  }
0x19a: {  	v63 =	vmul.f32 v49, v40;
	v19 =	vadd.f32 $-4.891568420e-01, v19;
	v28 =	vadd.f32 $2.833043340e-01, v28  }
0x19b: {  	v48 =	vadd.f32 v47, v48;
	v31 =	vadd.f32 $2.833043340e-01, v31;
	v26 =	vmul.f32 v26, v20  }
0x19c: {  	v18 =	vadd.f32 $9.990104430e-01, v63;
	v19 =	vmul.f32 v19, v55;
	v49 =	vmul.f32 v28, v25  }
0x19d: {  	v52 =	vshra.s32 v24, $0x17;
	v51 =	vmul.f32 v31, v27;
	v26 =	vadd.f32 $-4.891568420e-01, v26  }
0x19e: {  	v58 =	vshra.s32 v17, $0x17;
	v19 =	vadd.f32 $9.990104430e-01, v19;
	v21 =	vadd.f32 $-4.891568420e-01, v49  }
0x19f: {  	v18 =	vmul.f32 v18, v40;
	v54 =	vadd.f32 $-4.891568420e-01, v51;
	v50 =	vmul.f32 v26, v20  }
0x1a0: {  	v4 =	vadd.s32 $0xFFFFFF81, v52;
	v19 =	vmul.f32 v19, v55;
	v55 =	vmul.f32 v21, v25  }
0x1a1: {  	v3 =	vadd.f32 $2.211703030e-05, v18;
	v18 =	vmul.f32 v54, v27;
	v53 =	vadd.f32 $9.990104430e-01, v50  }
0x1a2: {  	[tilespmem:v9+s24+$0x0] =	vst.idx.msk $0xffff, v30;
	v9 =	vadd.s32 $0xFFFFFF81, v58;
	v4 =	vcvt.s32.f32 v4;
	v6 =	vadd.f32 $9.990104430e-01, v55  }
0x1a3: {  	v9 =	vcvt.s32.f32 v9;
	v59 =	vadd.f32 $9.990104430e-01, v18;
	v5 =	vmul.f32 v53, v20  }
0x1a4: {  	[tilespmem:v10+s24+$0x0] =	vst.idx.msk $0xffff, v39;
	v4 =	vmul.f32 $6.931471820e-01, v4;
	v56 =	vadd.f32 $2.211703030e-05, v19;
	v6 =	vmul.f32 v6, v25  }
0x1a5: {  	[tilespmem:v11+s24+$0x0] =	vst.idx.msk $0xffff, v37;
	v3 =	vadd.f32 v3, v23;
	v60 =	vmul.f32 v59, v27;
	v5 =	vadd.f32 $2.211703030e-05, v5  }
0x1a6: {  	p1 =	sne.s32 s3, $0x1F0;
	[tilespmem:v12+s24+$0x0] =	vst.idx.msk $0xffff, v48;
	v61 =	vmul.f32 $6.931471820e-01, v8;
	v2 =	vadd.f32 v56, v2;
	v6 =	vadd.f32 $2.211703030e-05, v6  }
.Ltmp2:
0x1a7: {  	v63 =	vmul.f32 $6.931471820e-01, v9;
	[tilespmem:v13+s24+$0x0] =	vst.idx.msk $0xffff, v3;
	v62 =	vadd.f32 $2.211703030e-05, v60;
	v3 =	vadd.f32 v5, v4;
	(pc) =	sbr.rel @p1 .LBB2_3-.Ltmp2, $4  }
0x1a8: {  	[tilespmem:v14+s24+$0x0] =	vst.idx.msk $0xffff, v2;
	v2 =	vadd.f32 v6, v61  }
0x1a9: {  	[tilespmem:v15+s24+$0x0] =	vst.idx.msk $0xffff, v3;
	v3 =	vadd.f32 v62, v63  }
0x1aa: {  	[tilespmem:v16+s24+$0x0] =	vst.idx.msk $0xffff, v2  }
0x1ab: {  	s19 =	sadd.s32 $0x10, s19;
	s3 =	sadd.s32 $0x10, s3;
	[tilespmem:v1+s24+$0x0] =	vst.idx.msk $0xffff, v3  }
0x1ac: {  	s3 =	sshll.u32 s31, $0xC  }
0x1ad: {  	p1 =	seq.s32 s31, $0x7;
	s3 =	sadd.s32 s3, s14  }
0x1ae: {  	[hbm4b:s3+s4] =	stream.linear.scatter [tilespmem:s24], [sflag:$0x3], $0x4000, $0x38;
	[tilespmem:$0x18400] =	vst v63  }
0x1af: {  	s3 =	sadd.s32 @!p1 s0, s15  }
0x1b0: {  	s19 =	sshll.u32 @!p1 s3, $0x2  }
0x1b1: {  	s19 =	sand.u32 @!p1 $0x1FFFF000, s19  }
0x1b2: {  	s9 =	simm.s32 @!p1 $0x0;
	s8 =	sadd.s32 @!p1 s1, s19  }
0x1b3: {  	[tilespmem:s9], [sflag:$0x1] =	stream.linear.gather @!p1 [hbm4b:s8+s9], $0x4000, $0x38;
	[tilespmem:$0x18400] =	vst v63  }
0x1b4: {  	s3 =	sshrl.u32 @!p1 s3, $0x3;
	s8 =	sadd.s32 @!p1 s5, s19;
	s19 =	simm.s32 @!p1 $0x8000  }
0x1b5: {  	[tilespmem:s19], [sflag:$0x1] =	stream.linear.gather @!p1 [hbm4b:s8+s9], $0x4000, $0x38;
	[tilespmem:$0x18400] =	vst v63  }
0x1b6: {  	s3 =	sadd.s32 @!p1 s2, s3;
	s8 =	simm.s32 @!p1 $0x10000  }
0x1b7: {  	[tilespmem:s8], [sflag:$0x1] =	stream.linear.gather @!p1 [hbm4b:s3+s9], $0x200, $0x38;
	[tilespmem:$0x18400] =	vst v63  }
0x1b8: {  	_ =	swait.ge [sflag:s25], $0x4000  }
0x1b9: {  	[sflag:s25] =	ssyncset.done $0x0  }
0x1ba: {  	[sflag:s25] =	ssyncadd.s32 $0xFFFFC000  }
0x1bb: {  	_ =	swait.ge [sflag:s25], $0x4000  }
0x1bc: {  	[sflag:s25] =	ssyncset.done $0x0  }
0x1bd: {  	[sflag:s25] =	ssyncadd.s32 $0xFFFFC000  }
0x1be: {  	_ =	swait.ge [sflag:s25], $0x200  }
0x1bf: {  	[sflag:s25] =	ssyncset.done $0x0  }
0x1c0: {  	s3 =	simm.s32 @!p0 $0x4;
	[sflag:s25] =	ssyncadd.s32 $0xFFFFFE00  }
0x1c1: {  	_ =	swait.ge @!p0 [sflag:s3], $0x4000  }
0x1c2: {  	[sflag:s3] =	ssyncset.done @!p0 $0x0  }
0x1c3: {  	s19 =	simm.s32 $0x10200;
	[sflag:s3] =	ssyncadd.s32 @!p0 $0xFFFFC000;
	s3 =	simm.s32 $0x0  }
.LBB2_5:
0x1c4: {  	v2 =	vld [tilespmem:s19+$0x0];
	_ =	sdelay $0x2  }
0x1c5: {  	v1 =	vmov s3  }
0x1c6: {  	v1 =	vshll.u32 v1, $0x5  }
0x1c7: {  	v1 =	vor.u32 v0, v1;
	v2 =	vshll.u32 v2, $0x4  }
0x1c8: {  	v3 =	vadd.s32 v1, v2  }
0x1c9: {  	v4 =	vor.u32 $0x1, v3  }
0x1ca: {  	v5 =	vor.u32 $0x2, v3  }
0x1cb: {  	v6 =	vor.u32 $0x3, v3  }
0x1cc: {  	v7 =	vor.u32 $0x4, v3  }
0x1cd: {  	v9 =	vor.u32 $0x5, v3;
	v8 =	vld.idx.msk [tilespmem:v3+s20+$0x0], $0xffff  }
0x1ce: {  	v10 =	vor.u32 $0x6, v3;
	v4 =	vld.idx.msk [tilespmem:v4+s20+$0x0], $0xffff  }
0x1cf: {  	v11 =	vor.u32 $0x7, v3;
	v5 =	vld.idx.msk [tilespmem:v5+s20+$0x0], $0xffff  }
0x1d0: {  	v12 =	vor.u32 $0x8, v3;
	v6 =	vld.idx.msk [tilespmem:v6+s20+$0x0], $0xffff  }
0x1d1: {  	v13 =	vor.u32 $0x9, v3;
	v7 =	vld.idx.msk [tilespmem:v7+s20+$0x0], $0xffff  }
0x1d2: {  	v14 =	vor.u32 $0xA, v3;
	v9 =	vld.idx.msk [tilespmem:v9+s20+$0x0], $0xffff;
	v8 =	vmul.f32 $1.442695020e+00, v8  }
0x1d3: {  	v15 =	vor.u32 $0xB, v3;
	v10 =	vld.idx.msk [tilespmem:v10+s20+$0x0], $0xffff;
	v4 =	vmul.f32 $1.442695020e+00, v4  }
0x1d4: {  	v16 =	vor.u32 $0xC, v3;
	v63 =	vld.idx.msk [tilespmem:v11+s20+$0x0], $0xffff;
	v5 =	vmul.f32 $1.442695020e+00, v5;
	(erf) = vpow2.f32 v8  }
0x1d5: {  	v19 =	vor.u32 $0xD, v3;
	v18 =	vld.idx.msk [tilespmem:v12+s20+$0x0], $0xffff;
	v17 =	vmul.f32 $1.442695020e+00, v6;
	(erf) = vpow2.f32 v4  }
0x1d6: {  	v22 =	vor.u32 $0xE, v3;
	v21 =	vld.idx.msk [tilespmem:v13+s20+$0x0], $0xffff;
	v20 =	vmul.f32 $1.442695020e+00, v7;
	(erf) = vpow2.f32 v5  }
0x1d7: {  	v25 =	vor.u32 $0xF, v3;
	v24 =	vld.idx.msk [tilespmem:v14+s20+$0x0], $0xffff;
	v23 =	vmul.f32 $1.442695020e+00, v9;
	(erf) = vpow2.f32 v17  }
0x1d8: {  	v27 =	vld.idx.msk [tilespmem:v15+s20+$0x0], $0xffff;
	v26 =	vmul.f32 $1.442695020e+00, v10;
	(erf) = vpow2.f32 v20  }
0x1d9: {  	v3 =	vor.u32 $0x1, v1;
	v11 =	vld.idx.msk [tilespmem:v16+s20+$0x0], $0xffff;
	v8 =	vmul.f32 $1.442695020e+00, v63;
	(erf) = vpow2.f32 v23  }
0x1da: {  	v12 =	vld.idx.msk [tilespmem:v19+s20+$0x0], $0xffff;
	v6 =	vmul.f32 $1.442695020e+00, v18;
	v4 =	vor.u32 $0x2, v1;
	(erf) = vpow2.f32 v26  }
0x1db: {  	v13 =	vld.idx.msk [tilespmem:v22+s20+$0x0], $0xffff;
	v7 =	vmul.f32 $1.442695020e+00, v21;
	v5 =	vor.u32 $0x3, v1;
	(erf) = vpow2.f32 v8  }
0x1dc: {  	v14 =	vld.idx.msk [tilespmem:v25+s20+$0x0], $0xffff;
	v28 =	vmul.f32 $1.442695020e+00, v24;
	(erf) = vpow2.f32 v6;
	v6 =	vor.u32 $0x4, v1  }
0x1dd: {  	v30 =	vld.idx.msk [tilespmem:v1+s21+$0x0], $0xffff;
	v29 =	vmul.f32 $1.442695020e+00, v27;
	v36 =	vpop (erf);
	(erf) = vpow2.f32 v7;
	v7 =	vor.u32 $0x5, v1  }
0x1de: {  	v16 =	vld.idx.msk [tilespmem:v3+s21+$0x0], $0xffff;
	v31 =	vmul.f32 $1.442695020e+00, v11;
	v8 =	vor.u32 $0x6, v1;
	v48 =	vpop (erf);
	(erf) = vpow2.f32 v28  }
0x1df: {  	v32 =	vmul.f32 $1.442695020e+00, v12;
	v9 =	vor.u32 $0x7, v1;
	v17 =	vld.idx.msk [tilespmem:v4+s21+$0x0], $0xffff;
	v42 =	vpop (erf);
	(erf) = vpow2.f32 v29  }
0x1e0: {  	v33 =	vmul.f32 $1.442695020e+00, v13;
	v10 =	vor.u32 $0x8, v1;
	v18 =	vld.idx.msk [tilespmem:v5+s21+$0x0], $0xffff;
	v43 =	vpop (erf);
	(erf) = vpow2.f32 v31  }
0x1e1: {  	v34 =	vmul.f32 $1.442695020e+00, v14;
	v11 =	vor.u32 $0x9, v1;
	v44 =	vpop (erf);
	(erf) = vpow2.f32 v32;
	v19 =	vld.idx.msk [tilespmem:v6+s21+$0x0], $0xffff  }
0x1e2: {  	v35 =	vmul.f32 $1.442695020e+00, v30;
	v12 =	vor.u32 $0xA, v1;
	v47 =	vpop (erf);
	(erf) = vpow2.f32 v33;
	v37 =	vld.idx.msk [tilespmem:v7+s21+$0x0], $0xffff  }
0x1e3: {  	v13 =	vor.u32 $0xB, v1;
	v16 =	vmul.f32 $1.442695020e+00, v16;
	v20 =	vld.idx.msk [tilespmem:v8+s21+$0x0], $0xffff;
	v46 =	vpop (erf);
	(erf) = vpow2.f32 v34  }
0x1e4: {  	v14 =	vor.u32 $0xC, v1;
	v21 =	vld.idx.msk [tilespmem:v9+s21+$0x0], $0xffff;
	v17 =	vmul.f32 $1.442695020e+00, v17;
	v45 =	vpop (erf);
	(erf) = vpow2.f32 v35  }
0x1e5: {  	v39 =	vld.idx.msk [tilespmem:v10+s21+$0x0], $0xffff;
	v38 =	vmul.f32 $1.442695020e+00, v18;
	v30 =	vpop (erf);
	(erf) = vpow2.f32 v16  }
0x1e6: {  	v22 =	vld.idx.msk [tilespmem:v11+s21+$0x0], $0xffff;
	v34 =	vpop (erf);
	(erf) = vpow2.f32 v17;
	v40 =	vmul.f32 $1.442695020e+00, v19  }
0x1e7: {  	v41 =	vld.idx.msk [tilespmem:v12+s21+$0x0], $0xffff;
	v31 =	vpop (erf);
	(erf) = vpow2.f32 v38;
	v15 =	vmul.f32 $1.442695020e+00, v37  }
0x1e8: {  	v23 =	vld.idx.msk [tilespmem:v13+s21+$0x0], $0xffff;
	v49 =	vmul.f32 $1.442695020e+00, v20;
	v29 =	vpop (erf);
	(erf) = vpow2.f32 v40  }
0x1e9: {  	v24 =	vld.idx.msk [tilespmem:v14+s21+$0x0], $0xffff;
	v50 =	vmul.f32 $1.442695020e+00, v21;
	v19 =	vpop (erf);
	(erf) = vpow2.f32 v15  }
0x1ea: {  	v51 =	vmul.f32 $1.442695020e+00, v39;
	v21 =	vpop (erf);
	(erf) = vpow2.f32 v49  }
0x1eb: {  	v52 =	vmul.f32 $1.442695020e+00, v22;
	v20 =	vpop (erf);
	(erf) = vpow2.f32 v50  }
0x1ec: {  	v16 =	vmul.f32 $1.442695020e+00, v41;
	v15 =	vor.u32 $0xD, v1;
	v18 =	vpop (erf);
	(erf) = vpow2.f32 v51  }
0x1ed: {  	v53 =	vmul.f32 $1.442695020e+00, v23;
	v35 =	vpop (erf);
	(erf) = vpow2.f32 v52  }
0x1ee: {  	v54 =	vmul.f32 $1.442695020e+00, v24;
	v28 =	vpop (erf);
	(erf) = vpow2.f32 v16  }
0x1ef: {  	v23 =	vpop (erf);
	(erf) = vpow2.f32 v53  }
0x1f0: {  	v16 =	vor.u32 $0xE, v1;
	v22 =	vpop (erf);
	(erf) = vpow2.f32 v54  }
0x1f1: {  	v17 =	vor.u32 $0xF, v1;
	v37 =	vld.idx.msk [tilespmem:v15+s21+$0x0], $0xffff;
	v39 =	vpop (erf)  }
0x1f2: {  	v32 =	vpop (erf)  }
0x1f3: {  	v24 =	vpop (erf)  }
0x1f4: {  	v25 =	vpop (erf)  }
0x1f5: {  	v41 =	vmul.f32 v39, v48;
	v49 =	vld.idx.msk [tilespmem:v16+s21+$0x0], $0xffff;
	v40 =	vpop (erf)  }
0x1f6: {  	v57 =	vld.idx.msk [tilespmem:v17+s21+$0x0], $0xffff;
	v38 =	vmul.f32 v35, v36;
	v37 =	vmul.f32 $1.442695020e+00, v37;
	v33 =	vpop (erf)  }
0x1f7: {  	v27 =	vpop (erf)  }
0x1f8: {  	v38 =	vadd.f32 v41, v38;
	(erf) = vpow2.f32 v37;
	v50 =	vmul.f32 v40, v42;
	v26 =	vpop (erf)  }
0x1f9: {  	v41 =	vpop (erf)  }
0x1fa: {  	v55 =	vadd.f32 v50, v38;
	v58 =	vmul.f32 $1.442695020e+00, v49;
	v56 =	vmul.f32 v41, v43  }
0x1fb: {  	v50 =	vmul.f32 $1.442695020e+00, v57  }
0x1fc: {  	v60 =	vmul.f32 v28, v36;
	(erf) = vpow2.f32 v58;
	v51 =	vadd.f32 v56, v55  }
0x1fd: {  	v61 =	vmul.f32 v32, v48;
	(erf) = vpow2.f32 v50  }
0x1fe: {  	v54 =	vmul.f32 v24, v48;
	v38 =	vand.u32 $0x7FFFFF, v51  }
0x1ff: {  	v37 =	vadd.f32 v61, v60;
	v53 =	vmul.f32 v33, v42;
	v59 =	vor.u32 $0x3F800000, v38  }
0x200: {  	v48 =	vmul.f32 v25, v48;
	v57 =	vmul.f32 v23, v36;
	v49 =	vadd.f32 $-1.000000000e+00, v59  }
0x201: {  	v36 =	vmul.f32 v22, v36;
	v37 =	vadd.f32 v53, v37;
	v61 =	vmul.f32 v26, v42;
	v38 =	vpop (erf)  }
0x202: {  	v52 =	vmul.f32 $3.010262550e-02, v49;
	v63 =	vmul.f32 v38, v43  }
0x203: {  	v53 =	vadd.f32 v54, v57;
	v58 =	vmul.f32 v27, v42;
	v36 =	vadd.f32 v48, v36  }
0x204: {  	v2 =	vxor.u32 $0x10, v2;
	v62 =	vadd.f32 $-1.301194130e-01, v52;
	v52 =	vadd.f32 v63, v37  }
0x205: {  	v53 =	vadd.f32 v58, v53;
	v36 =	vadd.f32 v61, v36;
	v51 =	vshra.s32 v51, $0x17;
	v37 =	vpop (erf)  }
0x206: {  	v59 =	vmul.f32 v37, v43;
	v42 =	vpop (erf);
	v50 =	vmul.f32 v62, v49;
	v55 =	vand.u32 $0x7FFFFF, v52  }
0x207: {  	v43 =	vmul.f32 v42, v43;
	v62 =	vadd.s32 $0xFFFFFF81, v51;
	v52 =	vshra.s32 v52, $0x17  }
0x208: {  	v55 =	vor.u32 $0x3F800000, v55;
	v53 =	vadd.f32 v59, v53;
	v58 =	vcvt.s32.f32 v62  }
0x209: {  	v52 =	vadd.s32 $0xFFFFFF81, v52;
	v50 =	vadd.f32 $2.833043340e-01, v50;
	v55 =	vadd.f32 $-1.000000000e+00, v55  }
0x20a: {  	v43 =	vadd.f32 v43, v36;
	v52 =	vcvt.s32.f32 v52;
	v56 =	vand.u32 $0x7FFFFF, v53  }
0x20b: {  	v36 =	vmul.f32 $6.931471820e-01, v58;
	v53 =	vshra.s32 v53, $0x17;
	v50 =	vmul.f32 v50, v49  }
0x20c: {  	v58 =	vmul.f32 v28, v44;
	v60 =	vmul.f32 $3.010262550e-02, v55;
	v56 =	vor.u32 $0x3F800000, v56  }
0x20d: {  	v62 =	vand.u32 $0x7FFFFF, v43;
	v53 =	vadd.s32 $0xFFFFFF81, v53;
	v50 =	vadd.f32 $-4.891568420e-01, v50  }
0x20e: {  	v52 =	vmul.f32 $6.931471820e-01, v52;
	v56 =	vadd.f32 $-1.000000000e+00, v56;
	v54 =	vadd.f32 $-1.301194130e-01, v60  }
0x20f: {  	v43 =	vshra.s32 v43, $0x17;
	v53 =	vcvt.s32.f32 v53;
	v50 =	vmul.f32 v50, v49  }
0x210: {  	v51 =	vor.u32 $0x3F800000, v62;
	v57 =	vmul.f32 $3.010262550e-02, v56;
	v63 =	vmul.f32 v54, v55  }
0x211: {  	v62 =	vmul.f32 v40, v46;
	v53 =	vmul.f32 $6.931471820e-01, v53;
	v50 =	vadd.f32 $9.990104430e-01, v50  }
0x212: {  	v61 =	vadd.f32 $-1.301194130e-01, v57;
	v57 =	vmul.f32 v39, v47;
	v60 =	vadd.f32 $2.833043340e-01, v63  }
0x213: {  	v51 =	vadd.f32 $-1.000000000e+00, v51;
	v63 =	vmul.f32 v35, v44;
	v59 =	vmul.f32 v50, v49  }
0x214: {  	v43 =	vadd.s32 $0xFFFFFF81, v43;
	v49 =	vmul.f32 v60, v55;
	v50 =	vmul.f32 v61, v56  }
0x215: {  	v61 =	vmul.f32 $3.010262550e-02, v51;
	v54 =	vadd.f32 v57, v63;
	v48 =	vadd.f32 $2.211703030e-05, v59  }
0x216: {  	v63 =	vmul.f32 v41, v45;
	v60 =	vadd.f32 $2.833043340e-01, v50;
	v49 =	vadd.f32 $-4.891568420e-01, v49  }
0x217: {  	v57 =	vcvt.s32.f32 v43;
	v50 =	vadd.f32 $-1.301194130e-01, v61;
	v54 =	vadd.f32 v62, v54  }
0x218: {  	v59 =	vmul.f32 v32, v47;
	v36 =	vadd.f32 v48, v36;
	v48 =	vmul.f32 v60, v56  }
0x219: {  	v2 =	vadd.s32 v1, v2;
	v49 =	vmul.f32 v49, v55;
	v50 =	vmul.f32 v50, v51  }
0x21a: {  	v62 =	vmul.f32 v23, v44;
	v54 =	vadd.f32 v63, v54;
	v48 =	vadd.f32 $-4.891568420e-01, v48  }
0x21b: {  	v44 =	vmul.f32 v22, v44;
	v49 =	vadd.f32 $9.990104430e-01, v49;
	v50 =	vadd.f32 $2.833043340e-01, v50  }
0x21c: {  	v63 =	vmul.f32 v24, v47;
	v60 =	vand.u32 $0x7FFFFF, v54;
	v48 =	vmul.f32 v48, v56  }
0x21d: {  	v49 =	vmul.f32 v49, v55;
	v50 =	vmul.f32 v50, v51;
	v55 =	vor.u32 $0x3F800000, v60  }
0x21e: {  	v58 =	vadd.f32 v59, v58;
	v47 =	vmul.f32 v25, v47;
	v55 =	vadd.f32 $-1.000000000e+00, v55  }
0x21f: {  	v60 =	vmul.f32 v33, v46;
	v48 =	vadd.f32 $9.990104430e-01, v48;
	v50 =	vadd.f32 $-4.891568420e-01, v50  }
0x220: {  	v44 =	vadd.f32 v47, v44;
	v49 =	vadd.f32 $2.211703030e-05, v49;
	v61 =	vmul.f32 $3.010262550e-02, v55  }
0x221: {  	v58 =	vadd.f32 v60, v58;
	v48 =	vmul.f32 v48, v56;
	v50 =	vmul.f32 v50, v51  }
0x222: {  	v43 =	vadd.f32 v49, v52;
	v49 =	vadd.f32 v63, v62;
	v62 =	vmul.f32 v38, v45  }
0x223: {  	v63 =	vmul.f32 v37, v45;
	v56 =	vadd.f32 $-1.301194130e-01, v61;
	v61 =	vmul.f32 v27, v46  }
0x224: {  	v45 =	vmul.f32 v42, v45;
	v46 =	vmul.f32 v26, v46;
	v50 =	vadd.f32 $9.990104430e-01, v50  }
0x225: {  	v52 =	vshra.s32 v54, $0x17;
	v56 =	vmul.f32 v56, v55;
	v49 =	vadd.f32 v61, v49  }
0x226: {  	v44 =	vadd.f32 v46, v44;
	v47 =	vmul.f32 v50, v51;
	v51 =	vadd.f32 v62, v58  }
0x227: {  	v52 =	vadd.s32 $0xFFFFFF81, v52;
	v46 =	vmul.f32 $6.931471820e-01, v57;
	v56 =	vadd.f32 $2.833043340e-01, v56  }
0x228: {  	v49 =	vadd.f32 v63, v49;
	v57 =	vadd.f32 v45, v44;
	v61 =	vand.u32 $0x7FFFFF, v51  }
0x229: {  	v47 =	vadd.f32 $2.211703030e-05, v47;
	v51 =	vshra.s32 v51, $0x17;
	v60 =	vmul.f32 v56, v55  }
0x22a: {  	v62 =	vand.u32 $0x7FFFFF, v49;
	v58 =	vor.u32 $0x3F800000, v61;
	v51 =	vadd.s32 $0xFFFFFF81, v51  }
0x22b: {  	v49 =	vshra.s32 v49, $0x17;
	v59 =	vor.u32 $0x3F800000, v62;
	v50 =	vadd.f32 $-4.891568420e-01, v60  }
0x22c: {  	v54 =	vadd.f32 $-1.000000000e+00, v58;
	v51 =	vcvt.s32.f32 v51;
	v49 =	vadd.s32 $0xFFFFFF81, v49  }
0x22d: {  	v60 =	vand.u32 $0x7FFFFF, v57;
	v49 =	vcvt.s32.f32 v49;
	v63 =	vmul.f32 v50, v55  }
0x22e: {  	v45 =	vor.u32 $0x3F800000, v60;
	v61 =	vmul.f32 $3.010262550e-02, v54;
	v50 =	vadd.f32 $-1.000000000e+00, v59  }
0x22f: {  	v51 =	vmul.f32 $6.931471820e-01, v51;
	v59 =	vadd.f32 $-1.000000000e+00, v45;
	v44 =	vadd.f32 $9.990104430e-01, v63  }
0x230: {  	v49 =	vmul.f32 $6.931471820e-01, v49;
	v62 =	vmul.f32 $3.010262550e-02, v50;
	v63 =	vadd.f32 $2.211703030e-05, v48  }
0x231: {  	v48 =	vcvt.s32.f32 v52;
	v52 =	vmul.f32 v44, v55;
	v55 =	vadd.f32 $-1.301194130e-01, v61  }
0x232: {  	v60 =	vadd.f32 $-1.301194130e-01, v62;
	v61 =	vmul.f32 $3.010262550e-02, v59;
	v62 =	vmul.f32 v35, v30  }
0x233: {  	v44 =	vadd.f32 v63, v53;
	v63 =	vmul.f32 v39, v34;
	v48 =	vmul.f32 $6.931471820e-01, v48  }
0x234: {  	v57 =	vshra.s32 v57, $0x17;
	v35 =	vmul.f32 v35, v19;
	v39 =	vmul.f32 v39, v21  }
0x235: {  	v55 =	vmul.f32 v55, v54;
	v56 =	vmul.f32 v60, v50;
	v58 =	vadd.f32 $-1.301194130e-01, v61  }
0x236: {  	v45 =	vadd.f32 v63, v62;
	v60 =	vmul.f32 v40, v31;
	v61 =	vmul.f32 v28, v30  }
0x237: {  	v62 =	vmul.f32 v32, v34;
	v63 =	vmul.f32 v33, v31;
	v35 =	vadd.f32 v39, v35  }
0x238: {  	v55 =	vadd.f32 $2.833043340e-01, v55;
	v56 =	vadd.f32 $2.833043340e-01, v56;
	v58 =	vmul.f32 v58, v59  }
0x239: {  	v53 =	vadd.f32 v60, v45;
	v60 =	vmul.f32 v41, v29;
	v45 =	vadd.f32 v47, v46  }
0x23a: {  	v46 =	vadd.f32 v62, v61;
	v55 =	vmul.f32 v55, v54;
	v56 =	vmul.f32 v56, v50  }
0x23b: {  	v28 =	vmul.f32 v28, v19;
	v53 =	vadd.f32 v60, v53;
	v58 =	vadd.f32 $2.833043340e-01, v58  }
0x23c: {  	v32 =	vmul.f32 v32, v21;
	v55 =	vadd.f32 $-4.891568420e-01, v55;
	v56 =	vadd.f32 $-4.891568420e-01, v56  }
0x23d: {  	v46 =	vadd.f32 v63, v46;
	v60 =	vmul.f32 v38, v29;
	v58 =	vmul.f32 v58, v59  }
0x23e: {  	v28 =	vadd.f32 v32, v28;
	v55 =	vmul.f32 v55, v54;
	v56 =	vmul.f32 v56, v50  }
0x23f: {  	v60 =	vadd.f32 v60, v46;
	v61 =	vand.u32 $0x7FFFFF, v53;
	v58 =	vadd.f32 $-4.891568420e-01, v58  }
0x240: {  	v46 =	vor.u32 $0x3F800000, v61;
	v62 =	vadd.f32 $9.990104430e-01, v55;
	v63 =	vadd.f32 $9.990104430e-01, v56  }
0x241: {  	v53 =	vshra.s32 v53, $0x17;
	v61 =	vmul.f32 v58, v59;
	v58 =	vadd.f32 $-1.000000000e+00, v46  }
0x242: {  	v46 =	vadd.f32 $2.211703030e-05, v52;
	v47 =	vmul.f32 v62, v54;
	v50 =	vmul.f32 v63, v50  }
0x243: {  	v52 =	vadd.f32 $9.990104430e-01, v61;
	v54 =	vmul.f32 $3.010262550e-02, v58;
	v62 =	vand.u32 $0x7FFFFF, v60  }
0x244: {  	v61 =	vor.u32 $0x3F800000, v62;
	v62 =	vmul.f32 v24, v34;
	v63 =	vadd.f32 $2.211703030e-05, v47  }
0x245: {  	v54 =	vadd.f32 $-1.301194130e-01, v54;
	v47 =	vadd.f32 v46, v48;
	v48 =	vmul.f32 v23, v30  }
0x246: {  	v34 =	vmul.f32 v25, v34;
	v55 =	vadd.f32 $-1.000000000e+00, v61;
	v46 =	vadd.f32 v63, v51  }
0x247: {  	v63 =	vmul.f32 v54, v58;
	v48 =	vadd.f32 v62, v48;
	v62 =	vmul.f32 v27, v31  }
0x248: {  	v53 =	vadd.s32 $0xFFFFFF81, v53;
	v24 =	vmul.f32 v24, v21;
	v61 =	vmul.f32 $3.010262550e-02, v55  }
0x249: {  	v51 =	vadd.f32 $2.833043340e-01, v63;
	v48 =	vadd.f32 v62, v48;
	v63 =	vmul.f32 v37, v29  }
0x24a: {  	v21 =	vmul.f32 v25, v21;
	v52 =	vmul.f32 v52, v59;
	v50 =	vadd.f32 $2.211703030e-05, v50  }
0x24b: {  	v59 =	vadd.s32 $0xFFFFFF81, v57;
	v54 =	vadd.f32 $-1.301194130e-01, v61;
	v56 =	vadd.f32 v63, v48  }
0x24c: {  	v30 =	vmul.f32 v22, v30;
	v23 =	vmul.f32 v23, v19;
	v52 =	vadd.f32 $2.211703030e-05, v52  }
0x24d: {  	v49 =	vadd.f32 v50, v49;
	v54 =	vmul.f32 v54, v55;
	v61 =	vand.u32 $0x7FFFFF, v56  }
0x24e: {  	v34 =	vadd.f32 v34, v30;
	v51 =	vmul.f32 v51, v58;
	v57 =	vor.u32 $0x3F800000, v61  }
0x24f: {  	v19 =	vmul.f32 v22, v19;
	v54 =	vadd.f32 $2.833043340e-01, v54;
	v57 =	vadd.f32 $-1.000000000e+00, v57  }
0x250: {  	v31 =	vmul.f32 v26, v31;
	v62 =	vcvt.s32.f32 v53;
	v51 =	vadd.f32 $-4.891568420e-01, v51  }
0x251: {  	v23 =	vadd.f32 v24, v23;
	v54 =	vmul.f32 v54, v55;
	v63 =	vmul.f32 $3.010262550e-02, v57  }
0x252: {  	v31 =	vadd.f32 v31, v34;
	v48 =	vcvt.s32.f32 v59;
	v51 =	vmul.f32 v51, v58  }
0x253: {  	v29 =	vmul.f32 v42, v29;
	v54 =	vadd.f32 $-4.891568420e-01, v54;
	v53 =	vadd.f32 $-1.301194130e-01, v63  }
0x254: {  	v50 =	vmul.f32 $6.931471820e-01, v62;
	v48 =	vmul.f32 $6.931471820e-01, v48;
	v51 =	vadd.f32 $9.990104430e-01, v51  }
0x255: {  	v29 =	vadd.f32 v29, v31;
	v59 =	vmul.f32 v54, v55;
	v53 =	vmul.f32 v53, v57  }
0x256: {  	v61 =	vshra.s32 v60, $0x17;
	v48 =	vadd.f32 v52, v48;
	v51 =	vmul.f32 v51, v58  }
0x257: {  	v54 =	vadd.s32 $0xFFFFFF81, v61;
	v52 =	vadd.f32 $9.990104430e-01, v59;
	v63 =	vadd.f32 $2.833043340e-01, v53  }
0x258: {  	v34 =	vcvt.s32.f32 v54;
	v51 =	vadd.f32 $2.211703030e-05, v51;
	v59 =	vmul.f32 v40, v20  }
0x259: {  	v19 =	vadd.f32 v21, v19;
	v62 =	vmul.f32 v52, v55;
	v55 =	vmul.f32 v63, v57  }
0x25a: {  	v61 =	vand.u32 $0x7FFFFF, v29;
	v34 =	vmul.f32 $6.931471820e-01, v34;
	v30 =	vadd.f32 v51, v50  }
0x25b: {  	v50 =	vor.u32 $0x3F800000, v61;
	v35 =	vadd.f32 v59, v35;
	v60 =	vadd.f32 $-4.891568420e-01, v55  }
0x25c: {  	v50 =	vadd.f32 $-1.000000000e+00, v50;
	v58 =	vadd.f32 $2.211703030e-05, v62;
	v62 =	vmul.f32 v41, v18  }
0x25d: {  	v63 =	vshra.s32 v56, $0x17;
	v56 =	vmul.f32 v33, v20;
	v40 =	vmul.f32 v60, v57  }
0x25e: {  	v52 =	vadd.s32 $0xFFFFFF81, v63;
	v54 =	vmul.f32 $3.010262550e-02, v50;
	v35 =	vadd.f32 v62, v35  }
0x25f: {  	v31 =	vadd.f32 v58, v34;
	v34 =	vcvt.s32.f32 v52;
	v53 =	vadd.f32 $9.990104430e-01, v40  }
0x260: {  	v28 =	vadd.f32 v56, v28;
	v62 =	vmul.f32 v27, v20;
	v55 =	vand.u32 $0x7FFFFF, v35  }
0x261: {  	v60 =	vmul.f32 v38, v18;
	v41 =	vor.u32 $0x3F800000, v55;
	v39 =	vmul.f32 v53, v57  }
0x262: {  	v20 =	vmul.f32 v26, v20;
	v23 =	vadd.f32 v62, v23;
	v41 =	vadd.f32 $-1.000000000e+00, v41  }
0x263: {  	v34 =	vmul.f32 $6.931471820e-01, v34;
	v28 =	vadd.f32 v60, v28;
	v57 =	vadd.f32 $2.211703030e-05, v39  }
0x264: {  	v19 =	vadd.f32 v20, v19;
	v38 =	vshra.s32 v29, $0x17;
	v59 =	vmul.f32 $3.010262550e-02, v41  }
0x265: {  	v63 =	vand.u32 $0x7FFFFF, v28;
	v33 =	vadd.f32 v57, v34;
	v34 =	vmul.f32 v37, v18  }
0x266: {  	v32 =	vor.u32 $0x3F800000, v63;
	v61 =	vadd.f32 $-1.301194130e-01, v59;
	v18 =	vmul.f32 v42, v18  }
0x267: {  	v24 =	vadd.s32 $0xFFFFFF81, v38;
	v21 =	vadd.f32 $-1.000000000e+00, v32;
	v23 =	vadd.f32 v34, v23  }
0x268: {  	v40 =	vadd.f32 $-1.301194130e-01, v54;
	v22 =	vmul.f32 v61, v41;
	v18 =	vadd.f32 v18, v19  }
0x269: {  	v24 =	vcvt.s32.f32 v24;
	v39 =	vmul.f32 $3.010262550e-02, v21;
	v51 =	vand.u32 $0x7FFFFF, v23  }
0x26a: {  	v42 =	vadd.f32 $2.833043340e-01, v22;
	v52 =	vand.u32 $0x7FFFFF, v18;
	v22 =	vor.u32 $0x3F800000, v51  }
0x26b: {  	v58 =	vmul.f32 v40, v50;
	v26 =	vor.u32 $0x3F800000, v52;
	v22 =	vadd.f32 $-1.000000000e+00, v22  }
0x26c: {  	v55 =	vshra.s32 v35, $0x17;
	v25 =	vadd.f32 $-1.301194130e-01, v39;
	v26 =	vadd.f32 $-1.000000000e+00, v26  }
0x26d: {  	v24 =	vmul.f32 $6.931471820e-01, v24;
	v37 =	vadd.f32 $2.833043340e-01, v58;
	v53 =	vmul.f32 $3.010262550e-02, v22  }
0x26e: {  	v28 =	vshra.s32 v28, $0x17;
	v25 =	vmul.f32 v25, v21;
	v54 =	vmul.f32 $3.010262550e-02, v26  }
0x26f: {  	v32 =	vadd.s32 $0xFFFFFF81, v55;
	v40 =	vmul.f32 v37, v50;
	v27 =	vadd.f32 $-1.301194130e-01, v53  }
0x270: {  	v20 =	vmul.f32 v42, v41;
	v25 =	vadd.f32 $2.833043340e-01, v25;
	v29 =	vadd.f32 $-1.301194130e-01, v54  }
0x271: {  	v59 =	vadd.s32 $0xFFFFFF81, v28;
	v19 =	vadd.f32 $-4.891568420e-01, v40;
	v27 =	vmul.f32 v27, v22  }
0x272: {  	[tilespmem:v1+s26+$0x0] =	vst.idx.msk $0xffff, v36;
	v20 =	vadd.f32 $-4.891568420e-01, v20;
	v25 =	vmul.f32 v25, v21;
	v29 =	vmul.f32 v29, v26  }
0x273: {  	[tilespmem:v3+s26+$0x0] =	vst.idx.msk $0xffff, v43;
	v32 =	vcvt.s32.f32 v32;
	v19 =	vmul.f32 v19, v50;
	v27 =	vadd.f32 $2.833043340e-01, v27  }
0x274: {  	[tilespmem:v4+s26+$0x0] =	vst.idx.msk $0xffff, v44;
	v20 =	vmul.f32 v20, v41;
	v25 =	vadd.f32 $-4.891568420e-01, v25;
	v29 =	vadd.f32 $2.833043340e-01, v29  }
0x275: {  	[tilespmem:v5+s26+$0x0] =	vst.idx.msk $0xffff, v45;
	v5 =	vcvt.s32.f32 v59;
	v19 =	vadd.f32 $9.990104430e-01, v19;
	v27 =	vmul.f32 v27, v22  }
0x276: {  	v20 =	vadd.f32 $9.990104430e-01, v20;
	v25 =	vmul.f32 v25, v21;
	v57 =	vmul.f32 v29, v26  }
0x277: {  	v58 =	vmul.f32 $6.931471820e-01, v32;
	v19 =	vmul.f32 v19, v50;
	v27 =	vadd.f32 $-4.891568420e-01, v27  }
0x278: {  	v20 =	vmul.f32 v20, v41;
	v56 =	vadd.f32 $9.990104430e-01, v25;
	v60 =	vadd.f32 $-4.891568420e-01, v57  }
0x279: {  	[tilespmem:v6+s26+$0x0] =	vst.idx.msk $0xffff, v47;
	v5 =	vmul.f32 $6.931471820e-01, v5;
	v19 =	vadd.f32 $2.211703030e-05, v19;
	v62 =	vmul.f32 v27, v22  }
0x27a: {  	[tilespmem:v7+s26+$0x0] =	vst.idx.msk $0xffff, v46;
	v3 =	vadd.f32 $2.211703030e-05, v20;
	v20 =	vmul.f32 v56, v21;
	v21 =	vmul.f32 v60, v26  }
0x27b: {  	[tilespmem:v8+s26+$0x0] =	vst.idx.msk $0xffff, v49;
	v23 =	vshra.s32 v23, $0x17;
	v61 =	vadd.f32 v19, v24;
	v19 =	vadd.f32 $9.990104430e-01, v62  }
0x27c: {  	[tilespmem:v9+s26+$0x0] =	vst.idx.msk $0xffff, v48;
	v8 =	vadd.s32 $0xFFFFFF81, v23;
	v24 =	vshra.s32 v18, $0x17;
	v7 =	vadd.f32 $9.990104430e-01, v21  }
0x27d: {  	[tilespmem:v10+s26+$0x0] =	vst.idx.msk $0xffff, v30;
	v8 =	vcvt.s32.f32 v8;
	v9 =	vadd.s32 $0xFFFFFF81, v24;
	v25 =	vmul.f32 v19, v22  }
0x27e: {  	[tilespmem:v11+s26+$0x0] =	vst.idx.msk $0xffff, v31;
	v63 =	vadd.f32 $2.211703030e-05, v20;
	v27 =	vcvt.s32.f32 v9;
	v7 =	vmul.f32 v7, v26  }
0x27f: {  	[tilespmem:v12+s26+$0x0] =	vst.idx.msk $0xffff, v33;
	v8 =	vmul.f32 $6.931471820e-01, v8;
	v3 =	vadd.f32 v3, v58;
	v28 =	vadd.f32 $2.211703030e-05, v25  }
0x280: {  	[tilespmem:v13+s26+$0x0] =	vst.idx.msk $0xffff, v61;
	v4 =	vadd.f32 v63, v5;
	v5 =	vmul.f32 $6.931471820e-01, v27;
	v29 =	vadd.f32 $2.211703030e-05, v7  }
0x281: {  	v30 =	vor.u32 $0x1, v2;
	[tilespmem:v14+s26+$0x0] =	vst.idx.msk $0xffff, v3;
	v3 =	vadd.f32 v28, v8  }
0x282: {  	v32 =	vor.u32 $0x2, v2;
	[tilespmem:v15+s26+$0x0] =	vst.idx.msk $0xffff, v4;
	v31 =	vadd.f32 v29, v5  }
0x283: {  	[tilespmem:v16+s26+$0x0] =	vst.idx.msk $0xffff, v3;
	v3 =	vor.u32 $0x3, v2  }
0x284: {  	v33 =	vor.u32 $0x4, v2;
	[tilespmem:v17+s26+$0x0] =	vst.idx.msk $0xffff, v31  }
0x285: {  	v35 =	vor.u32 $0x5, v2;
	v34 =	vld.idx.msk [tilespmem:v2+s20+$0x0], $0xffff  }
0x286: {  	v36 =	vor.u32 $0x6, v2;
	v7 =	vld.idx.msk [tilespmem:v30+s20+$0x0], $0xffff  }
0x287: {  	v37 =	vor.u32 $0x7, v2;
	v5 =	vld.idx.msk [tilespmem:v32+s20+$0x0], $0xffff  }
0x288: {  	v38 =	vor.u32 $0x8, v2;
	v3 =	vld.idx.msk [tilespmem:v3+s20+$0x0], $0xffff  }
0x289: {  	v39 =	vor.u32 $0x9, v2;
	v4 =	vld.idx.msk [tilespmem:v33+s20+$0x0], $0xffff  }
0x28a: {  	v40 =	vor.u32 $0xA, v2;
	v8 =	vld.idx.msk [tilespmem:v35+s20+$0x0], $0xffff;
	v6 =	vmul.f32 $1.442695020e+00, v34  }
0x28b: {  	v41 =	vor.u32 $0xB, v2;
	v9 =	vld.idx.msk [tilespmem:v36+s20+$0x0], $0xffff;
	v7 =	vmul.f32 $1.442695020e+00, v7  }
0x28c: {  	v43 =	vor.u32 $0xC, v2;
	v42 =	vld.idx.msk [tilespmem:v37+s20+$0x0], $0xffff;
	v5 =	vmul.f32 $1.442695020e+00, v5;
	(erf) = vpow2.f32 v6  }
0x28d: {  	v45 =	vor.u32 $0xD, v2;
	v44 =	vld.idx.msk [tilespmem:v38+s20+$0x0], $0xffff;
	(erf) = vpow2.f32 v7;
	v3 =	vmul.f32 $1.442695020e+00, v3  }
0x28e: {  	v47 =	vor.u32 $0xE, v2;
	v46 =	vld.idx.msk [tilespmem:v39+s20+$0x0], $0xffff;
	v4 =	vmul.f32 $1.442695020e+00, v4;
	(erf) = vpow2.f32 v5  }
0x28f: {  	v49 =	vor.u32 $0xF, v2;
	v48 =	vld.idx.msk [tilespmem:v40+s20+$0x0], $0xffff;
	(erf) = vpow2.f32 v3;
	v3 =	vmul.f32 $1.442695020e+00, v8  }
0x290: {  	v2 =	vor.u32 $0x10, v1;
	v51 =	vld.idx.msk [tilespmem:v41+s20+$0x0], $0xffff;
	v50 =	vmul.f32 $1.442695020e+00, v9;
	(erf) = vpow2.f32 v4  }
0x291: {  	v10 =	vld.idx.msk [tilespmem:v43+s20+$0x0], $0xffff;
	v6 =	vmul.f32 $1.442695020e+00, v42;
	(erf) = vpow2.f32 v3;
	v3 =	vor.u32 $0x11, v1  }
0x292: {  	v11 =	vld.idx.msk [tilespmem:v45+s20+$0x0], $0xffff;
	v7 =	vmul.f32 $1.442695020e+00, v44;
	v4 =	vor.u32 $0x12, v1;
	(erf) = vpow2.f32 v50  }
0x293: {  	v12 =	vld.idx.msk [tilespmem:v47+s20+$0x0], $0xffff;
	v52 =	vmul.f32 $1.442695020e+00, v46;
	v5 =	vor.u32 $0x13, v1;
	(erf) = vpow2.f32 v6  }
0x294: {  	v13 =	vld.idx.msk [tilespmem:v49+s20+$0x0], $0xffff;
	v8 =	vmul.f32 $1.442695020e+00, v48;
	v6 =	vor.u32 $0x14, v1;
	(erf) = vpow2.f32 v7  }
0x295: {  	v9 =	vmul.f32 $1.442695020e+00, v51;
	v53 =	vld.idx.msk [tilespmem:v2+s21+$0x0], $0xffff;
	v7 =	vor.u32 $0x15, v1;
	v36 =	vpop (erf);
	(erf) = vpow2.f32 v52  }
0x296: {  	v10 =	vmul.f32 $1.442695020e+00, v10;
	v43 =	vpop (erf);
	(erf) = vpow2.f32 v8;
	v15 =	vld.idx.msk [tilespmem:v3+s21+$0x0], $0xffff;
	v8 =	vor.u32 $0x16, v1  }
0x297: {  	v11 =	vmul.f32 $1.442695020e+00, v11;
	v16 =	vld.idx.msk [tilespmem:v4+s21+$0x0], $0xffff;
	v41 =	vpop (erf);
	(erf) = vpow2.f32 v9;
	v9 =	vor.u32 $0x17, v1  }
0x298: {  	v12 =	vmul.f32 $1.442695020e+00, v12;
	v17 =	vld.idx.msk [tilespmem:v5+s21+$0x0], $0xffff;
	v42 =	vpop (erf);
	(erf) = vpow2.f32 v10;
	v10 =	vor.u32 $0x18, v1  }
0x299: {  	v13 =	vmul.f32 $1.442695020e+00, v13;
	v54 =	vld.idx.msk [tilespmem:v6+s21+$0x0], $0xffff;
	v44 =	vpop (erf);
	(erf) = vpow2.f32 v11;
	v11 =	vor.u32 $0x19, v1  }
0x29a: {  	v14 =	vmul.f32 $1.442695020e+00, v53;
	v55 =	vld.idx.msk [tilespmem:v7+s21+$0x0], $0xffff;
	v47 =	vpop (erf);
	(erf) = vpow2.f32 v12;
	v12 =	vor.u32 $0x1A, v1  }
0x29b: {  	v46 =	vpop (erf);
	(erf) = vpow2.f32 v13;
	v15 =	vmul.f32 $1.442695020e+00, v15;
	v56 =	vld.idx.msk [tilespmem:v8+s21+$0x0], $0xffff;
	v13 =	vor.u32 $0x1B, v1  }
0x29c: {  	v16 =	vmul.f32 $1.442695020e+00, v16;
	v45 =	vpop (erf);
	(erf) = vpow2.f32 v14;
	v57 =	vld.idx.msk [tilespmem:v9+s21+$0x0], $0xffff;
	v14 =	vor.u32 $0x1C, v1  }
0x29d: {  	v58 =	vmul.f32 $1.442695020e+00, v17;
	v35 =	vpop (erf);
	(erf) = vpow2.f32 v15;
	v59 =	vld.idx.msk [tilespmem:v10+s21+$0x0], $0xffff  }
0x29e: {  	v60 =	vmul.f32 $1.442695020e+00, v54;
	v38 =	vpop (erf);
	(erf) = vpow2.f32 v16;
	v61 =	vld.idx.msk [tilespmem:v11+s21+$0x0], $0xffff  }
0x29f: {  	v62 =	vmul.f32 $1.442695020e+00, v55;
	v34 =	vpop (erf);
	(erf) = vpow2.f32 v58;
	v63 =	vld.idx.msk [tilespmem:v12+s21+$0x0], $0xffff  }
0x2a0: {  	v30 =	vpop (erf);
	(erf) = vpow2.f32 v60;
	v29 =	vmul.f32 $1.442695020e+00, v56;
	v31 =	vld.idx.msk [tilespmem:v13+s21+$0x0], $0xffff  }
0x2a1: {  	v18 =	vpop (erf);
	(erf) = vpow2.f32 v62;
	v32 =	vmul.f32 $1.442695020e+00, v57;
	v33 =	vld.idx.msk [tilespmem:v14+s21+$0x0], $0xffff  }
0x2a2: {  	v20 =	vpop (erf);
	(erf) = vpow2.f32 v29;
	v40 =	vmul.f32 $1.442695020e+00, v59  }
0x2a3: {  	v19 =	vpop (erf);
	(erf) = vpow2.f32 v32;
	v48 =	vmul.f32 $1.442695020e+00, v61  }
0x2a4: {  	v15 =	vor.u32 $0x1D, v1;
	v17 =	vpop (erf);
	(erf) = vpow2.f32 v40;
	v49 =	vmul.f32 $1.442695020e+00, v63  }
0x2a5: {  	v37 =	vpop (erf);
	(erf) = vpow2.f32 v48;
	v50 =	vmul.f32 $1.442695020e+00, v31  }
0x2a6: {  	v24 =	vpop (erf);
	(erf) = vpow2.f32 v49;
	v51 =	vmul.f32 $1.442695020e+00, v33  }
0x2a7: {  	v16 =	vor.u32 $0x1E, v1;
	v22 =	vpop (erf);
	(erf) = vpow2.f32 v50  }
0x2a8: {  	v21 =	vpop (erf);
	(erf) = vpow2.f32 v51  }
0x2a9: {  	v52 =	vld.idx.msk [tilespmem:v15+s21+$0x0], $0xffff;
	v40 =	vpop (erf)  }
0x2aa: {  	v28 =	vpop (erf)  }
0x2ab: {  	v25 =	vpop (erf)  }
0x2ac: {  	v48 =	vld.idx.msk [tilespmem:v16+s21+$0x0], $0xffff;
	v23 =	vpop (erf)  }
0x2ad: {  	v53 =	vmul.f32 v37, v36;
	v39 =	vpop (erf)  }
0x2ae: {  	v55 =	vmul.f32 $1.442695020e+00, v52;
	v54 =	vmul.f32 v40, v43;
	v29 =	vpop (erf)  }
0x2af: {  	v26 =	vpop (erf)  }
0x2b0: {  	v31 =	vadd.f32 v54, v53;
	v56 =	vmul.f32 v39, v41;
	v27 =	vpop (erf);
	(erf) = vpow2.f32 v55  }
0x2b1: {  	v48 =	vmul.f32 $1.442695020e+00, v48;
	v32 =	vpop (erf)  }
0x2b2: {  	v1 =	vor.u32 $0x1F, v1;
	v31 =	vadd.f32 v56, v31;
	v57 =	vmul.f32 v32, v42  }
0x2b3: {  	(erf) = vpow2.f32 v48  }
0x2b4: {  	v58 =	vmul.f32 v24, v36;
	v59 =	vmul.f32 v28, v43;
	v49 =	vadd.f32 v57, v31;
	_ =	sdelay $0x1  }
0x2b5: {  	v60 =	vadd.f32 v59, v58;
	v61 =	vmul.f32 v29, v41;
	v31 =	vand.u32 $0x7FFFFF, v49  }
0x2b6: {  	v63 =	vld.idx.msk [tilespmem:v1+s21+$0x0], $0xffff;
	v31 =	vor.u32 $0x3F800000, v31  }
0x2b7: {  	v50 =	vadd.f32 $-1.000000000e+00, v31;
	v31 =	vadd.f32 v61, v60  }
0x2b8: {  	v58 =	vmul.f32 v25, v43;
	v57 =	vmul.f32 v22, v36;
	v33 =	vpop (erf)  }
0x2b9: {  	v56 =	vmul.f32 v33, v42  }
0x2ba: {  	v53 =	vadd.f32 v58, v57;
	v60 =	vmul.f32 v26, v41;
	v62 =	vmul.f32 $3.010262550e-02, v50  }
0x2bb: {  	v52 =	vmul.f32 $1.442695020e+00, v63;
	v48 =	vadd.f32 v56, v31;
	v31 =	vpop (erf)  }
0x2bc: {  	v53 =	vadd.f32 v60, v53;
	v51 =	vadd.f32 $-1.301194130e-01, v62;
	v61 =	vmul.f32 v31, v42  }
0x2bd: {  	(erf) = vpow2.f32 v52;
	v59 =	vand.u32 $0x7FFFFF, v48  }
0x2be: {  	v51 =	vmul.f32 v51, v50;
	v54 =	vor.u32 $0x3F800000, v59;
	v53 =	vadd.f32 v61, v53  }
0x2bf: {  	v54 =	vadd.f32 $-1.000000000e+00, v54  }
0x2c0: {  	v43 =	vmul.f32 v23, v43;
	v51 =	vadd.f32 $2.833043340e-01, v51;
	v55 =	vand.u32 $0x7FFFFF, v53  }
0x2c1: {  	v36 =	vmul.f32 v21, v36;
	v62 =	vmul.f32 $3.010262550e-02, v54;
	v55 =	vor.u32 $0x3F800000, v55  }
0x2c2: {  	v49 =	vshra.s32 v49, $0x17;
	v51 =	vmul.f32 v51, v50;
	v55 =	vadd.f32 $-1.000000000e+00, v55  }
0x2c3: {  	v36 =	vadd.f32 v43, v36;
	v58 =	vmul.f32 v27, v41;
	v52 =	vadd.f32 $-1.301194130e-01, v62  }
0x2c4: {  	v49 =	vadd.s32 $0xFFFFFF81, v49;
	v51 =	vadd.f32 $-4.891568420e-01, v51;
	v63 =	vmul.f32 $3.010262550e-02, v55  }
0x2c5: {  	v49 =	vcvt.s32.f32 v49;
	v52 =	vmul.f32 v52, v54  }
0x2c6: {  	v36 =	vadd.f32 v58, v36;
	v41 =	vpop (erf);
	v51 =	vmul.f32 v51, v50;
	v60 =	vadd.f32 $-1.301194130e-01, v63  }
0x2c7: {  	v43 =	vmul.f32 $6.931471820e-01, v49;
	v42 =	vmul.f32 v41, v42;
	v52 =	vadd.f32 $2.833043340e-01, v52  }
0x2c8: {  	v63 =	vmul.f32 v37, v44;
	v51 =	vadd.f32 $9.990104430e-01, v51;
	v62 =	vmul.f32 v60, v55  }
0x2c9: {  	v48 =	vshra.s32 v48, $0x17;
	v60 =	vmul.f32 v40, v47;
	v59 =	vmul.f32 v52, v54  }
0x2ca: {  	v50 =	vmul.f32 v51, v50;
	v52 =	vadd.f32 v42, v36;
	v51 =	vadd.f32 $2.833043340e-01, v62  }
0x2cb: {  	v36 =	vadd.f32 v60, v63;
	v62 =	vmul.f32 v39, v46;
	v61 =	vadd.f32 $-4.891568420e-01, v59  }
0x2cc: {  	v63 =	vmul.f32 v32, v45;
	v50 =	vadd.f32 $2.211703030e-05, v50;
	v51 =	vmul.f32 v51, v55  }
0x2cd: {  	v42 =	vadd.f32 v62, v36;
	v49 =	vmul.f32 v61, v54;
	v61 =	vand.u32 $0x7FFFFF, v52  }
0x2ce: {  	v59 =	vadd.s32 $0xFFFFFF81, v48;
	v56 =	vor.u32 $0x3F800000, v61;
	v61 =	vadd.f32 $-4.891568420e-01, v51  }
0x2cf: {  	v51 =	vadd.f32 v63, v42;
	v42 =	vcvt.s32.f32 v59;
	v63 =	vshra.s32 v53, $0x17  }
0x2d0: {  	v49 =	vadd.f32 $9.990104430e-01, v49;
	v56 =	vadd.f32 $-1.000000000e+00, v56;
	v48 =	vadd.s32 $0xFFFFFF81, v63  }
0x2d1: {  	v36 =	vadd.f32 v50, v43;
	v48 =	vcvt.s32.f32 v48;
	v42 =	vmul.f32 $6.931471820e-01, v42  }
0x2d2: {  	v59 =	vand.u32 $0x7FFFFF, v51;
	v60 =	vmul.f32 v49, v54;
	v62 =	vmul.f32 $3.010262550e-02, v56  }
0x2d3: {  	v49 =	vmul.f32 v61, v55;
	v53 =	vor.u32 $0x3F800000, v59;
	v61 =	vmul.f32 v28, v47  }
0x2d4: {  	v53 =	vadd.f32 $-1.000000000e+00, v53;
	v48 =	vmul.f32 $6.931471820e-01, v48;
	v43 =	vadd.f32 $2.211703030e-05, v60  }
0x2d5: {  	v50 =	vadd.f32 $-1.301194130e-01, v62;
	v60 =	vmul.f32 v24, v44;
	v49 =	vadd.f32 $9.990104430e-01, v49  }
0x2d6: {  	v51 =	vshra.s32 v51, $0x17;
	v62 =	vmul.f32 v29, v46;
	v63 =	vmul.f32 $3.010262550e-02, v53  }
0x2d7: {  	v50 =	vmul.f32 v50, v56;
	v54 =	vadd.f32 v61, v60;
	v49 =	vmul.f32 v49, v55  }
0x2d8: {  	v60 =	vmul.f32 v33, v45;
	v43 =	vadd.f32 v43, v42;
	v61 =	vadd.f32 $-1.301194130e-01, v63  }
0x2d9: {  	v63 =	vshra.s32 v52, $0x17;
	v50 =	vadd.f32 $2.833043340e-01, v50;
	v54 =	vadd.f32 v62, v54  }
0x2da: {  	v49 =	vadd.f32 $2.211703030e-05, v49;
	v62 =	vmul.f32 v61, v53;
	v61 =	vmul.f32 v22, v44  }
0x2db: {  	v44 =	vmul.f32 v21, v44;
	v50 =	vmul.f32 v50, v56;
	v54 =	vadd.f32 v60, v54  }
0x2dc: {  	v42 =	vadd.f32 v49, v48;
	v48 =	vadd.s32 $0xFFFFFF81, v63;
	v60 =	vadd.f32 $2.833043340e-01, v62  }
0x2dd: {  	v62 =	vmul.f32 v25, v47;
	v48 =	vcvt.s32.f32 v48;
	v59 =	vand.u32 $0x7FFFFF, v54  }
0x2de: {  	v47 =	vmul.f32 v23, v47;
	v50 =	vadd.f32 $-4.891568420e-01, v50;
	v49 =	vor.u32 $0x3F800000, v59  }
0x2df: {  	v52 =	vmul.f32 v60, v53;
	v55 =	vadd.f32 v62, v61;
	v60 =	vmul.f32 v26, v46  }
0x2e0: {  	v62 =	vmul.f32 v31, v45;
	v44 =	vadd.f32 v47, v44;
	v49 =	vadd.f32 $-1.000000000e+00, v49  }
0x2e1: {  	v46 =	vmul.f32 v27, v46;
	v50 =	vmul.f32 v50, v56;
	v52 =	vadd.f32 $-4.891568420e-01, v52  }
0x2e2: {  	v45 =	vmul.f32 v41, v45;
	v55 =	vadd.f32 v60, v55;
	v63 =	vmul.f32 $3.010262550e-02, v49  }
0x2e3: {  	v44 =	vadd.f32 v46, v44;
	v50 =	vadd.f32 $9.990104430e-01, v50;
	v52 =	vmul.f32 v52, v53  }
0x2e4: {  	v59 =	vshra.s32 v54, $0x17;
	v55 =	vadd.f32 v62, v55;
	v61 =	vadd.f32 $-1.301194130e-01, v63  }
0x2e5: {  	v62 =	vadd.s32 $0xFFFFFF81, v51;
	v50 =	vmul.f32 v50, v56;
	v47 =	vadd.f32 $9.990104430e-01, v52  }
0x2e6: {  	v60 =	vand.u32 $0x7FFFFF, v55;
	v55 =	vshra.s32 v55, $0x17;
	v56 =	vmul.f32 v61, v49  }
0x2e7: {  	v50 =	vadd.f32 $2.211703030e-05, v50;
	v61 =	vmul.f32 $6.931471820e-01, v48;
	v55 =	vadd.s32 $0xFFFFFF81, v55  }
0x2e8: {  	v47 =	vmul.f32 v47, v53;
	v53 =	vadd.f32 v45, v44;
	v63 =	vadd.f32 $2.833043340e-01, v56  }
0x2e9: {  	v56 =	vor.u32 $0x3F800000, v60;
	v44 =	vadd.f32 v50, v61;
	v60 =	vadd.s32 $0xFFFFFF81, v59  }
0x2ea: {  	v51 =	vadd.f32 $-1.000000000e+00, v56;
	v47 =	vadd.f32 $2.211703030e-05, v47;
	v58 =	vand.u32 $0x7FFFFF, v53  }
0x2eb: {  	v53 =	vshra.s32 v53, $0x17;
	v52 =	vmul.f32 v63, v49;
	v63 =	vcvt.s32.f32 v62  }
0x2ec: {  	v50 =	vor.u32 $0x3F800000, v58;
	v62 =	vmul.f32 v37, v35;
	v58 =	vmul.f32 v26, v34  }
0x2ed: {  	v37 =	vmul.f32 v37, v18;
	v56 =	vmul.f32 $3.010262550e-02, v51;
	v50 =	vadd.f32 $-1.000000000e+00, v50  }
0x2ee: {  	v57 =	vadd.f32 $-4.891568420e-01, v52;
	v45 =	vmul.f32 $6.931471820e-01, v63;
	v63 =	vmul.f32 v40, v38  }
0x2ef: {  	v40 =	vmul.f32 v40, v20;
	v46 =	vadd.f32 $-1.301194130e-01, v56;
	v61 =	vmul.f32 $3.010262550e-02, v50  }
0x2f0: {  	v48 =	vmul.f32 v57, v49;
	v45 =	vadd.f32 v47, v45;
	v47 =	vcvt.s32.f32 v60  }
0x2f1: {  	v37 =	vadd.f32 v40, v37;
	v46 =	vmul.f32 v46, v51;
	v60 =	vadd.f32 $-1.301194130e-01, v61  }
0x2f2: {  	v61 =	vadd.f32 v63, v62;
	v62 =	vmul.f32 v39, v34;
	v63 =	vmul.f32 v32, v30  }
0x2f3: {  	v39 =	vmul.f32 v39, v19;
	v32 =	vmul.f32 v32, v17;
	v48 =	vadd.f32 $9.990104430e-01, v48  }
0x2f4: {  	v47 =	vmul.f32 $6.931471820e-01, v47;
	v52 =	vadd.f32 v62, v61;
	v61 =	vmul.f32 v28, v38  }
0x2f5: {  	v46 =	vadd.f32 $2.833043340e-01, v46;
	v62 =	vmul.f32 v29, v34;
	v28 =	vmul.f32 v28, v20  }
0x2f6: {  	v37 =	vadd.f32 v39, v37;
	v48 =	vmul.f32 v48, v49;
	v49 =	vmul.f32 v60, v50  }
0x2f7: {  	v53 =	vadd.s32 $0xFFFFFF81, v53;
	v60 =	vmul.f32 v24, v35;
	v24 =	vmul.f32 v24, v18  }
0x2f8: {  	v46 =	vmul.f32 v46, v51;
	v52 =	vadd.f32 v63, v52;
	v32 =	vadd.f32 v32, v37  }
0x2f9: {  	v48 =	vadd.f32 $2.211703030e-05, v48;
	v54 =	vadd.f32 v61, v60;
	v60 =	vmul.f32 v33, v30  }
0x2fa: {  	v49 =	vadd.f32 $2.833043340e-01, v49;
	v61 =	vmul.f32 v22, v35;
	v35 =	vmul.f32 v21, v35  }
0x2fb: {  	v24 =	vadd.f32 v28, v24;
	v22 =	vmul.f32 v22, v18;
	v18 =	vmul.f32 v21, v18  }
0x2fc: {  	v46 =	vadd.f32 $-4.891568420e-01, v46;
	v63 =	vand.u32 $0x7FFFFF, v52;
	v49 =	vmul.f32 v49, v50  }
0x2fd: {  	v54 =	vadd.f32 v62, v54;
	v62 =	vmul.f32 v25, v38;
	v38 =	vmul.f32 v23, v38  }
0x2fe: {  	v57 =	vor.u32 $0x3F800000, v63;
	v25 =	vmul.f32 v25, v20;
	v20 =	vmul.f32 v23, v20  }
0x2ff: {  	v46 =	vmul.f32 v46, v51;
	v49 =	vadd.f32 $-4.891568420e-01, v49;
	v54 =	vadd.f32 v60, v54  }
0x300: {  	v56 =	vadd.f32 v62, v61;
	v61 =	vmul.f32 v31, v30;
	v62 =	vcvt.s32.f32 v55  }
0x301: {  	v35 =	vadd.f32 v38, v35;
	v30 =	vmul.f32 v41, v30;
	v22 =	vadd.f32 v25, v22  }
0x302: {  	v18 =	vadd.f32 v20, v18;
	v46 =	vadd.f32 $9.990104430e-01, v46;
	v63 =	vmul.f32 v49, v50  }
0x303: {  	v49 =	vadd.f32 $-1.000000000e+00, v57;
	v57 =	vand.u32 $0x7FFFFF, v54;
	v56 =	vadd.f32 v58, v56  }
0x304: {  	v51 =	vmul.f32 v46, v51;
	v57 =	vor.u32 $0x3F800000, v57;
	v46 =	vadd.f32 v48, v47  }
0x305: {  	v48 =	vmul.f32 $6.931471820e-01, v62;
	v62 =	vmul.f32 v27, v34;
	v55 =	vadd.f32 v61, v56  }
0x306: {  	v59 =	vadd.f32 $9.990104430e-01, v63;
	v60 =	vmul.f32 $3.010262550e-02, v49;
	v57 =	vadd.f32 $-1.000000000e+00, v57  }
0x307: {  	v51 =	vadd.f32 $2.211703030e-05, v51;
	v35 =	vadd.f32 v62, v35;
	v61 =	vand.u32 $0x7FFFFF, v55  }
0x308: {  	v63 =	vadd.f32 $-1.301194130e-01, v60;
	v60 =	vmul.f32 $3.010262550e-02, v57;
	v38 =	vor.u32 $0x3F800000, v61  }
0x309: {  	v47 =	vmul.f32 v59, v50;
	v34 =	vadd.f32 v51, v48;
	v38 =	vadd.f32 $-1.000000000e+00, v38  }
0x30a: {  	v50 =	vmul.f32 v63, v49;
	v56 =	vadd.f32 $-1.301194130e-01, v60;
	v63 =	vcvt.s32.f32 v53  }
0x30b: {  	v35 =	vadd.f32 v30, v35;
	v47 =	vadd.f32 $2.211703030e-05, v47;
	v59 =	vmul.f32 $3.010262550e-02, v38  }
0x30c: {  	v50 =	vadd.f32 $2.833043340e-01, v50;
	v56 =	vmul.f32 v56, v57;
	v48 =	vmul.f32 $6.931471820e-01, v63  }
0x30d: {  	v63 =	vand.u32 $0x7FFFFF, v35;
	v35 =	vshra.s32 v35, $0x17;
	v53 =	vadd.f32 $-1.301194130e-01, v59  }
0x30e: {  	v40 =	vor.u32 $0x3F800000, v63;
	v63 =	vand.u32 $0x7FFFFF, v32;
	v32 =	vshra.s32 v32, $0x17  }
0x30f: {  	v50 =	vmul.f32 v50, v49;
	v56 =	vadd.f32 $2.833043340e-01, v56;
	v61 =	vmul.f32 v53, v38  }
0x310: {  	v30 =	vadd.f32 v47, v48;
	v40 =	vadd.f32 $-1.000000000e+00, v40;
	v32 =	vadd.s32 $0xFFFFFF81, v32  }
0x311: {  	[tilespmem:v2+s26+$0x0] =	vst.idx.msk $0xffff, v36;
	v2 =	vcvt.s32.f32 v32;
	v51 =	vmul.f32 v56, v57;
	v48 =	vadd.f32 $2.833043340e-01, v61  }
0x312: {  	v50 =	vadd.f32 $-4.891568420e-01, v50;
	v59 =	vmul.f32 $3.010262550e-02, v40;
	v53 =	vmul.f32 v33, v17  }
0x313: {  	v56 =	vshra.s32 v52, $0x17;
	v2 =	vmul.f32 $6.931471820e-01, v2;
	v48 =	vmul.f32 v48, v38  }
0x314: {  	v60 =	vmul.f32 v50, v49;
	v62 =	vadd.f32 $-4.891568420e-01, v51;
	v51 =	vadd.s32 $0xFFFFFF81, v56  }
0x315: {  	v61 =	vshra.s32 v54, $0x17;
	v54 =	vor.u32 $0x3F800000, v63;
	v48 =	vadd.f32 $-4.891568420e-01, v48  }
0x316: {  	v47 =	vadd.f32 $9.990104430e-01, v60;
	v50 =	vmul.f32 v62, v57;
	v60 =	vcvt.s32.f32 v51  }
0x317: {  	v51 =	vadd.s32 $0xFFFFFF81, v61;
	v62 =	vshra.s32 v55, $0x17;
	v48 =	vmul.f32 v48, v38  }
0x318: {  	v56 =	vmul.f32 v26, v19;
	v51 =	vcvt.s32.f32 v51;
	v52 =	vadd.s32 $0xFFFFFF81, v62  }
0x319: {  	v62 =	vadd.s32 $0xFFFFFF81, v35;
	v47 =	vmul.f32 v47, v49;
	v48 =	vadd.f32 $9.990104430e-01, v48  }
0x31a: {  	v58 =	vadd.f32 $9.990104430e-01, v50;
	v39 =	vmul.f32 $6.931471820e-01, v60;
	v52 =	vcvt.s32.f32 v52  }
0x31b: {  	v50 =	vadd.f32 $-1.301194130e-01, v59;
	v23 =	vcvt.s32.f32 v62;
	v38 =	vmul.f32 v48, v38  }
0x31c: {  	v55 =	vadd.f32 $-1.000000000e+00, v54;
	v48 =	vmul.f32 $6.931471820e-01, v52;
	v52 =	vmul.f32 v29, v19  }
0x31d: {  	v22 =	vadd.f32 v56, v22;
	v49 =	vmul.f32 v58, v57;
	v50 =	vmul.f32 v50, v40  }
0x31e: {  	v47 =	vadd.f32 $2.211703030e-05, v47;
	v19 =	vmul.f32 v27, v19;
	v24 =	vadd.f32 v52, v24  }
0x31f: {  	v57 =	vmul.f32 $3.010262550e-02, v55;
	v58 =	vmul.f32 v31, v17;
	v50 =	vadd.f32 $2.833043340e-01, v50  }
0x320: {  	v17 =	vmul.f32 v41, v17;
	v18 =	vadd.f32 v19, v18;
	v24 =	vadd.f32 v53, v24  }
0x321: {  	v23 =	vmul.f32 $6.931471820e-01, v23;
	v39 =	vadd.f32 v47, v39;
	v22 =	vadd.f32 v58, v22  }
0x322: {  	v47 =	vmul.f32 $6.931471820e-01, v51;
	v17 =	vadd.f32 v17, v18;
	v59 =	vand.u32 $0x7FFFFF, v24  }
0x323: {  	v37 =	vadd.f32 $2.211703030e-05, v49;
	v29 =	vand.u32 $0x7FFFFF, v22;
	v61 =	vor.u32 $0x3F800000, v59  }
0x324: {  	[tilespmem:v3+s26+$0x0] =	vst.idx.msk $0xffff, v43;
	v25 =	vor.u32 $0x3F800000, v29;
	v33 =	vand.u32 $0x7FFFFF, v17;
	v20 =	vadd.f32 $-1.000000000e+00, v61  }
0x325: {  	[tilespmem:v4+s26+$0x0] =	vst.idx.msk $0xffff, v42;
	v60 =	vadd.f32 $-1.301194130e-01, v57;
	v25 =	vadd.f32 $-1.000000000e+00, v25;
	v27 =	vor.u32 $0x3F800000, v33  }
0x326: {  	[tilespmem:v5+s26+$0x0] =	vst.idx.msk $0xffff, v44;
	v50 =	vmul.f32 v50, v40;
	v27 =	vadd.f32 $-1.000000000e+00, v27;
	v31 =	vmul.f32 $3.010262550e-02, v20  }
0x327: {  	[tilespmem:v6+s26+$0x0] =	vst.idx.msk $0xffff, v45;
	v37 =	vadd.f32 v37, v47;
	v19 =	vmul.f32 v60, v55;
	v35 =	vmul.f32 $3.010262550e-02, v25  }
0x328: {  	[tilespmem:v7+s26+$0x0] =	vst.idx.msk $0xffff, v46;
	v57 =	vshra.s32 v22, $0x17;
	v41 =	vmul.f32 $3.010262550e-02, v27;
	v26 =	vadd.f32 $-1.301194130e-01, v31  }
0x329: {  	[tilespmem:v8+s26+$0x0] =	vst.idx.msk $0xffff, v34;
	v8 =	vadd.s32 $0xFFFFFF81, v57;
	v19 =	vadd.f32 $2.833043340e-01, v19;
	v28 =	vadd.f32 $-1.301194130e-01, v35  }
0x32a: {  	v49 =	vadd.f32 $-4.891568420e-01, v50;
	v31 =	vadd.f32 $-1.301194130e-01, v41;
	v26 =	vmul.f32 v26, v20  }
0x32b: {  	v47 =	vadd.f32 $2.211703030e-05, v38;
	v19 =	vmul.f32 v19, v55;
	v28 =	vmul.f32 v28, v25  }
0x32c: {  	v8 =	vcvt.s32.f32 v8;
	v31 =	vmul.f32 v31, v27;
	v26 =	vadd.f32 $2.833043340e-01, v26  }
0x32d: {  	v63 =	vmul.f32 v49, v40;
	v19 =	vadd.f32 $-4.891568420e-01, v19;
	v28 =	vadd.f32 $2.833043340e-01, v28  }
0x32e: {  	v48 =	vadd.f32 v47, v48;
	v31 =	vadd.f32 $2.833043340e-01, v31;
	v26 =	vmul.f32 v26, v20  }
0x32f: {  	v18 =	vadd.f32 $9.990104430e-01, v63;
	v19 =	vmul.f32 v19, v55;
	v49 =	vmul.f32 v28, v25  }
0x330: {  	v52 =	vshra.s32 v24, $0x17;
	v51 =	vmul.f32 v31, v27;
	v26 =	vadd.f32 $-4.891568420e-01, v26  }
0x331: {  	v58 =	vshra.s32 v17, $0x17;
	v19 =	vadd.f32 $9.990104430e-01, v19;
	v21 =	vadd.f32 $-4.891568420e-01, v49  }
0x332: {  	v18 =	vmul.f32 v18, v40;
	v54 =	vadd.f32 $-4.891568420e-01, v51;
	v50 =	vmul.f32 v26, v20  }
0x333: {  	v4 =	vadd.s32 $0xFFFFFF81, v52;
	v19 =	vmul.f32 v19, v55;
	v55 =	vmul.f32 v21, v25  }
0x334: {  	v3 =	vadd.f32 $2.211703030e-05, v18;
	v18 =	vmul.f32 v54, v27;
	v53 =	vadd.f32 $9.990104430e-01, v50  }
0x335: {  	[tilespmem:v9+s26+$0x0] =	vst.idx.msk $0xffff, v30;
	v9 =	vadd.s32 $0xFFFFFF81, v58;
	v4 =	vcvt.s32.f32 v4;
	v6 =	vadd.f32 $9.990104430e-01, v55  }
0x336: {  	v9 =	vcvt.s32.f32 v9;
	v59 =	vadd.f32 $9.990104430e-01, v18;
	v5 =	vmul.f32 v53, v20  }
0x337: {  	[tilespmem:v10+s26+$0x0] =	vst.idx.msk $0xffff, v39;
	v4 =	vmul.f32 $6.931471820e-01, v4;
	v56 =	vadd.f32 $2.211703030e-05, v19;
	v6 =	vmul.f32 v6, v25  }
0x338: {  	[tilespmem:v11+s26+$0x0] =	vst.idx.msk $0xffff, v37;
	v3 =	vadd.f32 v3, v23;
	v60 =	vmul.f32 v59, v27;
	v5 =	vadd.f32 $2.211703030e-05, v5  }
0x339: {  	p0 =	sne.s32 s3, $0x1F0;
	[tilespmem:v12+s26+$0x0] =	vst.idx.msk $0xffff, v48;
	v61 =	vmul.f32 $6.931471820e-01, v8;
	v2 =	vadd.f32 v56, v2;
	v6 =	vadd.f32 $2.211703030e-05, v6  }
.Ltmp3:
0x33a: {  	v63 =	vmul.f32 $6.931471820e-01, v9;
	[tilespmem:v13+s26+$0x0] =	vst.idx.msk $0xffff, v3;
	v62 =	vadd.f32 $2.211703030e-05, v60;
	v3 =	vadd.f32 v5, v4;
	(pc) =	sbr.rel @p0 .LBB2_5-.Ltmp3, $4  }
0x33b: {  	[tilespmem:v14+s26+$0x0] =	vst.idx.msk $0xffff, v2;
	v2 =	vadd.f32 v6, v61  }
0x33c: {  	[tilespmem:v15+s26+$0x0] =	vst.idx.msk $0xffff, v3;
	v3 =	vadd.f32 v62, v63  }
0x33d: {  	[tilespmem:v16+s26+$0x0] =	vst.idx.msk $0xffff, v2  }
0x33e: {  	s19 =	sadd.s32 $0x10, s19;
	s3 =	sadd.s32 $0x10, s3;
	[tilespmem:v1+s26+$0x0] =	vst.idx.msk $0xffff, v3  }
0x33f: {  	s3 =	sadd.s32 s0, s7  }
.Ltmp4:
0x340: {  	s3 =	sshll.u32 s3, $0x2;
	(pc) =	sbr.rel @p1 .LBB2_8-.Ltmp4, $4  }
0x341: {  	s3 =	sadd.s32 $0x800, s3  }
0x342: {  	s3 =	sand.u32 $0x1FFFF800, s3  }
0x343: {  	s3 =	sadd.s32 s6, s3  }
0x344: {  	[hbm4b:s3+s4] =	stream.linear.scatter [tilespmem:s26], [sflag:$0x4], $0x4000, $0x38;
	[tilespmem:$0x18400] =	vst v63  }
0x345: {  	s0 =	sadd.s32 s0, s16  }
0x346: {  	s3 =	sshll.u32 s0, $0x2  }
0x347: {  	s3 =	sand.u32 $0x1FFFF800, s3  }
0x348: {  	s8 =	sadd.s32 s1, s3  }
0x349: {  	[tilespmem:s20], [sflag:$0x2] =	stream.linear.gather [hbm4b:s8+s4], $0x4000, $0x38;
	[tilespmem:$0x18400] =	vst v63  }
.Ltmp5:
0x34a: {  	_ = 	snop;
	(pc) =	sbr.rel .LBB2_2-.Ltmp5, $4  }
0x34b: {  	s0 =	sshrl.u32 s0, $0x3;
	s3 =	sadd.s32 s5, s3  }
0x34c: {  	[tilespmem:s21], [sflag:$0x2] =	stream.linear.gather [hbm4b:s3+s4], $0x4000, $0x38;
	[tilespmem:$0x18400] =	vst v63  }
0x34d: {  	s31 =	sadd.s32 $0x1, s31;
	s0 =	sadd.s32 s2, s0  }
0x34e: {  	[tilespmem:s22], [sflag:$0x2] =	stream.linear.gather [hbm4b:s0+s4], $0x200, $0x38;
	[tilespmem:$0x18400] =	vst v63  }
.LBB2_9:
0x34f: {  	_ =	sfence.sel $0x180000  }
0x350: {  	[bflag:$0x0] =	sbarrier.arrive $0xFFFF  }
0x351: {  	_ =	strace $0x90000047  }
0x352: {  	s0 =	stileid.u32;
	[bflag:$0x2] =	sbarrier.arrive $0xFFFF  }
0x353: {  	p0 =	sne.s32 s0, $0x0;
	s0 =	rddreg [dreg:$0x3]  }
0x354: {  	s0 =	sadd.s32 @!p0 $0x100000, s0  }
0x355: {  	[sflag:s0] =	ssyncadd.tile.s32 @!p0 $0x1;
	_ =	shalt  }
.Lfunc_end2:
_tile_overlayer_lowered:
.L_overlay_start_2:
0x356: {  	(tag) =	ssettag $0x2  }
0x357: {  	s0 =	rddreg [dreg:$0x0];
	s2 =	stileid.u32  }
0x358: {  	s1 =	rddreg [dreg:$0x1];
	p0 =	sne.s32 s2, $0x0  }
0x359: {  	s3 =	rddreg [dreg:$0x2];
	[bflag:$0x3] =	sbarrier.arrive $0xFFFF;
	s2 =	simm.s32 @!p0 $0x1C05  }
0x35a: {  	[timem:s3], [sflag:s2] =	dma.local @!p0 [hbm:s0], s1  }
0x35b: {  	s0 =	simm.s32 @!p0 $0x5  }
0x35c: {  	_ =	swait.ge @!p0 [sflag:s0], s1  }
0x35d: {  	s1 =	ssub.s32 @!p0 $0x0, s1;
	[sflag:s0] =	ssyncset.done @!p0 $0x0  }
0x35e: {  	[sflag:s0] =	ssyncadd.s32 @!p0 s1  }
0x35f: {  	[bflag:$0x3] =	sbarrier.arrive $0xFFFF  }
0x360: {  	_ =	shalt  }

// kernel: sparse-core-data-format-call.cloned.1.call-start
scs
called_computation_lowered:
.L_overlay_start_0:
0x0: {  	s2 =	sld [smem:$0x3FD9]  }
0x1: {  	s3 =	sld [smem:$0x3FFE];
	_ =	sdelay $0x1  }
0x2: {  	s1 =	srdreg.scid  }
0x3: {  	s0 =	sand.u32 $0x1, s1  }
0x4: {  	s18 =	sshll.u32 s0, $0xA;
	s2 =	sadd.s32 s3, s2  }
0x5: {  	s2 =	sadd.s32 s2, s18  }
0x6: {  	[smem:$0x3FC5] =	sst s2  }
0x7: {  	_ = 	snop  }
0x8: {  	s2 =	sld [smem:$0x3FD0];
	(tm) =	ssettm $0x1  }
0x9: {  	s19 =	sld [smem:$0x3FFB];
	_ =	sdelay $0x3  }
0xa: {  	_ =	strace s19  }
0xb: {  	s3 =	sld [smem:$0x3FFC];
	_ =	sdelay $0x3  }
0xc: {  	_ =	strace s3  }
0xd: {  	s3 =	sld [smem:$0x3FFD];
	_ =	sdelay $0x3  }
0xe: {  	_ =	strace s3  }
0xf: {  	_ =	strace $0x8FFFFFFF  }
0x10: {  	s20 =	sld [smem:$0x3FDB];
	_ =	sdelay $0x1  }
0x11: {  	s4 =	simm.s32 $_scs_section_size  }
0x12: {  	s5 =	simm.s32 $_size__tile_overlayer_lowered;
	s6 =	simm.s32 $_tile_overlayer_lowered  }
0x13: {  	s23 =	simm.s32 $0x1BFF;
	s22 =	sshll.u32 s6, $0x1;
	s3 =	sadd.s32 s4, s20  }
0x14: {  	s7 =	simm.s32 $0x0;
	s21 =	sshll.u32 s5, $0x1;
	s5 =	sadd.s32 s22, s3  }
0x15: {  	[timem:s7], [sflag:s23] =	dma.local [hbm:s5], s21  }
0x16: {  	_ =	swait.ge [sflag:s23], s21  }
0x17: {  	s4 =	ssub.s32 $0x0, s21;
	[sflag:s23] =	ssyncset.done $0x0  }
0x18: {  	[sflag:s23] =	ssyncadd.s32 s4;
	_ =	sdelay $0x1  }
0x19: {  	s24 =	simm.s32 $0x1B8B  }
0x1a: {  	_ =	swait.ge [sflag:s24], $0x1  }
0x1b: {  	[sflag:s24] =	ssyncset.done $0x0  }
0x1c: {  	s26 =	simm.s32 $0x1B8E;
	s25 =	sld [smem:$0x3FFE];
	[sflag:s24] =	ssyncadd.s32 $0xFFFFFFFF  }
0x1d: {  	s27 =	simm.s32 $execute0_lowered;
	[smem:$0x3FD2] =	sst s26  }
0x1e: {  	s5 =	sshll.u32 s27, $0x1;
	_ =	strace $0x80000049;
	[dreg:$0x1] =	wrdreg $0xFFFFFFFF  }
0x1f: {  	s28 =	simm.s32 $_size_execute0_lowered;
	s3 =	sadd.s32 s3, s5;
	[dreg:$0x0] =	wrdreg $0x0  }
0x20: {  	s5 =	sshll.u32 s28, $0x1;
	[dreg:$0x2] =	wrdreg s3  }
0x21: {  	[dreg:$0x3] =	wrdreg s5  }
0x22: {  	[dreg:$0x4] =	wrdreg $0xC0  }
0x23: {  	_ =	task [dreg:s7], $0x5FFFF  }
0x24: {  	[dreg:$0x1] =	wrdreg $0xFFFFFFFF  }
0x25: {  	[dreg:$0x0] =	wrdreg $0x60  }
0x26: {  	[dreg:$0x2] =	wrdreg s25  }
0x27: {  	[dreg:$0x3] =	wrdreg s2  }
0x28: {  	[dreg:$0x4] =	wrdreg $0x9  }
0x29: {  	_ =	task.clear_ibuf [dreg:s7], $0x5FFFF;
	_ =	strace $0x90000049  }
0x2a: {  	s29 =	simm.s32 $0x9;
	_ =	strace $0x8000004B  }
0x2b: {  	_ =	swait.ge [sflag:s29], $0x1  }
0x2c: {  	[sflag:s29] =	ssyncadd.s32 $0xFFFFFFFF  }
0x2d: {  	_ =	strace $0x9000004B  }
0x2e: {  	_ =	sfence  }
0x2f: {  	s30 =	sld [smem:$0x0];
	_ =	sdelay $0x2  }
0x30: {  	s31 =	sshll.u32 s1, $0xD;
	s1 =	sshrl.u32 s1, $0x2  }
0x31: {  	s3 =	sand.u32 $0x4000, s31;
	s1 =	sadd.s32 s1, s30  }
0x32: {  	s0 =	sor.u32 s3, s0;
	s1 =	sshll.u32 s1, $0x11  }
0x33: {  	s0 =	sor.u32 s1, s0  }
0x34: {  	s0 =	sadd.s32 $0x8F2B, s0  }
0x35: {  	[sflag:s0] =	ssyncadd.remote.s32 $0x1  }
0x36: {  	_ =	sfence.sel $0xFFFF  }
0x37: {  	[dreg:$0x0] =	wrdreg $0xFFFFFFFF;
	(pc) =	sbr.abs _section_cstart, $3  }
0x38: {  	[dreg:$0x1] =	wrdreg $0xFFFFFFFF  }
0x39: {  	_ =	task.clear_ibuf [dreg:s7], $0x2FFFF;
	_ =	strace $0x9FFFFFFF  }
0x3a: {  	(tm) =	ssettm $0x7FFFFFFF  }
0x3b: {  	_ =	shalt  }
tec
execute0_lowered:
.L_overlay_start_1:
0x0: {  	(tag) =	ssettag $0x1  }
0x1: {  	s1 =	rddreg [dreg:$0x0]  }
0x2: {  	s2 =	rddreg [dreg:$0x1]  }
0x3: {  	s0 =	rddreg [dreg:$0x2]  }
0x4: {  	s4 =	srdreg.scid;
	_ =	strace $0x8000004A;
	s6 =	simm.s32 $0x2  }
0x5: {  	s17 =	simm.s32 $0x0;
	p0 =	por $0x0, $0x0;
	s18 =	simm.s32 $0x0  }
0x6: {  	s16 =	simm.s32 $0x0;
	s19 =	simm.s32 $0x0;
	s7 =	simm.s32 $0x0  }
0x7: {  	s8 =	simm.s32 $0x0;
	s10 =	simm.s32 $0x0;
	s11 =	simm.s32 $0x0  }
.Ltmp0:
0x8: {  	s12 =	simm.s32 $0x0;
	s13 =	simm.s32 $0x0;
	(pc) =	sbr.rel .LBB1_1-.Ltmp0, $4  }
0x9: {  	s14 =	simm.s32 $0x0;
	s3 =	sadd.s32 $0x100800, s1;
	s4 =	sshll.u32 s4, $0x4  }
0xa: {  	s1 =	stileid.u32;
	s5 =	sand.u32 $0x10, s4;
	s4 =	simm.s32 $0x1  }
0xb: {  	s9 =	simm.s32 $0x0;
	s5 =	sor.u32 s1, s5;
	[sflag:s4] =	ssyncpa.u1 $0x0  }
0xc: {  	[sflag:s6] =	ssyncpa.u1 $0x0;
	s6 =	simm.s32 $0x2000;
	s15 =	smov.u32 s5  }
.LBB1_5:
0xd: {  	p1 =	slt.u32 s9, $0x2  }
0xe: {  	s20 =	smov.u32 s19;
	p2 =	sgt.s32 @!p1 s19, $0x7F  }
0xf: {  	s21 =	sshra.s32 @!p1 s19, $0x1F;
	s22 =	sshra.s32 @!p1 s18, $0x1F;
	p2 =	por !p2, p1  }
0x10: {  	s19 =	sand.u32 @!p1 s21, s19;
	s20 =	simm.s32 @p2 $0x7F;
	p2 =	sgt.s32 @!p1 s18, $0x1  }
0x11: {  	s21 =	smov.u32 s18;
	s18 =	sand.u32 @!p1 s22, s18;
	p2 =	por !p2, p1  }
0x12: {  	s19 =	ssub.s32 @!p1 s20, s19;
	s18 =	sxor.u32 @!p1 $0xFFFFFFFF, s18;
	s21 =	simm.s32 @p2 $0x1  }
0x13: {  	p4 =	sgt.s32 @!p1 s17, $0x3;
	s19 =	sadd.s32 @!p1 $0xFFFFFF81, s19;
	s18 =	sadd.s32 @!p1 s18, s21  }
0x14: {  	s20 =	smov.u32 s17;
	p2 =	sgt.s32 @!p1 s19, $0x0;
	p3 =	sgt.s32 @!p1 s18, $0x0  }
0x15: {  	s21 =	sshra.s32 @!p1 s17, $0x1F;
	s18 =	ssub.s32 @!p1 $0x1, s18;
	p3 =	por !p3, p1  }
0x16: {  	s17 =	sand.u32 @!p1 s21, s17;
	s18 =	simm.s32 @!p3 $0x0;
	p3 =	por !p4, p1  }
0x17: {  	s21 =	sshra.s32 @!p1 s16, $0x1F;
	s20 =	simm.s32 @p3 $0x3;
	p3 =	sgt.s32 @!p1 s16, $0x780  }
0x18: {  	s17 =	ssub.s32 @!p1 s20, s17;
	p3 =	por !p3, p1;
	s20 =	smov.u32 s16  }
0x19: {  	s19 =	sshll.u32 @!p1 s19, $0x2;
	s16 =	sand.u32 @!p1 s21, s16;
	s20 =	simm.s32 @p3 $0x780  }
0x1a: {  	s19 =	ssub.s32 @!p1 $0x4, s19;
	p2 =	por !p2, p1;
	s16 =	ssub.s32 @!p1 s20, s16  }
0x1b: {  	s24 =	smov.u32 s15;
	s19 =	simm.s32 @!p2 $0x0;
	s20 =	sadd.s32 @!p1 $0xFFFFF880, s16  }
0x1c: {  	s9 =	sadd.s32 $0x1, s9;
	s18 =	smul.u32 @!p1 s18, s19;
	p4 =	sgt.s32 @!p1 s20, $0x7F  }
0x1d: {  	s22 =	sadd.s32 @!p1 $0xFFFFFFFD, s17;
	s16 =	ssub.s32 @!p1 $0x800, s16;
	p2 =	por !p4, p1  }
0x1e: {  	p3 =	sgt.s32 @!p1 s22, $0x0;
	s20 =	sadd.s32 $0x1, s12;
	s16 =	simm.s32 @!p2 $0x0  }
0x1f: {  	p2 =	sgt.s32 s20, $0x3;
	s16 =	smul.u32 @!p1 s16, s18;
	s18 =	simm.s32 $0x1  }
0x20: {  	s17 =	ssub.s32 @!p1 $0x4, s17;
	p3 =	por !p3, p1;
	s18 =	simm.s32 @!p2 $0x0  }
0x21: {  	s22 =	smov.u32 s14;
	s17 =	simm.s32 @!p3 $0x0;
	s21 =	sadd.s32 s18, s13  }
0x22: {  	s16 =	smul.u32 @!p1 s17, s16;
	s17 =	sadd.s32 $0x80, s14;
	p4 =	sgt.s32 s21, $0x1  }
0x23: {  	p0 =	por !p0, !p0;
	s23 =	simm.s32 @!p1 $0x2;
	s22 =	smov.u32 @p4 s17  }
0x24: {  	s19 =	smov.u32 s11;
	s17 =	sadd.s32 $0x20, s15;
	p3 =	sgt.s32 s22, $0x7FF  }
0x25: {  	s11 =	smov.u32 s15;
	s20 =	simm.s32 @p2 $0x0;
	s24 =	smov.u32 @p3 s17  }
0x26: {  	s18 =	smov.u32 s8;
	s8 =	smov.u32 s13;
	p2 =	sgt.s32 s24, $0x7F  }
0x27: {  	s16 =	sand.u32 @!p1 $0x3FFFFFFC, s16;
	s24 =	smov.u32 @p2 s5;
	p2 =	sne.s32 s9, $0x202  }
.Ltmp1:
0x28: {  	s21 =	simm.s32 @p4 $0x0;
	_ =	swait.ge @!p1 [sflag:s23], s16;
	(pc) =	sbr.rel @!p2 .LBB1_6-.Ltmp1, $4  }
0x29: {  	s25 =	ssub.s32 @!p1 $0x0, s16;
	s16 =	smov.u32 s10;
	s10 =	smov.u32 s14  }
0x2a: {  	s13 =	smov.u32 s21;
	[sflag:s23] =	ssyncset.done @!p1 $0x0;
	s17 =	smov.u32 s7  }
0x2b: {  	s22 =	simm.s32 @p3 $0x0;
	s7 =	smov.u32 s12;
	s12 =	smov.u32 s20  }
0x2c: {  	[sflag:s23] =	ssyncadd.s32 @!p1 s25;
	s14 =	smov.u32 s22;
	s15 =	smov.u32 s24  }
.LBB1_1:
0x2d: {  	p1 =	sgt.u32 s9, $0x1FF  }
0x2e: {  	s20 =	sxor.u32 @!p1 $0xFFFFFFFF, s9;
	s21 =	sshll.u32 @!p1 s15, $0x12  }
0x2f: {  	s22 =	sshll.u32 @!p1 s14, $0x7;
	s23 =	sshll.u32 @!p1 s13, $0x6;
	s21 =	sadd.s32 @!p1 s3, s21  }
0x30: {  	s24 =	sshll.u32 @!p1 s12, $0x4;
	s20 =	sshll.u32 @!p1 s20, $0xC;
	s21 =	sadd.s32 @!p1 s22, s21  }
0x31: {  	s20 =	sand.u32 @!p1 $0x1000, s20;
	s22 =	sand.u32 @!p1 $0x30, s24;
	s21 =	sadd.s32 @!p1 s23, s21  }
0x32: {  	s23 =	simm.s32 @!p1 $0x400;
	s21 =	sadd.s32 @!p1 s22, s21;
	s22 =	simm.s32 @!p1 $0x20  }
0x33: {  	[tilespmem:s20], [sflag:$0x1] =	stream.strided.gather @!p1 [hbm4b:s21+s22], $0x1000, s23, s22, $0x38;
	[tilespmem:$0x4040] =	vst v63  }
0x34: {  	p1 =	seq.s32 s9, $0x0  }
0x35: {  	p2 =	seq.s32 @!p1 s9, $0x201  }
0x36: {  	p1 =	por p1, p2  }
.Ltmp2:
0x37: {  	_ = 	snop;
	(pc) =	sbr.rel @p1 .LBB1_5-.Ltmp2, $1  }
0x38: {  	_ =	sdelay $0x3  }
0x39: {  	s20 =	simm.s32 $0x1  }
0x3a: {  	_ =	swait.ge [sflag:s4], $0x1000;
	s20 =	simm.s32 @!p0 $0x0  }
0x3b: {  	[sflag:s4] =	ssyncset.done $0x0;
	s21 =	sshll.u32 s20, $0xC  }
0x3c: {  	[sflag:s4] =	ssyncadd.s32 $0xFFFFF000;
	s24 =	sor.u32 $0x10, s21  }
0x3d: {  	s20 =	smul.u32 $0x4080, s20;
	v1 =	vld [tilespmem:s24+$0x0]  }
0x3e: {  	s30 =	sand.u32 $0x1, s9;
	v0 =	vld [tilespmem:s24+$0xFFFFFFF0]  }
0x3f: {  	s21 =	smul.u32 $0x4080, s30;
	s20 =	sshrl.u32 s20, $0x2  }
0x40: {  	s22 =	sor.u32 $0x2000, s20  }
0x41: {  	s31 =	sshrl.u32 s21, $0x2;
	s21 =	sadd.s32 $0x0, s22  }
0x42: {  	s23 =	simm.s32 $0x4;
	s24 =	sadd.s32 $0x20, s24;
	s20 =	sor.u32 $0x2000, s31;
	[tilespmem:s21+$0x810 ss:$0x81] =	vst.msk $0xffff, v1  }
.LBB1_3:
0x43: {  	v1 =	vld [tilespmem:s24+$0x0];
	p1 =	sne.s32 s23, $0x1FC;
	[tilespmem:s21+$0x0 ss:$0x81] =	vst.msk $0xffff, v0;
	s21 =	smov.u32 s23;
	s23 =	sadd.s32 $0x4, s23  }
.Ltmp3:
0x44: {  	v0 =	vld [tilespmem:s24+$0xFFFFFFF0];
	(pc) =	sbr.rel @p1 .LBB1_3-.Ltmp3, $4  }
0x45: {  	_ = 	snop  }
0x46: {  	s21 =	sshra.s32 s21, $0x2  }
0x47: {  	s21 =	sadd.s32 s21, s22  }
0x48: {  	s24 =	sadd.s32 $0x20, s24;
	[tilespmem:s21+$0x810 ss:$0x81] =	vst.msk $0xffff, v1  }
0x49: {  	p1 =	sgt.s32 s11, $0x7F  }
0x4a: {  	s22 =	smov.u32 s11;
	s23 =	sshra.s32 s8, $0x1F;
	s24 =	sshra.s32 s11, $0x1F  }
0x4b: {  	s25 =	smov.u32 s8;
	p2 =	sgt.s32 s10, $0x780;
	s27 =	sshra.s32 s10, $0x1F  }
0x4c: {  	s26 =	smov.u32 s7;
	s28 =	sshra.s32 s7, $0x1F;
	s30 =	sand.u32 $0x78, s10  }
0x4d: {  	s22 =	simm.s32 @!p1 $0x7F;
	p1 =	sgt.s32 s8, $0x1;
	s23 =	sand.u32 s23, s8  }
0x4e: {  	s24 =	sand.u32 s24, s11;
	s25 =	simm.s32 @!p1 $0x1;
	s23 =	sxor.u32 $0xFFFFFFFF, s23  }
0x4f: {  	s22 =	ssub.s32 s22, s24;
	s24 =	smov.u32 s10;
	s23 =	sadd.s32 s23, s25  }
0x50: {  	s22 =	sadd.s32 $0xFFFFFF81, s22;
	s24 =	simm.s32 @!p2 $0x780;
	s25 =	sand.u32 s27, s10  }
0x51: {  	p2 =	sgt.s32 s7, $0x3;
	s27 =	sshll.u32 s10, $0x2;
	p1 =	sgt.s32 s23, $0x0  }
0x52: {  	s23 =	ssub.s32 $0x1, s23;
	s24 =	ssub.s32 s24, s25;
	s26 =	simm.s32 @!p2 $0x3  }
0x53: {  	s25 =	sand.u32 s28, s7;
	s28 =	sshll.u32 s11, $0xD;
	s23 =	simm.s32 @p1 $0x0  }
0x54: {  	p1 =	sgt.s32 s22, $0x0;
	s22 =	sshll.u32 s22, $0x2;
	s25 =	ssub.s32 s26, s25  }
0x55: {  	s29 =	sadd.s32 $0xFFFFF880, s24;
	s24 =	ssub.s32 $0x800, s24;
	s22 =	ssub.s32 $0x4, s22  }
0x56: {  	p2 =	sgt.s32 s29, $0x7F;
	s31 =	sadd.s32 $0xFFFFFFFD, s25;
	s25 =	ssub.s32 $0x4, s25  }
0x57: {  	s29 =	sshll.u32 s8, $0xC;
	s22 =	simm.s32 @p1 $0x0;
	p1 =	sgt.s32 s31, $0x0  }
0x58: {  	s24 =	simm.s32 @p2 $0x0;
	s31 =	sshrl.u32 s10, $0x1;
	s22 =	smul.u32 s23, s22  }
0x59: {  	s23 =	sand.u32 $0x600, s27;
	s25 =	simm.s32 @p1 $0x0;
	s27 =	sand.u32 $0x7, s10  }
0x5a: {  	s23 =	sor.u32 s30, s23;
	s22 =	smul.u32 s24, s22;
	s24 =	sadd.s32 s2, s28  }
.Ltmp4:
0x5b: {  	s30 =	sshll.u32 s7, $0xA;
	s24 =	sadd.s32 s29, s24;
	(pc) =	sbr.rel .LBB1_5-.Ltmp4, $4  }
0x5c: {  	s22 =	smul.u32 s25, s22;
	s25 =	sand.u32 $0x300, s31;
	s24 =	sadd.s32 s30, s24  }
0x5d: {  	s23 =	sshrl.u32 s23, $0x3;
	s28 =	sshll.u32 s27, $0x12;
	s24 =	sadd.s32 s25, s24  }
0x5e: {  	[tilespmem:s21+$0x0 ss:$0x81] =	vst.msk $0xffff, v0;
	s31 =	sor.u32 $0x200, s28;
	s29 =	sand.u32 $0x3FFFFFFC, s22;
	s30 =	sadd.s32 s23, s24  }
0x5f: {  	[hbm4b:s30+s31] =	stream.strided.scatter [tilespmem:s20], [sflag:$0x2], s29, s6, s31, $0x20;
	[tilespmem:$0x4040] =	vst v63  }
.LBB1_6:
0x60: {  	_ =	sfence.sel $0x180000  }
0x61: {  	s2 =	simm.s32 $0x1;
	[bflag:$0x0] =	sbarrier.arrive $0xFFFF  }
0x62: {  	s31 =	simm.s32 $0x2;
	[sflag:s2] =	ssyncpa.u1 $0x1  }
0x63: {  	[sflag:s31] =	ssyncpa.u1 $0x1  }
0x64: {  	p0 =	sne.s32 s1, $0x0;
	_ =	strace $0x9000004A  }
0x65: {  	s0 =	sadd.s32 @!p0 $0x100000, s0;
	[bflag:$0x2] =	sbarrier.arrive $0xFFFF  }
0x66: {  	[sflag:s0] =	ssyncadd.tile.s32 @!p0 $0x1;
	_ =	shalt  }
.Lfunc_end1:
_tile_overlayer_lowered:
.L_overlay_start_2:
0x67: {  	(tag) =	ssettag $0x2  }
0x68: {  	s0 =	rddreg [dreg:$0x0];
	s2 =	stileid.u32  }
0x69: {  	s1 =	rddreg [dreg:$0x1];
	p0 =	sne.s32 s2, $0x0  }
0x6a: {  	s3 =	rddreg [dreg:$0x2];
	[bflag:$0x3] =	sbarrier.arrive $0xFFFF;
	s2 =	simm.s32 @!p0 $0x1C01  }
0x6b: {  	[timem:s3], [sflag:s2] =	dma.local @!p0 [hbm:s0], s1  }
0x6c: {  	s0 =	simm.s32 @!p0 $0x1  }
0x6d: {  	_ =	swait.ge @!p0 [sflag:s0], s1  }
0x6e: {  	s1 =	ssub.s32 @!p0 $0x0, s1;
	[sflag:s0] =	ssyncset.done @!p0 $0x0  }
0x6f: {  	[sflag:s0] =	ssyncadd.s32 @!p0 s1  }
0x70: {  	[bflag:$0x3] =	sbarrier.arrive $0xFFFF  }
0x71: {  	_ =	shalt  }

</sc_bundles>
